<compile_context>
chip_gen: v7x
topology: tpu7x:2x2x1
jax: 0.10.2.dev20260603
libtpu: 0.0.44.dev20260713+nightly
codegen_flags: <defaults>
</compile_context>

<pallas_src>
import functools

import jax
import jax.numpy as jnp
from jax import lax
from jax.experimental import pallas as pl
from jax.experimental.pallas import tpu as pltpu
from jax.experimental.pallas import tpu_sc as plsc

N = 10000
E = 640000
H = 128
G = 64
L = 5
NCLS = 24


_BN_M = 1000


def _mtab_body(h_ref, ctab_ref, m_ref):
    m_ref[:] = jnp.maximum(h_ref[:][:, None, :] + ctab_ref[:][None], 0.0)


def _mtab(h, ctab):
    grid = N // _BN_M
    return pl.pallas_call(
        _mtab_body,
        grid=(grid,),
        in_specs=[
            pl.BlockSpec((_BN_M, H), lambda i: (i, 0)),
            pl.BlockSpec((NCLS, H), lambda i: (0, 0)),
        ],
        out_specs=pl.BlockSpec((_BN_M, NCLS, H), lambda i: (i, 0, 0)),
        out_shape=jax.ShapeDtypeStruct((N, NCLS, H), jnp.float32),
    )(h, ctab)



_NGRP = E // 128
_NSB = _NGRP // 8
_NW = 32
_STEPS = (_NSB + _NW - 1) // _NW
_RPS = 624


def _sc_aggregate(m2, comb2, dst2, zeros_nh):
    mesh = plsc.VectorSubcoreMesh(core_axis_name="c", subcore_axis_name="s")

    @functools.partial(
        pl.kernel,
        out_type=jax.ShapeDtypeStruct((2, N, H), jnp.float32),
        mesh=mesh,
        scratch_types=[
            pltpu.VMEM((8, 128), jnp.int32),
            pltpu.VMEM((8, 128), jnp.int32),
            pltpu.VMEM((128, H), jnp.float32),
            pltpu.VMEM_SHARED((N, H), jnp.float32),
            pltpu.SemaphoreType.DMA,
        ],
    )
    def k(m_hbm, comb_hbm, dst_hbm, zero_hbm, out_hbm,
          comb_v, dst_v, rows_v, aggr_sh, sem):
        c = lax.axis_index("c")
        s = lax.axis_index("s")
        w = s * 2 + c

        @pl.when(s < 15)
        def _():
            pltpu.sync_copy(zero_hbm.at[pl.ds(s * _RPS, _RPS)],
                            aggr_sh.at[pl.ds(s * _RPS, _RPS)])

        @pl.when(s == 15)
        def _():
            pltpu.sync_copy(zero_hbm.at[pl.ds(15 * _RPS, N - 15 * _RPS)],
                            aggr_sh.at[pl.ds(15 * _RPS, N - 15 * _RPS)])

        plsc.subcore_barrier()

        def body(i, carry):
            sb = w + i * _NW

            @pl.when(sb < _NSB)
            def _():
                pltpu.sync_copy(comb_hbm.at[pl.ds(sb * 8, 8)], comb_v)
                pltpu.sync_copy(dst_hbm.at[pl.ds(sb * 8, 8)], dst_v)
                for j in range(8):
                    pltpu.async_copy(m_hbm.at[comb_v.at[j]], rows_v,
                                     sem).wait()
                    pltpu.sync_copy(rows_v, aggr_sh.at[dst_v.at[j]],
                                    add=True)

            return carry

        lax.fori_loop(0, _STEPS, body, 0)
        plsc.subcore_barrier()

        @pl.when(s < 15)
        def _():
            pltpu.sync_copy(aggr_sh.at[pl.ds(s * _RPS, _RPS)],
                            out_hbm.at[c, pl.ds(s * _RPS, _RPS)])

        @pl.when(s == 15)
        def _():
            pltpu.sync_copy(aggr_sh.at[pl.ds(15 * _RPS, N - 15 * _RPS)],
                            out_hbm.at[c, pl.ds(15 * _RPS, N - 15 * _RPS)])

    return k(m2, comb2, dst2, zeros_nh)




def _pool_head_body(h_ref, batch_ref, exp_ref,
                    ew1_ref, eb1_ref, ew2_ref, eb2_ref,
                    hw1_ref, hb1_ref, hw2_ref, hb2_ref, hw3_ref, hb3_ref,
                    o_ref, gemb_ref, comb_ref,
                    sum_s, max_s, cnt_s):
    hh = h_ref[:]
    b = batch_ref[:]

    def body(g, carry):
        mask = b == g
        msum = jnp.sum(jnp.where(mask, hh, 0.0), axis=0, keepdims=True)
        mmax = jnp.max(jnp.where(mask, hh, -3.4e38), axis=0, keepdims=True)
        cnt = jnp.sum(mask.astype(jnp.float32))
        sum_s[pl.ds(g, 1), :] = msum
        max_s[pl.ds(g, 1), :] = mmax
        cnt_s[pl.ds(g, 1), :] = jnp.full((1, H), cnt, jnp.float32)
        return carry

    lax.fori_loop(0, G, body, 0)
    counts = cnt_s[:]
    hmean = sum_s[:] / jnp.maximum(counts, 1.0)
    hmax = jnp.where(counts > 0.0, max_s[:], 0.0)
    gemb = jnp.concatenate([hmean, hmax], axis=1)
    gemb_ref[:] = gemb
    ex = jnp.maximum(
        jnp.dot(exp_ref[:], ew1_ref[:], preferred_element_type=jnp.float32,
                precision=lax.Precision.HIGHEST)
        + eb1_ref[:], 0.0)
    ex = jnp.maximum(
        jnp.dot(ex, ew2_ref[:], preferred_element_type=jnp.float32,
                precision=lax.Precision.HIGHEST)
        + eb2_ref[:], 0.0)
    comb = jnp.concatenate([gemb, ex], axis=1)
    comb_ref[:] = comb
    o = jnp.maximum(
        jnp.dot(comb, hw1_ref[:], preferred_element_type=jnp.float32,
                precision=lax.Precision.HIGHEST)
        + hb1_ref[:], 0.0)
    o = jnp.maximum(
        jnp.dot(o, hw2_ref[:], preferred_element_type=jnp.float32,
                precision=lax.Precision.HIGHEST)
        + hb2_ref[:], 0.0)
    o_ref[:] = jnp.dot(o, hw3_ref[:], preferred_element_type=jnp.float32,
                       precision=lax.Precision.HIGHEST) + hb3_ref[:]


def _pool_head(h, batch2, exp, ew1, eb1, ew2, eb2,
               hw1, hb1, hw2, hb2, hw3, hb3):
    return pl.pallas_call(
        _pool_head_body,
        out_shape=[
            jax.ShapeDtypeStruct((G, 1), jnp.float32),
            jax.ShapeDtypeStruct((G, 2 * H), jnp.float32),
            jax.ShapeDtypeStruct((G, 2 * H + 256), jnp.float32),
        ],
        scratch_shapes=[
            pltpu.VMEM((G, H), jnp.float32),
            pltpu.VMEM((G, H), jnp.float32),
            pltpu.VMEM((G, H), jnp.float32),
        ],
    )(h, batch2, exp, ew1, eb1, ew2, eb2, hw1, hb1, hw2, hb2, hw3, hb3)




@jax.jit
def kernel(x, edge_index, edge_attr, batch, experimental_feat, atom_emb,
           chiral_emb, edge_type_emb, edge_dir_emb, convW1, convb1, convW2,
           convb2, linW, linb, bn_gamma, bn_beta, expW1, expb1, expW2, expb2,
           headW1, headb1, headW2, headb2, headW3, headb3):
    src = edge_index[0]
    dst = edge_index[1]
    cls = (jnp.clip(edge_attr[:, 0], 0, 5) * 4
           + jnp.clip(edge_attr[:, 1], 0, 3))
    comb2 = (src * NCLS + cls).reshape(_NGRP, 128)
    dst2 = dst.reshape(_NGRP, 128)
    batch2 = batch[:, None]
    zeros_nh = jnp.zeros((N, H), jnp.float32)

    e24 = (edge_type_emb[:, None, :] + edge_dir_emb[None, :, :]).reshape(
        NCLS, H)
    ctabs = jnp.einsum("ch,lhk->lck", e24, linW) + linb[:, None, :]

    h = (atom_emb[jnp.clip(x[:, 0], 0, 119)]
         + chiral_emb[jnp.clip(x[:, 1], 0, 3)])

    for i in range(L):
        m2 = _mtab(h, ctabs[i]).reshape(N * NCLS, H)
        ap = _sc_aggregate(m2, comb2, dst2, zeros_nh)
        out = ap[0] + ap[1] + h
        out = jnp.maximum(out @ convW1[i] + convb1[i], 0.0) \
            @ convW2[i] + convb2[i]
        mu = jnp.mean(out, axis=0)
        var = jnp.var(out, axis=0)
        out = (out - mu) / jnp.sqrt(var + 1e-5) * bn_gamma[i] + bn_beta[i]
        h = jnp.maximum(out, 0.0) + h

    return _pool_head(
        h, batch2, experimental_feat,
        expW1, expb1[None, :], expW2, expb2[None, :],
        headW1, headb1[None, :], headW2, headb2[None, :],
        headW3, headb3[None, :])

# --- scband reference (transcript-rebuilt; emitter-appended) ---
"""Pipeline reference for scband-strong-gnnmodel-223338299460 (READ-ONLY COPY).

The authoritative reference and input builder live on the scoring server;
editing this copy changes nothing except your own understanding.
"""

import jax, jax.numpy as jnp
import numpy as np

N = 10000
E = 640000
H = 128
G = 64
EXP_IN = 128
EXP_H = 256
L = 5


def _xavier(key, shape):
    fan_in, fan_out = shape[-2], shape[-1]
    a = float(np.sqrt(6.0 / (fan_in + fan_out)))
    return jax.random.uniform(key, shape, minval=-a, maxval=a, dtype=jnp.float32)


def setup_inputs(seed: int = 0):
    key = jax.random.key(seed)
    ks = jax.random.split(key, 24)
    inp = {}
    inp["x"] = jax.random.randint(ks[0], (N, 2), 0, 4, dtype=jnp.int32)
    inp["edge_index"] = jax.random.randint(ks[1], (2, E), 0, N, dtype=jnp.int32)
    inp["edge_attr"] = jax.random.randint(ks[2], (E, 2), 0, 4, dtype=jnp.int32)
    inp["batch"] = jnp.sort(jax.random.randint(ks[3], (N,), 0, G, dtype=jnp.int32))
    inp["experimental_feat"] = jax.random.normal(ks[4], (G, EXP_IN), dtype=jnp.float32)
    inp["atom_emb"] = _xavier(ks[5], (120, H))
    inp["chiral_emb"] = _xavier(ks[6], (4, H))
    inp["edge_type_emb"] = _xavier(ks[7], (6, H))
    inp["edge_dir_emb"] = _xavier(ks[8], (4, H))
    inp["convW1"] = _xavier(ks[9], (L, H, H))
    inp["convb1"] = jnp.zeros((L, H), jnp.float32)
    inp["convW2"] = _xavier(ks[10], (L, H, H))
    inp["convb2"] = jnp.zeros((L, H), jnp.float32)
    inp["linW"] = _xavier(ks[11], (L, H, H))
    inp["linb"] = jnp.zeros((L, H), jnp.float32)
    inp["bn_gamma"] = jnp.ones((L, H), jnp.float32)
    inp["bn_beta"] = jnp.zeros((L, H), jnp.float32)
    inp["expW1"] = _xavier(ks[12], (EXP_IN, EXP_H))
    inp["expb1"] = jnp.zeros((EXP_H,), jnp.float32)
    inp["expW2"] = _xavier(ks[13], (EXP_H, EXP_H))
    inp["expb2"] = jnp.zeros((EXP_H,), jnp.float32)
    inp["headW1"] = _xavier(ks[14], (2 * H + EXP_H, 512))
    inp["headb1"] = jnp.zeros((512,), jnp.float32)
    inp["headW2"] = _xavier(ks[15], (512, 256))
    inp["headb2"] = jnp.zeros((256,), jnp.float32)
    inp["headW3"] = _xavier(ks[16], (256, 1))
    inp["headb3"] = jnp.zeros((1,), jnp.float32)
    return inp


def reference(x, edge_index, edge_attr, batch, experimental_feat, atom_emb, chiral_emb, edge_type_emb, edge_dir_emb, convW1, convb1, convW2, convb2, linW, linb, bn_gamma, bn_beta, expW1, expb1, expW2, expb2, headW1, headb1, headW2, headb2, headW3, headb3):
    # node encoding: categorical path (atom + chirality embeddings)
    h = atom_emb[jnp.clip(x[:, 0], 0, 119)] + chiral_emb[jnp.clip(x[:, 1], 0, 3)]
    # edge encoding: categorical path (bond type + bond dir embeddings)
    e = edge_type_emb[jnp.clip(edge_attr[:, 0], 0, 5)] + edge_dir_emb[jnp.clip(edge_attr[:, 1], 0, 3)]
    src = edge_index[0]
    dst = edge_index[1]
    for i in range(L):
        h_in = h
        # GINEConv: message = relu(x_j + lin(edge_attr)); sum-aggregate to dst; nn((1+eps)*x_i + aggr), eps=0
        e_proj = e @ linW[i] + linb[i]
        msg = jax.nn.relu(h[src] + e_proj)
        aggr = jax.ops.segment_sum(msg, dst, num_segments=N)
        out = aggr + h
        out = jax.nn.relu(out @ convW1[i] + convb1[i]) @ convW2[i] + convb2[i]
        # BatchNorm1d with batch statistics (biased var, eps=1e-5)
        mu = jnp.mean(out, axis=0)
        var = jnp.var(out, axis=0)
        out = (out - mu) / jnp.sqrt(var + 1e-5) * bn_gamma[i] + bn_beta[i]
        # relu -> dropout(identity, eval) -> residual
        h = jax.nn.relu(out) + h_in
    counts = jax.ops.segment_sum(jnp.ones((N,), jnp.float32), batch, num_segments=G)
    h_mean = jax.ops.segment_sum(h, batch, num_segments=G) / jnp.maximum(counts, 1.0)[:, None]
    h_max = jax.ops.segment_max(h, batch, num_segments=G)
    h_max = jnp.where(counts[:, None] > 0, h_max, 0.0)
    graph_emb = jnp.concatenate([h_mean, h_max], axis=1)
    exp_emb = jax.nn.relu(jax.nn.relu(experimental_feat @ expW1 + expb1) @ expW2 + expb2)
    combined = jnp.concatenate([graph_emb, exp_emb], axis=1)
    o = jax.nn.relu(combined @ headW1 + headb1)
    o = jax.nn.relu(o @ headW2 + headb2)
    o = o @ headW3 + headb3
    return (o, graph_emb, combined)

if __name__ == "__main__":
    import jax
    _d = setup_inputs()
    print(jax.jit(kernel)(*tuple(_d.values())))

</pallas_src>

<mosaic_0001>
#map = affine_map<(d0, d1) -> (0, 0)>
#map1 = affine_map<(d0, d1) -> (0, 0, 0)>
module attributes {stable_mosaic.version = 14 : i64} {
  func.func @k(%arg0: i32, %arg1: i32, %arg2: memref<240000x128xf32, #tpu.memory_space<hbm>>, %arg3: memref<5000x128xi32, #tpu.memory_space<hbm>>, %arg4: memref<5000x128xi32, #tpu.memory_space<hbm>>, %arg5: memref<10000x128xf32, #tpu.memory_space<hbm>>, %arg6: memref<2x10000x128xf32, #tpu.memory_space<hbm>>, %arg7: memref<8x128xi32, #tpu.memory_space<vmem>>, %arg8: memref<8x128xi32, #tpu.memory_space<vmem>>, %arg9: memref<128x128xf32, #tpu.memory_space<vmem>>, %arg10: memref<10000x128xf32, #tpu.memory_space<vmem_shared>>, %arg11: memref<!tpu.dma_semaphore, #tpu.memory_space<semaphore_mem>>) attributes {dimension_semantics = [#tpu.dimension_semantics<core_parallel>, #tpu.dimension_semantics<subcore_parallel>], iteration_bounds = array<i64: 2, 16>, scalar_prefetch = 0 : i64, scratch_operands = 5 : i64, tpu.core_type = #tpu.core_type<sc_vector_subcore>, window_params = [{transform_indices = #map}, {transform_indices = #map}, {transform_indices = #map}, {transform_indices = #map}, {transform_indices = #map1}]} {
    %mul3A = arith.constant 2 : i32
    %mul3A_0 = arith.muli %arg1, %mul3A : i32
    %add3A = arith.addi %mul3A_0, %arg0 : i32
    %lt3A = arith.constant 15 : i32
    %lt3A_1 = arith.cmpi slt, %arg1, %lt3A : i32
    %convert_element_type3A = arith.extui %lt3A_1 : i1 to i32
    %cond3A = arith.constant 0 : i32
    %cond3A_2 = arith.cmpi ne, %convert_element_type3A, %cond3A : i32
    scf.if %cond3A_2 {
      %mul3A_23 = arith.constant 624 : i32
      %mul3A_24 = arith.muli %arg1, %mul3A_23 : i32
      %mul3A_25 = arith.constant 624 : i32
      %mul3A_26 = arith.muli %arg1, %mul3A_25 : i32
      "tpu.region"() ({
        %run_scoped3A = tpu.sem_alloc : memref<!tpu.dma_semaphore, #tpu.memory_space<semaphore_mem>>
        %dma_start3A = arith.constant 0 : i32
        %dma_start3A_27 = tpu.memref_slice %arg10[%mul3A_26, %dma_start3A] : memref<10000x128xf32, #tpu.memory_space<vmem_shared>> -> memref<624x128xf32, #tpu.memory_space<vmem_shared>>
        %dma_start3A_28 = arith.constant 0 : i32
        %dma_start3A_29 = tpu.memref_slice %arg5[%mul3A_24, %dma_start3A_28] : memref<10000x128xf32, #tpu.memory_space<hbm>> -> memref<624x128xf32, #tpu.memory_space<hbm>>
        tpu.enqueue_dma source(%dma_start3A_29 : memref<624x128xf32, #tpu.memory_space<hbm>>) target(%dma_start3A_27 : memref<624x128xf32, #tpu.memory_space<vmem_shared>>) target_semaphore(%run_scoped3A : memref<!tpu.dma_semaphore, #tpu.memory_space<semaphore_mem>>)
        %dma_wait3A = arith.constant 0 : i32
        %dma_wait3A_30 = tpu.memref_slice %arg10[%mul3A_26, %dma_wait3A] : memref<10000x128xf32, #tpu.memory_space<vmem_shared>> -> memref<624x128xf32, #tpu.memory_space<vmem_shared>>
        %dma_wait3A_31 = arith.constant 0 : i32
        %dma_wait3A_32 = tpu.memref_slice %arg5[%mul3A_24, %dma_wait3A_31] : memref<10000x128xf32, #tpu.memory_space<hbm>> -> memref<624x128xf32, #tpu.memory_space<hbm>>
        tpu.wait_dma2 semaphore(%run_scoped3A : memref<!tpu.dma_semaphore, #tpu.memory_space<semaphore_mem>>) src(%dma_wait3A_32 : memref<624x128xf32, #tpu.memory_space<hbm>>) dst(%dma_wait3A_30 : memref<624x128xf32, #tpu.memory_space<vmem_shared>>)
        tpu.yield
      }) : () -> ()
    } else {
    }
    %eq3A = arith.constant 15 : i32
    %eq3A_3 = arith.cmpi eq, %arg1, %eq3A : i32
    %convert_element_type3A_4 = arith.extui %eq3A_3 : i1 to i32
    %cond3A_5 = arith.constant 0 : i32
    %cond3A_6 = arith.cmpi ne, %convert_element_type3A_4, %cond3A_5 : i32
    scf.if %cond3A_6 {
      "tpu.region"() ({
        %run_scoped3A = tpu.sem_alloc : memref<!tpu.dma_semaphore, #tpu.memory_space<semaphore_mem>>
        %dma_start3A = arith.constant 9360 : i32
        %dma_start3A_23 = arith.constant 0 : i32
        %dma_start3A_24 = tpu.memref_slice %arg10[%dma_start3A, %dma_start3A_23] : memref<10000x128xf32, #tpu.memory_space<vmem_shared>> -> memref<640x128xf32, #tpu.memory_space<vmem_shared>>
        %dma_start3A_25 = arith.constant 9360 : i32
        %dma_start3A_26 = arith.constant 0 : i32
        %dma_start3A_27 = tpu.memref_slice %arg5[%dma_start3A_25, %dma_start3A_26] : memref<10000x128xf32, #tpu.memory_space<hbm>> -> memref<640x128xf32, #tpu.memory_space<hbm>>
        tpu.enqueue_dma source(%dma_start3A_27 : memref<640x128xf32, #tpu.memory_space<hbm>>) target(%dma_start3A_24 : memref<640x128xf32, #tpu.memory_space<vmem_shared>>) target_semaphore(%run_scoped3A : memref<!tpu.dma_semaphore, #tpu.memory_space<semaphore_mem>>)
        %dma_wait3A = arith.constant 9360 : i32
        %dma_wait3A_28 = arith.constant 0 : i32
        %dma_wait3A_29 = tpu.memref_slice %arg10[%dma_wait3A, %dma_wait3A_28] : memref<10000x128xf32, #tpu.memory_space<vmem_shared>> -> memref<640x128xf32, #tpu.memory_space<vmem_shared>>
        %dma_wait3A_30 = arith.constant 9360 : i32
        %dma_wait3A_31 = arith.constant 0 : i32
        %dma_wait3A_32 = tpu.memref_slice %arg5[%dma_wait3A_30, %dma_wait3A_31] : memref<10000x128xf32, #tpu.memory_space<hbm>> -> memref<640x128xf32, #tpu.memory_space<hbm>>
        tpu.wait_dma2 semaphore(%run_scoped3A : memref<!tpu.dma_semaphore, #tpu.memory_space<semaphore_mem>>) src(%dma_wait3A_32 : memref<640x128xf32, #tpu.memory_space<hbm>>) dst(%dma_wait3A_29 : memref<640x128xf32, #tpu.memory_space<vmem_shared>>)
        tpu.yield
      }) : () -> ()
    } else {
    }
    %barrier3A = arith.constant 0 : index
    tpu.barrier barrier_id(%barrier3A)
    %scan3A = arith.constant 0 : i32
    %scan3A_7 = arith.constant 0 : i32
    %scan3A_8 = arith.constant 20 : i32
    %scan3A_9 = arith.addi %scan3A_7, %scan3A_8 : i32
    %scan3A_10 = arith.constant 1 : i32
    scf.for %scan3A_23 = %scan3A_7 to %scan3A_9 step %scan3A_10  : i32 {
      %mul3A_24 = arith.constant 32 : i32
      %mul3A_25 = arith.muli %scan3A_23, %mul3A_24 : i32
      %add3A_26 = arith.addi %add3A, %mul3A_25 : i32
      %lt3A_27 = arith.constant 625 : i32
      %lt3A_28 = arith.cmpi slt, %add3A_26, %lt3A_27 : i32
      %convert_element_type3A_29 = arith.extui %lt3A_28 : i1 to i32
      %cond3A_30 = arith.constant 0 : i32
      %cond3A_31 = arith.cmpi ne, %convert_element_type3A_29, %cond3A_30 : i32
      scf.if %cond3A_31 {
        %mul3A_32 = arith.constant 8 : i32
        %mul3A_33 = arith.muli %add3A_26, %mul3A_32 : i32
        "tpu.region"() ({
          %run_scoped3A_153 = tpu.sem_alloc : memref<!tpu.dma_semaphore, #tpu.memory_space<semaphore_mem>>
          %dma_start3A_154 = arith.constant 0 : i32
          %dma_start3A_155 = tpu.memref_slice %arg3[%mul3A_33, %dma_start3A_154] : memref<5000x128xi32, #tpu.memory_space<hbm>> -> memref<8x128xi32, #tpu.memory_space<hbm>>
          %dma_start3A_156 = arith.constant 0 : i32
          %dma_start3A_157 = tpu.memref_slice %arg3[%mul3A_33, %dma_start3A_156] : memref<5000x128xi32, #tpu.memory_space<hbm>> -> memref<8x128xi32, #tpu.memory_space<hbm>>
          tpu.enqueue_dma source(%dma_start3A_157 : memref<8x128xi32, #tpu.memory_space<hbm>>) target(%arg7 : memref<8x128xi32, #tpu.memory_space<vmem>>) target_semaphore(%run_scoped3A_153 : memref<!tpu.dma_semaphore, #tpu.memory_space<semaphore_mem>>)
          %dma_wait3A_158 = arith.constant 0 : i32
          %dma_wait3A_159 = tpu.memref_slice %arg3[%mul3A_33, %dma_wait3A_158] : memref<5000x128xi32, #tpu.memory_space<hbm>> -> memref<8x128xi32, #tpu.memory_space<hbm>>
          %dma_wait3A_160 = arith.constant 0 : i32
          %dma_wait3A_161 = tpu.memref_slice %arg3[%mul3A_33, %dma_wait3A_160] : memref<5000x128xi32, #tpu.memory_space<hbm>> -> memref<8x128xi32, #tpu.memory_space<hbm>>
          tpu.wait_dma2 semaphore(%run_scoped3A_153 : memref<!tpu.dma_semaphore, #tpu.memory_space<semaphore_mem>>) src(%dma_wait3A_161 : memref<8x128xi32, #tpu.memory_space<hbm>>) dst(%arg7 : memref<8x128xi32, #tpu.memory_space<vmem>>)
          tpu.yield
        }) : () -> ()
        %mul3A_34 = arith.constant 8 : i32
        %mul3A_35 = arith.muli %add3A_26, %mul3A_34 : i32
        "tpu.region"() ({
          %run_scoped3A_153 = tpu.sem_alloc : memref<!tpu.dma_semaphore, #tpu.memory_space<semaphore_mem>>
          %dma_start3A_154 = arith.constant 0 : i32
          %dma_start3A_155 = tpu.memref_slice %arg4[%mul3A_35, %dma_start3A_154] : memref<5000x128xi32, #tpu.memory_space<hbm>> -> memref<8x128xi32, #tpu.memory_space<hbm>>
          %dma_start3A_156 = arith.constant 0 : i32
          %dma_start3A_157 = tpu.memref_slice %arg4[%mul3A_35, %dma_start3A_156] : memref<5000x128xi32, #tpu.memory_space<hbm>> -> memref<8x128xi32, #tpu.memory_space<hbm>>
          tpu.enqueue_dma source(%dma_start3A_157 : memref<8x128xi32, #tpu.memory_space<hbm>>) target(%arg8 : memref<8x128xi32, #tpu.memory_space<vmem>>) target_semaphore(%run_scoped3A_153 : memref<!tpu.dma_semaphore, #tpu.memory_space<semaphore_mem>>)
          %dma_wait3A_158 = arith.constant 0 : i32
          %dma_wait3A_159 = tpu.memref_slice %arg4[%mul3A_35, %dma_wait3A_158] : memref<5000x128xi32, #tpu.memory_space<hbm>> -> memref<8x128xi32, #tpu.memory_space<hbm>>
          %dma_wait3A_160 = arith.constant 0 : i32
          %dma_wait3A_161 = tpu.memref_slice %arg4[%mul3A_35, %dma_wait3A_160] : memref<5000x128xi32, #tpu.memory_space<hbm>> -> memref<8x128xi32, #tpu.memory_space<hbm>>
          tpu.wait_dma2 semaphore(%run_scoped3A_153 : memref<!tpu.dma_semaphore, #tpu.memory_space<semaphore_mem>>) src(%dma_wait3A_161 : memref<8x128xi32, #tpu.memory_space<hbm>>) dst(%arg8 : memref<8x128xi32, #tpu.memory_space<vmem>>)
          tpu.yield
        }) : () -> ()
        %dma_start3A = arith.constant 0 : i32
        %dma_start3A_36 = arith.constant 0 : i32
        %dma_start3A_37 = tpu.memref_slice %arg7[%dma_start3A, %dma_start3A_36] : memref<8x128xi32, #tpu.memory_space<vmem>> -> memref<1x128xi32, #tpu.memory_space<vmem>>
        %dma_start3A_38 = tpu.memref_squeeze %dma_start3A_37 : memref<1x128xi32, #tpu.memory_space<vmem>> -> memref<128xi32, #tpu.memory_space<vmem>>
        %dma_start3A_39 = arith.constant 0 : i32
        %dma_start3A_40 = arith.constant 0 : i32
        %dma_start3A_41 = tpu.memref_slice %arg2[%dma_start3A_39, %dma_start3A_40] : memref<240000x128xf32, #tpu.memory_space<hbm>> -> memref<240000x128xf32, #tpu.memory_space<hbm>>
        tpu.enqueue_indirect_dma source(%dma_start3A_41 : memref<240000x128xf32, #tpu.memory_space<hbm>>) target(%arg9 : memref<128x128xf32, #tpu.memory_space<vmem>>) offsets(%dma_start3A_38 : memref<128xi32, #tpu.memory_space<vmem>>) semaphore(%arg11 : memref<!tpu.dma_semaphore, #tpu.memory_space<semaphore_mem>>)
        %dma_wait3A = arith.constant 0 : i32
        %dma_wait3A_42 = arith.constant 0 : i32
        %dma_wait3A_43 = tpu.memref_slice %arg7[%dma_wait3A, %dma_wait3A_42] : memref<8x128xi32, #tpu.memory_space<vmem>> -> memref<1x128xi32, #tpu.memory_space<vmem>>
        %dma_wait3A_44 = tpu.memref_squeeze %dma_wait3A_43 : memref<1x128xi32, #tpu.memory_space<vmem>> -> memref<128xi32, #tpu.memory_space<vmem>>
        %dma_wait3A_45 = arith.constant 0 : i32
        %dma_wait3A_46 = arith.constant 0 : i32
        %dma_wait3A_47 = tpu.memref_slice %arg2[%dma_wait3A_45, %dma_wait3A_46] : memref<240000x128xf32, #tpu.memory_space<hbm>> -> memref<240000x128xf32, #tpu.memory_space<hbm>>
        tpu.wait_indirect_dma semaphore(%arg11 : memref<!tpu.dma_semaphore, #tpu.memory_space<semaphore_mem>>) src(%dma_wait3A_47 : memref<240000x128xf32, #tpu.memory_space<hbm>>) dst(%arg9 : memref<128x128xf32, #tpu.memory_space<vmem>>)
        %run_scoped3A = arith.constant 0 : i32
        "tpu.region"() ({
          %run_scoped3A_153 = tpu.sem_alloc : memref<!tpu.dma_semaphore, #tpu.memory_space<semaphore_mem>>
          %dma_start3A_154 = arith.constant 0 : i32
          %dma_start3A_155 = tpu.memref_slice %arg8[%run_scoped3A, %dma_start3A_154] : memref<8x128xi32, #tpu.memory_space<vmem>> -> memref<1x128xi32, #tpu.memory_space<vmem>>
          %dma_start3A_156 = tpu.memref_squeeze %dma_start3A_155 : memref<1x128xi32, #tpu.memory_space<vmem>> -> memref<128xi32, #tpu.memory_space<vmem>>
          %dma_start3A_157 = arith.constant 0 : i32
          %dma_start3A_158 = arith.constant 0 : i32
          %dma_start3A_159 = tpu.memref_slice %arg10[%dma_start3A_157, %dma_start3A_158] : memref<10000x128xf32, #tpu.memory_space<vmem_shared>> -> memref<10000x128xf32, #tpu.memory_space<vmem_shared>>
          tpu.enqueue_indirect_dma source(%arg9 : memref<128x128xf32, #tpu.memory_space<vmem>>) target(%dma_start3A_159 : memref<10000x128xf32, #tpu.memory_space<vmem_shared>>) offsets(%dma_start3A_156 : memref<128xi32, #tpu.memory_space<vmem>>) semaphore(%run_scoped3A_153 : memref<!tpu.dma_semaphore, #tpu.memory_space<semaphore_mem>>) {add = true}
          %dma_wait3A_160 = arith.constant 0 : i32
          %dma_wait3A_161 = tpu.memref_slice %arg8[%run_scoped3A, %dma_wait3A_160] : memref<8x128xi32, #tpu.memory_space<vmem>> -> memref<1x128xi32, #tpu.memory_space<vmem>>
          %dma_wait3A_162 = tpu.memref_squeeze %dma_wait3A_161 : memref<1x128xi32, #tpu.memory_space<vmem>> -> memref<128xi32, #tpu.memory_space<vmem>>
          %dma_wait3A_163 = arith.constant 0 : i32
          %dma_wait3A_164 = arith.constant 0 : i32
          %dma_wait3A_165 = tpu.memref_slice %arg10[%dma_wait3A_163, %dma_wait3A_164] : memref<10000x128xf32, #tpu.memory_space<vmem_shared>> -> memref<10000x128xf32, #tpu.memory_space<vmem_shared>>
          tpu.wait_indirect_dma semaphore(%run_scoped3A_153 : memref<!tpu.dma_semaphore, #tpu.memory_space<semaphore_mem>>) src(%arg9 : memref<128x128xf32, #tpu.memory_space<vmem>>) dst(%dma_wait3A_165 : memref<10000x128xf32, #tpu.memory_space<vmem_shared>>)
          tpu.yield
        }) : () -> ()
        %dma_start3A_48 = arith.constant 1 : i32
        %dma_start3A_49 = arith.constant 0 : i32
        %dma_start3A_50 = tpu.memref_slice %arg7[%dma_start3A_48, %dma_start3A_49] : memref<8x128xi32, #tpu.memory_space<vmem>> -> memref<1x128xi32, #tpu.memory_space<vmem>>
        %dma_start3A_51 = tpu.memref_squeeze %dma_start3A_50 : memref<1x128xi32, #tpu.memory_space<vmem>> -> memref<128xi32, #tpu.memory_space<vmem>>
        %dma_start3A_52 = arith.constant 0 : i32
        %dma_start3A_53 = arith.constant 0 : i32
        %dma_start3A_54 = tpu.memref_slice %arg2[%dma_start3A_52, %dma_start3A_53] : memref<240000x128xf32, #tpu.memory_space<hbm>> -> memref<240000x128xf32, #tpu.memory_space<hbm>>
        tpu.enqueue_indirect_dma source(%dma_start3A_54 : memref<240000x128xf32, #tpu.memory_space<hbm>>) target(%arg9 : memref<128x128xf32, #tpu.memory_space<vmem>>) offsets(%dma_start3A_51 : memref<128xi32, #tpu.memory_space<vmem>>) semaphore(%arg11 : memref<!tpu.dma_semaphore, #tpu.memory_space<semaphore_mem>>)
        %dma_wait3A_55 = arith.constant 1 : i32
        %dma_wait3A_56 = arith.constant 0 : i32
        %dma_wait3A_57 = tpu.memref_slice %arg7[%dma_wait3A_55, %dma_wait3A_56] : memref<8x128xi32, #tpu.memory_space<vmem>> -> memref<1x128xi32, #tpu.memory_space<vmem>>
        %dma_wait3A_58 = tpu.memref_squeeze %dma_wait3A_57 : memref<1x128xi32, #tpu.memory_space<vmem>> -> memref<128xi32, #tpu.memory_space<vmem>>
        %dma_wait3A_59 = arith.constant 0 : i32
        %dma_wait3A_60 = arith.constant 0 : i32
        %dma_wait3A_61 = tpu.memref_slice %arg2[%dma_wait3A_59, %dma_wait3A_60] : memref<240000x128xf32, #tpu.memory_space<hbm>> -> memref<240000x128xf32, #tpu.memory_space<hbm>>
        tpu.wait_indirect_dma semaphore(%arg11 : memref<!tpu.dma_semaphore, #tpu.memory_space<semaphore_mem>>) src(%dma_wait3A_61 : memref<240000x128xf32, #tpu.memory_space<hbm>>) dst(%arg9 : memref<128x128xf32, #tpu.memory_space<vmem>>)
        %run_scoped3A_62 = arith.constant 1 : i32
        "tpu.region"() ({
          %run_scoped3A_153 = tpu.sem_alloc : memref<!tpu.dma_semaphore, #tpu.memory_space<semaphore_mem>>
          %dma_start3A_154 = arith.constant 0 : i32
          %dma_start3A_155 = tpu.memref_slice %arg8[%run_scoped3A_62, %dma_start3A_154] : memref<8x128xi32, #tpu.memory_space<vmem>> -> memref<1x128xi32, #tpu.memory_space<vmem>>
          %dma_start3A_156 = tpu.memref_squeeze %dma_start3A_155 : memref<1x128xi32, #tpu.memory_space<vmem>> -> memref<128xi32, #tpu.memory_space<vmem>>
          %dma_start3A_157 = arith.constant 0 : i32
          %dma_start3A_158 = arith.constant 0 : i32
          %dma_start3A_159 = tpu.memref_slice %arg10[%dma_start3A_157, %dma_start3A_158] : memref<10000x128xf32, #tpu.memory_space<vmem_shared>> -> memref<10000x128xf32, #tpu.memory_space<vmem_shared>>
          tpu.enqueue_indirect_dma source(%arg9 : memref<128x128xf32, #tpu.memory_space<vmem>>) target(%dma_start3A_159 : memref<10000x128xf32, #tpu.memory_space<vmem_shared>>) offsets(%dma_start3A_156 : memref<128xi32, #tpu.memory_space<vmem>>) semaphore(%run_scoped3A_153 : memref<!tpu.dma_semaphore, #tpu.memory_space<semaphore_mem>>) {add = true}
          %dma_wait3A_160 = arith.constant 0 : i32
          %dma_wait3A_161 = tpu.memref_slice %arg8[%run_scoped3A_62, %dma_wait3A_160] : memref<8x128xi32, #tpu.memory_space<vmem>> -> memref<1x128xi32, #tpu.memory_space<vmem>>
          %dma_wait3A_162 = tpu.memref_squeeze %dma_wait3A_161 : memref<1x128xi32, #tpu.memory_space<vmem>> -> memref<128xi32, #tpu.memory_space<vmem>>
          %dma_wait3A_163 = arith.constant 0 : i32
          %dma_wait3A_164 = arith.constant 0 : i32
          %dma_wait3A_165 = tpu.memref_slice %arg10[%dma_wait3A_163, %dma_wait3A_164] : memref<10000x128xf32, #tpu.memory_space<vmem_shared>> -> memref<10000x128xf32, #tpu.memory_space<vmem_shared>>
          tpu.wait_indirect_dma semaphore(%run_scoped3A_153 : memref<!tpu.dma_semaphore, #tpu.memory_space<semaphore_mem>>) src(%arg9 : memref<128x128xf32, #tpu.memory_space<vmem>>) dst(%dma_wait3A_165 : memref<10000x128xf32, #tpu.memory_space<vmem_shared>>)
          tpu.yield
        }) : () -> ()
        %dma_start3A_63 = arith.constant 2 : i32
        %dma_start3A_64 = arith.constant 0 : i32
        %dma_start3A_65 = tpu.memref_slice %arg7[%dma_start3A_63, %dma_start3A_64] : memref<8x128xi32, #tpu.memory_space<vmem>> -> memref<1x128xi32, #tpu.memory_space<vmem>>
        %dma_start3A_66 = tpu.memref_squeeze %dma_start3A_65 : memref<1x128xi32, #tpu.memory_space<vmem>> -> memref<128xi32, #tpu.memory_space<vmem>>
        %dma_start3A_67 = arith.constant 0 : i32
        %dma_start3A_68 = arith.constant 0 : i32
        %dma_start3A_69 = tpu.memref_slice %arg2[%dma_start3A_67, %dma_start3A_68] : memref<240000x128xf32, #tpu.memory_space<hbm>> -> memref<240000x128xf32, #tpu.memory_space<hbm>>
        tpu.enqueue_indirect_dma source(%dma_start3A_69 : memref<240000x128xf32, #tpu.memory_space<hbm>>) target(%arg9 : memref<128x128xf32, #tpu.memory_space<vmem>>) offsets(%dma_start3A_66 : memref<128xi32, #tpu.memory_space<vmem>>) semaphore(%arg11 : memref<!tpu.dma_semaphore, #tpu.memory_space<semaphore_mem>>)
        %dma_wait3A_70 = arith.constant 2 : i32
        %dma_wait3A_71 = arith.constant 0 : i32
        %dma_wait3A_72 = tpu.memref_slice %arg7[%dma_wait3A_70, %dma_wait3A_71] : memref<8x128xi32, #tpu.memory_space<vmem>> -> memref<1x128xi32, #tpu.memory_space<vmem>>
        %dma_wait3A_73 = tpu.memref_squeeze %dma_wait3A_72 : memref<1x128xi32, #tpu.memory_space<vmem>> -> memref<128xi32, #tpu.memory_space<vmem>>
        %dma_wait3A_74 = arith.constant 0 : i32
        %dma_wait3A_75 = arith.constant 0 : i32
        %dma_wait3A_76 = tpu.memref_slice %arg2[%dma_wait3A_74, %dma_wait3A_75] : memref<240000x128xf32, #tpu.memory_space<hbm>> -> memref<240000x128xf32, #tpu.memory_space<hbm>>
        tpu.wait_indirect_dma semaphore(%arg11 : memref<!tpu.dma_semaphore, #tpu.memory_space<semaphore_mem>>) src(%dma_wait3A_76 : memref<240000x128xf32, #tpu.memory_space<hbm>>) dst(%arg9 : memref<128x128xf32, #tpu.memory_space<vmem>>)
        %run_scoped3A_77 = arith.constant 2 : i32
        "tpu.region"() ({
          %run_scoped3A_153 = tpu.sem_alloc : memref<!tpu.dma_semaphore, #tpu.memory_space<semaphore_mem>>
          %dma_start3A_154 = arith.constant 0 : i32
          %dma_start3A_155 = tpu.memref_slice %arg8[%run_scoped3A_77, %dma_start3A_154] : memref<8x128xi32, #tpu.memory_space<vmem>> -> memref<1x128xi32, #tpu.memory_space<vmem>>
          %dma_start3A_156 = tpu.memref_squeeze %dma_start3A_155 : memref<1x128xi32, #tpu.memory_space<vmem>> -> memref<128xi32, #tpu.memory_space<vmem>>
          %dma_start3A_157 = arith.constant 0 : i32
          %dma_start3A_158 = arith.constant 0 : i32
          %dma_start3A_159 = tpu.memref_slice %arg10[%dma_start3A_157, %dma_start3A_158] : memref<10000x128xf32, #tpu.memory_space<vmem_shared>> -> memref<10000x128xf32, #tpu.memory_space<vmem_shared>>
          tpu.enqueue_indirect_dma source(%arg9 : memref<128x128xf32, #tpu.memory_space<vmem>>) target(%dma_start3A_159 : memref<10000x128xf32, #tpu.memory_space<vmem_shared>>) offsets(%dma_start3A_156 : memref<128xi32, #tpu.memory_space<vmem>>) semaphore(%run_scoped3A_153 : memref<!tpu.dma_semaphore, #tpu.memory_space<semaphore_mem>>) {add = true}
          %dma_wait3A_160 = arith.constant 0 : i32
          %dma_wait3A_161 = tpu.memref_slice %arg8[%run_scoped3A_77, %dma_wait3A_160] : memref<8x128xi32, #tpu.memory_space<vmem>> -> memref<1x128xi32, #tpu.memory_space<vmem>>
          %dma_wait3A_162 = tpu.memref_squeeze %dma_wait3A_161 : memref<1x128xi32, #tpu.memory_space<vmem>> -> memref<128xi32, #tpu.memory_space<vmem>>
          %dma_wait3A_163 = arith.constant 0 : i32
          %dma_wait3A_164 = arith.constant 0 : i32
          %dma_wait3A_165 = tpu.memref_slice %arg10[%dma_wait3A_163, %dma_wait3A_164] : memref<10000x128xf32, #tpu.memory_space<vmem_shared>> -> memref<10000x128xf32, #tpu.memory_space<vmem_shared>>
          tpu.wait_indirect_dma semaphore(%run_scoped3A_153 : memref<!tpu.dma_semaphore, #tpu.memory_space<semaphore_mem>>) src(%arg9 : memref<128x128xf32, #tpu.memory_space<vmem>>) dst(%dma_wait3A_165 : memref<10000x128xf32, #tpu.memory_space<vmem_shared>>)
          tpu.yield
        }) : () -> ()
        %dma_start3A_78 = arith.constant 3 : i32
        %dma_start3A_79 = arith.constant 0 : i32
        %dma_start3A_80 = tpu.memref_slice %arg7[%dma_start3A_78, %dma_start3A_79] : memref<8x128xi32, #tpu.memory_space<vmem>> -> memref<1x128xi32, #tpu.memory_space<vmem>>
        %dma_start3A_81 = tpu.memref_squeeze %dma_start3A_80 : memref<1x128xi32, #tpu.memory_space<vmem>> -> memref<128xi32, #tpu.memory_space<vmem>>
        %dma_start3A_82 = arith.constant 0 : i32
        %dma_start3A_83 = arith.constant 0 : i32
        %dma_start3A_84 = tpu.memref_slice %arg2[%dma_start3A_82, %dma_start3A_83] : memref<240000x128xf32, #tpu.memory_space<hbm>> -> memref<240000x128xf32, #tpu.memory_space<hbm>>
        tpu.enqueue_indirect_dma source(%dma_start3A_84 : memref<240000x128xf32, #tpu.memory_space<hbm>>) target(%arg9 : memref<128x128xf32, #tpu.memory_space<vmem>>) offsets(%dma_start3A_81 : memref<128xi32, #tpu.memory_space<vmem>>) semaphore(%arg11 : memref<!tpu.dma_semaphore, #tpu.memory_space<semaphore_mem>>)
        %dma_wait3A_85 = arith.constant 3 : i32
        %dma_wait3A_86 = arith.constant 0 : i32
        %dma_wait3A_87 = tpu.memref_slice %arg7[%dma_wait3A_85, %dma_wait3A_86] : memref<8x128xi32, #tpu.memory_space<vmem>> -> memref<1x128xi32, #tpu.memory_space<vmem>>
        %dma_wait3A_88 = tpu.memref_squeeze %dma_wait3A_87 : memref<1x128xi32, #tpu.memory_space<vmem>> -> memref<128xi32, #tpu.memory_space<vmem>>
        %dma_wait3A_89 = arith.constant 0 : i32
        %dma_wait3A_90 = arith.constant 0 : i32
        %dma_wait3A_91 = tpu.memref_slice %arg2[%dma_wait3A_89, %dma_wait3A_90] : memref<240000x128xf32, #tpu.memory_space<hbm>> -> memref<240000x128xf32, #tpu.memory_space<hbm>>
        tpu.wait_indirect_dma semaphore(%arg11 : memref<!tpu.dma_semaphore, #tpu.memory_space<semaphore_mem>>) src(%dma_wait3A_91 : memref<240000x128xf32, #tpu.memory_space<hbm>>) dst(%arg9 : memref<128x128xf32, #tpu.memory_space<vmem>>)
        %run_scoped3A_92 = arith.constant 3 : i32
        "tpu.region"() ({
          %run_scoped3A_153 = tpu.sem_alloc : memref<!tpu.dma_semaphore, #tpu.memory_space<semaphore_mem>>
          %dma_start3A_154 = arith.constant 0 : i32
          %dma_start3A_155 = tpu.memref_slice %arg8[%run_scoped3A_92, %dma_start3A_154] : memref<8x128xi32, #tpu.memory_space<vmem>> -> memref<1x128xi32, #tpu.memory_space<vmem>>
          %dma_start3A_156 = tpu.memref_squeeze %dma_start3A_155 : memref<1x128xi32, #tpu.memory_space<vmem>> -> memref<128xi32, #tpu.memory_space<vmem>>
          %dma_start3A_157 = arith.constant 0 : i32
          %dma_start3A_158 = arith.constant 0 : i32
          %dma_start3A_159 = tpu.memref_slice %arg10[%dma_start3A_157, %dma_start3A_158] : memref<10000x128xf32, #tpu.memory_space<vmem_shared>> -> memref<10000x128xf32, #tpu.memory_space<vmem_shared>>
          tpu.enqueue_indirect_dma source(%arg9 : memref<128x128xf32, #tpu.memory_space<vmem>>) target(%dma_start3A_159 : memref<10000x128xf32, #tpu.memory_space<vmem_shared>>) offsets(%dma_start3A_156 : memref<128xi32, #tpu.memory_space<vmem>>) semaphore(%run_scoped3A_153 : memref<!tpu.dma_semaphore, #tpu.memory_space<semaphore_mem>>) {add = true}
          %dma_wait3A_160 = arith.constant 0 : i32
          %dma_wait3A_161 = tpu.memref_slice %arg8[%run_scoped3A_92, %dma_wait3A_160] : memref<8x128xi32, #tpu.memory_space<vmem>> -> memref<1x128xi32, #tpu.memory_space<vmem>>
          %dma_wait3A_162 = tpu.memref_squeeze %dma_wait3A_161 : memref<1x128xi32, #tpu.memory_space<vmem>> -> memref<128xi32, #tpu.memory_space<vmem>>
          %dma_wait3A_163 = arith.constant 0 : i32
          %dma_wait3A_164 = arith.constant 0 : i32
          %dma_wait3A_165 = tpu.memref_slice %arg10[%dma_wait3A_163, %dma_wait3A_164] : memref<10000x128xf32, #tpu.memory_space<vmem_shared>> -> memref<10000x128xf32, #tpu.memory_space<vmem_shared>>
          tpu.wait_indirect_dma semaphore(%run_scoped3A_153 : memref<!tpu.dma_semaphore, #tpu.memory_space<semaphore_mem>>) src(%arg9 : memref<128x128xf32, #tpu.memory_space<vmem>>) dst(%dma_wait3A_165 : memref<10000x128xf32, #tpu.memory_space<vmem_shared>>)
          tpu.yield
        }) : () -> ()
        %dma_start3A_93 = arith.constant 4 : i32
        %dma_start3A_94 = arith.constant 0 : i32
        %dma_start3A_95 = tpu.memref_slice %arg7[%dma_start3A_93, %dma_start3A_94] : memref<8x128xi32, #tpu.memory_space<vmem>> -> memref<1x128xi32, #tpu.memory_space<vmem>>
        %dma_start3A_96 = tpu.memref_squeeze %dma_start3A_95 : memref<1x128xi32, #tpu.memory_space<vmem>> -> memref<128xi32, #tpu.memory_space<vmem>>
        %dma_start3A_97 = arith.constant 0 : i32
        %dma_start3A_98 = arith.constant 0 : i32
        %dma_start3A_99 = tpu.memref_slice %arg2[%dma_start3A_97, %dma_start3A_98] : memref<240000x128xf32, #tpu.memory_space<hbm>> -> memref<240000x128xf32, #tpu.memory_space<hbm>>
        tpu.enqueue_indirect_dma source(%dma_start3A_99 : memref<240000x128xf32, #tpu.memory_space<hbm>>) target(%arg9 : memref<128x128xf32, #tpu.memory_space<vmem>>) offsets(%dma_start3A_96 : memref<128xi32, #tpu.memory_space<vmem>>) semaphore(%arg11 : memref<!tpu.dma_semaphore, #tpu.memory_space<semaphore_mem>>)
        %dma_wait3A_100 = arith.constant 4 : i32
        %dma_wait3A_101 = arith.constant 0 : i32
        %dma_wait3A_102 = tpu.memref_slice %arg7[%dma_wait3A_100, %dma_wait3A_101] : memref<8x128xi32, #tpu.memory_space<vmem>> -> memref<1x128xi32, #tpu.memory_space<vmem>>
        %dma_wait3A_103 = tpu.memref_squeeze %dma_wait3A_102 : memref<1x128xi32, #tpu.memory_space<vmem>> -> memref<128xi32, #tpu.memory_space<vmem>>
        %dma_wait3A_104 = arith.constant 0 : i32
        %dma_wait3A_105 = arith.constant 0 : i32
        %dma_wait3A_106 = tpu.memref_slice %arg2[%dma_wait3A_104, %dma_wait3A_105] : memref<240000x128xf32, #tpu.memory_space<hbm>> -> memref<240000x128xf32, #tpu.memory_space<hbm>>
        tpu.wait_indirect_dma semaphore(%arg11 : memref<!tpu.dma_semaphore, #tpu.memory_space<semaphore_mem>>) src(%dma_wait3A_106 : memref<240000x128xf32, #tpu.memory_space<hbm>>) dst(%arg9 : memref<128x128xf32, #tpu.memory_space<vmem>>)
        %run_scoped3A_107 = arith.constant 4 : i32
        "tpu.region"() ({
          %run_scoped3A_153 = tpu.sem_alloc : memref<!tpu.dma_semaphore, #tpu.memory_space<semaphore_mem>>
          %dma_start3A_154 = arith.constant 0 : i32
          %dma_start3A_155 = tpu.memref_slice %arg8[%run_scoped3A_107, %dma_start3A_154] : memref<8x128xi32, #tpu.memory_space<vmem>> -> memref<1x128xi32, #tpu.memory_space<vmem>>
          %dma_start3A_156 = tpu.memref_squeeze %dma_start3A_155 : memref<1x128xi32, #tpu.memory_space<vmem>> -> memref<128xi32, #tpu.memory_space<vmem>>
          %dma_start3A_157 = arith.constant 0 : i32
          %dma_start3A_158 = arith.constant 0 : i32
          %dma_start3A_159 = tpu.memref_slice %arg10[%dma_start3A_157, %dma_start3A_158] : memref<10000x128xf32, #tpu.memory_space<vmem_shared>> -> memref<10000x128xf32, #tpu.memory_space<vmem_shared>>
          tpu.enqueue_indirect_dma source(%arg9 : memref<128x128xf32, #tpu.memory_space<vmem>>) target(%dma_start3A_159 : memref<10000x128xf32, #tpu.memory_space<vmem_shared>>) offsets(%dma_start3A_156 : memref<128xi32, #tpu.memory_space<vmem>>) semaphore(%run_scoped3A_153 : memref<!tpu.dma_semaphore, #tpu.memory_space<semaphore_mem>>) {add = true}
          %dma_wait3A_160 = arith.constant 0 : i32
          %dma_wait3A_161 = tpu.memref_slice %arg8[%run_scoped3A_107, %dma_wait3A_160] : memref<8x128xi32, #tpu.memory_space<vmem>> -> memref<1x128xi32, #tpu.memory_space<vmem>>
          %dma_wait3A_162 = tpu.memref_squeeze %dma_wait3A_161 : memref<1x128xi32, #tpu.memory_space<vmem>> -> memref<128xi32, #tpu.memory_space<vmem>>
          %dma_wait3A_163 = arith.constant 0 : i32
          %dma_wait3A_164 = arith.constant 0 : i32
          %dma_wait3A_165 = tpu.memref_slice %arg10[%dma_wait3A_163, %dma_wait3A_164] : memref<10000x128xf32, #tpu.memory_space<vmem_shared>> -> memref<10000x128xf32, #tpu.memory_space<vmem_shared>>
          tpu.wait_indirect_dma semaphore(%run_scoped3A_153 : memref<!tpu.dma_semaphore, #tpu.memory_space<semaphore_mem>>) src(%arg9 : memref<128x128xf32, #tpu.memory_space<vmem>>) dst(%dma_wait3A_165 : memref<10000x128xf32, #tpu.memory_space<vmem_shared>>)
          tpu.yield
        }) : () -> ()
        %dma_start3A_108 = arith.constant 5 : i32
        %dma_start3A_109 = arith.constant 0 : i32
        %dma_start3A_110 = tpu.memref_slice %arg7[%dma_start3A_108, %dma_start3A_109] : memref<8x128xi32, #tpu.memory_space<vmem>> -> memref<1x128xi32, #tpu.memory_space<vmem>>
        %dma_start3A_111 = tpu.memref_squeeze %dma_start3A_110 : memref<1x128xi32, #tpu.memory_space<vmem>> -> memref<128xi32, #tpu.memory_space<vmem>>
        %dma_start3A_112 = arith.constant 0 : i32
        %dma_start3A_113 = arith.constant 0 : i32
        %dma_start3A_114 = tpu.memref_slice %arg2[%dma_start3A_112, %dma_start3A_113] : memref<240000x128xf32, #tpu.memory_space<hbm>> -> memref<240000x128xf32, #tpu.memory_space<hbm>>
        tpu.enqueue_indirect_dma source(%dma_start3A_114 : memref<240000x128xf32, #tpu.memory_space<hbm>>) target(%arg9 : memref<128x128xf32, #tpu.memory_space<vmem>>) offsets(%dma_start3A_111 : memref<128xi32, #tpu.memory_space<vmem>>) semaphore(%arg11 : memref<!tpu.dma_semaphore, #tpu.memory_space<semaphore_mem>>)
        %dma_wait3A_115 = arith.constant 5 : i32
        %dma_wait3A_116 = arith.constant 0 : i32
        %dma_wait3A_117 = tpu.memref_slice %arg7[%dma_wait3A_115, %dma_wait3A_116] : memref<8x128xi32, #tpu.memory_space<vmem>> -> memref<1x128xi32, #tpu.memory_space<vmem>>
        %dma_wait3A_118 = tpu.memref_squeeze %dma_wait3A_117 : memref<1x128xi32, #tpu.memory_space<vmem>> -> memref<128xi32, #tpu.memory_space<vmem>>
        %dma_wait3A_119 = arith.constant 0 : i32
        %dma_wait3A_120 = arith.constant 0 : i32
        %dma_wait3A_121 = tpu.memref_slice %arg2[%dma_wait3A_119, %dma_wait3A_120] : memref<240000x128xf32, #tpu.memory_space<hbm>> -> memref<240000x128xf32, #tpu.memory_space<hbm>>
        tpu.wait_indirect_dma semaphore(%arg11 : memref<!tpu.dma_semaphore, #tpu.memory_space<semaphore_mem>>) src(%dma_wait3A_121 : memref<240000x128xf32, #tpu.memory_space<hbm>>) dst(%arg9 : memref<128x128xf32, #tpu.memory_space<vmem>>)
        %run_scoped3A_122 = arith.constant 5 : i32
        "tpu.region"() ({
          %run_scoped3A_153 = tpu.sem_alloc : memref<!tpu.dma_semaphore, #tpu.memory_space<semaphore_mem>>
          %dma_start3A_154 = arith.constant 0 : i32
          %dma_start3A_155 = tpu.memref_slice %arg8[%run_scoped3A_122, %dma_start3A_154] : memref<8x128xi32, #tpu.memory_space<vmem>> -> memref<1x128xi32, #tpu.memory_space<vmem>>
          %dma_start3A_156 = tpu.memref_squeeze %dma_start3A_155 : memref<1x128xi32, #tpu.memory_space<vmem>> -> memref<128xi32, #tpu.memory_space<vmem>>
          %dma_start3A_157 = arith.constant 0 : i32
          %dma_start3A_158 = arith.constant 0 : i32
          %dma_start3A_159 = tpu.memref_slice %arg10[%dma_start3A_157, %dma_start3A_158] : memref<10000x128xf32, #tpu.memory_space<vmem_shared>> -> memref<10000x128xf32, #tpu.memory_space<vmem_shared>>
          tpu.enqueue_indirect_dma source(%arg9 : memref<128x128xf32, #tpu.memory_space<vmem>>) target(%dma_start3A_159 : memref<10000x128xf32, #tpu.memory_space<vmem_shared>>) offsets(%dma_start3A_156 : memref<128xi32, #tpu.memory_space<vmem>>) semaphore(%run_scoped3A_153 : memref<!tpu.dma_semaphore, #tpu.memory_space<semaphore_mem>>) {add = true}
          %dma_wait3A_160 = arith.constant 0 : i32
          %dma_wait3A_161 = tpu.memref_slice %arg8[%run_scoped3A_122, %dma_wait3A_160] : memref<8x128xi32, #tpu.memory_space<vmem>> -> memref<1x128xi32, #tpu.memory_space<vmem>>
          %dma_wait3A_162 = tpu.memref_squeeze %dma_wait3A_161 : memref<1x128xi32, #tpu.memory_space<vmem>> -> memref<128xi32, #tpu.memory_space<vmem>>
          %dma_wait3A_163 = arith.constant 0 : i32
          %dma_wait3A_164 = arith.constant 0 : i32
          %dma_wait3A_165 = tpu.memref_slice %arg10[%dma_wait3A_163, %dma_wait3A_164] : memref<10000x128xf32, #tpu.memory_space<vmem_shared>> -> memref<10000x128xf32, #tpu.memory_space<vmem_shared>>
          tpu.wait_indirect_dma semaphore(%run_scoped3A_153 : memref<!tpu.dma_semaphore, #tpu.memory_space<semaphore_mem>>) src(%arg9 : memref<128x128xf32, #tpu.memory_space<vmem>>) dst(%dma_wait3A_165 : memref<10000x128xf32, #tpu.memory_space<vmem_shared>>)
          tpu.yield
        }) : () -> ()
        %dma_start3A_123 = arith.constant 6 : i32
        %dma_start3A_124 = arith.constant 0 : i32
        %dma_start3A_125 = tpu.memref_slice %arg7[%dma_start3A_123, %dma_start3A_124] : memref<8x128xi32, #tpu.memory_space<vmem>> -> memref<1x128xi32, #tpu.memory_space<vmem>>
        %dma_start3A_126 = tpu.memref_squeeze %dma_start3A_125 : memref<1x128xi32, #tpu.memory_space<vmem>> -> memref<128xi32, #tpu.memory_space<vmem>>
        %dma_start3A_127 = arith.constant 0 : i32
        %dma_start3A_128 = arith.constant 0 : i32
        %dma_start3A_129 = tpu.memref_slice %arg2[%dma_start3A_127, %dma_start3A_128] : memref<240000x128xf32, #tpu.memory_space<hbm>> -> memref<240000x128xf32, #tpu.memory_space<hbm>>
        tpu.enqueue_indirect_dma source(%dma_start3A_129 : memref<240000x128xf32, #tpu.memory_space<hbm>>) target(%arg9 : memref<128x128xf32, #tpu.memory_space<vmem>>) offsets(%dma_start3A_126 : memref<128xi32, #tpu.memory_space<vmem>>) semaphore(%arg11 : memref<!tpu.dma_semaphore, #tpu.memory_space<semaphore_mem>>)
        %dma_wait3A_130 = arith.constant 6 : i32
        %dma_wait3A_131 = arith.constant 0 : i32
        %dma_wait3A_132 = tpu.memref_slice %arg7[%dma_wait3A_130, %dma_wait3A_131] : memref<8x128xi32, #tpu.memory_space<vmem>> -> memref<1x128xi32, #tpu.memory_space<vmem>>
        %dma_wait3A_133 = tpu.memref_squeeze %dma_wait3A_132 : memref<1x128xi32, #tpu.memory_space<vmem>> -> memref<128xi32, #tpu.memory_space<vmem>>
        %dma_wait3A_134 = arith.constant 0 : i32
        %dma_wait3A_135 = arith.constant 0 : i32
        %dma_wait3A_136 = tpu.memref_slice %arg2[%dma_wait3A_134, %dma_wait3A_135] : memref<240000x128xf32, #tpu.memory_space<hbm>> -> memref<240000x128xf32, #tpu.memory_space<hbm>>
        tpu.wait_indirect_dma semaphore(%arg11 : memref<!tpu.dma_semaphore, #tpu.memory_space<semaphore_mem>>) src(%dma_wait3A_136 : memref<240000x128xf32, #tpu.memory_space<hbm>>) dst(%arg9 : memref<128x128xf32, #tpu.memory_space<vmem>>)
        %run_scoped3A_137 = arith.constant 6 : i32
        "tpu.region"() ({
          %run_scoped3A_153 = tpu.sem_alloc : memref<!tpu.dma_semaphore, #tpu.memory_space<semaphore_mem>>
          %dma_start3A_154 = arith.constant 0 : i32
          %dma_start3A_155 = tpu.memref_slice %arg8[%run_scoped3A_137, %dma_start3A_154] : memref<8x128xi32, #tpu.memory_space<vmem>> -> memref<1x128xi32, #tpu.memory_space<vmem>>
          %dma_start3A_156 = tpu.memref_squeeze %dma_start3A_155 : memref<1x128xi32, #tpu.memory_space<vmem>> -> memref<128xi32, #tpu.memory_space<vmem>>
          %dma_start3A_157 = arith.constant 0 : i32
          %dma_start3A_158 = arith.constant 0 : i32
          %dma_start3A_159 = tpu.memref_slice %arg10[%dma_start3A_157, %dma_start3A_158] : memref<10000x128xf32, #tpu.memory_space<vmem_shared>> -> memref<10000x128xf32, #tpu.memory_space<vmem_shared>>
          tpu.enqueue_indirect_dma source(%arg9 : memref<128x128xf32, #tpu.memory_space<vmem>>) target(%dma_start3A_159 : memref<10000x128xf32, #tpu.memory_space<vmem_shared>>) offsets(%dma_start3A_156 : memref<128xi32, #tpu.memory_space<vmem>>) semaphore(%run_scoped3A_153 : memref<!tpu.dma_semaphore, #tpu.memory_space<semaphore_mem>>) {add = true}
          %dma_wait3A_160 = arith.constant 0 : i32
          %dma_wait3A_161 = tpu.memref_slice %arg8[%run_scoped3A_137, %dma_wait3A_160] : memref<8x128xi32, #tpu.memory_space<vmem>> -> memref<1x128xi32, #tpu.memory_space<vmem>>
          %dma_wait3A_162 = tpu.memref_squeeze %dma_wait3A_161 : memref<1x128xi32, #tpu.memory_space<vmem>> -> memref<128xi32, #tpu.memory_space<vmem>>
          %dma_wait3A_163 = arith.constant 0 : i32
          %dma_wait3A_164 = arith.constant 0 : i32
          %dma_wait3A_165 = tpu.memref_slice %arg10[%dma_wait3A_163, %dma_wait3A_164] : memref<10000x128xf32, #tpu.memory_space<vmem_shared>> -> memref<10000x128xf32, #tpu.memory_space<vmem_shared>>
          tpu.wait_indirect_dma semaphore(%run_scoped3A_153 : memref<!tpu.dma_semaphore, #tpu.memory_space<semaphore_mem>>) src(%arg9 : memref<128x128xf32, #tpu.memory_space<vmem>>) dst(%dma_wait3A_165 : memref<10000x128xf32, #tpu.memory_space<vmem_shared>>)
          tpu.yield
        }) : () -> ()
        %dma_start3A_138 = arith.constant 7 : i32
        %dma_start3A_139 = arith.constant 0 : i32
        %dma_start3A_140 = tpu.memref_slice %arg7[%dma_start3A_138, %dma_start3A_139] : memref<8x128xi32, #tpu.memory_space<vmem>> -> memref<1x128xi32, #tpu.memory_space<vmem>>
        %dma_start3A_141 = tpu.memref_squeeze %dma_start3A_140 : memref<1x128xi32, #tpu.memory_space<vmem>> -> memref<128xi32, #tpu.memory_space<vmem>>
        %dma_start3A_142 = arith.constant 0 : i32
        %dma_start3A_143 = arith.constant 0 : i32
        %dma_start3A_144 = tpu.memref_slice %arg2[%dma_start3A_142, %dma_start3A_143] : memref<240000x128xf32, #tpu.memory_space<hbm>> -> memref<240000x128xf32, #tpu.memory_space<hbm>>
        tpu.enqueue_indirect_dma source(%dma_start3A_144 : memref<240000x128xf32, #tpu.memory_space<hbm>>) target(%arg9 : memref<128x128xf32, #tpu.memory_space<vmem>>) offsets(%dma_start3A_141 : memref<128xi32, #tpu.memory_space<vmem>>) semaphore(%arg11 : memref<!tpu.dma_semaphore, #tpu.memory_space<semaphore_mem>>)
        %dma_wait3A_145 = arith.constant 7 : i32
        %dma_wait3A_146 = arith.constant 0 : i32
        %dma_wait3A_147 = tpu.memref_slice %arg7[%dma_wait3A_145, %dma_wait3A_146] : memref<8x128xi32, #tpu.memory_space<vmem>> -> memref<1x128xi32, #tpu.memory_space<vmem>>
        %dma_wait3A_148 = tpu.memref_squeeze %dma_wait3A_147 : memref<1x128xi32, #tpu.memory_space<vmem>> -> memref<128xi32, #tpu.memory_space<vmem>>
        %dma_wait3A_149 = arith.constant 0 : i32
        %dma_wait3A_150 = arith.constant 0 : i32
        %dma_wait3A_151 = tpu.memref_slice %arg2[%dma_wait3A_149, %dma_wait3A_150] : memref<240000x128xf32, #tpu.memory_space<hbm>> -> memref<240000x128xf32, #tpu.memory_space<hbm>>
        tpu.wait_indirect_dma semaphore(%arg11 : memref<!tpu.dma_semaphore, #tpu.memory_space<semaphore_mem>>) src(%dma_wait3A_151 : memref<240000x128xf32, #tpu.memory_space<hbm>>) dst(%arg9 : memref<128x128xf32, #tpu.memory_space<vmem>>)
        %run_scoped3A_152 = arith.constant 7 : i32
        "tpu.region"() ({
          %run_scoped3A_153 = tpu.sem_alloc : memref<!tpu.dma_semaphore, #tpu.memory_space<semaphore_mem>>
          %dma_start3A_154 = arith.constant 0 : i32
          %dma_start3A_155 = tpu.memref_slice %arg8[%run_scoped3A_152, %dma_start3A_154] : memref<8x128xi32, #tpu.memory_space<vmem>> -> memref<1x128xi32, #tpu.memory_space<vmem>>
          %dma_start3A_156 = tpu.memref_squeeze %dma_start3A_155 : memref<1x128xi32, #tpu.memory_space<vmem>> -> memref<128xi32, #tpu.memory_space<vmem>>
          %dma_start3A_157 = arith.constant 0 : i32
          %dma_start3A_158 = arith.constant 0 : i32
          %dma_start3A_159 = tpu.memref_slice %arg10[%dma_start3A_157, %dma_start3A_158] : memref<10000x128xf32, #tpu.memory_space<vmem_shared>> -> memref<10000x128xf32, #tpu.memory_space<vmem_shared>>
          tpu.enqueue_indirect_dma source(%arg9 : memref<128x128xf32, #tpu.memory_space<vmem>>) target(%dma_start3A_159 : memref<10000x128xf32, #tpu.memory_space<vmem_shared>>) offsets(%dma_start3A_156 : memref<128xi32, #tpu.memory_space<vmem>>) semaphore(%run_scoped3A_153 : memref<!tpu.dma_semaphore, #tpu.memory_space<semaphore_mem>>) {add = true}
          %dma_wait3A_160 = arith.constant 0 : i32
          %dma_wait3A_161 = tpu.memref_slice %arg8[%run_scoped3A_152, %dma_wait3A_160] : memref<8x128xi32, #tpu.memory_space<vmem>> -> memref<1x128xi32, #tpu.memory_space<vmem>>
          %dma_wait3A_162 = tpu.memref_squeeze %dma_wait3A_161 : memref<1x128xi32, #tpu.memory_space<vmem>> -> memref<128xi32, #tpu.memory_space<vmem>>
          %dma_wait3A_163 = arith.constant 0 : i32
          %dma_wait3A_164 = arith.constant 0 : i32
          %dma_wait3A_165 = tpu.memref_slice %arg10[%dma_wait3A_163, %dma_wait3A_164] : memref<10000x128xf32, #tpu.memory_space<vmem_shared>> -> memref<10000x128xf32, #tpu.memory_space<vmem_shared>>
          tpu.wait_indirect_dma semaphore(%run_scoped3A_153 : memref<!tpu.dma_semaphore, #tpu.memory_space<semaphore_mem>>) src(%arg9 : memref<128x128xf32, #tpu.memory_space<vmem>>) dst(%dma_wait3A_165 : memref<10000x128xf32, #tpu.memory_space<vmem_shared>>)
          tpu.yield
        }) : () -> ()
      } else {
      }
    }
    %scan3A_11 = arith.constant 20 : i32
    %barrier3A_12 = arith.constant 0 : index
    tpu.barrier barrier_id(%barrier3A_12)
    %lt3A_13 = arith.constant 15 : i32
    %lt3A_14 = arith.cmpi slt, %arg1, %lt3A_13 : i32
    %convert_element_type3A_15 = arith.extui %lt3A_14 : i1 to i32
    %cond3A_16 = arith.constant 0 : i32
    %cond3A_17 = arith.cmpi ne, %convert_element_type3A_15, %cond3A_16 : i32
    scf.if %cond3A_17 {
      %mul3A_23 = arith.constant 624 : i32
      %mul3A_24 = arith.muli %arg1, %mul3A_23 : i32
      %mul3A_25 = arith.constant 624 : i32
      %mul3A_26 = arith.muli %arg1, %mul3A_25 : i32
      "tpu.region"() ({
        %run_scoped3A = tpu.sem_alloc : memref<!tpu.dma_semaphore, #tpu.memory_space<semaphore_mem>>
        %dma_start3A = arith.constant 0 : i32
        %dma_start3A_27 = tpu.memref_slice %arg6[%arg0, %mul3A_26, %dma_start3A] : memref<2x10000x128xf32, #tpu.memory_space<hbm>> -> memref<1x624x128xf32, #tpu.memory_space<hbm>>
        %dma_start3A_28 = tpu.memref_squeeze %dma_start3A_27 : memref<1x624x128xf32, #tpu.memory_space<hbm>> -> memref<624x128xf32, #tpu.memory_space<hbm>>
        %dma_start3A_29 = arith.constant 0 : i32
        %dma_start3A_30 = tpu.memref_slice %arg10[%mul3A_24, %dma_start3A_29] : memref<10000x128xf32, #tpu.memory_space<vmem_shared>> -> memref<624x128xf32, #tpu.memory_space<vmem_shared>>
        tpu.enqueue_dma source(%dma_start3A_30 : memref<624x128xf32, #tpu.memory_space<vmem_shared>>) target(%dma_start3A_28 : memref<624x128xf32, #tpu.memory_space<hbm>>) target_semaphore(%run_scoped3A : memref<!tpu.dma_semaphore, #tpu.memory_space<semaphore_mem>>)
        %dma_wait3A = arith.constant 0 : i32
        %dma_wait3A_31 = tpu.memref_slice %arg6[%arg0, %mul3A_26, %dma_wait3A] : memref<2x10000x128xf32, #tpu.memory_space<hbm>> -> memref<1x624x128xf32, #tpu.memory_space<hbm>>
        %dma_wait3A_32 = tpu.memref_squeeze %dma_wait3A_31 : memref<1x624x128xf32, #tpu.memory_space<hbm>> -> memref<624x128xf32, #tpu.memory_space<hbm>>
        %dma_wait3A_33 = arith.constant 0 : i32
        %dma_wait3A_34 = tpu.memref_slice %arg10[%mul3A_24, %dma_wait3A_33] : memref<10000x128xf32, #tpu.memory_space<vmem_shared>> -> memref<624x128xf32, #tpu.memory_space<vmem_shared>>
        tpu.wait_dma2 semaphore(%run_scoped3A : memref<!tpu.dma_semaphore, #tpu.memory_space<semaphore_mem>>) src(%dma_wait3A_34 : memref<624x128xf32, #tpu.memory_space<vmem_shared>>) dst(%dma_wait3A_32 : memref<624x128xf32, #tpu.memory_space<hbm>>)
        tpu.yield
      }) : () -> ()
    } else {
    }
    %eq3A_18 = arith.constant 15 : i32
    %eq3A_19 = arith.cmpi eq, %arg1, %eq3A_18 : i32
    %convert_element_type3A_20 = arith.extui %eq3A_19 : i1 to i32
    %cond3A_21 = arith.constant 0 : i32
    %cond3A_22 = arith.cmpi ne, %convert_element_type3A_20, %cond3A_21 : i32
    scf.if %cond3A_22 {
      "tpu.region"() ({
        %run_scoped3A = tpu.sem_alloc : memref<!tpu.dma_semaphore, #tpu.memory_space<semaphore_mem>>
        %dma_start3A = arith.constant 9360 : i32
        %dma_start3A_23 = arith.constant 0 : i32
        %dma_start3A_24 = tpu.memref_slice %arg6[%arg0, %dma_start3A, %dma_start3A_23] : memref<2x10000x128xf32, #tpu.memory_space<hbm>> -> memref<1x640x128xf32, #tpu.memory_space<hbm>>
        %dma_start3A_25 = tpu.memref_squeeze %dma_start3A_24 : memref<1x640x128xf32, #tpu.memory_space<hbm>> -> memref<640x128xf32, #tpu.memory_space<hbm>>
        %dma_start3A_26 = arith.constant 9360 : i32
        %dma_start3A_27 = arith.constant 0 : i32
        %dma_start3A_28 = tpu.memref_slice %arg10[%dma_start3A_26, %dma_start3A_27] : memref<10000x128xf32, #tpu.memory_space<vmem_shared>> -> memref<640x128xf32, #tpu.memory_space<vmem_shared>>
        tpu.enqueue_dma source(%dma_start3A_28 : memref<640x128xf32, #tpu.memory_space<vmem_shared>>) target(%dma_start3A_25 : memref<640x128xf32, #tpu.memory_space<hbm>>) target_semaphore(%run_scoped3A : memref<!tpu.dma_semaphore, #tpu.memory_space<semaphore_mem>>)
        %dma_wait3A = arith.constant 9360 : i32
        %dma_wait3A_29 = arith.constant 0 : i32
        %dma_wait3A_30 = tpu.memref_slice %arg6[%arg0, %dma_wait3A, %dma_wait3A_29] : memref<2x10000x128xf32, #tpu.memory_space<hbm>> -> memref<1x640x128xf32, #tpu.memory_space<hbm>>
        %dma_wait3A_31 = tpu.memref_squeeze %dma_wait3A_30 : memref<1x640x128xf32, #tpu.memory_space<hbm>> -> memref<640x128xf32, #tpu.memory_space<hbm>>
        %dma_wait3A_32 = arith.constant 9360 : i32
        %dma_wait3A_33 = arith.constant 0 : i32
        %dma_wait3A_34 = tpu.memref_slice %arg10[%dma_wait3A_32, %dma_wait3A_33] : memref<10000x128xf32, #tpu.memory_space<vmem_shared>> -> memref<640x128xf32, #tpu.memory_space<vmem_shared>>
        tpu.wait_dma2 semaphore(%run_scoped3A : memref<!tpu.dma_semaphore, #tpu.memory_space<semaphore_mem>>) src(%dma_wait3A_34 : memref<640x128xf32, #tpu.memory_space<vmem_shared>>) dst(%dma_wait3A_31 : memref<640x128xf32, #tpu.memory_space<hbm>>)
        tpu.yield
      }) : () -> ()
    } else {
    }
    return
  }
}

#map = affine_map<(d0, d1) -> (0, 0)>
#map1 = affine_map<(d0, d1) -> (0, 0, 0)>
module attributes {stable_mosaic.version = 14 : i64} {
  func.func @k(%arg0: i32, %arg1: i32, %arg2: memref<240000x128xf32, #tpu.memory_space<hbm>>, %arg3: memref<5000x128xi32, #tpu.memory_space<hbm>>, %arg4: memref<5000x128xi32, #tpu.memory_space<hbm>>, %arg5: memref<10000x128xf32, #tpu.memory_space<hbm>>, %arg6: memref<2x10000x128xf32, #tpu.memory_space<hbm>>, %arg7: memref<8x128xi32, #tpu.memory_space<vmem>>, %arg8: memref<8x128xi32, #tpu.memory_space<vmem>>, %arg9: memref<128x128xf32, #tpu.memory_space<vmem>>, %arg10: memref<10000x128xf32, #tpu.memory_space<vmem_shared>>, %arg11: memref<!tpu.dma_semaphore, #tpu.memory_space<semaphore_mem>>) attributes {dimension_semantics = [#tpu.dimension_semantics<core_parallel>, #tpu.dimension_semantics<subcore_parallel>], iteration_bounds = array<i64: 2, 16>, scalar_prefetch = 0 : i64, scratch_operands = 5 : i64, tpu.core_type = #tpu.core_type<sc_vector_subcore>, window_params = [{transform_indices = #map}, {transform_indices = #map}, {transform_indices = #map}, {transform_indices = #map}, {transform_indices = #map1}]} {
    %mul3A = arith.constant 2 : i32
    %mul3A_0 = arith.muli %arg1, %mul3A : i32
    %add3A = arith.addi %mul3A_0, %arg0 : i32
    %lt3A = arith.constant 15 : i32
    %lt3A_1 = arith.cmpi slt, %arg1, %lt3A : i32
    %convert_element_type3A = arith.extui %lt3A_1 : i1 to i32
    %cond3A = arith.constant 0 : i32
    %cond3A_2 = arith.cmpi ne, %convert_element_type3A, %cond3A : i32
    scf.if %cond3A_2 {
      %mul3A_23 = arith.constant 624 : i32
      %mul3A_24 = arith.muli %arg1, %mul3A_23 : i32
      %mul3A_25 = arith.constant 624 : i32
      %mul3A_26 = arith.muli %arg1, %mul3A_25 : i32
      "tpu.region"() ({
        %run_scoped3A = tpu.sem_alloc : memref<!tpu.dma_semaphore, #tpu.memory_space<semaphore_mem>>
        %dma_start3A = arith.constant 0 : i32
        %dma_start3A_27 = tpu.memref_slice %arg10[%mul3A_26, %dma_start3A] : memref<10000x128xf32, #tpu.memory_space<vmem_shared>> -> memref<624x128xf32, #tpu.memory_space<vmem_shared>>
        %dma_start3A_28 = arith.constant 0 : i32
        %dma_start3A_29 = tpu.memref_slice %arg5[%mul3A_24, %dma_start3A_28] : memref<10000x128xf32, #tpu.memory_space<hbm>> -> memref<624x128xf32, #tpu.memory_space<hbm>>
        tpu.enqueue_dma source(%dma_start3A_29 : memref<624x128xf32, #tpu.memory_space<hbm>>) target(%dma_start3A_27 : memref<624x128xf32, #tpu.memory_space<vmem_shared>>) target_semaphore(%run_scoped3A : memref<!tpu.dma_semaphore, #tpu.memory_space<semaphore_mem>>)
        %dma_wait3A = arith.constant 0 : i32
        %dma_wait3A_30 = tpu.memref_slice %arg10[%mul3A_26, %dma_wait3A] : memref<10000x128xf32, #tpu.memory_space<vmem_shared>> -> memref<624x128xf32, #tpu.memory_space<vmem_shared>>
        %dma_wait3A_31 = arith.constant 0 : i32
        %dma_wait3A_32 = tpu.memref_slice %arg5[%mul3A_24, %dma_wait3A_31] : memref<10000x128xf32, #tpu.memory_space<hbm>> -> memref<624x128xf32, #tpu.memory_space<hbm>>
        tpu.wait_dma2 semaphore(%run_scoped3A : memref<!tpu.dma_semaphore, #tpu.memory_space<semaphore_mem>>) src(%dma_wait3A_32 : memref<624x128xf32, #tpu.memory_space<hbm>>) dst(%dma_wait3A_30 : memref<624x128xf32, #tpu.memory_space<vmem_shared>>)
        tpu.yield
      }) : () -> ()
    } else {
    }
    %eq3A = arith.constant 15 : i32
    %eq3A_3 = arith.cmpi eq, %arg1, %eq3A : i32
    %convert_element_type3A_4 = arith.extui %eq3A_3 : i1 to i32
    %cond3A_5 = arith.constant 0 : i32
    %cond3A_6 = arith.cmpi ne, %convert_element_type3A_4, %cond3A_5 : i32
    scf.if %cond3A_6 {
      "tpu.region"() ({
        %run_scoped3A = tpu.sem_alloc : memref<!tpu.dma_semaphore, #tpu.memory_space<semaphore_mem>>
        %dma_start3A = arith.constant 9360 : i32
        %dma_start3A_23 = arith.constant 0 : i32
        %dma_start3A_24 = tpu.memref_slice %arg10[%dma_start3A, %dma_start3A_23] : memref<10000x128xf32, #tpu.memory_space<vmem_shared>> -> memref<640x128xf32, #tpu.memory_space<vmem_shared>>
        %dma_start3A_25 = arith.constant 9360 : i32
        %dma_start3A_26 = arith.constant 0 : i32
        %dma_start3A_27 = tpu.memref_slice %arg5[%dma_start3A_25, %dma_start3A_26] : memref<10000x128xf32, #tpu.memory_space<hbm>> -> memref<640x128xf32, #tpu.memory_space<hbm>>
        tpu.enqueue_dma source(%dma_start3A_27 : memref<640x128xf32, #tpu.memory_space<hbm>>) target(%dma_start3A_24 : memref<640x128xf32, #tpu.memory_space<vmem_shared>>) target_semaphore(%run_scoped3A : memref<!tpu.dma_semaphore, #tpu.memory_space<semaphore_mem>>)
        %dma_wait3A = arith.constant 9360 : i32
        %dma_wait3A_28 = arith.constant 0 : i32
        %dma_wait3A_29 = tpu.memref_slice %arg10[%dma_wait3A, %dma_wait3A_28] : memref<10000x128xf32, #tpu.memory_space<vmem_shared>> -> memref<640x128xf32, #tpu.memory_space<vmem_shared>>
        %dma_wait3A_30 = arith.constant 9360 : i32
        %dma_wait3A_31 = arith.constant 0 : i32
        %dma_wait3A_32 = tpu.memref_slice %arg5[%dma_wait3A_30, %dma_wait3A_31] : memref<10000x128xf32, #tpu.memory_space<hbm>> -> memref<640x128xf32, #tpu.memory_space<hbm>>
        tpu.wait_dma2 semaphore(%run_scoped3A : memref<!tpu.dma_semaphore, #tpu.memory_space<semaphore_mem>>) src(%dma_wait3A_32 : memref<640x128xf32, #tpu.memory_space<hbm>>) dst(%dma_wait3A_29 : memref<640x128xf32, #tpu.memory_space<vmem_shared>>)
        tpu.yield
      }) : () -> ()
    } else {
    }
    %barrier3A = arith.constant 0 : index
    tpu.barrier barrier_id(%barrier3A)
    %scan3A = arith.constant 0 : i32
    %scan3A_7 = arith.constant 0 : i32
    %scan3A_8 = arith.constant 20 : i32
    %scan3A_9 = arith.addi %scan3A_7, %scan3A_8 : i32
    %scan3A_10 = arith.constant 1 : i32
    scf.for %scan3A_23 = %scan3A_7 to %scan3A_9 step %scan3A_10  : i32 {
      %mul3A_24 = arith.constant 32 : i32
      %mul3A_25 = arith.muli %scan3A_23, %mul3A_24 : i32
      %add3A_26 = arith.addi %add3A, %mul3A_25 : i32
      %lt3A_27 = arith.constant 625 : i32
      %lt3A_28 = arith.cmpi slt, %add3A_26, %lt3A_27 : i32
      %convert_element_type3A_29 = arith.extui %lt3A_28 : i1 to i32
      %cond3A_30 = arith.constant 0 : i32
      %cond3A_31 = arith.cmpi ne, %convert_element_type3A_29, %cond3A_30 : i32
      scf.if %cond3A_31 {
        %mul3A_32 = arith.constant 8 : i32
        %mul3A_33 = arith.muli %add3A_26, %mul3A_32 : i32
        "tpu.region"() ({
          %run_scoped3A_153 = tpu.sem_alloc : memref<!tpu.dma_semaphore, #tpu.memory_space<semaphore_mem>>
          %dma_start3A_154 = arith.constant 0 : i32
          %dma_start3A_155 = tpu.memref_slice %arg3[%mul3A_33, %dma_start3A_154] : memref<5000x128xi32, #tpu.memory_space<hbm>> -> memref<8x128xi32, #tpu.memory_space<hbm>>
          %dma_start3A_156 = arith.constant 0 : i32
          %dma_start3A_157 = tpu.memref_slice %arg3[%mul3A_33, %dma_start3A_156] : memref<5000x128xi32, #tpu.memory_space<hbm>> -> memref<8x128xi32, #tpu.memory_space<hbm>>
          tpu.enqueue_dma source(%dma_start3A_157 : memref<8x128xi32, #tpu.memory_space<hbm>>) target(%arg7 : memref<8x128xi32, #tpu.memory_space<vmem>>) target_semaphore(%run_scoped3A_153 : memref<!tpu.dma_semaphore, #tpu.memory_space<semaphore_mem>>)
          %dma_wait3A_158 = arith.constant 0 : i32
          %dma_wait3A_159 = tpu.memref_slice %arg3[%mul3A_33, %dma_wait3A_158] : memref<5000x128xi32, #tpu.memory_space<hbm>> -> memref<8x128xi32, #tpu.memory_space<hbm>>
          %dma_wait3A_160 = arith.constant 0 : i32
          %dma_wait3A_161 = tpu.memref_slice %arg3[%mul3A_33, %dma_wait3A_160] : memref<5000x128xi32, #tpu.memory_space<hbm>> -> memref<8x128xi32, #tpu.memory_space<hbm>>
          tpu.wait_dma2 semaphore(%run_scoped3A_153 : memref<!tpu.dma_semaphore, #tpu.memory_space<semaphore_mem>>) src(%dma_wait3A_161 : memref<8x128xi32, #tpu.memory_space<hbm>>) dst(%arg7 : memref<8x128xi32, #tpu.memory_space<vmem>>)
          tpu.yield
        }) : () -> ()
        %mul3A_34 = arith.constant 8 : i32
        %mul3A_35 = arith.muli %add3A_26, %mul3A_34 : i32
        "tpu.region"() ({
          %run_scoped3A_153 = tpu.sem_alloc : memref<!tpu.dma_semaphore, #tpu.memory_space<semaphore_mem>>
          %dma_start3A_154 = arith.constant 0 : i32
          %dma_start3A_155 = tpu.memref_slice %arg4[%mul3A_35, %dma_start3A_154] : memref<5000x128xi32, #tpu.memory_space<hbm>> -> memref<8x128xi32, #tpu.memory_space<hbm>>
          %dma_start3A_156 = arith.constant 0 : i32
          %dma_start3A_157 = tpu.memref_slice %arg4[%mul3A_35, %dma_start3A_156] : memref<5000x128xi32, #tpu.memory_space<hbm>> -> memref<8x128xi32, #tpu.memory_space<hbm>>
          tpu.enqueue_dma source(%dma_start3A_157 : memref<8x128xi32, #tpu.memory_space<hbm>>) target(%arg8 : memref<8x128xi32, #tpu.memory_space<vmem>>) target_semaphore(%run_scoped3A_153 : memref<!tpu.dma_semaphore, #tpu.memory_space<semaphore_mem>>)
          %dma_wait3A_158 = arith.constant 0 : i32
          %dma_wait3A_159 = tpu.memref_slice %arg4[%mul3A_35, %dma_wait3A_158] : memref<5000x128xi32, #tpu.memory_space<hbm>> -> memref<8x128xi32, #tpu.memory_space<hbm>>
          %dma_wait3A_160 = arith.constant 0 : i32
          %dma_wait3A_161 = tpu.memref_slice %arg4[%mul3A_35, %dma_wait3A_160] : memref<5000x128xi32, #tpu.memory_space<hbm>> -> memref<8x128xi32, #tpu.memory_space<hbm>>
          tpu.wait_dma2 semaphore(%run_scoped3A_153 : memref<!tpu.dma_semaphore, #tpu.memory_space<semaphore_mem>>) src(%dma_wait3A_161 : memref<8x128xi32, #tpu.memory_space<hbm>>) dst(%arg8 : memref<8x128xi32, #tpu.memory_space<vmem>>)
          tpu.yield
        }) : () -> ()
        %dma_start3A = arith.constant 0 : i32
        %dma_start3A_36 = arith.constant 0 : i32
        %dma_start3A_37 = tpu.memref_slice %arg7[%dma_start3A, %dma_start3A_36] : memref<8x128xi32, #tpu.memory_space<vmem>> -> memref<1x128xi32, #tpu.memory_space<vmem>>
        %dma_start3A_38 = tpu.memref_squeeze %dma_start3A_37 : memref<1x128xi32, #tpu.memory_space<vmem>> -> memref<128xi32, #tpu.memory_space<vmem>>
        %dma_start3A_39 = arith.constant 0 : i32
        %dma_start3A_40 = arith.constant 0 : i32
        %dma_start3A_41 = tpu.memref_slice %arg2[%dma_start3A_39, %dma_start3A_40] : memref<240000x128xf32, #tpu.memory_space<hbm>> -> memref<240000x128xf32, #tpu.memory_space<hbm>>
        tpu.enqueue_indirect_dma source(%dma_start3A_41 : memref<240000x128xf32, #tpu.memory_space<hbm>>) target(%arg9 : memref<128x128xf32, #tpu.memory_space<vmem>>) offsets(%dma_start3A_38 : memref<128xi32, #tpu.memory_space<vmem>>) semaphore(%arg11 : memref<!tpu.dma_semaphore, #tpu.memory_space<semaphore_mem>>)
        %dma_wait3A = arith.constant 0 : i32
        %dma_wait3A_42 = arith.constant 0 : i32
        %dma_wait3A_43 = tpu.memref_slice %arg7[%dma_wait3A, %dma_wait3A_42] : memref<8x128xi32, #tpu.memory_space<vmem>> -> memref<1x128xi32, #tpu.memory_space<vmem>>
        %dma_wait3A_44 = tpu.memref_squeeze %dma_wait3A_43 : memref<1x128xi32, #tpu.memory_space<vmem>> -> memref<128xi32, #tpu.memory_space<vmem>>
        %dma_wait3A_45 = arith.constant 0 : i32
        %dma_wait3A_46 = arith.constant 0 : i32
        %dma_wait3A_47 = tpu.memref_slice %arg2[%dma_wait3A_45, %dma_wait3A_46] : memref<240000x128xf32, #tpu.memory_space<hbm>> -> memref<240000x128xf32, #tpu.memory_space<hbm>>
        tpu.wait_indirect_dma semaphore(%arg11 : memref<!tpu.dma_semaphore, #tpu.memory_space<semaphore_mem>>) src(%dma_wait3A_47 : memref<240000x128xf32, #tpu.memory_space<hbm>>) dst(%arg9 : memref<128x128xf32, #tpu.memory_space<vmem>>)
        %run_scoped3A = arith.constant 0 : i32
        "tpu.region"() ({
          %run_scoped3A_153 = tpu.sem_alloc : memref<!tpu.dma_semaphore, #tpu.memory_space<semaphore_mem>>
          %dma_start3A_154 = arith.constant 0 : i32
          %dma_start3A_155 = tpu.memref_slice %arg8[%run_scoped3A, %dma_start3A_154] : memref<8x128xi32, #tpu.memory_space<vmem>> -> memref<1x128xi32, #tpu.memory_space<vmem>>
          %dma_start3A_156 = tpu.memref_squeeze %dma_start3A_155 : memref<1x128xi32, #tpu.memory_space<vmem>> -> memref<128xi32, #tpu.memory_space<vmem>>
          %dma_start3A_157 = arith.constant 0 : i32
          %dma_start3A_158 = arith.constant 0 : i32
          %dma_start3A_159 = tpu.memref_slice %arg10[%dma_start3A_157, %dma_start3A_158] : memref<10000x128xf32, #tpu.memory_space<vmem_shared>> -> memref<10000x128xf32, #tpu.memory_space<vmem_shared>>
          tpu.enqueue_indirect_dma source(%arg9 : memref<128x128xf32, #tpu.memory_space<vmem>>) target(%dma_start3A_159 : memref<10000x128xf32, #tpu.memory_space<vmem_shared>>) offsets(%dma_start3A_156 : memref<128xi32, #tpu.memory_space<vmem>>) semaphore(%run_scoped3A_153 : memref<!tpu.dma_semaphore, #tpu.memory_space<semaphore_mem>>) {add = true}
          %dma_wait3A_160 = arith.constant 0 : i32
          %dma_wait3A_161 = tpu.memref_slice %arg8[%run_scoped3A, %dma_wait3A_160] : memref<8x128xi32, #tpu.memory_space<vmem>> -> memref<1x128xi32, #tpu.memory_space<vmem>>
          %dma_wait3A_162 = tpu.memref_squeeze %dma_wait3A_161 : memref<1x128xi32, #tpu.memory_space<vmem>> -> memref<128xi32, #tpu.memory_space<vmem>>
          %dma_wait3A_163 = arith.constant 0 : i32
          %dma_wait3A_164 = arith.constant 0 : i32
          %dma_wait3A_165 = tpu.memref_slice %arg10[%dma_wait3A_163, %dma_wait3A_164] : memref<10000x128xf32, #tpu.memory_space<vmem_shared>> -> memref<10000x128xf32, #tpu.memory_space<vmem_shared>>
          tpu.wait_indirect_dma semaphore(%run_scoped3A_153 : memref<!tpu.dma_semaphore, #tpu.memory_space<semaphore_mem>>) src(%arg9 : memref<128x128xf32, #tpu.memory_space<vmem>>) dst(%dma_wait3A_165 : memref<10000x128xf32, #tpu.memory_space<vmem_shared>>)
          tpu.yield
        }) : () -> ()
        %dma_start3A_48 = arith.constant 1 : i32
        %dma_start3A_49 = arith.constant 0 : i32
        %dma_start3A_50 = tpu.memref_slice %arg7[%dma_start3A_48, %dma_start3A_49] : memref<8x128xi32, #tpu.memory_space<vmem>> -> memref<1x128xi32, #tpu.memory_space<vmem>>
        %dma_start3A_51 = tpu.memref_squeeze %dma_start3A_50 : memref<1x128xi32, #tpu.memory_space<vmem>> -> memref<128xi32, #tpu.memory_space<vmem>>
        %dma_start3A_52 = arith.constant 0 : i32
        %dma_start3A_53 = arith.constant 0 : i32
        %dma_start3A_54 = tpu.memref_slice %arg2[%dma_start3A_52, %dma_start3A_53] : memref<240000x128xf32, #tpu.memory_space<hbm>> -> memref<240000x128xf32, #tpu.memory_space<hbm>>
        tpu.enqueue_indirect_dma source(%dma_start3A_54 : memref<240000x128xf32, #tpu.memory_space<hbm>>) target(%arg9 : memref<128x128xf32, #tpu.memory_space<vmem>>) offsets(%dma_start3A_51 : memref<128xi32, #tpu.memory_space<vmem>>) semaphore(%arg11 : memref<!tpu.dma_semaphore, #tpu.memory_space<semaphore_mem>>)
        %dma_wait3A_55 = arith.constant 1 : i32
        %dma_wait3A_56 = arith.constant 0 : i32
        %dma_wait3A_57 = tpu.memref_slice %arg7[%dma_wait3A_55, %dma_wait3A_56] : memref<8x128xi32, #tpu.memory_space<vmem>> -> memref<1x128xi32, #tpu.memory_space<vmem>>
        %dma_wait3A_58 = tpu.memref_squeeze %dma_wait3A_57 : memref<1x128xi32, #tpu.memory_space<vmem>> -> memref<128xi32, #tpu.memory_space<vmem>>
        %dma_wait3A_59 = arith.constant 0 : i32
        %dma_wait3A_60 = arith.constant 0 : i32
        %dma_wait3A_61 = tpu.memref_slice %arg2[%dma_wait3A_59, %dma_wait3A_60] : memref<240000x128xf32, #tpu.memory_space<hbm>> -> memref<240000x128xf32, #tpu.memory_space<hbm>>
        tpu.wait_indirect_dma semaphore(%arg11 : memref<!tpu.dma_semaphore, #tpu.memory_space<semaphore_mem>>) src(%dma_wait3A_61 : memref<240000x128xf32, #tpu.memory_space<hbm>>) dst(%arg9 : memref<128x128xf32, #tpu.memory_space<vmem>>)
        %run_scoped3A_62 = arith.constant 1 : i32
        "tpu.region"() ({
          %run_scoped3A_153 = tpu.sem_alloc : memref<!tpu.dma_semaphore, #tpu.memory_space<semaphore_mem>>
          %dma_start3A_154 = arith.constant 0 : i32
          %dma_start3A_155 = tpu.memref_slice %arg8[%run_scoped3A_62, %dma_start3A_154] : memref<8x128xi32, #tpu.memory_space<vmem>> -> memref<1x128xi32, #tpu.memory_space<vmem>>
          %dma_start3A_156 = tpu.memref_squeeze %dma_start3A_155 : memref<1x128xi32, #tpu.memory_space<vmem>> -> memref<128xi32, #tpu.memory_space<vmem>>
          %dma_start3A_157 = arith.constant 0 : i32
          %dma_start3A_158 = arith.constant 0 : i32
          %dma_start3A_159 = tpu.memref_slice %arg10[%dma_start3A_157, %dma_start3A_158] : memref<10000x128xf32, #tpu.memory_space<vmem_shared>> -> memref<10000x128xf32, #tpu.memory_space<vmem_shared>>
          tpu.enqueue_indirect_dma source(%arg9 : memref<128x128xf32, #tpu.memory_space<vmem>>) target(%dma_start3A_159 : memref<10000x128xf32, #tpu.memory_space<vmem_shared>>) offsets(%dma_start3A_156 : memref<128xi32, #tpu.memory_space<vmem>>) semaphore(%run_scoped3A_153 : memref<!tpu.dma_semaphore, #tpu.memory_space<semaphore_mem>>) {add = true}
          %dma_wait3A_160 = arith.constant 0 : i32
          %dma_wait3A_161 = tpu.memref_slice %arg8[%run_scoped3A_62, %dma_wait3A_160] : memref<8x128xi32, #tpu.memory_space<vmem>> -> memref<1x128xi32, #tpu.memory_space<vmem>>
          %dma_wait3A_162 = tpu.memref_squeeze %dma_wait3A_161 : memref<1x128xi32, #tpu.memory_space<vmem>> -> memref<128xi32, #tpu.memory_space<vmem>>
          %dma_wait3A_163 = arith.constant 0 : i32
          %dma_wait3A_164 = arith.constant 0 : i32
          %dma_wait3A_165 = tpu.memref_slice %arg10[%dma_wait3A_163, %dma_wait3A_164] : memref<10000x128xf32, #tpu.memory_space<vmem_shared>> -> memref<10000x128xf32, #tpu.memory_space<vmem_shared>>
          tpu.wait_indirect_dma semaphore(%run_scoped3A_153 : memref<!tpu.dma_semaphore, #tpu.memory_space<semaphore_mem>>) src(%arg9 : memref<128x128xf32, #tpu.memory_space<vmem>>) dst(%dma_wait3A_165 : memref<10000x128xf32, #tpu.memory_space<vmem_shared>>)
          tpu.yield
        }) : () -> ()
        %dma_start3A_63 = arith.constant 2 : i32
        %dma_start3A_64 = arith.constant 0 : i32
        %dma_start3A_65 = tpu.memref_slice %arg7[%dma_start3A_63, %dma_start3A_64] : memref<8x128xi32, #tpu.memory_space<vmem>> -> memref<1x128xi32, #tpu.memory_space<vmem>>
        %dma_start3A_66 = tpu.memref_squeeze %dma_start3A_65 : memref<1x128xi32, #tpu.memory_space<vmem>> -> memref<128xi32, #tpu.memory_space<vmem>>
        %dma_start3A_67 = arith.constant 0 : i32
        %dma_start3A_68 = arith.constant 0 : i32
        %dma_start3A_69 = tpu.memref_slice %arg2[%dma_start3A_67, %dma_start3A_68] : memref<240000x128xf32, #tpu.memory_space<hbm>> -> memref<240000x128xf32, #tpu.memory_space<hbm>>
        tpu.enqueue_indirect_dma source(%dma_start3A_69 : memref<240000x128xf32, #tpu.memory_space<hbm>>) target(%arg9 : memref<128x128xf32, #tpu.memory_space<vmem>>) offsets(%dma_start3A_66 : memref<128xi32, #tpu.memory_space<vmem>>) semaphore(%arg11 : memref<!tpu.dma_semaphore, #tpu.memory_space<semaphore_mem>>)
        %dma_wait3A_70 = arith.constant 2 : i32
        %dma_wait3A_71 = arith.constant 0 : i32
        %dma_wait3A_72 = tpu.memref_slice %arg7[%dma_wait3A_70, %dma_wait3A_71] : memref<8x128xi32, #tpu.memory_space<vmem>> -> memref<1x128xi32, #tpu.memory_space<vmem>>
        %dma_wait3A_73 = tpu.memref_squeeze %dma_wait3A_72 : memref<1x128xi32, #tpu.memory_space<vmem>> -> memref<128xi32, #tpu.memory_space<vmem>>
        %dma_wait3A_74 = arith.constant 0 : i32
        %dma_wait3A_75 = arith.constant 0 : i32
        %dma_wait3A_76 = tpu.memref_slice %arg2[%dma_wait3A_74, %dma_wait3A_75] : memref<240000x128xf32, #tpu.memory_space<hbm>> -> memref<240000x128xf32, #tpu.memory_space<hbm>>
        tpu.wait_indirect_dma semaphore(%arg11 : memref<!tpu.dma_semaphore, #tpu.memory_space<semaphore_mem>>) src(%dma_wait3A_76 : memref<240000x128xf32, #tpu.memory_space<hbm>>) dst(%arg9 : memref<128x128xf32, #tpu.memory_space<vmem>>)
        %run_scoped3A_77 = arith.constant 2 : i32
        "tpu.region"() ({
          %run_scoped3A_153 = tpu.sem_alloc : memref<!tpu.dma_semaphore, #tpu.memory_space<semaphore_mem>>
          %dma_start3A_154 = arith.constant 0 : i32
          %dma_start3A_155 = tpu.memref_slice %arg8[%run_scoped3A_77, %dma_start3A_154] : memref<8x128xi32, #tpu.memory_space<vmem>> -> memref<1x128xi32, #tpu.memory_space<vmem>>
          %dma_start3A_156 = tpu.memref_squeeze %dma_start3A_155 : memref<1x128xi32, #tpu.memory_space<vmem>> -> memref<128xi32, #tpu.memory_space<vmem>>
          %dma_start3A_157 = arith.constant 0 : i32
          %dma_start3A_158 = arith.constant 0 : i32
          %dma_start3A_159 = tpu.memref_slice %arg10[%dma_start3A_157, %dma_start3A_158] : memref<10000x128xf32, #tpu.memory_space<vmem_shared>> -> memref<10000x128xf32, #tpu.memory_space<vmem_shared>>
          tpu.enqueue_indirect_dma source(%arg9 : memref<128x128xf32, #tpu.memory_space<vmem>>) target(%dma_start3A_159 : memref<10000x128xf32, #tpu.memory_space<vmem_shared>>) offsets(%dma_start3A_156 : memref<128xi32, #tpu.memory_space<vmem>>) semaphore(%run_scoped3A_153 : memref<!tpu.dma_semaphore, #tpu.memory_space<semaphore_mem>>) {add = true}
          %dma_wait3A_160 = arith.constant 0 : i32
          %dma_wait3A_161 = tpu.memref_slice %arg8[%run_scoped3A_77, %dma_wait3A_160] : memref<8x128xi32, #tpu.memory_space<vmem>> -> memref<1x128xi32, #tpu.memory_space<vmem>>
          %dma_wait3A_162 = tpu.memref_squeeze %dma_wait3A_161 : memref<1x128xi32, #tpu.memory_space<vmem>> -> memref<128xi32, #tpu.memory_space<vmem>>
          %dma_wait3A_163 = arith.constant 0 : i32
          %dma_wait3A_164 = arith.constant 0 : i32
          %dma_wait3A_165 = tpu.memref_slice %arg10[%dma_wait3A_163, %dma_wait3A_164] : memref<10000x128xf32, #tpu.memory_space<vmem_shared>> -> memref<10000x128xf32, #tpu.memory_space<vmem_shared>>
          tpu.wait_indirect_dma semaphore(%run_scoped3A_153 : memref<!tpu.dma_semaphore, #tpu.memory_space<semaphore_mem>>) src(%arg9 : memref<128x128xf32, #tpu.memory_space<vmem>>) dst(%dma_wait3A_165 : memref<10000x128xf32, #tpu.memory_space<vmem_shared>>)
          tpu.yield
        }) : () -> ()
        %dma_start3A_78 = arith.constant 3 : i32
        %dma_start3A_79 = arith.constant 0 : i32
        %dma_start3A_80 = tpu.memref_slice %arg7[%dma_start3A_78, %dma_start3A_79] : memref<8x128xi32, #tpu.memory_space<vmem>> -> memref<1x128xi32, #tpu.memory_space<vmem>>
        %dma_start3A_81 = tpu.memref_squeeze %dma_start3A_80 : memref<1x128xi32, #tpu.memory_space<vmem>> -> memref<128xi32, #tpu.memory_space<vmem>>
        %dma_start3A_82 = arith.constant 0 : i32
        %dma_start3A_83 = arith.constant 0 : i32
        %dma_start3A_84 = tpu.memref_slice %arg2[%dma_start3A_82, %dma_start3A_83] : memref<240000x128xf32, #tpu.memory_space<hbm>> -> memref<240000x128xf32, #tpu.memory_space<hbm>>
        tpu.enqueue_indirect_dma source(%dma_start3A_84 : memref<240000x128xf32, #tpu.memory_space<hbm>>) target(%arg9 : memref<128x128xf32, #tpu.memory_space<vmem>>) offsets(%dma_start3A_81 : memref<128xi32, #tpu.memory_space<vmem>>) semaphore(%arg11 : memref<!tpu.dma_semaphore, #tpu.memory_space<semaphore_mem>>)
        %dma_wait3A_85 = arith.constant 3 : i32
        %dma_wait3A_86 = arith.constant 0 : i32
        %dma_wait3A_87 = tpu.memref_slice %arg7[%dma_wait3A_85, %dma_wait3A_86] : memref<8x128xi32, #tpu.memory_space<vmem>> -> memref<1x128xi32, #tpu.memory_space<vmem>>
        %dma_wait3A_88 = tpu.memref_squeeze %dma_wait3A_87 : memref<1x128xi32, #tpu.memory_space<vmem>> -> memref<128xi32, #tpu.memory_space<vmem>>
        %dma_wait3A_89 = arith.constant 0 : i32
        %dma_wait3A_90 = arith.constant 0 : i32
        %dma_wait3A_91 = tpu.memref_slice %arg2[%dma_wait3A_89, %dma_wait3A_90] : memref<240000x128xf32, #tpu.memory_space<hbm>> -> memref<240000x128xf32, #tpu.memory_space<hbm>>
        tpu.wait_indirect_dma semaphore(%arg11 : memref<!tpu.dma_semaphore, #tpu.memory_space<semaphore_mem>>) src(%dma_wait3A_91 : memref<240000x128xf32, #tpu.memory_space<hbm>>) dst(%arg9 : memref<128x128xf32, #tpu.memory_space<vmem>>)
        %run_scoped3A_92 = arith.constant 3 : i32
        "tpu.region"() ({
          %run_scoped3A_153 = tpu.sem_alloc : memref<!tpu.dma_semaphore, #tpu.memory_space<semaphore_mem>>
          %dma_start3A_154 = arith.constant 0 : i32
          %dma_start3A_155 = tpu.memref_slice %arg8[%run_scoped3A_92, %dma_start3A_154] : memref<8x128xi32, #tpu.memory_space<vmem>> -> memref<1x128xi32, #tpu.memory_space<vmem>>
          %dma_start3A_156 = tpu.memref_squeeze %dma_start3A_155 : memref<1x128xi32, #tpu.memory_space<vmem>> -> memref<128xi32, #tpu.memory_space<vmem>>
          %dma_start3A_157 = arith.constant 0 : i32
          %dma_start3A_158 = arith.constant 0 : i32
          %dma_start3A_159 = tpu.memref_slice %arg10[%dma_start3A_157, %dma_start3A_158] : memref<10000x128xf32, #tpu.memory_space<vmem_shared>> -> memref<10000x128xf32, #tpu.memory_space<vmem_shared>>
          tpu.enqueue_indirect_dma source(%arg9 : memref<128x128xf32, #tpu.memory_space<vmem>>) target(%dma_start3A_159 : memref<10000x128xf32, #tpu.memory_space<vmem_shared>>) offsets(%dma_start3A_156 : memref<128xi32, #tpu.memory_space<vmem>>) semaphore(%run_scoped3A_153 : memref<!tpu.dma_semaphore, #tpu.memory_space<semaphore_mem>>) {add = true}
          %dma_wait3A_160 = arith.constant 0 : i32
          %dma_wait3A_161 = tpu.memref_slice %arg8[%run_scoped3A_92, %dma_wait3A_160] : memref<8x128xi32, #tpu.memory_space<vmem>> -> memref<1x128xi32, #tpu.memory_space<vmem>>
          %dma_wait3A_162 = tpu.memref_squeeze %dma_wait3A_161 : memref<1x128xi32, #tpu.memory_space<vmem>> -> memref<128xi32, #tpu.memory_space<vmem>>
          %dma_wait3A_163 = arith.constant 0 : i32
          %dma_wait3A_164 = arith.constant 0 : i32
          %dma_wait3A_165 = tpu.memref_slice %arg10[%dma_wait3A_163, %dma_wait3A_164] : memref<10000x128xf32, #tpu.memory_space<vmem_shared>> -> memref<10000x128xf32, #tpu.memory_space<vmem_shared>>
          tpu.wait_indirect_dma semaphore(%run_scoped3A_153 : memref<!tpu.dma_semaphore, #tpu.memory_space<semaphore_mem>>) src(%arg9 : memref<128x128xf32, #tpu.memory_space<vmem>>) dst(%dma_wait3A_165 : memref<10000x128xf32, #tpu.memory_space<vmem_shared>>)
          tpu.yield
        }) : () -> ()
        %dma_start3A_93 = arith.constant 4 : i32
        %dma_start3A_94 = arith.constant 0 : i32
        %dma_start3A_95 = tpu.memref_slice %arg7[%dma_start3A_93, %dma_start3A_94] : memref<8x128xi32, #tpu.memory_space<vmem>> -> memref<1x128xi32, #tpu.memory_space<vmem>>
        %dma_start3A_96 = tpu.memref_squeeze %dma_start3A_95 : memref<1x128xi32, #tpu.memory_space<vmem>> -> memref<128xi32, #tpu.memory_space<vmem>>
        %dma_start3A_97 = arith.constant 0 : i32
        %dma_start3A_98 = arith.constant 0 : i32
        %dma_start3A_99 = tpu.memref_slice %arg2[%dma_start3A_97, %dma_start3A_98] : memref<240000x128xf32, #tpu.memory_space<hbm>> -> memref<240000x128xf32, #tpu.memory_space<hbm>>
        tpu.enqueue_indirect_dma source(%dma_start3A_99 : memref<240000x128xf32, #tpu.memory_space<hbm>>) target(%arg9 : memref<128x128xf32, #tpu.memory_space<vmem>>) offsets(%dma_start3A_96 : memref<128xi32, #tpu.memory_space<vmem>>) semaphore(%arg11 : memref<!tpu.dma_semaphore, #tpu.memory_space<semaphore_mem>>)
        %dma_wait3A_100 = arith.constant 4 : i32
        %dma_wait3A_101 = arith.constant 0 : i32
        %dma_wait3A_102 = tpu.memref_slice %arg7[%dma_wait3A_100, %dma_wait3A_101] : memref<8x128xi32, #tpu.memory_space<vmem>> -> memref<1x128xi32, #tpu.memory_space<vmem>>
        %dma_wait3A_103 = tpu.memref_squeeze %dma_wait3A_102 : memref<1x128xi32, #tpu.memory_space<vmem>> -> memref<128xi32, #tpu.memory_space<vmem>>
        %dma_wait3A_104 = arith.constant 0 : i32
        %dma_wait3A_105 = arith.constant 0 : i32
        %dma_wait3A_106 = tpu.memref_slice %arg2[%dma_wait3A_104, %dma_wait3A_105] : memref<240000x128xf32, #tpu.memory_space<hbm>> -> memref<240000x128xf32, #tpu.memory_space<hbm>>
        tpu.wait_indirect_dma semaphore(%arg11 : memref<!tpu.dma_semaphore, #tpu.memory_space<semaphore_mem>>) src(%dma_wait3A_106 : memref<240000x128xf32, #tpu.memory_space<hbm>>) dst(%arg9 : memref<128x128xf32, #tpu.memory_space<vmem>>)
        %run_scoped3A_107 = arith.constant 4 : i32
        "tpu.region"() ({
          %run_scoped3A_153 = tpu.sem_alloc : memref<!tpu.dma_semaphore, #tpu.memory_space<semaphore_mem>>
          %dma_start3A_154 = arith.constant 0 : i32
          %dma_start3A_155 = tpu.memref_slice %arg8[%run_scoped3A_107, %dma_start3A_154] : memref<8x128xi32, #tpu.memory_space<vmem>> -> memref<1x128xi32, #tpu.memory_space<vmem>>
          %dma_start3A_156 = tpu.memref_squeeze %dma_start3A_155 : memref<1x128xi32, #tpu.memory_space<vmem>> -> memref<128xi32, #tpu.memory_space<vmem>>
          %dma_start3A_157 = arith.constant 0 : i32
          %dma_start3A_158 = arith.constant 0 : i32
          %dma_start3A_159 = tpu.memref_slice %arg10[%dma_start3A_157, %dma_start3A_158] : memref<10000x128xf32, #tpu.memory_space<vmem_shared>> -> memref<10000x128xf32, #tpu.memory_space<vmem_shared>>
          tpu.enqueue_indirect_dma source(%arg9 : memref<128x128xf32, #tpu.memory_space<vmem>>) target(%dma_start3A_159 : memref<10000x128xf32, #tpu.memory_space<vmem_shared>>) offsets(%dma_start3A_156 : memref<128xi32, #tpu.memory_space<vmem>>) semaphore(%run_scoped3A_153 : memref<!tpu.dma_semaphore, #tpu.memory_space<semaphore_mem>>) {add = true}
          %dma_wait3A_160 = arith.constant 0 : i32
          %dma_wait3A_161 = tpu.memref_slice %arg8[%run_scoped3A_107, %dma_wait3A_160] : memref<8x128xi32, #tpu.memory_space<vmem>> -> memref<1x128xi32, #tpu.memory_space<vmem>>
          %dma_wait3A_162 = tpu.memref_squeeze %dma_wait3A_161 : memref<1x128xi32, #tpu.memory_space<vmem>> -> memref<128xi32, #tpu.memory_space<vmem>>
          %dma_wait3A_163 = arith.constant 0 : i32
          %dma_wait3A_164 = arith.constant 0 : i32
          %dma_wait3A_165 = tpu.memref_slice %arg10[%dma_wait3A_163, %dma_wait3A_164] : memref<10000x128xf32, #tpu.memory_space<vmem_shared>> -> memref<10000x128xf32, #tpu.memory_space<vmem_shared>>
          tpu.wait_indirect_dma semaphore(%run_scoped3A_153 : memref<!tpu.dma_semaphore, #tpu.memory_space<semaphore_mem>>) src(%arg9 : memref<128x128xf32, #tpu.memory_space<vmem>>) dst(%dma_wait3A_165 : memref<10000x128xf32, #tpu.memory_space<vmem_shared>>)
          tpu.yield
        }) : () -> ()
        %dma_start3A_108 = arith.constant 5 : i32
        %dma_start3A_109 = arith.constant 0 : i32
        %dma_start3A_110 = tpu.memref_slice %arg7[%dma_start3A_108, %dma_start3A_109] : memref<8x128xi32, #tpu.memory_space<vmem>> -> memref<1x128xi32, #tpu.memory_space<vmem>>
        %dma_start3A_111 = tpu.memref_squeeze %dma_start3A_110 : memref<1x128xi32, #tpu.memory_space<vmem>> -> memref<128xi32, #tpu.memory_space<vmem>>
        %dma_start3A_112 = arith.constant 0 : i32
        %dma_start3A_113 = arith.constant 0 : i32
        %dma_start3A_114 = tpu.memref_slice %arg2[%dma_start3A_112, %dma_start3A_113] : memref<240000x128xf32, #tpu.memory_space<hbm>> -> memref<240000x128xf32, #tpu.memory_space<hbm>>
        tpu.enqueue_indirect_dma source(%dma_start3A_114 : memref<240000x128xf32, #tpu.memory_space<hbm>>) target(%arg9 : memref<128x128xf32, #tpu.memory_space<vmem>>) offsets(%dma_start3A_111 : memref<128xi32, #tpu.memory_space<vmem>>) semaphore(%arg11 : memref<!tpu.dma_semaphore, #tpu.memory_space<semaphore_mem>>)
        %dma_wait3A_115 = arith.constant 5 : i32
        %dma_wait3A_116 = arith.constant 0 : i32
        %dma_wait3A_117 = tpu.memref_slice %arg7[%dma_wait3A_115, %dma_wait3A_116] : memref<8x128xi32, #tpu.memory_space<vmem>> -> memref<1x128xi32, #tpu.memory_space<vmem>>
        %dma_wait3A_118 = tpu.memref_squeeze %dma_wait3A_117 : memref<1x128xi32, #tpu.memory_space<vmem>> -> memref<128xi32, #tpu.memory_space<vmem>>
        %dma_wait3A_119 = arith.constant 0 : i32
        %dma_wait3A_120 = arith.constant 0 : i32
        %dma_wait3A_121 = tpu.memref_slice %arg2[%dma_wait3A_119, %dma_wait3A_120] : memref<240000x128xf32, #tpu.memory_space<hbm>> -> memref<240000x128xf32, #tpu.memory_space<hbm>>
        tpu.wait_indirect_dma semaphore(%arg11 : memref<!tpu.dma_semaphore, #tpu.memory_space<semaphore_mem>>) src(%dma_wait3A_121 : memref<240000x128xf32, #tpu.memory_space<hbm>>) dst(%arg9 : memref<128x128xf32, #tpu.memory_space<vmem>>)
        %run_scoped3A_122 = arith.constant 5 : i32
        "tpu.region"() ({
          %run_scoped3A_153 = tpu.sem_alloc : memref<!tpu.dma_semaphore, #tpu.memory_space<semaphore_mem>>
          %dma_start3A_154 = arith.constant 0 : i32
          %dma_start3A_155 = tpu.memref_slice %arg8[%run_scoped3A_122, %dma_start3A_154] : memref<8x128xi32, #tpu.memory_space<vmem>> -> memref<1x128xi32, #tpu.memory_space<vmem>>
          %dma_start3A_156 = tpu.memref_squeeze %dma_start3A_155 : memref<1x128xi32, #tpu.memory_space<vmem>> -> memref<128xi32, #tpu.memory_space<vmem>>
          %dma_start3A_157 = arith.constant 0 : i32
          %dma_start3A_158 = arith.constant 0 : i32
          %dma_start3A_159 = tpu.memref_slice %arg10[%dma_start3A_157, %dma_start3A_158] : memref<10000x128xf32, #tpu.memory_space<vmem_shared>> -> memref<10000x128xf32, #tpu.memory_space<vmem_shared>>
          tpu.enqueue_indirect_dma source(%arg9 : memref<128x128xf32, #tpu.memory_space<vmem>>) target(%dma_start3A_159 : memref<10000x128xf32, #tpu.memory_space<vmem_shared>>) offsets(%dma_start3A_156 : memref<128xi32, #tpu.memory_space<vmem>>) semaphore(%run_scoped3A_153 : memref<!tpu.dma_semaphore, #tpu.memory_space<semaphore_mem>>) {add = true}
          %dma_wait3A_160 = arith.constant 0 : i32
          %dma_wait3A_161 = tpu.memref_slice %arg8[%run_scoped3A_122, %dma_wait3A_160] : memref<8x128xi32, #tpu.memory_space<vmem>> -> memref<1x128xi32, #tpu.memory_space<vmem>>
          %dma_wait3A_162 = tpu.memref_squeeze %dma_wait3A_161 : memref<1x128xi32, #tpu.memory_space<vmem>> -> memref<128xi32, #tpu.memory_space<vmem>>
          %dma_wait3A_163 = arith.constant 0 : i32
          %dma_wait3A_164 = arith.constant 0 : i32
          %dma_wait3A_165 = tpu.memref_slice %arg10[%dma_wait3A_163, %dma_wait3A_164] : memref<10000x128xf32, #tpu.memory_space<vmem_shared>> -> memref<10000x128xf32, #tpu.memory_space<vmem_shared>>
          tpu.wait_indirect_dma semaphore(%run_scoped3A_153 : memref<!tpu.dma_semaphore, #tpu.memory_space<semaphore_mem>>) src(%arg9 : memref<128x128xf32, #tpu.memory_space<vmem>>) dst(%dma_wait3A_165 : memref<10000x128xf32, #tpu.memory_space<vmem_shared>>)
          tpu.yield
        }) : () -> ()
        %dma_start3A_123 = arith.constant 6 : i32
        %dma_start3A_124 = arith.constant 0 : i32
        %dma_start3A_125 = tpu.memref_slice %arg7[%dma_start3A_123, %dma_start3A_124] : memref<8x128xi32, #tpu.memory_space<vmem>> -> memref<1x128xi32, #tpu.memory_space<vmem>>
        %dma_start3A_126 = tpu.memref_squeeze %dma_start3A_125 : memref<1x128xi32, #tpu.memory_space<vmem>> -> memref<128xi32, #tpu.memory_space<vmem>>
        %dma_start3A_127 = arith.constant 0 : i32
        %dma_start3A_128 = arith.constant 0 : i32
        %dma_start3A_129 = tpu.memref_slice %arg2[%dma_start3A_127, %dma_start3A_128] : memref<240000x128xf32, #tpu.memory_space<hbm>> -> memref<240000x128xf32, #tpu.memory_space<hbm>>
        tpu.enqueue_indirect_dma source(%dma_start3A_129 : memref<240000x128xf32, #tpu.memory_space<hbm>>) target(%arg9 : memref<128x128xf32, #tpu.memory_space<vmem>>) offsets(%dma_start3A_126 : memref<128xi32, #tpu.memory_space<vmem>>) semaphore(%arg11 : memref<!tpu.dma_semaphore, #tpu.memory_space<semaphore_mem>>)
        %dma_wait3A_130 = arith.constant 6 : i32
        %dma_wait3A_131 = arith.constant 0 : i32
        %dma_wait3A_132 = tpu.memref_slice %arg7[%dma_wait3A_130, %dma_wait3A_131] : memref<8x128xi32, #tpu.memory_space<vmem>> -> memref<1x128xi32, #tpu.memory_space<vmem>>
        %dma_wait3A_133 = tpu.memref_squeeze %dma_wait3A_132 : memref<1x128xi32, #tpu.memory_space<vmem>> -> memref<128xi32, #tpu.memory_space<vmem>>
        %dma_wait3A_134 = arith.constant 0 : i32
        %dma_wait3A_135 = arith.constant 0 : i32
        %dma_wait3A_136 = tpu.memref_slice %arg2[%dma_wait3A_134, %dma_wait3A_135] : memref<240000x128xf32, #tpu.memory_space<hbm>> -> memref<240000x128xf32, #tpu.memory_space<hbm>>
        tpu.wait_indirect_dma semaphore(%arg11 : memref<!tpu.dma_semaphore, #tpu.memory_space<semaphore_mem>>) src(%dma_wait3A_136 : memref<240000x128xf32, #tpu.memory_space<hbm>>) dst(%arg9 : memref<128x128xf32, #tpu.memory_space<vmem>>)
        %run_scoped3A_137 = arith.constant 6 : i32
        "tpu.region"() ({
          %run_scoped3A_153 = tpu.sem_alloc : memref<!tpu.dma_semaphore, #tpu.memory_space<semaphore_mem>>
          %dma_start3A_154 = arith.constant 0 : i32
          %dma_start3A_155 = tpu.memref_slice %arg8[%run_scoped3A_137, %dma_start3A_154] : memref<8x128xi32, #tpu.memory_space<vmem>> -> memref<1x128xi32, #tpu.memory_space<vmem>>
          %dma_start3A_156 = tpu.memref_squeeze %dma_start3A_155 : memref<1x128xi32, #tpu.memory_space<vmem>> -> memref<128xi32, #tpu.memory_space<vmem>>
          %dma_start3A_157 = arith.constant 0 : i32
          %dma_start3A_158 = arith.constant 0 : i32
          %dma_start3A_159 = tpu.memref_slice %arg10[%dma_start3A_157, %dma_start3A_158] : memref<10000x128xf32, #tpu.memory_space<vmem_shared>> -> memref<10000x128xf32, #tpu.memory_space<vmem_shared>>
          tpu.enqueue_indirect_dma source(%arg9 : memref<128x128xf32, #tpu.memory_space<vmem>>) target(%dma_start3A_159 : memref<10000x128xf32, #tpu.memory_space<vmem_shared>>) offsets(%dma_start3A_156 : memref<128xi32, #tpu.memory_space<vmem>>) semaphore(%run_scoped3A_153 : memref<!tpu.dma_semaphore, #tpu.memory_space<semaphore_mem>>) {add = true}
          %dma_wait3A_160 = arith.constant 0 : i32
          %dma_wait3A_161 = tpu.memref_slice %arg8[%run_scoped3A_137, %dma_wait3A_160] : memref<8x128xi32, #tpu.memory_space<vmem>> -> memref<1x128xi32, #tpu.memory_space<vmem>>
          %dma_wait3A_162 = tpu.memref_squeeze %dma_wait3A_161 : memref<1x128xi32, #tpu.memory_space<vmem>> -> memref<128xi32, #tpu.memory_space<vmem>>
          %dma_wait3A_163 = arith.constant 0 : i32
          %dma_wait3A_164 = arith.constant 0 : i32
          %dma_wait3A_165 = tpu.memref_slice %arg10[%dma_wait3A_163, %dma_wait3A_164] : memref<10000x128xf32, #tpu.memory_space<vmem_shared>> -> memref<10000x128xf32, #tpu.memory_space<vmem_shared>>
          tpu.wait_indirect_dma semaphore(%run_scoped3A_153 : memref<!tpu.dma_semaphore, #tpu.memory_space<semaphore_mem>>) src(%arg9 : memref<128x128xf32, #tpu.memory_space<vmem>>) dst(%dma_wait3A_165 : memref<10000x128xf32, #tpu.memory_space<vmem_shared>>)
          tpu.yield
        }) : () -> ()
        %dma_start3A_138 = arith.constant 7 : i32
        %dma_start3A_139 = arith.constant 0 : i32
        %dma_start3A_140 = tpu.memref_slice %arg7[%dma_start3A_138, %dma_start3A_139] : memref<8x128xi32, #tpu.memory_space<vmem>> -> memref<1x128xi32, #tpu.memory_space<vmem>>
        %dma_start3A_141 = tpu.memref_squeeze %dma_start3A_140 : memref<1x128xi32, #tpu.memory_space<vmem>> -> memref<128xi32, #tpu.memory_space<vmem>>
        %dma_start3A_142 = arith.constant 0 : i32
        %dma_start3A_143 = arith.constant 0 : i32
        %dma_start3A_144 = tpu.memref_slice %arg2[%dma_start3A_142, %dma_start3A_143] : memref<240000x128xf32, #tpu.memory_space<hbm>> -> memref<240000x128xf32, #tpu.memory_space<hbm>>
        tpu.enqueue_indirect_dma source(%dma_start3A_144 : memref<240000x128xf32, #tpu.memory_space<hbm>>) target(%arg9 : memref<128x128xf32, #tpu.memory_space<vmem>>) offsets(%dma_start3A_141 : memref<128xi32, #tpu.memory_space<vmem>>) semaphore(%arg11 : memref<!tpu.dma_semaphore, #tpu.memory_space<semaphore_mem>>)
        %dma_wait3A_145 = arith.constant 7 : i32
        %dma_wait3A_146 = arith.constant 0 : i32
        %dma_wait3A_147 = tpu.memref_slice %arg7[%dma_wait3A_145, %dma_wait3A_146] : memref<8x128xi32, #tpu.memory_space<vmem>> -> memref<1x128xi32, #tpu.memory_space<vmem>>
        %dma_wait3A_148 = tpu.memref_squeeze %dma_wait3A_147 : memref<1x128xi32, #tpu.memory_space<vmem>> -> memref<128xi32, #tpu.memory_space<vmem>>
        %dma_wait3A_149 = arith.constant 0 : i32
        %dma_wait3A_150 = arith.constant 0 : i32
        %dma_wait3A_151 = tpu.memref_slice %arg2[%dma_wait3A_149, %dma_wait3A_150] : memref<240000x128xf32, #tpu.memory_space<hbm>> -> memref<240000x128xf32, #tpu.memory_space<hbm>>
        tpu.wait_indirect_dma semaphore(%arg11 : memref<!tpu.dma_semaphore, #tpu.memory_space<semaphore_mem>>) src(%dma_wait3A_151 : memref<240000x128xf32, #tpu.memory_space<hbm>>) dst(%arg9 : memref<128x128xf32, #tpu.memory_space<vmem>>)
        %run_scoped3A_152 = arith.constant 7 : i32
        "tpu.region"() ({
          %run_scoped3A_153 = tpu.sem_alloc : memref<!tpu.dma_semaphore, #tpu.memory_space<semaphore_mem>>
          %dma_start3A_154 = arith.constant 0 : i32
          %dma_start3A_155 = tpu.memref_slice %arg8[%run_scoped3A_152, %dma_start3A_154] : memref<8x128xi32, #tpu.memory_space<vmem>> -> memref<1x128xi32, #tpu.memory_space<vmem>>
          %dma_start3A_156 = tpu.memref_squeeze %dma_start3A_155 : memref<1x128xi32, #tpu.memory_space<vmem>> -> memref<128xi32, #tpu.memory_space<vmem>>
          %dma_start3A_157 = arith.constant 0 : i32
          %dma_start3A_158 = arith.constant 0 : i32
          %dma_start3A_159 = tpu.memref_slice %arg10[%dma_start3A_157, %dma_start3A_158] : memref<10000x128xf32, #tpu.memory_space<vmem_shared>> -> memref<10000x128xf32, #tpu.memory_space<vmem_shared>>
          tpu.enqueue_indirect_dma source(%arg9 : memref<128x128xf32, #tpu.memory_space<vmem>>) target(%dma_start3A_159 : memref<10000x128xf32, #tpu.memory_space<vmem_shared>>) offsets(%dma_start3A_156 : memref<128xi32, #tpu.memory_space<vmem>>) semaphore(%run_scoped3A_153 : memref<!tpu.dma_semaphore, #tpu.memory_space<semaphore_mem>>) {add = true}
          %dma_wait3A_160 = arith.constant 0 : i32
          %dma_wait3A_161 = tpu.memref_slice %arg8[%run_scoped3A_152, %dma_wait3A_160] : memref<8x128xi32, #tpu.memory_space<vmem>> -> memref<1x128xi32, #tpu.memory_space<vmem>>
          %dma_wait3A_162 = tpu.memref_squeeze %dma_wait3A_161 : memref<1x128xi32, #tpu.memory_space<vmem>> -> memref<128xi32, #tpu.memory_space<vmem>>
          %dma_wait3A_163 = arith.constant 0 : i32
          %dma_wait3A_164 = arith.constant 0 : i32
          %dma_wait3A_165 = tpu.memref_slice %arg10[%dma_wait3A_163, %dma_wait3A_164] : memref<10000x128xf32, #tpu.memory_space<vmem_shared>> -> memref<10000x128xf32, #tpu.memory_space<vmem_shared>>
          tpu.wait_indirect_dma semaphore(%run_scoped3A_153 : memref<!tpu.dma_semaphore, #tpu.memory_space<semaphore_mem>>) src(%arg9 : memref<128x128xf32, #tpu.memory_space<vmem>>) dst(%dma_wait3A_165 : memref<10000x128xf32, #tpu.memory_space<vmem_shared>>)
          tpu.yield
        }) : () -> ()
      } else {
      }
    }
    %scan3A_11 = arith.constant 20 : i32
    %barrier3A_12 = arith.constant 0 : index
    tpu.barrier barrier_id(%barrier3A_12)
    %lt3A_13 = arith.constant 15 : i32
    %lt3A_14 = arith.cmpi slt, %arg1, %lt3A_13 : i32
    %convert_element_type3A_15 = arith.extui %lt3A_14 : i1 to i32
    %cond3A_16 = arith.constant 0 : i32
    %cond3A_17 = arith.cmpi ne, %convert_element_type3A_15, %cond3A_16 : i32
    scf.if %cond3A_17 {
      %mul3A_23 = arith.constant 624 : i32
      %mul3A_24 = arith.muli %arg1, %mul3A_23 : i32
      %mul3A_25 = arith.constant 624 : i32
      %mul3A_26 = arith.muli %arg1, %mul3A_25 : i32
      "tpu.region"() ({
        %run_scoped3A = tpu.sem_alloc : memref<!tpu.dma_semaphore, #tpu.memory_space<semaphore_mem>>
        %dma_start3A = arith.constant 0 : i32
        %dma_start3A_27 = tpu.memref_slice %arg6[%arg0, %mul3A_26, %dma_start3A] : memref<2x10000x128xf32, #tpu.memory_space<hbm>> -> memref<1x624x128xf32, #tpu.memory_space<hbm>>
        %dma_start3A_28 = tpu.memref_squeeze %dma_start3A_27 : memref<1x624x128xf32, #tpu.memory_space<hbm>> -> memref<624x128xf32, #tpu.memory_space<hbm>>
        %dma_start3A_29 = arith.constant 0 : i32
        %dma_start3A_30 = tpu.memref_slice %arg10[%mul3A_24, %dma_start3A_29] : memref<10000x128xf32, #tpu.memory_space<vmem_shared>> -> memref<624x128xf32, #tpu.memory_space<vmem_shared>>
        tpu.enqueue_dma source(%dma_start3A_30 : memref<624x128xf32, #tpu.memory_space<vmem_shared>>) target(%dma_start3A_28 : memref<624x128xf32, #tpu.memory_space<hbm>>) target_semaphore(%run_scoped3A : memref<!tpu.dma_semaphore, #tpu.memory_space<semaphore_mem>>)
        %dma_wait3A = arith.constant 0 : i32
        %dma_wait3A_31 = tpu.memref_slice %arg6[%arg0, %mul3A_26, %dma_wait3A] : memref<2x10000x128xf32, #tpu.memory_space<hbm>> -> memref<1x624x128xf32, #tpu.memory_space<hbm>>
        %dma_wait3A_32 = tpu.memref_squeeze %dma_wait3A_31 : memref<1x624x128xf32, #tpu.memory_space<hbm>> -> memref<624x128xf32, #tpu.memory_space<hbm>>
        %dma_wait3A_33 = arith.constant 0 : i32
        %dma_wait3A_34 = tpu.memref_slice %arg10[%mul3A_24, %dma_wait3A_33] : memref<10000x128xf32, #tpu.memory_space<vmem_shared>> -> memref<624x128xf32, #tpu.memory_space<vmem_shared>>
        tpu.wait_dma2 semaphore(%run_scoped3A : memref<!tpu.dma_semaphore, #tpu.memory_space<semaphore_mem>>) src(%dma_wait3A_34 : memref<624x128xf32, #tpu.memory_space<vmem_shared>>) dst(%dma_wait3A_32 : memref<624x128xf32, #tpu.memory_space<hbm>>)
        tpu.yield
      }) : () -> ()
    } else {
    }
    %eq3A_18 = arith.constant 15 : i32
    %eq3A_19 = arith.cmpi eq, %arg1, %eq3A_18 : i32
    %convert_element_type3A_20 = arith.extui %eq3A_19 : i1 to i32
    %cond3A_21 = arith.constant 0 : i32
    %cond3A_22 = arith.cmpi ne, %convert_element_type3A_20, %cond3A_21 : i32
    scf.if %cond3A_22 {
      "tpu.region"() ({
        %run_scoped3A = tpu.sem_alloc : memref<!tpu.dma_semaphore, #tpu.memory_space<semaphore_mem>>
        %dma_start3A = arith.constant 9360 : i32
        %dma_start3A_23 = arith.constant 0 : i32
        %dma_start3A_24 = tpu.memref_slice %arg6[%arg0, %dma_start3A, %dma_start3A_23] : memref<2x10000x128xf32, #tpu.memory_space<hbm>> -> memref<1x640x128xf32, #tpu.memory_space<hbm>>
        %dma_start3A_25 = tpu.memref_squeeze %dma_start3A_24 : memref<1x640x128xf32, #tpu.memory_space<hbm>> -> memref<640x128xf32, #tpu.memory_space<hbm>>
        %dma_start3A_26 = arith.constant 9360 : i32
        %dma_start3A_27 = arith.constant 0 : i32
        %dma_start3A_28 = tpu.memref_slice %arg10[%dma_start3A_26, %dma_start3A_27] : memref<10000x128xf32, #tpu.memory_space<vmem_shared>> -> memref<640x128xf32, #tpu.memory_space<vmem_shared>>
        tpu.enqueue_dma source(%dma_start3A_28 : memref<640x128xf32, #tpu.memory_space<vmem_shared>>) target(%dma_start3A_25 : memref<640x128xf32, #tpu.memory_space<hbm>>) target_semaphore(%run_scoped3A : memref<!tpu.dma_semaphore, #tpu.memory_space<semaphore_mem>>)
        %dma_wait3A = arith.constant 9360 : i32
        %dma_wait3A_29 = arith.constant 0 : i32
        %dma_wait3A_30 = tpu.memref_slice %arg6[%arg0, %dma_wait3A, %dma_wait3A_29] : memref<2x10000x128xf32, #tpu.memory_space<hbm>> -> memref<1x640x128xf32, #tpu.memory_space<hbm>>
        %dma_wait3A_31 = tpu.memref_squeeze %dma_wait3A_30 : memref<1x640x128xf32, #tpu.memory_space<hbm>> -> memref<640x128xf32, #tpu.memory_space<hbm>>
        %dma_wait3A_32 = arith.constant 9360 : i32
        %dma_wait3A_33 = arith.constant 0 : i32
        %dma_wait3A_34 = tpu.memref_slice %arg10[%dma_wait3A_32, %dma_wait3A_33] : memref<10000x128xf32, #tpu.memory_space<vmem_shared>> -> memref<640x128xf32, #tpu.memory_space<vmem_shared>>
        tpu.wait_dma2 semaphore(%run_scoped3A : memref<!tpu.dma_semaphore, #tpu.memory_space<semaphore_mem>>) src(%dma_wait3A_34 : memref<640x128xf32, #tpu.memory_space<vmem_shared>>) dst(%dma_wait3A_31 : memref<640x128xf32, #tpu.memory_space<hbm>>)
        tpu.yield
      }) : () -> ()
    } else {
    }
    return
  }
}

#map = affine_map<(d0, d1) -> (0, 0)>
#map1 = affine_map<(d0, d1) -> (0, 0, 0)>
module attributes {stable_mosaic.version = 14 : i64} {
  func.func @k(%arg0: i32, %arg1: i32, %arg2: memref<240000x128xf32, #tpu.memory_space<hbm>>, %arg3: memref<5000x128xi32, #tpu.memory_space<hbm>>, %arg4: memref<5000x128xi32, #tpu.memory_space<hbm>>, %arg5: memref<10000x128xf32, #tpu.memory_space<hbm>>, %arg6: memref<2x10000x128xf32, #tpu.memory_space<hbm>>, %arg7: memref<8x128xi32, #tpu.memory_space<vmem>>, %arg8: memref<8x128xi32, #tpu.memory_space<vmem>>, %arg9: memref<128x128xf32, #tpu.memory_space<vmem>>, %arg10: memref<10000x128xf32, #tpu.memory_space<vmem_shared>>, %arg11: memref<!tpu.dma_semaphore, #tpu.memory_space<semaphore_mem>>) attributes {dimension_semantics = [#tpu.dimension_semantics<core_parallel>, #tpu.dimension_semantics<subcore_parallel>], iteration_bounds = array<i64: 2, 16>, scalar_prefetch = 0 : i64, scratch_operands = 5 : i64, tpu.core_type = #tpu.core_type<sc_vector_subcore>, window_params = [{transform_indices = #map}, {transform_indices = #map}, {transform_indices = #map}, {transform_indices = #map}, {transform_indices = #map1}]} {
    %mul3A = arith.constant 2 : i32
    %mul3A_0 = arith.muli %arg1, %mul3A : i32
    %add3A = arith.addi %mul3A_0, %arg0 : i32
    %lt3A = arith.constant 15 : i32
    %lt3A_1 = arith.cmpi slt, %arg1, %lt3A : i32
    %convert_element_type3A = arith.extui %lt3A_1 : i1 to i32
    %cond3A = arith.constant 0 : i32
    %cond3A_2 = arith.cmpi ne, %convert_element_type3A, %cond3A : i32
    scf.if %cond3A_2 {
      %mul3A_23 = arith.constant 624 : i32
      %mul3A_24 = arith.muli %arg1, %mul3A_23 : i32
      %mul3A_25 = arith.constant 624 : i32
      %mul3A_26 = arith.muli %arg1, %mul3A_25 : i32
      "tpu.region"() ({
        %run_scoped3A = tpu.sem_alloc : memref<!tpu.dma_semaphore, #tpu.memory_space<semaphore_mem>>
        %dma_start3A = arith.constant 0 : i32
        %dma_start3A_27 = tpu.memref_slice %arg10[%mul3A_26, %dma_start3A] : memref<10000x128xf32, #tpu.memory_space<vmem_shared>> -> memref<624x128xf32, #tpu.memory_space<vmem_shared>>
        %dma_start3A_28 = arith.constant 0 : i32
        %dma_start3A_29 = tpu.memref_slice %arg5[%mul3A_24, %dma_start3A_28] : memref<10000x128xf32, #tpu.memory_space<hbm>> -> memref<624x128xf32, #tpu.memory_space<hbm>>
        tpu.enqueue_dma source(%dma_start3A_29 : memref<624x128xf32, #tpu.memory_space<hbm>>) target(%dma_start3A_27 : memref<624x128xf32, #tpu.memory_space<vmem_shared>>) target_semaphore(%run_scoped3A : memref<!tpu.dma_semaphore, #tpu.memory_space<semaphore_mem>>)
        %dma_wait3A = arith.constant 0 : i32
        %dma_wait3A_30 = tpu.memref_slice %arg10[%mul3A_26, %dma_wait3A] : memref<10000x128xf32, #tpu.memory_space<vmem_shared>> -> memref<624x128xf32, #tpu.memory_space<vmem_shared>>
        %dma_wait3A_31 = arith.constant 0 : i32
        %dma_wait3A_32 = tpu.memref_slice %arg5[%mul3A_24, %dma_wait3A_31] : memref<10000x128xf32, #tpu.memory_space<hbm>> -> memref<624x128xf32, #tpu.memory_space<hbm>>
        tpu.wait_dma2 semaphore(%run_scoped3A : memref<!tpu.dma_semaphore, #tpu.memory_space<semaphore_mem>>) src(%dma_wait3A_32 : memref<624x128xf32, #tpu.memory_space<hbm>>) dst(%dma_wait3A_30 : memref<624x128xf32, #tpu.memory_space<vmem_shared>>)
        tpu.yield
      }) : () -> ()
    } else {
    }
    %eq3A = arith.constant 15 : i32
    %eq3A_3 = arith.cmpi eq, %arg1, %eq3A : i32
    %convert_element_type3A_4 = arith.extui %eq3A_3 : i1 to i32
    %cond3A_5 = arith.constant 0 : i32
    %cond3A_6 = arith.cmpi ne, %convert_element_type3A_4, %cond3A_5 : i32
    scf.if %cond3A_6 {
      "tpu.region"() ({
        %run_scoped3A = tpu.sem_alloc : memref<!tpu.dma_semaphore, #tpu.memory_space<semaphore_mem>>
        %dma_start3A = arith.constant 9360 : i32
        %dma_start3A_23 = arith.constant 0 : i32
        %dma_start3A_24 = tpu.memref_slice %arg10[%dma_start3A, %dma_start3A_23] : memref<10000x128xf32, #tpu.memory_space<vmem_shared>> -> memref<640x128xf32, #tpu.memory_space<vmem_shared>>
        %dma_start3A_25 = arith.constant 9360 : i32
        %dma_start3A_26 = arith.constant 0 : i32
        %dma_start3A_27 = tpu.memref_slice %arg5[%dma_start3A_25, %dma_start3A_26] : memref<10000x128xf32, #tpu.memory_space<hbm>> -> memref<640x128xf32, #tpu.memory_space<hbm>>
        tpu.enqueue_dma source(%dma_start3A_27 : memref<640x128xf32, #tpu.memory_space<hbm>>) target(%dma_start3A_24 : memref<640x128xf32, #tpu.memory_space<vmem_shared>>) target_semaphore(%run_scoped3A : memref<!tpu.dma_semaphore, #tpu.memory_space<semaphore_mem>>)
        %dma_wait3A = arith.constant 9360 : i32
        %dma_wait3A_28 = arith.constant 0 : i32
        %dma_wait3A_29 = tpu.memref_slice %arg10[%dma_wait3A, %dma_wait3A_28] : memref<10000x128xf32, #tpu.memory_space<vmem_shared>> -> memref<640x128xf32, #tpu.memory_space<vmem_shared>>
        %dma_wait3A_30 = arith.constant 9360 : i32
        %dma_wait3A_31 = arith.constant 0 : i32
        %dma_wait3A_32 = tpu.memref_slice %arg5[%dma_wait3A_30, %dma_wait3A_31] : memref<10000x128xf32, #tpu.memory_space<hbm>> -> memref<640x128xf32, #tpu.memory_space<hbm>>
        tpu.wait_dma2 semaphore(%run_scoped3A : memref<!tpu.dma_semaphore, #tpu.memory_space<semaphore_mem>>) src(%dma_wait3A_32 : memref<640x128xf32, #tpu.memory_space<hbm>>) dst(%dma_wait3A_29 : memref<640x128xf32, #tpu.memory_space<vmem_shared>>)
        tpu.yield
      }) : () -> ()
    } else {
    }
    %barrier3A = arith.constant 0 : index
    tpu.barrier barrier_id(%barrier3A)
    %scan3A = arith.constant 0 : i32
    %scan3A_7 = arith.constant 0 : i32
    %scan3A_8 = arith.constant 20 : i32
    %scan3A_9 = arith.addi %scan3A_7, %scan3A_8 : i32
    %scan3A_10 = arith.constant 1 : i32
    scf.for %scan3A_23 = %scan3A_7 to %scan3A_9 step %scan3A_10  : i32 {
      %mul3A_24 = arith.constant 32 : i32
      %mul3A_25 = arith.muli %scan3A_23, %mul3A_24 : i32
      %add3A_26 = arith.addi %add3A, %mul3A_25 : i32
      %lt3A_27 = arith.constant 625 : i32
      %lt3A_28 = arith.cmpi slt, %add3A_26, %lt3A_27 : i32
      %convert_element_type3A_29 = arith.extui %lt3A_28 : i1 to i32
      %cond3A_30 = arith.constant 0 : i32
      %cond3A_31 = arith.cmpi ne, %convert_element_type3A_29, %cond3A_30 : i32
      scf.if %cond3A_31 {
        %mul3A_32 = arith.constant 8 : i32
        %mul3A_33 = arith.muli %add3A_26, %mul3A_32 : i32
        "tpu.region"() ({
          %run_scoped3A_153 = tpu.sem_alloc : memref<!tpu.dma_semaphore, #tpu.memory_space<semaphore_mem>>
          %dma_start3A_154 = arith.constant 0 : i32
          %dma_start3A_155 = tpu.memref_slice %arg3[%mul3A_33, %dma_start3A_154] : memref<5000x128xi32, #tpu.memory_space<hbm>> -> memref<8x128xi32, #tpu.memory_space<hbm>>
          %dma_start3A_156 = arith.constant 0 : i32
          %dma_start3A_157 = tpu.memref_slice %arg3[%mul3A_33, %dma_start3A_156] : memref<5000x128xi32, #tpu.memory_space<hbm>> -> memref<8x128xi32, #tpu.memory_space<hbm>>
          tpu.enqueue_dma source(%dma_start3A_157 : memref<8x128xi32, #tpu.memory_space<hbm>>) target(%arg7 : memref<8x128xi32, #tpu.memory_space<vmem>>) target_semaphore(%run_scoped3A_153 : memref<!tpu.dma_semaphore, #tpu.memory_space<semaphore_mem>>)
          %dma_wait3A_158 = arith.constant 0 : i32
          %dma_wait3A_159 = tpu.memref_slice %arg3[%mul3A_33, %dma_wait3A_158] : memref<5000x128xi32, #tpu.memory_space<hbm>> -> memref<8x128xi32, #tpu.memory_space<hbm>>
          %dma_wait3A_160 = arith.constant 0 : i32
          %dma_wait3A_161 = tpu.memref_slice %arg3[%mul3A_33, %dma_wait3A_160] : memref<5000x128xi32, #tpu.memory_space<hbm>> -> memref<8x128xi32, #tpu.memory_space<hbm>>
          tpu.wait_dma2 semaphore(%run_scoped3A_153 : memref<!tpu.dma_semaphore, #tpu.memory_space<semaphore_mem>>) src(%dma_wait3A_161 : memref<8x128xi32, #tpu.memory_space<hbm>>) dst(%arg7 : memref<8x128xi32, #tpu.memory_space<vmem>>)
          tpu.yield
        }) : () -> ()
        %mul3A_34 = arith.constant 8 : i32
        %mul3A_35 = arith.muli %add3A_26, %mul3A_34 : i32
        "tpu.region"() ({
          %run_scoped3A_153 = tpu.sem_alloc : memref<!tpu.dma_semaphore, #tpu.memory_space<semaphore_mem>>
          %dma_start3A_154 = arith.constant 0 : i32
          %dma_start3A_155 = tpu.memref_slice %arg4[%mul3A_35, %dma_start3A_154] : memref<5000x128xi32, #tpu.memory_space<hbm>> -> memref<8x128xi32, #tpu.memory_space<hbm>>
          %dma_start3A_156 = arith.constant 0 : i32
          %dma_start3A_157 = tpu.memref_slice %arg4[%mul3A_35, %dma_start3A_156] : memref<5000x128xi32, #tpu.memory_space<hbm>> -> memref<8x128xi32, #tpu.memory_space<hbm>>
          tpu.enqueue_dma source(%dma_start3A_157 : memref<8x128xi32, #tpu.memory_space<hbm>>) target(%arg8 : memref<8x128xi32, #tpu.memory_space<vmem>>) target_semaphore(%run_scoped3A_153 : memref<!tpu.dma_semaphore, #tpu.memory_space<semaphore_mem>>)
          %dma_wait3A_158 = arith.constant 0 : i32
          %dma_wait3A_159 = tpu.memref_slice %arg4[%mul3A_35, %dma_wait3A_158] : memref<5000x128xi32, #tpu.memory_space<hbm>> -> memref<8x128xi32, #tpu.memory_space<hbm>>
          %dma_wait3A_160 = arith.constant 0 : i32
          %dma_wait3A_161 = tpu.memref_slice %arg4[%mul3A_35, %dma_wait3A_160] : memref<5000x128xi32, #tpu.memory_space<hbm>> -> memref<8x128xi32, #tpu.memory_space<hbm>>
          tpu.wait_dma2 semaphore(%run_scoped3A_153 : memref<!tpu.dma_semaphore, #tpu.memory_space<semaphore_mem>>) src(%dma_wait3A_161 : memref<8x128xi32, #tpu.memory_space<hbm>>) dst(%arg8 : memref<8x128xi32, #tpu.memory_space<vmem>>)
          tpu.yield
        }) : () -> ()
        %dma_start3A = arith.constant 0 : i32
        %dma_start3A_36 = arith.constant 0 : i32
        %dma_start3A_37 = tpu.memref_slice %arg7[%dma_start3A, %dma_start3A_36] : memref<8x128xi32, #tpu.memory_space<vmem>> -> memref<1x128xi32, #tpu.memory_space<vmem>>
        %dma_start3A_38 = tpu.memref_squeeze %dma_start3A_37 : memref<1x128xi32, #tpu.memory_space<vmem>> -> memref<128xi32, #tpu.memory_space<vmem>>
        %dma_start3A_39 = arith.constant 0 : i32
        %dma_start3A_40 = arith.constant 0 : i32
        %dma_start3A_41 = tpu.memref_slice %arg2[%dma_start3A_39, %dma_start3A_40] : memref<240000x128xf32, #tpu.memory_space<hbm>> -> memref<240000x128xf32, #tpu.memory_space<hbm>>
        tpu.enqueue_indirect_dma source(%dma_start3A_41 : memref<240000x128xf32, #tpu.memory_space<hbm>>) target(%arg9 : memref<128x128xf32, #tpu.memory_space<vmem>>) offsets(%dma_start3A_38 : memref<128xi32, #tpu.memory_space<vmem>>) semaphore(%arg11 : memref<!tpu.dma_semaphore, #tpu.memory_space<semaphore_mem>>)
        %dma_wait3A = arith.constant 0 : i32
        %dma_wait3A_42 = arith.constant 0 : i32
        %dma_wait3A_43 = tpu.memref_slice %arg7[%dma_wait3A, %dma_wait3A_42] : memref<8x128xi32, #tpu.memory_space<vmem>> -> memref<1x128xi32, #tpu.memory_space<vmem>>
        %dma_wait3A_44 = tpu.memref_squeeze %dma_wait3A_43 : memref<1x128xi32, #tpu.memory_space<vmem>> -> memref<128xi32, #tpu.memory_space<vmem>>
        %dma_wait3A_45 = arith.constant 0 : i32
        %dma_wait3A_46 = arith.constant 0 : i32
        %dma_wait3A_47 = tpu.memref_slice %arg2[%dma_wait3A_45, %dma_wait3A_46] : memref<240000x128xf32, #tpu.memory_space<hbm>> -> memref<240000x128xf32, #tpu.memory_space<hbm>>
        tpu.wait_indirect_dma semaphore(%arg11 : memref<!tpu.dma_semaphore, #tpu.memory_space<semaphore_mem>>) src(%dma_wait3A_47 : memref<240000x128xf32, #tpu.memory_space<hbm>>) dst(%arg9 : memref<128x128xf32, #tpu.memory_space<vmem>>)
        %run_scoped3A = arith.constant 0 : i32
        "tpu.region"() ({
          %run_scoped3A_153 = tpu.sem_alloc : memref<!tpu.dma_semaphore, #tpu.memory_space<semaphore_mem>>
          %dma_start3A_154 = arith.constant 0 : i32
          %dma_start3A_155 = tpu.memref_slice %arg8[%run_scoped3A, %dma_start3A_154] : memref<8x128xi32, #tpu.memory_space<vmem>> -> memref<1x128xi32, #tpu.memory_space<vmem>>
          %dma_start3A_156 = tpu.memref_squeeze %dma_start3A_155 : memref<1x128xi32, #tpu.memory_space<vmem>> -> memref<128xi32, #tpu.memory_space<vmem>>
          %dma_start3A_157 = arith.constant 0 : i32
          %dma_start3A_158 = arith.constant 0 : i32
          %dma_start3A_159 = tpu.memref_slice %arg10[%dma_start3A_157, %dma_start3A_158] : memref<10000x128xf32, #tpu.memory_space<vmem_shared>> -> memref<10000x128xf32, #tpu.memory_space<vmem_shared>>
          tpu.enqueue_indirect_dma source(%arg9 : memref<128x128xf32, #tpu.memory_space<vmem>>) target(%dma_start3A_159 : memref<10000x128xf32, #tpu.memory_space<vmem_shared>>) offsets(%dma_start3A_156 : memref<128xi32, #tpu.memory_space<vmem>>) semaphore(%run_scoped3A_153 : memref<!tpu.dma_semaphore, #tpu.memory_space<semaphore_mem>>) {add = true}
          %dma_wait3A_160 = arith.constant 0 : i32
          %dma_wait3A_161 = tpu.memref_slice %arg8[%run_scoped3A, %dma_wait3A_160] : memref<8x128xi32, #tpu.memory_space<vmem>> -> memref<1x128xi32, #tpu.memory_space<vmem>>
          %dma_wait3A_162 = tpu.memref_squeeze %dma_wait3A_161 : memref<1x128xi32, #tpu.memory_space<vmem>> -> memref<128xi32, #tpu.memory_space<vmem>>
          %dma_wait3A_163 = arith.constant 0 : i32
          %dma_wait3A_164 = arith.constant 0 : i32
          %dma_wait3A_165 = tpu.memref_slice %arg10[%dma_wait3A_163, %dma_wait3A_164] : memref<10000x128xf32, #tpu.memory_space<vmem_shared>> -> memref<10000x128xf32, #tpu.memory_space<vmem_shared>>
          tpu.wait_indirect_dma semaphore(%run_scoped3A_153 : memref<!tpu.dma_semaphore, #tpu.memory_space<semaphore_mem>>) src(%arg9 : memref<128x128xf32, #tpu.memory_space<vmem>>) dst(%dma_wait3A_165 : memref<10000x128xf32, #tpu.memory_space<vmem_shared>>)
          tpu.yield
        }) : () -> ()
        %dma_start3A_48 = arith.constant 1 : i32
        %dma_start3A_49 = arith.constant 0 : i32
        %dma_start3A_50 = tpu.memref_slice %arg7[%dma_start3A_48, %dma_start3A_49] : memref<8x128xi32, #tpu.memory_space<vmem>> -> memref<1x128xi32, #tpu.memory_space<vmem>>
        %dma_start3A_51 = tpu.memref_squeeze %dma_start3A_50 : memref<1x128xi32, #tpu.memory_space<vmem>> -> memref<128xi32, #tpu.memory_space<vmem>>
        %dma_start3A_52 = arith.constant 0 : i32
        %dma_start3A_53 = arith.constant 0 : i32
        %dma_start3A_54 = tpu.memref_slice %arg2[%dma_start3A_52, %dma_start3A_53] : memref<240000x128xf32, #tpu.memory_space<hbm>> -> memref<240000x128xf32, #tpu.memory_space<hbm>>
        tpu.enqueue_indirect_dma source(%dma_start3A_54 : memref<240000x128xf32, #tpu.memory_space<hbm>>) target(%arg9 : memref<128x128xf32, #tpu.memory_space<vmem>>) offsets(%dma_start3A_51 : memref<128xi32, #tpu.memory_space<vmem>>) semaphore(%arg11 : memref<!tpu.dma_semaphore, #tpu.memory_space<semaphore_mem>>)
        %dma_wait3A_55 = arith.constant 1 : i32
        %dma_wait3A_56 = arith.constant 0 : i32
        %dma_wait3A_57 = tpu.memref_slice %arg7[%dma_wait3A_55, %dma_wait3A_56] : memref<8x128xi32, #tpu.memory_space<vmem>> -> memref<1x128xi32, #tpu.memory_space<vmem>>
        %dma_wait3A_58 = tpu.memref_squeeze %dma_wait3A_57 : memref<1x128xi32, #tpu.memory_space<vmem>> -> memref<128xi32, #tpu.memory_space<vmem>>
        %dma_wait3A_59 = arith.constant 0 : i32
        %dma_wait3A_60 = arith.constant 0 : i32
        %dma_wait3A_61 = tpu.memref_slice %arg2[%dma_wait3A_59, %dma_wait3A_60] : memref<240000x128xf32, #tpu.memory_space<hbm>> -> memref<240000x128xf32, #tpu.memory_space<hbm>>
        tpu.wait_indirect_dma semaphore(%arg11 : memref<!tpu.dma_semaphore, #tpu.memory_space<semaphore_mem>>) src(%dma_wait3A_61 : memref<240000x128xf32, #tpu.memory_space<hbm>>) dst(%arg9 : memref<128x128xf32, #tpu.memory_space<vmem>>)
        %run_scoped3A_62 = arith.constant 1 : i32
        "tpu.region"() ({
          %run_scoped3A_153 = tpu.sem_alloc : memref<!tpu.dma_semaphore, #tpu.memory_space<semaphore_mem>>
          %dma_start3A_154 = arith.constant 0 : i32
          %dma_start3A_155 = tpu.memref_slice %arg8[%run_scoped3A_62, %dma_start3A_154] : memref<8x128xi32, #tpu.memory_space<vmem>> -> memref<1x128xi32, #tpu.memory_space<vmem>>
          %dma_start3A_156 = tpu.memref_squeeze %dma_start3A_155 : memref<1x128xi32, #tpu.memory_space<vmem>> -> memref<128xi32, #tpu.memory_space<vmem>>
          %dma_start3A_157 = arith.constant 0 : i32
          %dma_start3A_158 = arith.constant 0 : i32
          %dma_start3A_159 = tpu.memref_slice %arg10[%dma_start3A_157, %dma_start3A_158] : memref<10000x128xf32, #tpu.memory_space<vmem_shared>> -> memref<10000x128xf32, #tpu.memory_space<vmem_shared>>
          tpu.enqueue_indirect_dma source(%arg9 : memref<128x128xf32, #tpu.memory_space<vmem>>) target(%dma_start3A_159 : memref<10000x128xf32, #tpu.memory_space<vmem_shared>>) offsets(%dma_start3A_156 : memref<128xi32, #tpu.memory_space<vmem>>) semaphore(%run_scoped3A_153 : memref<!tpu.dma_semaphore, #tpu.memory_space<semaphore_mem>>) {add = true}
          %dma_wait3A_160 = arith.constant 0 : i32
          %dma_wait3A_161 = tpu.memref_slice %arg8[%run_scoped3A_62, %dma_wait3A_160] : memref<8x128xi32, #tpu.memory_space<vmem>> -> memref<1x128xi32, #tpu.memory_space<vmem>>
          %dma_wait3A_162 = tpu.memref_squeeze %dma_wait3A_161 : memref<1x128xi32, #tpu.memory_space<vmem>> -> memref<128xi32, #tpu.memory_space<vmem>>
          %dma_wait3A_163 = arith.constant 0 : i32
          %dma_wait3A_164 = arith.constant 0 : i32
          %dma_wait3A_165 = tpu.memref_slice %arg10[%dma_wait3A_163, %dma_wait3A_164] : memref<10000x128xf32, #tpu.memory_space<vmem_shared>> -> memref<10000x128xf32, #tpu.memory_space<vmem_shared>>
          tpu.wait_indirect_dma semaphore(%run_scoped3A_153 : memref<!tpu.dma_semaphore, #tpu.memory_space<semaphore_mem>>) src(%arg9 : memref<128x128xf32, #tpu.memory_space<vmem>>) dst(%dma_wait3A_165 : memref<10000x128xf32, #tpu.memory_space<vmem_shared>>)
          tpu.yield
        }) : () -> ()
        %dma_start3A_63 = arith.constant 2 : i32
        %dma_start3A_64 = arith.constant 0 : i32
        %dma_start3A_65 = tpu.memref_slice %arg7[%dma_start3A_63, %dma_start3A_64] : memref<8x128xi32, #tpu.memory_space<vmem>> -> memref<1x128xi32, #tpu.memory_space<vmem>>
        %dma_start3A_66 = tpu.memref_squeeze %dma_start3A_65 : memref<1x128xi32, #tpu.memory_space<vmem>> -> memref<128xi32, #tpu.memory_space<vmem>>
        %dma_start3A_67 = arith.constant 0 : i32
        %dma_start3A_68 = arith.constant 0 : i32
        %dma_start3A_69 = tpu.memref_slice %arg2[%dma_start3A_67, %dma_start3A_68] : memref<240000x128xf32, #tpu.memory_space<hbm>> -> memref<240000x128xf32, #tpu.memory_space<hbm>>
        tpu.enqueue_indirect_dma source(%dma_start3A_69 : memref<240000x128xf32, #tpu.memory_space<hbm>>) target(%arg9 : memref<128x128xf32, #tpu.memory_space<vmem>>) offsets(%dma_start3A_66 : memref<128xi32, #tpu.memory_space<vmem>>) semaphore(%arg11 : memref<!tpu.dma_semaphore, #tpu.memory_space<semaphore_mem>>)
        %dma_wait3A_70 = arith.constant 2 : i32
        %dma_wait3A_71 = arith.constant 0 : i32
        %dma_wait3A_72 = tpu.memref_slice %arg7[%dma_wait3A_70, %dma_wait3A_71] : memref<8x128xi32, #tpu.memory_space<vmem>> -> memref<1x128xi32, #tpu.memory_space<vmem>>
        %dma_wait3A_73 = tpu.memref_squeeze %dma_wait3A_72 : memref<1x128xi32, #tpu.memory_space<vmem>> -> memref<128xi32, #tpu.memory_space<vmem>>
        %dma_wait3A_74 = arith.constant 0 : i32
        %dma_wait3A_75 = arith.constant 0 : i32
        %dma_wait3A_76 = tpu.memref_slice %arg2[%dma_wait3A_74, %dma_wait3A_75] : memref<240000x128xf32, #tpu.memory_space<hbm>> -> memref<240000x128xf32, #tpu.memory_space<hbm>>
        tpu.wait_indirect_dma semaphore(%arg11 : memref<!tpu.dma_semaphore, #tpu.memory_space<semaphore_mem>>) src(%dma_wait3A_76 : memref<240000x128xf32, #tpu.memory_space<hbm>>) dst(%arg9 : memref<128x128xf32, #tpu.memory_space<vmem>>)
        %run_scoped3A_77 = arith.constant 2 : i32
        "tpu.region"() ({
          %run_scoped3A_153 = tpu.sem_alloc : memref<!tpu.dma_semaphore, #tpu.memory_space<semaphore_mem>>
          %dma_start3A_154 = arith.constant 0 : i32
          %dma_start3A_155 = tpu.memref_slice %arg8[%run_scoped3A_77, %dma_start3A_154] : memref<8x128xi32, #tpu.memory_space<vmem>> -> memref<1x128xi32, #tpu.memory_space<vmem>>
          %dma_start3A_156 = tpu.memref_squeeze %dma_start3A_155 : memref<1x128xi32, #tpu.memory_space<vmem>> -> memref<128xi32, #tpu.memory_space<vmem>>
          %dma_start3A_157 = arith.constant 0 : i32
          %dma_start3A_158 = arith.constant 0 : i32
          %dma_start3A_159 = tpu.memref_slice %arg10[%dma_start3A_157, %dma_start3A_158] : memref<10000x128xf32, #tpu.memory_space<vmem_shared>> -> memref<10000x128xf32, #tpu.memory_space<vmem_shared>>
          tpu.enqueue_indirect_dma source(%arg9 : memref<128x128xf32, #tpu.memory_space<vmem>>) target(%dma_start3A_159 : memref<10000x128xf32, #tpu.memory_space<vmem_shared>>) offsets(%dma_start3A_156 : memref<128xi32, #tpu.memory_space<vmem>>) semaphore(%run_scoped3A_153 : memref<!tpu.dma_semaphore, #tpu.memory_space<semaphore_mem>>) {add = true}
          %dma_wait3A_160 = arith.constant 0 : i32
          %dma_wait3A_161 = tpu.memref_slice %arg8[%run_scoped3A_77, %dma_wait3A_160] : memref<8x128xi32, #tpu.memory_space<vmem>> -> memref<1x128xi32, #tpu.memory_space<vmem>>
          %dma_wait3A_162 = tpu.memref_squeeze %dma_wait3A_161 : memref<1x128xi32, #tpu.memory_space<vmem>> -> memref<128xi32, #tpu.memory_space<vmem>>
          %dma_wait3A_163 = arith.constant 0 : i32
          %dma_wait3A_164 = arith.constant 0 : i32
          %dma_wait3A_165 = tpu.memref_slice %arg10[%dma_wait3A_163, %dma_wait3A_164] : memref<10000x128xf32, #tpu.memory_space<vmem_shared>> -> memref<10000x128xf32, #tpu.memory_space<vmem_shared>>
          tpu.wait_indirect_dma semaphore(%run_scoped3A_153 : memref<!tpu.dma_semaphore, #tpu.memory_space<semaphore_mem>>) src(%arg9 : memref<128x128xf32, #tpu.memory_space<vmem>>) dst(%dma_wait3A_165 : memref<10000x128xf32, #tpu.memory_space<vmem_shared>>)
          tpu.yield
        }) : () -> ()
        %dma_start3A_78 = arith.constant 3 : i32
        %dma_start3A_79 = arith.constant 0 : i32
        %dma_start3A_80 = tpu.memref_slice %arg7[%dma_start3A_78, %dma_start3A_79] : memref<8x128xi32, #tpu.memory_space<vmem>> -> memref<1x128xi32, #tpu.memory_space<vmem>>
        %dma_start3A_81 = tpu.memref_squeeze %dma_start3A_80 : memref<1x128xi32, #tpu.memory_space<vmem>> -> memref<128xi32, #tpu.memory_space<vmem>>
        %dma_start3A_82 = arith.constant 0 : i32
        %dma_start3A_83 = arith.constant 0 : i32
        %dma_start3A_84 = tpu.memref_slice %arg2[%dma_start3A_82, %dma_start3A_83] : memref<240000x128xf32, #tpu.memory_space<hbm>> -> memref<240000x128xf32, #tpu.memory_space<hbm>>
        tpu.enqueue_indirect_dma source(%dma_start3A_84 : memref<240000x128xf32, #tpu.memory_space<hbm>>) target(%arg9 : memref<128x128xf32, #tpu.memory_space<vmem>>) offsets(%dma_start3A_81 : memref<128xi32, #tpu.memory_space<vmem>>) semaphore(%arg11 : memref<!tpu.dma_semaphore, #tpu.memory_space<semaphore_mem>>)
        %dma_wait3A_85 = arith.constant 3 : i32
        %dma_wait3A_86 = arith.constant 0 : i32
        %dma_wait3A_87 = tpu.memref_slice %arg7[%dma_wait3A_85, %dma_wait3A_86] : memref<8x128xi32, #tpu.memory_space<vmem>> -> memref<1x128xi32, #tpu.memory_space<vmem>>
        %dma_wait3A_88 = tpu.memref_squeeze %dma_wait3A_87 : memref<1x128xi32, #tpu.memory_space<vmem>> -> memref<128xi32, #tpu.memory_space<vmem>>
        %dma_wait3A_89 = arith.constant 0 : i32
        %dma_wait3A_90 = arith.constant 0 : i32
        %dma_wait3A_91 = tpu.memref_slice %arg2[%dma_wait3A_89, %dma_wait3A_90] : memref<240000x128xf32, #tpu.memory_space<hbm>> -> memref<240000x128xf32, #tpu.memory_space<hbm>>
        tpu.wait_indirect_dma semaphore(%arg11 : memref<!tpu.dma_semaphore, #tpu.memory_space<semaphore_mem>>) src(%dma_wait3A_91 : memref<240000x128xf32, #tpu.memory_space<hbm>>) dst(%arg9 : memref<128x128xf32, #tpu.memory_space<vmem>>)
        %run_scoped3A_92 = arith.constant 3 : i32
        "tpu.region"() ({
          %run_scoped3A_153 = tpu.sem_alloc : memref<!tpu.dma_semaphore, #tpu.memory_space<semaphore_mem>>
          %dma_start3A_154 = arith.constant 0 : i32
          %dma_start3A_155 = tpu.memref_slice %arg8[%run_scoped3A_92, %dma_start3A_154] : memref<8x128xi32, #tpu.memory_space<vmem>> -> memref<1x128xi32, #tpu.memory_space<vmem>>
          %dma_start3A_156 = tpu.memref_squeeze %dma_start3A_155 : memref<1x128xi32, #tpu.memory_space<vmem>> -> memref<128xi32, #tpu.memory_space<vmem>>
          %dma_start3A_157 = arith.constant 0 : i32
          %dma_start3A_158 = arith.constant 0 : i32
          %dma_start3A_159 = tpu.memref_slice %arg10[%dma_start3A_157, %dma_start3A_158] : memref<10000x128xf32, #tpu.memory_space<vmem_shared>> -> memref<10000x128xf32, #tpu.memory_space<vmem_shared>>
          tpu.enqueue_indirect_dma source(%arg9 : memref<128x128xf32, #tpu.memory_space<vmem>>) target(%dma_start3A_159 : memref<10000x128xf32, #tpu.memory_space<vmem_shared>>) offsets(%dma_start3A_156 : memref<128xi32, #tpu.memory_space<vmem>>) semaphore(%run_scoped3A_153 : memref<!tpu.dma_semaphore, #tpu.memory_space<semaphore_mem>>) {add = true}
          %dma_wait3A_160 = arith.constant 0 : i32
          %dma_wait3A_161 = tpu.memref_slice %arg8[%run_scoped3A_92, %dma_wait3A_160] : memref<8x128xi32, #tpu.memory_space<vmem>> -> memref<1x128xi32, #tpu.memory_space<vmem>>
          %dma_wait3A_162 = tpu.memref_squeeze %dma_wait3A_161 : memref<1x128xi32, #tpu.memory_space<vmem>> -> memref<128xi32, #tpu.memory_space<vmem>>
          %dma_wait3A_163 = arith.constant 0 : i32
          %dma_wait3A_164 = arith.constant 0 : i32
          %dma_wait3A_165 = tpu.memref_slice %arg10[%dma_wait3A_163, %dma_wait3A_164] : memref<10000x128xf32, #tpu.memory_space<vmem_shared>> -> memref<10000x128xf32, #tpu.memory_space<vmem_shared>>
          tpu.wait_indirect_dma semaphore(%run_scoped3A_153 : memref<!tpu.dma_semaphore, #tpu.memory_space<semaphore_mem>>) src(%arg9 : memref<128x128xf32, #tpu.memory_space<vmem>>) dst(%dma_wait3A_165 : memref<10000x128xf32, #tpu.memory_space<vmem_shared>>)
          tpu.yield
        }) : () -> ()
        %dma_start3A_93 = arith.constant 4 : i32
        %dma_start3A_94 = arith.constant 0 : i32
        %dma_start3A_95 = tpu.memref_slice %arg7[%dma_start3A_93, %dma_start3A_94] : memref<8x128xi32, #tpu.memory_space<vmem>> -> memref<1x128xi32, #tpu.memory_space<vmem>>
        %dma_start3A_96 = tpu.memref_squeeze %dma_start3A_95 : memref<1x128xi32, #tpu.memory_space<vmem>> -> memref<128xi32, #tpu.memory_space<vmem>>
        %dma_start3A_97 = arith.constant 0 : i32
        %dma_start3A_98 = arith.constant 0 : i32
        %dma_start3A_99 = tpu.memref_slice %arg2[%dma_start3A_97, %dma_start3A_98] : memref<240000x128xf32, #tpu.memory_space<hbm>> -> memref<240000x128xf32, #tpu.memory_space<hbm>>
        tpu.enqueue_indirect_dma source(%dma_start3A_99 : memref<240000x128xf32, #tpu.memory_space<hbm>>) target(%arg9 : memref<128x128xf32, #tpu.memory_space<vmem>>) offsets(%dma_start3A_96 : memref<128xi32, #tpu.memory_space<vmem>>) semaphore(%arg11 : memref<!tpu.dma_semaphore, #tpu.memory_space<semaphore_mem>>)
        %dma_wait3A_100 = arith.constant 4 : i32
        %dma_wait3A_101 = arith.constant 0 : i32
        %dma_wait3A_102 = tpu.memref_slice %arg7[%dma_wait3A_100, %dma_wait3A_101] : memref<8x128xi32, #tpu.memory_space<vmem>> -> memref<1x128xi32, #tpu.memory_space<vmem>>
        %dma_wait3A_103 = tpu.memref_squeeze %dma_wait3A_102 : memref<1x128xi32, #tpu.memory_space<vmem>> -> memref<128xi32, #tpu.memory_space<vmem>>
        %dma_wait3A_104 = arith.constant 0 : i32
        %dma_wait3A_105 = arith.constant 0 : i32
        %dma_wait3A_106 = tpu.memref_slice %arg2[%dma_wait3A_104, %dma_wait3A_105] : memref<240000x128xf32, #tpu.memory_space<hbm>> -> memref<240000x128xf32, #tpu.memory_space<hbm>>
        tpu.wait_indirect_dma semaphore(%arg11 : memref<!tpu.dma_semaphore, #tpu.memory_space<semaphore_mem>>) src(%dma_wait3A_106 : memref<240000x128xf32, #tpu.memory_space<hbm>>) dst(%arg9 : memref<128x128xf32, #tpu.memory_space<vmem>>)
        %run_scoped3A_107 = arith.constant 4 : i32
        "tpu.region"() ({
          %run_scoped3A_153 = tpu.sem_alloc : memref<!tpu.dma_semaphore, #tpu.memory_space<semaphore_mem>>
          %dma_start3A_154 = arith.constant 0 : i32
          %dma_start3A_155 = tpu.memref_slice %arg8[%run_scoped3A_107, %dma_start3A_154] : memref<8x128xi32, #tpu.memory_space<vmem>> -> memref<1x128xi32, #tpu.memory_space<vmem>>
          %dma_start3A_156 = tpu.memref_squeeze %dma_start3A_155 : memref<1x128xi32, #tpu.memory_space<vmem>> -> memref<128xi32, #tpu.memory_space<vmem>>
          %dma_start3A_157 = arith.constant 0 : i32
          %dma_start3A_158 = arith.constant 0 : i32
          %dma_start3A_159 = tpu.memref_slice %arg10[%dma_start3A_157, %dma_start3A_158] : memref<10000x128xf32, #tpu.memory_space<vmem_shared>> -> memref<10000x128xf32, #tpu.memory_space<vmem_shared>>
          tpu.enqueue_indirect_dma source(%arg9 : memref<128x128xf32, #tpu.memory_space<vmem>>) target(%dma_start3A_159 : memref<10000x128xf32, #tpu.memory_space<vmem_shared>>) offsets(%dma_start3A_156 : memref<128xi32, #tpu.memory_space<vmem>>) semaphore(%run_scoped3A_153 : memref<!tpu.dma_semaphore, #tpu.memory_space<semaphore_mem>>) {add = true}
          %dma_wait3A_160 = arith.constant 0 : i32
          %dma_wait3A_161 = tpu.memref_slice %arg8[%run_scoped3A_107, %dma_wait3A_160] : memref<8x128xi32, #tpu.memory_space<vmem>> -> memref<1x128xi32, #tpu.memory_space<vmem>>
          %dma_wait3A_162 = tpu.memref_squeeze %dma_wait3A_161 : memref<1x128xi32, #tpu.memory_space<vmem>> -> memref<128xi32, #tpu.memory_space<vmem>>
          %dma_wait3A_163 = arith.constant 0 : i32
          %dma_wait3A_164 = arith.constant 0 : i32
          %dma_wait3A_165 = tpu.memref_slice %arg10[%dma_wait3A_163, %dma_wait3A_164] : memref<10000x128xf32, #tpu.memory_space<vmem_shared>> -> memref<10000x128xf32, #tpu.memory_space<vmem_shared>>
          tpu.wait_indirect_dma semaphore(%run_scoped3A_153 : memref<!tpu.dma_semaphore, #tpu.memory_space<semaphore_mem>>) src(%arg9 : memref<128x128xf32, #tpu.memory_space<vmem>>) dst(%dma_wait3A_165 : memref<10000x128xf32, #tpu.memory_space<vmem_shared>>)
          tpu.yield
        }) : () -> ()
        %dma_start3A_108 = arith.constant 5 : i32
        %dma_start3A_109 = arith.constant 0 : i32
        %dma_start3A_110 = tpu.memref_slice %arg7[%dma_start3A_108, %dma_start3A_109] : memref<8x128xi32, #tpu.memory_space<vmem>> -> memref<1x128xi32, #tpu.memory_space<vmem>>
        %dma_start3A_111 = tpu.memref_squeeze %dma_start3A_110 : memref<1x128xi32, #tpu.memory_space<vmem>> -> memref<128xi32, #tpu.memory_space<vmem>>
        %dma_start3A_112 = arith.constant 0 : i32
        %dma_start3A_113 = arith.constant 0 : i32
        %dma_start3A_114 = tpu.memref_slice %arg2[%dma_start3A_112, %dma_start3A_113] : memref<240000x128xf32, #tpu.memory_space<hbm>> -> memref<240000x128xf32, #tpu.memory_space<hbm>>
        tpu.enqueue_indirect_dma source(%dma_start3A_114 : memref<240000x128xf32, #tpu.memory_space<hbm>>) target(%arg9 : memref<128x128xf32, #tpu.memory_space<vmem>>) offsets(%dma_start3A_111 : memref<128xi32, #tpu.memory_space<vmem>>) semaphore(%arg11 : memref<!tpu.dma_semaphore, #tpu.memory_space<semaphore_mem>>)
        %dma_wait3A_115 = arith.constant 5 : i32
        %dma_wait3A_116 = arith.constant 0 : i32
        %dma_wait3A_117 = tpu.memref_slice %arg7[%dma_wait3A_115, %dma_wait3A_116] : memref<8x128xi32, #tpu.memory_space<vmem>> -> memref<1x128xi32, #tpu.memory_space<vmem>>
        %dma_wait3A_118 = tpu.memref_squeeze %dma_wait3A_117 : memref<1x128xi32, #tpu.memory_space<vmem>> -> memref<128xi32, #tpu.memory_space<vmem>>
        %dma_wait3A_119 = arith.constant 0 : i32
        %dma_wait3A_120 = arith.constant 0 : i32
        %dma_wait3A_121 = tpu.memref_slice %arg2[%dma_wait3A_119, %dma_wait3A_120] : memref<240000x128xf32, #tpu.memory_space<hbm>> -> memref<240000x128xf32, #tpu.memory_space<hbm>>
        tpu.wait_indirect_dma semaphore(%arg11 : memref<!tpu.dma_semaphore, #tpu.memory_space<semaphore_mem>>) src(%dma_wait3A_121 : memref<240000x128xf32, #tpu.memory_space<hbm>>) dst(%arg9 : memref<128x128xf32, #tpu.memory_space<vmem>>)
        %run_scoped3A_122 = arith.constant 5 : i32
        "tpu.region"() ({
          %run_scoped3A_153 = tpu.sem_alloc : memref<!tpu.dma_semaphore, #tpu.memory_space<semaphore_mem>>
          %dma_start3A_154 = arith.constant 0 : i32
          %dma_start3A_155 = tpu.memref_slice %arg8[%run_scoped3A_122, %dma_start3A_154] : memref<8x128xi32, #tpu.memory_space<vmem>> -> memref<1x128xi32, #tpu.memory_space<vmem>>
          %dma_start3A_156 = tpu.memref_squeeze %dma_start3A_155 : memref<1x128xi32, #tpu.memory_space<vmem>> -> memref<128xi32, #tpu.memory_space<vmem>>
          %dma_start3A_157 = arith.constant 0 : i32
          %dma_start3A_158 = arith.constant 0 : i32
          %dma_start3A_159 = tpu.memref_slice %arg10[%dma_start3A_157, %dma_start3A_158] : memref<10000x128xf32, #tpu.memory_space<vmem_shared>> -> memref<10000x128xf32, #tpu.memory_space<vmem_shared>>
          tpu.enqueue_indirect_dma source(%arg9 : memref<128x128xf32, #tpu.memory_space<vmem>>) target(%dma_start3A_159 : memref<10000x128xf32, #tpu.memory_space<vmem_shared>>) offsets(%dma_start3A_156 : memref<128xi32, #tpu.memory_space<vmem>>) semaphore(%run_scoped3A_153 : memref<!tpu.dma_semaphore, #tpu.memory_space<semaphore_mem>>) {add = true}
          %dma_wait3A_160 = arith.constant 0 : i32
          %dma_wait3A_161 = tpu.memref_slice %arg8[%run_scoped3A_122, %dma_wait3A_160] : memref<8x128xi32, #tpu.memory_space<vmem>> -> memref<1x128xi32, #tpu.memory_space<vmem>>
          %dma_wait3A_162 = tpu.memref_squeeze %dma_wait3A_161 : memref<1x128xi32, #tpu.memory_space<vmem>> -> memref<128xi32, #tpu.memory_space<vmem>>
          %dma_wait3A_163 = arith.constant 0 : i32
          %dma_wait3A_164 = arith.constant 0 : i32
          %dma_wait3A_165 = tpu.memref_slice %arg10[%dma_wait3A_163, %dma_wait3A_164] : memref<10000x128xf32, #tpu.memory_space<vmem_shared>> -> memref<10000x128xf32, #tpu.memory_space<vmem_shared>>
          tpu.wait_indirect_dma semaphore(%run_scoped3A_153 : memref<!tpu.dma_semaphore, #tpu.memory_space<semaphore_mem>>) src(%arg9 : memref<128x128xf32, #tpu.memory_space<vmem>>) dst(%dma_wait3A_165 : memref<10000x128xf32, #tpu.memory_space<vmem_shared>>)
          tpu.yield
        }) : () -> ()
        %dma_start3A_123 = arith.constant 6 : i32
        %dma_start3A_124 = arith.constant 0 : i32
        %dma_start3A_125 = tpu.memref_slice %arg7[%dma_start3A_123, %dma_start3A_124] : memref<8x128xi32, #tpu.memory_space<vmem>> -> memref<1x128xi32, #tpu.memory_space<vmem>>
        %dma_start3A_126 = tpu.memref_squeeze %dma_start3A_125 : memref<1x128xi32, #tpu.memory_space<vmem>> -> memref<128xi32, #tpu.memory_space<vmem>>
        %dma_start3A_127 = arith.constant 0 : i32
        %dma_start3A_128 = arith.constant 0 : i32
        %dma_start3A_129 = tpu.memref_slice %arg2[%dma_start3A_127, %dma_start3A_128] : memref<240000x128xf32, #tpu.memory_space<hbm>> -> memref<240000x128xf32, #tpu.memory_space<hbm>>
        tpu.enqueue_indirect_dma source(%dma_start3A_129 : memref<240000x128xf32, #tpu.memory_space<hbm>>) target(%arg9 : memref<128x128xf32, #tpu.memory_space<vmem>>) offsets(%dma_start3A_126 : memref<128xi32, #tpu.memory_space<vmem>>) semaphore(%arg11 : memref<!tpu.dma_semaphore, #tpu.memory_space<semaphore_mem>>)
        %dma_wait3A_130 = arith.constant 6 : i32
        %dma_wait3A_131 = arith.constant 0 : i32
        %dma_wait3A_132 = tpu.memref_slice %arg7[%dma_wait3A_130, %dma_wait3A_131] : memref<8x128xi32, #tpu.memory_space<vmem>> -> memref<1x128xi32, #tpu.memory_space<vmem>>
        %dma_wait3A_133 = tpu.memref_squeeze %dma_wait3A_132 : memref<1x128xi32, #tpu.memory_space<vmem>> -> memref<128xi32, #tpu.memory_space<vmem>>
        %dma_wait3A_134 = arith.constant 0 : i32
        %dma_wait3A_135 = arith.constant 0 : i32
        %dma_wait3A_136 = tpu.memref_slice %arg2[%dma_wait3A_134, %dma_wait3A_135] : memref<240000x128xf32, #tpu.memory_space<hbm>> -> memref<240000x128xf32, #tpu.memory_space<hbm>>
        tpu.wait_indirect_dma semaphore(%arg11 : memref<!tpu.dma_semaphore, #tpu.memory_space<semaphore_mem>>) src(%dma_wait3A_136 : memref<240000x128xf32, #tpu.memory_space<hbm>>) dst(%arg9 : memref<128x128xf32, #tpu.memory_space<vmem>>)
        %run_scoped3A_137 = arith.constant 6 : i32
        "tpu.region"() ({
          %run_scoped3A_153 = tpu.sem_alloc : memref<!tpu.dma_semaphore, #tpu.memory_space<semaphore_mem>>
          %dma_start3A_154 = arith.constant 0 : i32
          %dma_start3A_155 = tpu.memref_slice %arg8[%run_scoped3A_137, %dma_start3A_154] : memref<8x128xi32, #tpu.memory_space<vmem>> -> memref<1x128xi32, #tpu.memory_space<vmem>>
          %dma_start3A_156 = tpu.memref_squeeze %dma_start3A_155 : memref<1x128xi32, #tpu.memory_space<vmem>> -> memref<128xi32, #tpu.memory_space<vmem>>
          %dma_start3A_157 = arith.constant 0 : i32
          %dma_start3A_158 = arith.constant 0 : i32
          %dma_start3A_159 = tpu.memref_slice %arg10[%dma_start3A_157, %dma_start3A_158] : memref<10000x128xf32, #tpu.memory_space<vmem_shared>> -> memref<10000x128xf32, #tpu.memory_space<vmem_shared>>
          tpu.enqueue_indirect_dma source(%arg9 : memref<128x128xf32, #tpu.memory_space<vmem>>) target(%dma_start3A_159 : memref<10000x128xf32, #tpu.memory_space<vmem_shared>>) offsets(%dma_start3A_156 : memref<128xi32, #tpu.memory_space<vmem>>) semaphore(%run_scoped3A_153 : memref<!tpu.dma_semaphore, #tpu.memory_space<semaphore_mem>>) {add = true}
          %dma_wait3A_160 = arith.constant 0 : i32
          %dma_wait3A_161 = tpu.memref_slice %arg8[%run_scoped3A_137, %dma_wait3A_160] : memref<8x128xi32, #tpu.memory_space<vmem>> -> memref<1x128xi32, #tpu.memory_space<vmem>>
          %dma_wait3A_162 = tpu.memref_squeeze %dma_wait3A_161 : memref<1x128xi32, #tpu.memory_space<vmem>> -> memref<128xi32, #tpu.memory_space<vmem>>
          %dma_wait3A_163 = arith.constant 0 : i32
          %dma_wait3A_164 = arith.constant 0 : i32
          %dma_wait3A_165 = tpu.memref_slice %arg10[%dma_wait3A_163, %dma_wait3A_164] : memref<10000x128xf32, #tpu.memory_space<vmem_shared>> -> memref<10000x128xf32, #tpu.memory_space<vmem_shared>>
          tpu.wait_indirect_dma semaphore(%run_scoped3A_153 : memref<!tpu.dma_semaphore, #tpu.memory_space<semaphore_mem>>) src(%arg9 : memref<128x128xf32, #tpu.memory_space<vmem>>) dst(%dma_wait3A_165 : memref<10000x128xf32, #tpu.memory_space<vmem_shared>>)
          tpu.yield
        }) : () -> ()
        %dma_start3A_138 = arith.constant 7 : i32
        %dma_start3A_139 = arith.constant 0 : i32
        %dma_start3A_140 = tpu.memref_slice %arg7[%dma_start3A_138, %dma_start3A_139] : memref<8x128xi32, #tpu.memory_space<vmem>> -> memref<1x128xi32, #tpu.memory_space<vmem>>
        %dma_start3A_141 = tpu.memref_squeeze %dma_start3A_140 : memref<1x128xi32, #tpu.memory_space<vmem>> -> memref<128xi32, #tpu.memory_space<vmem>>
        %dma_start3A_142 = arith.constant 0 : i32
        %dma_start3A_143 = arith.constant 0 : i32
        %dma_start3A_144 = tpu.memref_slice %arg2[%dma_start3A_142, %dma_start3A_143] : memref<240000x128xf32, #tpu.memory_space<hbm>> -> memref<240000x128xf32, #tpu.memory_space<hbm>>
        tpu.enqueue_indirect_dma source(%dma_start3A_144 : memref<240000x128xf32, #tpu.memory_space<hbm>>) target(%arg9 : memref<128x128xf32, #tpu.memory_space<vmem>>) offsets(%dma_start3A_141 : memref<128xi32, #tpu.memory_space<vmem>>) semaphore(%arg11 : memref<!tpu.dma_semaphore, #tpu.memory_space<semaphore_mem>>)
        %dma_wait3A_145 = arith.constant 7 : i32
        %dma_wait3A_146 = arith.constant 0 : i32
        %dma_wait3A_147 = tpu.memref_slice %arg7[%dma_wait3A_145, %dma_wait3A_146] : memref<8x128xi32, #tpu.memory_space<vmem>> -> memref<1x128xi32, #tpu.memory_space<vmem>>
        %dma_wait3A_148 = tpu.memref_squeeze %dma_wait3A_147 : memref<1x128xi32, #tpu.memory_space<vmem>> -> memref<128xi32, #tpu.memory_space<vmem>>
        %dma_wait3A_149 = arith.constant 0 : i32
        %dma_wait3A_150 = arith.constant 0 : i32
        %dma_wait3A_151 = tpu.memref_slice %arg2[%dma_wait3A_149, %dma_wait3A_150] : memref<240000x128xf32, #tpu.memory_space<hbm>> -> memref<240000x128xf32, #tpu.memory_space<hbm>>
        tpu.wait_indirect_dma semaphore(%arg11 : memref<!tpu.dma_semaphore, #tpu.memory_space<semaphore_mem>>) src(%dma_wait3A_151 : memref<240000x128xf32, #tpu.memory_space<hbm>>) dst(%arg9 : memref<128x128xf32, #tpu.memory_space<vmem>>)
        %run_scoped3A_152 = arith.constant 7 : i32
        "tpu.region"() ({
          %run_scoped3A_153 = tpu.sem_alloc : memref<!tpu.dma_semaphore, #tpu.memory_space<semaphore_mem>>
          %dma_start3A_154 = arith.constant 0 : i32
          %dma_start3A_155 = tpu.memref_slice %arg8[%run_scoped3A_152, %dma_start3A_154] : memref<8x128xi32, #tpu.memory_space<vmem>> -> memref<1x128xi32, #tpu.memory_space<vmem>>
          %dma_start3A_156 = tpu.memref_squeeze %dma_start3A_155 : memref<1x128xi32, #tpu.memory_space<vmem>> -> memref<128xi32, #tpu.memory_space<vmem>>
          %dma_start3A_157 = arith.constant 0 : i32
          %dma_start3A_158 = arith.constant 0 : i32
          %dma_start3A_159 = tpu.memref_slice %arg10[%dma_start3A_157, %dma_start3A_158] : memref<10000x128xf32, #tpu.memory_space<vmem_shared>> -> memref<10000x128xf32, #tpu.memory_space<vmem_shared>>
          tpu.enqueue_indirect_dma source(%arg9 : memref<128x128xf32, #tpu.memory_space<vmem>>) target(%dma_start3A_159 : memref<10000x128xf32, #tpu.memory_space<vmem_shared>>) offsets(%dma_start3A_156 : memref<128xi32, #tpu.memory_space<vmem>>) semaphore(%run_scoped3A_153 : memref<!tpu.dma_semaphore, #tpu.memory_space<semaphore_mem>>) {add = true}
          %dma_wait3A_160 = arith.constant 0 : i32
          %dma_wait3A_161 = tpu.memref_slice %arg8[%run_scoped3A_152, %dma_wait3A_160] : memref<8x128xi32, #tpu.memory_space<vmem>> -> memref<1x128xi32, #tpu.memory_space<vmem>>
          %dma_wait3A_162 = tpu.memref_squeeze %dma_wait3A_161 : memref<1x128xi32, #tpu.memory_space<vmem>> -> memref<128xi32, #tpu.memory_space<vmem>>
          %dma_wait3A_163 = arith.constant 0 : i32
          %dma_wait3A_164 = arith.constant 0 : i32
          %dma_wait3A_165 = tpu.memref_slice %arg10[%dma_wait3A_163, %dma_wait3A_164] : memref<10000x128xf32, #tpu.memory_space<vmem_shared>> -> memref<10000x128xf32, #tpu.memory_space<vmem_shared>>
          tpu.wait_indirect_dma semaphore(%run_scoped3A_153 : memref<!tpu.dma_semaphore, #tpu.memory_space<semaphore_mem>>) src(%arg9 : memref<128x128xf32, #tpu.memory_space<vmem>>) dst(%dma_wait3A_165 : memref<10000x128xf32, #tpu.memory_space<vmem_shared>>)
          tpu.yield
        }) : () -> ()
      } else {
      }
    }
    %scan3A_11 = arith.constant 20 : i32
    %barrier3A_12 = arith.constant 0 : index
    tpu.barrier barrier_id(%barrier3A_12)
    %lt3A_13 = arith.constant 15 : i32
    %lt3A_14 = arith.cmpi slt, %arg1, %lt3A_13 : i32
    %convert_element_type3A_15 = arith.extui %lt3A_14 : i1 to i32
    %cond3A_16 = arith.constant 0 : i32
    %cond3A_17 = arith.cmpi ne, %convert_element_type3A_15, %cond3A_16 : i32
    scf.if %cond3A_17 {
      %mul3A_23 = arith.constant 624 : i32
      %mul3A_24 = arith.muli %arg1, %mul3A_23 : i32
      %mul3A_25 = arith.constant 624 : i32
      %mul3A_26 = arith.muli %arg1, %mul3A_25 : i32
      "tpu.region"() ({
        %run_scoped3A = tpu.sem_alloc : memref<!tpu.dma_semaphore, #tpu.memory_space<semaphore_mem>>
        %dma_start3A = arith.constant 0 : i32
        %dma_start3A_27 = tpu.memref_slice %arg6[%arg0, %mul3A_26, %dma_start3A] : memref<2x10000x128xf32, #tpu.memory_space<hbm>> -> memref<1x624x128xf32, #tpu.memory_space<hbm>>
        %dma_start3A_28 = tpu.memref_squeeze %dma_start3A_27 : memref<1x624x128xf32, #tpu.memory_space<hbm>> -> memref<624x128xf32, #tpu.memory_space<hbm>>
        %dma_start3A_29 = arith.constant 0 : i32
        %dma_start3A_30 = tpu.memref_slice %arg10[%mul3A_24, %dma_start3A_29] : memref<10000x128xf32, #tpu.memory_space<vmem_shared>> -> memref<624x128xf32, #tpu.memory_space<vmem_shared>>
        tpu.enqueue_dma source(%dma_start3A_30 : memref<624x128xf32, #tpu.memory_space<vmem_shared>>) target(%dma_start3A_28 : memref<624x128xf32, #tpu.memory_space<hbm>>) target_semaphore(%run_scoped3A : memref<!tpu.dma_semaphore, #tpu.memory_space<semaphore_mem>>)
        %dma_wait3A = arith.constant 0 : i32
        %dma_wait3A_31 = tpu.memref_slice %arg6[%arg0, %mul3A_26, %dma_wait3A] : memref<2x10000x128xf32, #tpu.memory_space<hbm>> -> memref<1x624x128xf32, #tpu.memory_space<hbm>>
        %dma_wait3A_32 = tpu.memref_squeeze %dma_wait3A_31 : memref<1x624x128xf32, #tpu.memory_space<hbm>> -> memref<624x128xf32, #tpu.memory_space<hbm>>
        %dma_wait3A_33 = arith.constant 0 : i32
        %dma_wait3A_34 = tpu.memref_slice %arg10[%mul3A_24, %dma_wait3A_33] : memref<10000x128xf32, #tpu.memory_space<vmem_shared>> -> memref<624x128xf32, #tpu.memory_space<vmem_shared>>
        tpu.wait_dma2 semaphore(%run_scoped3A : memref<!tpu.dma_semaphore, #tpu.memory_space<semaphore_mem>>) src(%dma_wait3A_34 : memref<624x128xf32, #tpu.memory_space<vmem_shared>>) dst(%dma_wait3A_32 : memref<624x128xf32, #tpu.memory_space<hbm>>)
        tpu.yield
      }) : () -> ()
    } else {
    }
    %eq3A_18 = arith.constant 15 : i32
    %eq3A_19 = arith.cmpi eq, %arg1, %eq3A_18 : i32
    %convert_element_type3A_20 = arith.extui %eq3A_19 : i1 to i32
    %cond3A_21 = arith.constant 0 : i32
    %cond3A_22 = arith.cmpi ne, %convert_element_type3A_20, %cond3A_21 : i32
    scf.if %cond3A_22 {
      "tpu.region"() ({
        %run_scoped3A = tpu.sem_alloc : memref<!tpu.dma_semaphore, #tpu.memory_space<semaphore_mem>>
        %dma_start3A = arith.constant 9360 : i32
        %dma_start3A_23 = arith.constant 0 : i32
        %dma_start3A_24 = tpu.memref_slice %arg6[%arg0, %dma_start3A, %dma_start3A_23] : memref<2x10000x128xf32, #tpu.memory_space<hbm>> -> memref<1x640x128xf32, #tpu.memory_space<hbm>>
        %dma_start3A_25 = tpu.memref_squeeze %dma_start3A_24 : memref<1x640x128xf32, #tpu.memory_space<hbm>> -> memref<640x128xf32, #tpu.memory_space<hbm>>
        %dma_start3A_26 = arith.constant 9360 : i32
        %dma_start3A_27 = arith.constant 0 : i32
        %dma_start3A_28 = tpu.memref_slice %arg10[%dma_start3A_26, %dma_start3A_27] : memref<10000x128xf32, #tpu.memory_space<vmem_shared>> -> memref<640x128xf32, #tpu.memory_space<vmem_shared>>
        tpu.enqueue_dma source(%dma_start3A_28 : memref<640x128xf32, #tpu.memory_space<vmem_shared>>) target(%dma_start3A_25 : memref<640x128xf32, #tpu.memory_space<hbm>>) target_semaphore(%run_scoped3A : memref<!tpu.dma_semaphore, #tpu.memory_space<semaphore_mem>>)
        %dma_wait3A = arith.constant 9360 : i32
        %dma_wait3A_29 = arith.constant 0 : i32
        %dma_wait3A_30 = tpu.memref_slice %arg6[%arg0, %dma_wait3A, %dma_wait3A_29] : memref<2x10000x128xf32, #tpu.memory_space<hbm>> -> memref<1x640x128xf32, #tpu.memory_space<hbm>>
        %dma_wait3A_31 = tpu.memref_squeeze %dma_wait3A_30 : memref<1x640x128xf32, #tpu.memory_space<hbm>> -> memref<640x128xf32, #tpu.memory_space<hbm>>
        %dma_wait3A_32 = arith.constant 9360 : i32
        %dma_wait3A_33 = arith.constant 0 : i32
        %dma_wait3A_34 = tpu.memref_slice %arg10[%dma_wait3A_32, %dma_wait3A_33] : memref<10000x128xf32, #tpu.memory_space<vmem_shared>> -> memref<640x128xf32, #tpu.memory_space<vmem_shared>>
        tpu.wait_dma2 semaphore(%run_scoped3A : memref<!tpu.dma_semaphore, #tpu.memory_space<semaphore_mem>>) src(%dma_wait3A_34 : memref<640x128xf32, #tpu.memory_space<vmem_shared>>) dst(%dma_wait3A_31 : memref<640x128xf32, #tpu.memory_space<hbm>>)
        tpu.yield
      }) : () -> ()
    } else {
    }
    return
  }
}

#map = affine_map<(d0, d1) -> (0, 0)>
#map1 = affine_map<(d0, d1) -> (0, 0, 0)>
module attributes {stable_mosaic.version = 14 : i64} {
  func.func @k(%arg0: i32, %arg1: i32, %arg2: memref<240000x128xf32, #tpu.memory_space<hbm>>, %arg3: memref<5000x128xi32, #tpu.memory_space<hbm>>, %arg4: memref<5000x128xi32, #tpu.memory_space<hbm>>, %arg5: memref<10000x128xf32, #tpu.memory_space<hbm>>, %arg6: memref<2x10000x128xf32, #tpu.memory_space<hbm>>, %arg7: memref<8x128xi32, #tpu.memory_space<vmem>>, %arg8: memref<8x128xi32, #tpu.memory_space<vmem>>, %arg9: memref<128x128xf32, #tpu.memory_space<vmem>>, %arg10: memref<10000x128xf32, #tpu.memory_space<vmem_shared>>, %arg11: memref<!tpu.dma_semaphore, #tpu.memory_space<semaphore_mem>>) attributes {dimension_semantics = [#tpu.dimension_semantics<core_parallel>, #tpu.dimension_semantics<subcore_parallel>], iteration_bounds = array<i64: 2, 16>, scalar_prefetch = 0 : i64, scratch_operands = 5 : i64, tpu.core_type = #tpu.core_type<sc_vector_subcore>, window_params = [{transform_indices = #map}, {transform_indices = #map}, {transform_indices = #map}, {transform_indices = #map}, {transform_indices = #map1}]} {
    %mul3A = arith.constant 2 : i32
    %mul3A_0 = arith.muli %arg1, %mul3A : i32
    %add3A = arith.addi %mul3A_0, %arg0 : i32
    %lt3A = arith.constant 15 : i32
    %lt3A_1 = arith.cmpi slt, %arg1, %lt3A : i32
    %convert_element_type3A = arith.extui %lt3A_1 : i1 to i32
    %cond3A = arith.constant 0 : i32
    %cond3A_2 = arith.cmpi ne, %convert_element_type3A, %cond3A : i32
    scf.if %cond3A_2 {
      %mul3A_23 = arith.constant 624 : i32
      %mul3A_24 = arith.muli %arg1, %mul3A_23 : i32
      %mul3A_25 = arith.constant 624 : i32
      %mul3A_26 = arith.muli %arg1, %mul3A_25 : i32
      "tpu.region"() ({
        %run_scoped3A = tpu.sem_alloc : memref<!tpu.dma_semaphore, #tpu.memory_space<semaphore_mem>>
        %dma_start3A = arith.constant 0 : i32
        %dma_start3A_27 = tpu.memref_slice %arg10[%mul3A_26, %dma_start3A] : memref<10000x128xf32, #tpu.memory_space<vmem_shared>> -> memref<624x128xf32, #tpu.memory_space<vmem_shared>>
        %dma_start3A_28 = arith.constant 0 : i32
        %dma_start3A_29 = tpu.memref_slice %arg5[%mul3A_24, %dma_start3A_28] : memref<10000x128xf32, #tpu.memory_space<hbm>> -> memref<624x128xf32, #tpu.memory_space<hbm>>
        tpu.enqueue_dma source(%dma_start3A_29 : memref<624x128xf32, #tpu.memory_space<hbm>>) target(%dma_start3A_27 : memref<624x128xf32, #tpu.memory_space<vmem_shared>>) target_semaphore(%run_scoped3A : memref<!tpu.dma_semaphore, #tpu.memory_space<semaphore_mem>>)
        %dma_wait3A = arith.constant 0 : i32
        %dma_wait3A_30 = tpu.memref_slice %arg10[%mul3A_26, %dma_wait3A] : memref<10000x128xf32, #tpu.memory_space<vmem_shared>> -> memref<624x128xf32, #tpu.memory_space<vmem_shared>>
        %dma_wait3A_31 = arith.constant 0 : i32
        %dma_wait3A_32 = tpu.memref_slice %arg5[%mul3A_24, %dma_wait3A_31] : memref<10000x128xf32, #tpu.memory_space<hbm>> -> memref<624x128xf32, #tpu.memory_space<hbm>>
        tpu.wait_dma2 semaphore(%run_scoped3A : memref<!tpu.dma_semaphore, #tpu.memory_space<semaphore_mem>>) src(%dma_wait3A_32 : memref<624x128xf32, #tpu.memory_space<hbm>>) dst(%dma_wait3A_30 : memref<624x128xf32, #tpu.memory_space<vmem_shared>>)
        tpu.yield
      }) : () -> ()
    } else {
    }
    %eq3A = arith.constant 15 : i32
    %eq3A_3 = arith.cmpi eq, %arg1, %eq3A : i32
    %convert_element_type3A_4 = arith.extui %eq3A_3 : i1 to i32
    %cond3A_5 = arith.constant 0 : i32
    %cond3A_6 = arith.cmpi ne, %convert_element_type3A_4, %cond3A_5 : i32
    scf.if %cond3A_6 {
      "tpu.region"() ({
        %run_scoped3A = tpu.sem_alloc : memref<!tpu.dma_semaphore, #tpu.memory_space<semaphore_mem>>
        %dma_start3A = arith.constant 9360 : i32
        %dma_start3A_23 = arith.constant 0 : i32
        %dma_start3A_24 = tpu.memref_slice %arg10[%dma_start3A, %dma_start3A_23] : memref<10000x128xf32, #tpu.memory_space<vmem_shared>> -> memref<640x128xf32, #tpu.memory_space<vmem_shared>>
        %dma_start3A_25 = arith.constant 9360 : i32
        %dma_start3A_26 = arith.constant 0 : i32
        %dma_start3A_27 = tpu.memref_slice %arg5[%dma_start3A_25, %dma_start3A_26] : memref<10000x128xf32, #tpu.memory_space<hbm>> -> memref<640x128xf32, #tpu.memory_space<hbm>>
        tpu.enqueue_dma source(%dma_start3A_27 : memref<640x128xf32, #tpu.memory_space<hbm>>) target(%dma_start3A_24 : memref<640x128xf32, #tpu.memory_space<vmem_shared>>) target_semaphore(%run_scoped3A : memref<!tpu.dma_semaphore, #tpu.memory_space<semaphore_mem>>)
        %dma_wait3A = arith.constant 9360 : i32
        %dma_wait3A_28 = arith.constant 0 : i32
        %dma_wait3A_29 = tpu.memref_slice %arg10[%dma_wait3A, %dma_wait3A_28] : memref<10000x128xf32, #tpu.memory_space<vmem_shared>> -> memref<640x128xf32, #tpu.memory_space<vmem_shared>>
        %dma_wait3A_30 = arith.constant 9360 : i32
        %dma_wait3A_31 = arith.constant 0 : i32
        %dma_wait3A_32 = tpu.memref_slice %arg5[%dma_wait3A_30, %dma_wait3A_31] : memref<10000x128xf32, #tpu.memory_space<hbm>> -> memref<640x128xf32, #tpu.memory_space<hbm>>
        tpu.wait_dma2 semaphore(%run_scoped3A : memref<!tpu.dma_semaphore, #tpu.memory_space<semaphore_mem>>) src(%dma_wait3A_32 : memref<640x128xf32, #tpu.memory_space<hbm>>) dst(%dma_wait3A_29 : memref<640x128xf32, #tpu.memory_space<vmem_shared>>)
        tpu.yield
      }) : () -> ()
    } else {
    }
    %barrier3A = arith.constant 0 : index
    tpu.barrier barrier_id(%barrier3A)
    %scan3A = arith.constant 0 : i32
    %scan3A_7 = arith.constant 0 : i32
    %scan3A_8 = arith.constant 20 : i32
    %scan3A_9 = arith.addi %scan3A_7, %scan3A_8 : i32
    %scan3A_10 = arith.constant 1 : i32
    scf.for %scan3A_23 = %scan3A_7 to %scan3A_9 step %scan3A_10  : i32 {
      %mul3A_24 = arith.constant 32 : i32
      %mul3A_25 = arith.muli %scan3A_23, %mul3A_24 : i32
      %add3A_26 = arith.addi %add3A, %mul3A_25 : i32
      %lt3A_27 = arith.constant 625 : i32
      %lt3A_28 = arith.cmpi slt, %add3A_26, %lt3A_27 : i32
      %convert_element_type3A_29 = arith.extui %lt3A_28 : i1 to i32
      %cond3A_30 = arith.constant 0 : i32
      %cond3A_31 = arith.cmpi ne, %convert_element_type3A_29, %cond3A_30 : i32
      scf.if %cond3A_31 {
        %mul3A_32 = arith.constant 8 : i32
        %mul3A_33 = arith.muli %add3A_26, %mul3A_32 : i32
        "tpu.region"() ({
          %run_scoped3A_153 = tpu.sem_alloc : memref<!tpu.dma_semaphore, #tpu.memory_space<semaphore_mem>>
          %dma_start3A_154 = arith.constant 0 : i32
          %dma_start3A_155 = tpu.memref_slice %arg3[%mul3A_33, %dma_start3A_154] : memref<5000x128xi32, #tpu.memory_space<hbm>> -> memref<8x128xi32, #tpu.memory_space<hbm>>
          %dma_start3A_156 = arith.constant 0 : i32
          %dma_start3A_157 = tpu.memref_slice %arg3[%mul3A_33, %dma_start3A_156] : memref<5000x128xi32, #tpu.memory_space<hbm>> -> memref<8x128xi32, #tpu.memory_space<hbm>>
          tpu.enqueue_dma source(%dma_start3A_157 : memref<8x128xi32, #tpu.memory_space<hbm>>) target(%arg7 : memref<8x128xi32, #tpu.memory_space<vmem>>) target_semaphore(%run_scoped3A_153 : memref<!tpu.dma_semaphore, #tpu.memory_space<semaphore_mem>>)
          %dma_wait3A_158 = arith.constant 0 : i32
          %dma_wait3A_159 = tpu.memref_slice %arg3[%mul3A_33, %dma_wait3A_158] : memref<5000x128xi32, #tpu.memory_space<hbm>> -> memref<8x128xi32, #tpu.memory_space<hbm>>
          %dma_wait3A_160 = arith.constant 0 : i32
          %dma_wait3A_161 = tpu.memref_slice %arg3[%mul3A_33, %dma_wait3A_160] : memref<5000x128xi32, #tpu.memory_space<hbm>> -> memref<8x128xi32, #tpu.memory_space<hbm>>
          tpu.wait_dma2 semaphore(%run_scoped3A_153 : memref<!tpu.dma_semaphore, #tpu.memory_space<semaphore_mem>>) src(%dma_wait3A_161 : memref<8x128xi32, #tpu.memory_space<hbm>>) dst(%arg7 : memref<8x128xi32, #tpu.memory_space<vmem>>)
          tpu.yield
        }) : () -> ()
        %mul3A_34 = arith.constant 8 : i32
        %mul3A_35 = arith.muli %add3A_26, %mul3A_34 : i32
        "tpu.region"() ({
          %run_scoped3A_153 = tpu.sem_alloc : memref<!tpu.dma_semaphore, #tpu.memory_space<semaphore_mem>>
          %dma_start3A_154 = arith.constant 0 : i32
          %dma_start3A_155 = tpu.memref_slice %arg4[%mul3A_35, %dma_start3A_154] : memref<5000x128xi32, #tpu.memory_space<hbm>> -> memref<8x128xi32, #tpu.memory_space<hbm>>
          %dma_start3A_156 = arith.constant 0 : i32
          %dma_start3A_157 = tpu.memref_slice %arg4[%mul3A_35, %dma_start3A_156] : memref<5000x128xi32, #tpu.memory_space<hbm>> -> memref<8x128xi32, #tpu.memory_space<hbm>>
          tpu.enqueue_dma source(%dma_start3A_157 : memref<8x128xi32, #tpu.memory_space<hbm>>) target(%arg8 : memref<8x128xi32, #tpu.memory_space<vmem>>) target_semaphore(%run_scoped3A_153 : memref<!tpu.dma_semaphore, #tpu.memory_space<semaphore_mem>>)
          %dma_wait3A_158 = arith.constant 0 : i32
          %dma_wait3A_159 = tpu.memref_slice %arg4[%mul3A_35, %dma_wait3A_158] : memref<5000x128xi32, #tpu.memory_space<hbm>> -> memref<8x128xi32, #tpu.memory_space<hbm>>
          %dma_wait3A_160 = arith.constant 0 : i32
          %dma_wait3A_161 = tpu.memref_slice %arg4[%mul3A_35, %dma_wait3A_160] : memref<5000x128xi32, #tpu.memory_space<hbm>> -> memref<8x128xi32, #tpu.memory_space<hbm>>
          tpu.wait_dma2 semaphore(%run_scoped3A_153 : memref<!tpu.dma_semaphore, #tpu.memory_space<semaphore_mem>>) src(%dma_wait3A_161 : memref<8x128xi32, #tpu.memory_space<hbm>>) dst(%arg8 : memref<8x128xi32, #tpu.memory_space<vmem>>)
          tpu.yield
        }) : () -> ()
        %dma_start3A = arith.constant 0 : i32
        %dma_start3A_36 = arith.constant 0 : i32
        %dma_start3A_37 = tpu.memref_slice %arg7[%dma_start3A, %dma_start3A_36] : memref<8x128xi32, #tpu.memory_space<vmem>> -> memref<1x128xi32, #tpu.memory_space<vmem>>
        %dma_start3A_38 = tpu.memref_squeeze %dma_start3A_37 : memref<1x128xi32, #tpu.memory_space<vmem>> -> memref<128xi32, #tpu.memory_space<vmem>>
        %dma_start3A_39 = arith.constant 0 : i32
        %dma_start3A_40 = arith.constant 0 : i32
        %dma_start3A_41 = tpu.memref_slice %arg2[%dma_start3A_39, %dma_start3A_40] : memref<240000x128xf32, #tpu.memory_space<hbm>> -> memref<240000x128xf32, #tpu.memory_space<hbm>>
        tpu.enqueue_indirect_dma source(%dma_start3A_41 : memref<240000x128xf32, #tpu.memory_space<hbm>>) target(%arg9 : memref<128x128xf32, #tpu.memory_space<vmem>>) offsets(%dma_start3A_38 : memref<128xi32, #tpu.memory_space<vmem>>) semaphore(%arg11 : memref<!tpu.dma_semaphore, #tpu.memory_space<semaphore_mem>>)
        %dma_wait3A = arith.constant 0 : i32
        %dma_wait3A_42 = arith.constant 0 : i32
        %dma_wait3A_43 = tpu.memref_slice %arg7[%dma_wait3A, %dma_wait3A_42] : memref<8x128xi32, #tpu.memory_space<vmem>> -> memref<1x128xi32, #tpu.memory_space<vmem>>
        %dma_wait3A_44 = tpu.memref_squeeze %dma_wait3A_43 : memref<1x128xi32, #tpu.memory_space<vmem>> -> memref<128xi32, #tpu.memory_space<vmem>>
        %dma_wait3A_45 = arith.constant 0 : i32
        %dma_wait3A_46 = arith.constant 0 : i32
        %dma_wait3A_47 = tpu.memref_slice %arg2[%dma_wait3A_45, %dma_wait3A_46] : memref<240000x128xf32, #tpu.memory_space<hbm>> -> memref<240000x128xf32, #tpu.memory_space<hbm>>
        tpu.wait_indirect_dma semaphore(%arg11 : memref<!tpu.dma_semaphore, #tpu.memory_space<semaphore_mem>>) src(%dma_wait3A_47 : memref<240000x128xf32, #tpu.memory_space<hbm>>) dst(%arg9 : memref<128x128xf32, #tpu.memory_space<vmem>>)
        %run_scoped3A = arith.constant 0 : i32
        "tpu.region"() ({
          %run_scoped3A_153 = tpu.sem_alloc : memref<!tpu.dma_semaphore, #tpu.memory_space<semaphore_mem>>
          %dma_start3A_154 = arith.constant 0 : i32
          %dma_start3A_155 = tpu.memref_slice %arg8[%run_scoped3A, %dma_start3A_154] : memref<8x128xi32, #tpu.memory_space<vmem>> -> memref<1x128xi32, #tpu.memory_space<vmem>>
          %dma_start3A_156 = tpu.memref_squeeze %dma_start3A_155 : memref<1x128xi32, #tpu.memory_space<vmem>> -> memref<128xi32, #tpu.memory_space<vmem>>
          %dma_start3A_157 = arith.constant 0 : i32
          %dma_start3A_158 = arith.constant 0 : i32
          %dma_start3A_159 = tpu.memref_slice %arg10[%dma_start3A_157, %dma_start3A_158] : memref<10000x128xf32, #tpu.memory_space<vmem_shared>> -> memref<10000x128xf32, #tpu.memory_space<vmem_shared>>
          tpu.enqueue_indirect_dma source(%arg9 : memref<128x128xf32, #tpu.memory_space<vmem>>) target(%dma_start3A_159 : memref<10000x128xf32, #tpu.memory_space<vmem_shared>>) offsets(%dma_start3A_156 : memref<128xi32, #tpu.memory_space<vmem>>) semaphore(%run_scoped3A_153 : memref<!tpu.dma_semaphore, #tpu.memory_space<semaphore_mem>>) {add = true}
          %dma_wait3A_160 = arith.constant 0 : i32
          %dma_wait3A_161 = tpu.memref_slice %arg8[%run_scoped3A, %dma_wait3A_160] : memref<8x128xi32, #tpu.memory_space<vmem>> -> memref<1x128xi32, #tpu.memory_space<vmem>>
          %dma_wait3A_162 = tpu.memref_squeeze %dma_wait3A_161 : memref<1x128xi32, #tpu.memory_space<vmem>> -> memref<128xi32, #tpu.memory_space<vmem>>
          %dma_wait3A_163 = arith.constant 0 : i32
          %dma_wait3A_164 = arith.constant 0 : i32
          %dma_wait3A_165 = tpu.memref_slice %arg10[%dma_wait3A_163, %dma_wait3A_164] : memref<10000x128xf32, #tpu.memory_space<vmem_shared>> -> memref<10000x128xf32, #tpu.memory_space<vmem_shared>>
          tpu.wait_indirect_dma semaphore(%run_scoped3A_153 : memref<!tpu.dma_semaphore, #tpu.memory_space<semaphore_mem>>) src(%arg9 : memref<128x128xf32, #tpu.memory_space<vmem>>) dst(%dma_wait3A_165 : memref<10000x128xf32, #tpu.memory_space<vmem_shared>>)
          tpu.yield
        }) : () -> ()
        %dma_start3A_48 = arith.constant 1 : i32
        %dma_start3A_49 = arith.constant 0 : i32
        %dma_start3A_50 = tpu.memref_slice %arg7[%dma_start3A_48, %dma_start3A_49] : memref<8x128xi32, #tpu.memory_space<vmem>> -> memref<1x128xi32, #tpu.memory_space<vmem>>
        %dma_start3A_51 = tpu.memref_squeeze %dma_start3A_50 : memref<1x128xi32, #tpu.memory_space<vmem>> -> memref<128xi32, #tpu.memory_space<vmem>>
        %dma_start3A_52 = arith.constant 0 : i32
        %dma_start3A_53 = arith.constant 0 : i32
        %dma_start3A_54 = tpu.memref_slice %arg2[%dma_start3A_52, %dma_start3A_53] : memref<240000x128xf32, #tpu.memory_space<hbm>> -> memref<240000x128xf32, #tpu.memory_space<hbm>>
        tpu.enqueue_indirect_dma source(%dma_start3A_54 : memref<240000x128xf32, #tpu.memory_space<hbm>>) target(%arg9 : memref<128x128xf32, #tpu.memory_space<vmem>>) offsets(%dma_start3A_51 : memref<128xi32, #tpu.memory_space<vmem>>) semaphore(%arg11 : memref<!tpu.dma_semaphore, #tpu.memory_space<semaphore_mem>>)
        %dma_wait3A_55 = arith.constant 1 : i32
        %dma_wait3A_56 = arith.constant 0 : i32
        %dma_wait3A_57 = tpu.memref_slice %arg7[%dma_wait3A_55, %dma_wait3A_56] : memref<8x128xi32, #tpu.memory_space<vmem>> -> memref<1x128xi32, #tpu.memory_space<vmem>>
        %dma_wait3A_58 = tpu.memref_squeeze %dma_wait3A_57 : memref<1x128xi32, #tpu.memory_space<vmem>> -> memref<128xi32, #tpu.memory_space<vmem>>
        %dma_wait3A_59 = arith.constant 0 : i32
        %dma_wait3A_60 = arith.constant 0 : i32
        %dma_wait3A_61 = tpu.memref_slice %arg2[%dma_wait3A_59, %dma_wait3A_60] : memref<240000x128xf32, #tpu.memory_space<hbm>> -> memref<240000x128xf32, #tpu.memory_space<hbm>>
        tpu.wait_indirect_dma semaphore(%arg11 : memref<!tpu.dma_semaphore, #tpu.memory_space<semaphore_mem>>) src(%dma_wait3A_61 : memref<240000x128xf32, #tpu.memory_space<hbm>>) dst(%arg9 : memref<128x128xf32, #tpu.memory_space<vmem>>)
        %run_scoped3A_62 = arith.constant 1 : i32
        "tpu.region"() ({
          %run_scoped3A_153 = tpu.sem_alloc : memref<!tpu.dma_semaphore, #tpu.memory_space<semaphore_mem>>
          %dma_start3A_154 = arith.constant 0 : i32
          %dma_start3A_155 = tpu.memref_slice %arg8[%run_scoped3A_62, %dma_start3A_154] : memref<8x128xi32, #tpu.memory_space<vmem>> -> memref<1x128xi32, #tpu.memory_space<vmem>>
          %dma_start3A_156 = tpu.memref_squeeze %dma_start3A_155 : memref<1x128xi32, #tpu.memory_space<vmem>> -> memref<128xi32, #tpu.memory_space<vmem>>
          %dma_start3A_157 = arith.constant 0 : i32
          %dma_start3A_158 = arith.constant 0 : i32
          %dma_start3A_159 = tpu.memref_slice %arg10[%dma_start3A_157, %dma_start3A_158] : memref<10000x128xf32, #tpu.memory_space<vmem_shared>> -> memref<10000x128xf32, #tpu.memory_space<vmem_shared>>
          tpu.enqueue_indirect_dma source(%arg9 : memref<128x128xf32, #tpu.memory_space<vmem>>) target(%dma_start3A_159 : memref<10000x128xf32, #tpu.memory_space<vmem_shared>>) offsets(%dma_start3A_156 : memref<128xi32, #tpu.memory_space<vmem>>) semaphore(%run_scoped3A_153 : memref<!tpu.dma_semaphore, #tpu.memory_space<semaphore_mem>>) {add = true}
          %dma_wait3A_160 = arith.constant 0 : i32
          %dma_wait3A_161 = tpu.memref_slice %arg8[%run_scoped3A_62, %dma_wait3A_160] : memref<8x128xi32, #tpu.memory_space<vmem>> -> memref<1x128xi32, #tpu.memory_space<vmem>>
          %dma_wait3A_162 = tpu.memref_squeeze %dma_wait3A_161 : memref<1x128xi32, #tpu.memory_space<vmem>> -> memref<128xi32, #tpu.memory_space<vmem>>
          %dma_wait3A_163 = arith.constant 0 : i32
          %dma_wait3A_164 = arith.constant 0 : i32
          %dma_wait3A_165 = tpu.memref_slice %arg10[%dma_wait3A_163, %dma_wait3A_164] : memref<10000x128xf32, #tpu.memory_space<vmem_shared>> -> memref<10000x128xf32, #tpu.memory_space<vmem_shared>>
          tpu.wait_indirect_dma semaphore(%run_scoped3A_153 : memref<!tpu.dma_semaphore, #tpu.memory_space<semaphore_mem>>) src(%arg9 : memref<128x128xf32, #tpu.memory_space<vmem>>) dst(%dma_wait3A_165 : memref<10000x128xf32, #tpu.memory_space<vmem_shared>>)
          tpu.yield
        }) : () -> ()
        %dma_start3A_63 = arith.constant 2 : i32
        %dma_start3A_64 = arith.constant 0 : i32
        %dma_start3A_65 = tpu.memref_slice %arg7[%dma_start3A_63, %dma_start3A_64] : memref<8x128xi32, #tpu.memory_space<vmem>> -> memref<1x128xi32, #tpu.memory_space<vmem>>
        %dma_start3A_66 = tpu.memref_squeeze %dma_start3A_65 : memref<1x128xi32, #tpu.memory_space<vmem>> -> memref<128xi32, #tpu.memory_space<vmem>>
        %dma_start3A_67 = arith.constant 0 : i32
        %dma_start3A_68 = arith.constant 0 : i32
        %dma_start3A_69 = tpu.memref_slice %arg2[%dma_start3A_67, %dma_start3A_68] : memref<240000x128xf32, #tpu.memory_space<hbm>> -> memref<240000x128xf32, #tpu.memory_space<hbm>>
        tpu.enqueue_indirect_dma source(%dma_start3A_69 : memref<240000x128xf32, #tpu.memory_space<hbm>>) target(%arg9 : memref<128x128xf32, #tpu.memory_space<vmem>>) offsets(%dma_start3A_66 : memref<128xi32, #tpu.memory_space<vmem>>) semaphore(%arg11 : memref<!tpu.dma_semaphore, #tpu.memory_space<semaphore_mem>>)
        %dma_wait3A_70 = arith.constant 2 : i32
        %dma_wait3A_71 = arith.constant 0 : i32
        %dma_wait3A_72 = tpu.memref_slice %arg7[%dma_wait3A_70, %dma_wait3A_71] : memref<8x128xi32, #tpu.memory_space<vmem>> -> memref<1x128xi32, #tpu.memory_space<vmem>>
        %dma_wait3A_73 = tpu.memref_squeeze %dma_wait3A_72 : memref<1x128xi32, #tpu.memory_space<vmem>> -> memref<128xi32, #tpu.memory_space<vmem>>
        %dma_wait3A_74 = arith.constant 0 : i32
        %dma_wait3A_75 = arith.constant 0 : i32
        %dma_wait3A_76 = tpu.memref_slice %arg2[%dma_wait3A_74, %dma_wait3A_75] : memref<240000x128xf32, #tpu.memory_space<hbm>> -> memref<240000x128xf32, #tpu.memory_space<hbm>>
        tpu.wait_indirect_dma semaphore(%arg11 : memref<!tpu.dma_semaphore, #tpu.memory_space<semaphore_mem>>) src(%dma_wait3A_76 : memref<240000x128xf32, #tpu.memory_space<hbm>>) dst(%arg9 : memref<128x128xf32, #tpu.memory_space<vmem>>)
        %run_scoped3A_77 = arith.constant 2 : i32
        "tpu.region"() ({
          %run_scoped3A_153 = tpu.sem_alloc : memref<!tpu.dma_semaphore, #tpu.memory_space<semaphore_mem>>
          %dma_start3A_154 = arith.constant 0 : i32
          %dma_start3A_155 = tpu.memref_slice %arg8[%run_scoped3A_77, %dma_start3A_154] : memref<8x128xi32, #tpu.memory_space<vmem>> -> memref<1x128xi32, #tpu.memory_space<vmem>>
          %dma_start3A_156 = tpu.memref_squeeze %dma_start3A_155 : memref<1x128xi32, #tpu.memory_space<vmem>> -> memref<128xi32, #tpu.memory_space<vmem>>
          %dma_start3A_157 = arith.constant 0 : i32
          %dma_start3A_158 = arith.constant 0 : i32
          %dma_start3A_159 = tpu.memref_slice %arg10[%dma_start3A_157, %dma_start3A_158] : memref<10000x128xf32, #tpu.memory_space<vmem_shared>> -> memref<10000x128xf32, #tpu.memory_space<vmem_shared>>
          tpu.enqueue_indirect_dma source(%arg9 : memref<128x128xf32, #tpu.memory_space<vmem>>) target(%dma_start3A_159 : memref<10000x128xf32, #tpu.memory_space<vmem_shared>>) offsets(%dma_start3A_156 : memref<128xi32, #tpu.memory_space<vmem>>) semaphore(%run_scoped3A_153 : memref<!tpu.dma_semaphore, #tpu.memory_space<semaphore_mem>>) {add = true}
          %dma_wait3A_160 = arith.constant 0 : i32
          %dma_wait3A_161 = tpu.memref_slice %arg8[%run_scoped3A_77, %dma_wait3A_160] : memref<8x128xi32, #tpu.memory_space<vmem>> -> memref<1x128xi32, #tpu.memory_space<vmem>>
          %dma_wait3A_162 = tpu.memref_squeeze %dma_wait3A_161 : memref<1x128xi32, #tpu.memory_space<vmem>> -> memref<128xi32, #tpu.memory_space<vmem>>
          %dma_wait3A_163 = arith.constant 0 : i32
          %dma_wait3A_164 = arith.constant 0 : i32
          %dma_wait3A_165 = tpu.memref_slice %arg10[%dma_wait3A_163, %dma_wait3A_164] : memref<10000x128xf32, #tpu.memory_space<vmem_shared>> -> memref<10000x128xf32, #tpu.memory_space<vmem_shared>>
          tpu.wait_indirect_dma semaphore(%run_scoped3A_153 : memref<!tpu.dma_semaphore, #tpu.memory_space<semaphore_mem>>) src(%arg9 : memref<128x128xf32, #tpu.memory_space<vmem>>) dst(%dma_wait3A_165 : memref<10000x128xf32, #tpu.memory_space<vmem_shared>>)
          tpu.yield
        }) : () -> ()
        %dma_start3A_78 = arith.constant 3 : i32
        %dma_start3A_79 = arith.constant 0 : i32
        %dma_start3A_80 = tpu.memref_slice %arg7[%dma_start3A_78, %dma_start3A_79] : memref<8x128xi32, #tpu.memory_space<vmem>> -> memref<1x128xi32, #tpu.memory_space<vmem>>
        %dma_start3A_81 = tpu.memref_squeeze %dma_start3A_80 : memref<1x128xi32, #tpu.memory_space<vmem>> -> memref<128xi32, #tpu.memory_space<vmem>>
        %dma_start3A_82 = arith.constant 0 : i32
        %dma_start3A_83 = arith.constant 0 : i32
        %dma_start3A_84 = tpu.memref_slice %arg2[%dma_start3A_82, %dma_start3A_83] : memref<240000x128xf32, #tpu.memory_space<hbm>> -> memref<240000x128xf32, #tpu.memory_space<hbm>>
        tpu.enqueue_indirect_dma source(%dma_start3A_84 : memref<240000x128xf32, #tpu.memory_space<hbm>>) target(%arg9 : memref<128x128xf32, #tpu.memory_space<vmem>>) offsets(%dma_start3A_81 : memref<128xi32, #tpu.memory_space<vmem>>) semaphore(%arg11 : memref<!tpu.dma_semaphore, #tpu.memory_space<semaphore_mem>>)
        %dma_wait3A_85 = arith.constant 3 : i32
        %dma_wait3A_86 = arith.constant 0 : i32
        %dma_wait3A_87 = tpu.memref_slice %arg7[%dma_wait3A_85, %dma_wait3A_86] : memref<8x128xi32, #tpu.memory_space<vmem>> -> memref<1x128xi32, #tpu.memory_space<vmem>>
        %dma_wait3A_88 = tpu.memref_squeeze %dma_wait3A_87 : memref<1x128xi32, #tpu.memory_space<vmem>> -> memref<128xi32, #tpu.memory_space<vmem>>
        %dma_wait3A_89 = arith.constant 0 : i32
        %dma_wait3A_90 = arith.constant 0 : i32
        %dma_wait3A_91 = tpu.memref_slice %arg2[%dma_wait3A_89, %dma_wait3A_90] : memref<240000x128xf32, #tpu.memory_space<hbm>> -> memref<240000x128xf32, #tpu.memory_space<hbm>>
        tpu.wait_indirect_dma semaphore(%arg11 : memref<!tpu.dma_semaphore, #tpu.memory_space<semaphore_mem>>) src(%dma_wait3A_91 : memref<240000x128xf32, #tpu.memory_space<hbm>>) dst(%arg9 : memref<128x128xf32, #tpu.memory_space<vmem>>)
        %run_scoped3A_92 = arith.constant 3 : i32
        "tpu.region"() ({
          %run_scoped3A_153 = tpu.sem_alloc : memref<!tpu.dma_semaphore, #tpu.memory_space<semaphore_mem>>
          %dma_start3A_154 = arith.constant 0 : i32
          %dma_start3A_155 = tpu.memref_slice %arg8[%run_scoped3A_92, %dma_start3A_154] : memref<8x128xi32, #tpu.memory_space<vmem>> -> memref<1x128xi32, #tpu.memory_space<vmem>>
          %dma_start3A_156 = tpu.memref_squeeze %dma_start3A_155 : memref<1x128xi32, #tpu.memory_space<vmem>> -> memref<128xi32, #tpu.memory_space<vmem>>
          %dma_start3A_157 = arith.constant 0 : i32
          %dma_start3A_158 = arith.constant 0 : i32
          %dma_start3A_159 = tpu.memref_slice %arg10[%dma_start3A_157, %dma_start3A_158] : memref<10000x128xf32, #tpu.memory_space<vmem_shared>> -> memref<10000x128xf32, #tpu.memory_space<vmem_shared>>
          tpu.enqueue_indirect_dma source(%arg9 : memref<128x128xf32, #tpu.memory_space<vmem>>) target(%dma_start3A_159 : memref<10000x128xf32, #tpu.memory_space<vmem_shared>>) offsets(%dma_start3A_156 : memref<128xi32, #tpu.memory_space<vmem>>) semaphore(%run_scoped3A_153 : memref<!tpu.dma_semaphore, #tpu.memory_space<semaphore_mem>>) {add = true}
          %dma_wait3A_160 = arith.constant 0 : i32
          %dma_wait3A_161 = tpu.memref_slice %arg8[%run_scoped3A_92, %dma_wait3A_160] : memref<8x128xi32, #tpu.memory_space<vmem>> -> memref<1x128xi32, #tpu.memory_space<vmem>>
          %dma_wait3A_162 = tpu.memref_squeeze %dma_wait3A_161 : memref<1x128xi32, #tpu.memory_space<vmem>> -> memref<128xi32, #tpu.memory_space<vmem>>
          %dma_wait3A_163 = arith.constant 0 : i32
          %dma_wait3A_164 = arith.constant 0 : i32
          %dma_wait3A_165 = tpu.memref_slice %arg10[%dma_wait3A_163, %dma_wait3A_164] : memref<10000x128xf32, #tpu.memory_space<vmem_shared>> -> memref<10000x128xf32, #tpu.memory_space<vmem_shared>>
          tpu.wait_indirect_dma semaphore(%run_scoped3A_153 : memref<!tpu.dma_semaphore, #tpu.memory_space<semaphore_mem>>) src(%arg9 : memref<128x128xf32, #tpu.memory_space<vmem>>) dst(%dma_wait3A_165 : memref<10000x128xf32, #tpu.memory_space<vmem_shared>>)
          tpu.yield
        }) : () -> ()
        %dma_start3A_93 = arith.constant 4 : i32
        %dma_start3A_94 = arith.constant 0 : i32
        %dma_start3A_95 = tpu.memref_slice %arg7[%dma_start3A_93, %dma_start3A_94] : memref<8x128xi32, #tpu.memory_space<vmem>> -> memref<1x128xi32, #tpu.memory_space<vmem>>
        %dma_start3A_96 = tpu.memref_squeeze %dma_start3A_95 : memref<1x128xi32, #tpu.memory_space<vmem>> -> memref<128xi32, #tpu.memory_space<vmem>>
        %dma_start3A_97 = arith.constant 0 : i32
        %dma_start3A_98 = arith.constant 0 : i32
        %dma_start3A_99 = tpu.memref_slice %arg2[%dma_start3A_97, %dma_start3A_98] : memref<240000x128xf32, #tpu.memory_space<hbm>> -> memref<240000x128xf32, #tpu.memory_space<hbm>>
        tpu.enqueue_indirect_dma source(%dma_start3A_99 : memref<240000x128xf32, #tpu.memory_space<hbm>>) target(%arg9 : memref<128x128xf32, #tpu.memory_space<vmem>>) offsets(%dma_start3A_96 : memref<128xi32, #tpu.memory_space<vmem>>) semaphore(%arg11 : memref<!tpu.dma_semaphore, #tpu.memory_space<semaphore_mem>>)
        %dma_wait3A_100 = arith.constant 4 : i32
        %dma_wait3A_101 = arith.constant 0 : i32
        %dma_wait3A_102 = tpu.memref_slice %arg7[%dma_wait3A_100, %dma_wait3A_101] : memref<8x128xi32, #tpu.memory_space<vmem>> -> memref<1x128xi32, #tpu.memory_space<vmem>>
        %dma_wait3A_103 = tpu.memref_squeeze %dma_wait3A_102 : memref<1x128xi32, #tpu.memory_space<vmem>> -> memref<128xi32, #tpu.memory_space<vmem>>
        %dma_wait3A_104 = arith.constant 0 : i32
        %dma_wait3A_105 = arith.constant 0 : i32
        %dma_wait3A_106 = tpu.memref_slice %arg2[%dma_wait3A_104, %dma_wait3A_105] : memref<240000x128xf32, #tpu.memory_space<hbm>> -> memref<240000x128xf32, #tpu.memory_space<hbm>>
        tpu.wait_indirect_dma semaphore(%arg11 : memref<!tpu.dma_semaphore, #tpu.memory_space<semaphore_mem>>) src(%dma_wait3A_106 : memref<240000x128xf32, #tpu.memory_space<hbm>>) dst(%arg9 : memref<128x128xf32, #tpu.memory_space<vmem>>)
        %run_scoped3A_107 = arith.constant 4 : i32
        "tpu.region"() ({
          %run_scoped3A_153 = tpu.sem_alloc : memref<!tpu.dma_semaphore, #tpu.memory_space<semaphore_mem>>
          %dma_start3A_154 = arith.constant 0 : i32
          %dma_start3A_155 = tpu.memref_slice %arg8[%run_scoped3A_107, %dma_start3A_154] : memref<8x128xi32, #tpu.memory_space<vmem>> -> memref<1x128xi32, #tpu.memory_space<vmem>>
          %dma_start3A_156 = tpu.memref_squeeze %dma_start3A_155 : memref<1x128xi32, #tpu.memory_space<vmem>> -> memref<128xi32, #tpu.memory_space<vmem>>
          %dma_start3A_157 = arith.constant 0 : i32
          %dma_start3A_158 = arith.constant 0 : i32
          %dma_start3A_159 = tpu.memref_slice %arg10[%dma_start3A_157, %dma_start3A_158] : memref<10000x128xf32, #tpu.memory_space<vmem_shared>> -> memref<10000x128xf32, #tpu.memory_space<vmem_shared>>
          tpu.enqueue_indirect_dma source(%arg9 : memref<128x128xf32, #tpu.memory_space<vmem>>) target(%dma_start3A_159 : memref<10000x128xf32, #tpu.memory_space<vmem_shared>>) offsets(%dma_start3A_156 : memref<128xi32, #tpu.memory_space<vmem>>) semaphore(%run_scoped3A_153 : memref<!tpu.dma_semaphore, #tpu.memory_space<semaphore_mem>>) {add = true}
          %dma_wait3A_160 = arith.constant 0 : i32
          %dma_wait3A_161 = tpu.memref_slice %arg8[%run_scoped3A_107, %dma_wait3A_160] : memref<8x128xi32, #tpu.memory_space<vmem>> -> memref<1x128xi32, #tpu.memory_space<vmem>>
          %dma_wait3A_162 = tpu.memref_squeeze %dma_wait3A_161 : memref<1x128xi32, #tpu.memory_space<vmem>> -> memref<128xi32, #tpu.memory_space<vmem>>
          %dma_wait3A_163 = arith.constant 0 : i32
          %dma_wait3A_164 = arith.constant 0 : i32
          %dma_wait3A_165 = tpu.memref_slice %arg10[%dma_wait3A_163, %dma_wait3A_164] : memref<10000x128xf32, #tpu.memory_space<vmem_shared>> -> memref<10000x128xf32, #tpu.memory_space<vmem_shared>>
          tpu.wait_indirect_dma semaphore(%run_scoped3A_153 : memref<!tpu.dma_semaphore, #tpu.memory_space<semaphore_mem>>) src(%arg9 : memref<128x128xf32, #tpu.memory_space<vmem>>) dst(%dma_wait3A_165 : memref<10000x128xf32, #tpu.memory_space<vmem_shared>>)
          tpu.yield
        }) : () -> ()
        %dma_start3A_108 = arith.constant 5 : i32
        %dma_start3A_109 = arith.constant 0 : i32
        %dma_start3A_110 = tpu.memref_slice %arg7[%dma_start3A_108, %dma_start3A_109] : memref<8x128xi32, #tpu.memory_space<vmem>> -> memref<1x128xi32, #tpu.memory_space<vmem>>
        %dma_start3A_111 = tpu.memref_squeeze %dma_start3A_110 : memref<1x128xi32, #tpu.memory_space<vmem>> -> memref<128xi32, #tpu.memory_space<vmem>>
        %dma_start3A_112 = arith.constant 0 : i32
        %dma_start3A_113 = arith.constant 0 : i32
        %dma_start3A_114 = tpu.memref_slice %arg2[%dma_start3A_112, %dma_start3A_113] : memref<240000x128xf32, #tpu.memory_space<hbm>> -> memref<240000x128xf32, #tpu.memory_space<hbm>>
        tpu.enqueue_indirect_dma source(%dma_start3A_114 : memref<240000x128xf32, #tpu.memory_space<hbm>>) target(%arg9 : memref<128x128xf32, #tpu.memory_space<vmem>>) offsets(%dma_start3A_111 : memref<128xi32, #tpu.memory_space<vmem>>) semaphore(%arg11 : memref<!tpu.dma_semaphore, #tpu.memory_space<semaphore_mem>>)
        %dma_wait3A_115 = arith.constant 5 : i32
        %dma_wait3A_116 = arith.constant 0 : i32
        %dma_wait3A_117 = tpu.memref_slice %arg7[%dma_wait3A_115, %dma_wait3A_116] : memref<8x128xi32, #tpu.memory_space<vmem>> -> memref<1x128xi32, #tpu.memory_space<vmem>>
        %dma_wait3A_118 = tpu.memref_squeeze %dma_wait3A_117 : memref<1x128xi32, #tpu.memory_space<vmem>> -> memref<128xi32, #tpu.memory_space<vmem>>
        %dma_wait3A_119 = arith.constant 0 : i32
        %dma_wait3A_120 = arith.constant 0 : i32
        %dma_wait3A_121 = tpu.memref_slice %arg2[%dma_wait3A_119, %dma_wait3A_120] : memref<240000x128xf32, #tpu.memory_space<hbm>> -> memref<240000x128xf32, #tpu.memory_space<hbm>>
        tpu.wait_indirect_dma semaphore(%arg11 : memref<!tpu.dma_semaphore, #tpu.memory_space<semaphore_mem>>) src(%dma_wait3A_121 : memref<240000x128xf32, #tpu.memory_space<hbm>>) dst(%arg9 : memref<128x128xf32, #tpu.memory_space<vmem>>)
        %run_scoped3A_122 = arith.constant 5 : i32
        "tpu.region"() ({
          %run_scoped3A_153 = tpu.sem_alloc : memref<!tpu.dma_semaphore, #tpu.memory_space<semaphore_mem>>
          %dma_start3A_154 = arith.constant 0 : i32
          %dma_start3A_155 = tpu.memref_slice %arg8[%run_scoped3A_122, %dma_start3A_154] : memref<8x128xi32, #tpu.memory_space<vmem>> -> memref<1x128xi32, #tpu.memory_space<vmem>>
          %dma_start3A_156 = tpu.memref_squeeze %dma_start3A_155 : memref<1x128xi32, #tpu.memory_space<vmem>> -> memref<128xi32, #tpu.memory_space<vmem>>
          %dma_start3A_157 = arith.constant 0 : i32
          %dma_start3A_158 = arith.constant 0 : i32
          %dma_start3A_159 = tpu.memref_slice %arg10[%dma_start3A_157, %dma_start3A_158] : memref<10000x128xf32, #tpu.memory_space<vmem_shared>> -> memref<10000x128xf32, #tpu.memory_space<vmem_shared>>
          tpu.enqueue_indirect_dma source(%arg9 : memref<128x128xf32, #tpu.memory_space<vmem>>) target(%dma_start3A_159 : memref<10000x128xf32, #tpu.memory_space<vmem_shared>>) offsets(%dma_start3A_156 : memref<128xi32, #tpu.memory_space<vmem>>) semaphore(%run_scoped3A_153 : memref<!tpu.dma_semaphore, #tpu.memory_space<semaphore_mem>>) {add = true}
          %dma_wait3A_160 = arith.constant 0 : i32
          %dma_wait3A_161 = tpu.memref_slice %arg8[%run_scoped3A_122, %dma_wait3A_160] : memref<8x128xi32, #tpu.memory_space<vmem>> -> memref<1x128xi32, #tpu.memory_space<vmem>>
          %dma_wait3A_162 = tpu.memref_squeeze %dma_wait3A_161 : memref<1x128xi32, #tpu.memory_space<vmem>> -> memref<128xi32, #tpu.memory_space<vmem>>
          %dma_wait3A_163 = arith.constant 0 : i32
          %dma_wait3A_164 = arith.constant 0 : i32
          %dma_wait3A_165 = tpu.memref_slice %arg10[%dma_wait3A_163, %dma_wait3A_164] : memref<10000x128xf32, #tpu.memory_space<vmem_shared>> -> memref<10000x128xf32, #tpu.memory_space<vmem_shared>>
          tpu.wait_indirect_dma semaphore(%run_scoped3A_153 : memref<!tpu.dma_semaphore, #tpu.memory_space<semaphore_mem>>) src(%arg9 : memref<128x128xf32, #tpu.memory_space<vmem>>) dst(%dma_wait3A_165 : memref<10000x128xf32, #tpu.memory_space<vmem_shared>>)
          tpu.yield
        }) : () -> ()
        %dma_start3A_123 = arith.constant 6 : i32
        %dma_start3A_124 = arith.constant 0 : i32
        %dma_start3A_125 = tpu.memref_slice %arg7[%dma_start3A_123, %dma_start3A_124] : memref<8x128xi32, #tpu.memory_space<vmem>> -> memref<1x128xi32, #tpu.memory_space<vmem>>
        %dma_start3A_126 = tpu.memref_squeeze %dma_start3A_125 : memref<1x128xi32, #tpu.memory_space<vmem>> -> memref<128xi32, #tpu.memory_space<vmem>>
        %dma_start3A_127 = arith.constant 0 : i32
        %dma_start3A_128 = arith.constant 0 : i32
        %dma_start3A_129 = tpu.memref_slice %arg2[%dma_start3A_127, %dma_start3A_128] : memref<240000x128xf32, #tpu.memory_space<hbm>> -> memref<240000x128xf32, #tpu.memory_space<hbm>>
        tpu.enqueue_indirect_dma source(%dma_start3A_129 : memref<240000x128xf32, #tpu.memory_space<hbm>>) target(%arg9 : memref<128x128xf32, #tpu.memory_space<vmem>>) offsets(%dma_start3A_126 : memref<128xi32, #tpu.memory_space<vmem>>) semaphore(%arg11 : memref<!tpu.dma_semaphore, #tpu.memory_space<semaphore_mem>>)
        %dma_wait3A_130 = arith.constant 6 : i32
        %dma_wait3A_131 = arith.constant 0 : i32
        %dma_wait3A_132 = tpu.memref_slice %arg7[%dma_wait3A_130, %dma_wait3A_131] : memref<8x128xi32, #tpu.memory_space<vmem>> -> memref<1x128xi32, #tpu.memory_space<vmem>>
        %dma_wait3A_133 = tpu.memref_squeeze %dma_wait3A_132 : memref<1x128xi32, #tpu.memory_space<vmem>> -> memref<128xi32, #tpu.memory_space<vmem>>
        %dma_wait3A_134 = arith.constant 0 : i32
        %dma_wait3A_135 = arith.constant 0 : i32
        %dma_wait3A_136 = tpu.memref_slice %arg2[%dma_wait3A_134, %dma_wait3A_135] : memref<240000x128xf32, #tpu.memory_space<hbm>> -> memref<240000x128xf32, #tpu.memory_space<hbm>>
        tpu.wait_indirect_dma semaphore(%arg11 : memref<!tpu.dma_semaphore, #tpu.memory_space<semaphore_mem>>) src(%dma_wait3A_136 : memref<240000x128xf32, #tpu.memory_space<hbm>>) dst(%arg9 : memref<128x128xf32, #tpu.memory_space<vmem>>)
        %run_scoped3A_137 = arith.constant 6 : i32
        "tpu.region"() ({
          %run_scoped3A_153 = tpu.sem_alloc : memref<!tpu.dma_semaphore, #tpu.memory_space<semaphore_mem>>
          %dma_start3A_154 = arith.constant 0 : i32
          %dma_start3A_155 = tpu.memref_slice %arg8[%run_scoped3A_137, %dma_start3A_154] : memref<8x128xi32, #tpu.memory_space<vmem>> -> memref<1x128xi32, #tpu.memory_space<vmem>>
          %dma_start3A_156 = tpu.memref_squeeze %dma_start3A_155 : memref<1x128xi32, #tpu.memory_space<vmem>> -> memref<128xi32, #tpu.memory_space<vmem>>
          %dma_start3A_157 = arith.constant 0 : i32
          %dma_start3A_158 = arith.constant 0 : i32
          %dma_start3A_159 = tpu.memref_slice %arg10[%dma_start3A_157, %dma_start3A_158] : memref<10000x128xf32, #tpu.memory_space<vmem_shared>> -> memref<10000x128xf32, #tpu.memory_space<vmem_shared>>
          tpu.enqueue_indirect_dma source(%arg9 : memref<128x128xf32, #tpu.memory_space<vmem>>) target(%dma_start3A_159 : memref<10000x128xf32, #tpu.memory_space<vmem_shared>>) offsets(%dma_start3A_156 : memref<128xi32, #tpu.memory_space<vmem>>) semaphore(%run_scoped3A_153 : memref<!tpu.dma_semaphore, #tpu.memory_space<semaphore_mem>>) {add = true}
          %dma_wait3A_160 = arith.constant 0 : i32
          %dma_wait3A_161 = tpu.memref_slice %arg8[%run_scoped3A_137, %dma_wait3A_160] : memref<8x128xi32, #tpu.memory_space<vmem>> -> memref<1x128xi32, #tpu.memory_space<vmem>>
          %dma_wait3A_162 = tpu.memref_squeeze %dma_wait3A_161 : memref<1x128xi32, #tpu.memory_space<vmem>> -> memref<128xi32, #tpu.memory_space<vmem>>
          %dma_wait3A_163 = arith.constant 0 : i32
          %dma_wait3A_164 = arith.constant 0 : i32
          %dma_wait3A_165 = tpu.memref_slice %arg10[%dma_wait3A_163, %dma_wait3A_164] : memref<10000x128xf32, #tpu.memory_space<vmem_shared>> -> memref<10000x128xf32, #tpu.memory_space<vmem_shared>>
          tpu.wait_indirect_dma semaphore(%run_scoped3A_153 : memref<!tpu.dma_semaphore, #tpu.memory_space<semaphore_mem>>) src(%arg9 : memref<128x128xf32, #tpu.memory_space<vmem>>) dst(%dma_wait3A_165 : memref<10000x128xf32, #tpu.memory_space<vmem_shared>>)
          tpu.yield
        }) : () -> ()
        %dma_start3A_138 = arith.constant 7 : i32
        %dma_start3A_139 = arith.constant 0 : i32
        %dma_start3A_140 = tpu.memref_slice %arg7[%dma_start3A_138, %dma_start3A_139] : memref<8x128xi32, #tpu.memory_space<vmem>> -> memref<1x128xi32, #tpu.memory_space<vmem>>
        %dma_start3A_141 = tpu.memref_squeeze %dma_start3A_140 : memref<1x128xi32, #tpu.memory_space<vmem>> -> memref<128xi32, #tpu.memory_space<vmem>>
        %dma_start3A_142 = arith.constant 0 : i32
        %dma_start3A_143 = arith.constant 0 : i32
        %dma_start3A_144 = tpu.memref_slice %arg2[%dma_start3A_142, %dma_start3A_143] : memref<240000x128xf32, #tpu.memory_space<hbm>> -> memref<240000x128xf32, #tpu.memory_space<hbm>>
        tpu.enqueue_indirect_dma source(%dma_start3A_144 : memref<240000x128xf32, #tpu.memory_space<hbm>>) target(%arg9 : memref<128x128xf32, #tpu.memory_space<vmem>>) offsets(%dma_start3A_141 : memref<128xi32, #tpu.memory_space<vmem>>) semaphore(%arg11 : memref<!tpu.dma_semaphore, #tpu.memory_space<semaphore_mem>>)
        %dma_wait3A_145 = arith.constant 7 : i32
        %dma_wait3A_146 = arith.constant 0 : i32
        %dma_wait3A_147 = tpu.memref_slice %arg7[%dma_wait3A_145, %dma_wait3A_146] : memref<8x128xi32, #tpu.memory_space<vmem>> -> memref<1x128xi32, #tpu.memory_space<vmem>>
        %dma_wait3A_148 = tpu.memref_squeeze %dma_wait3A_147 : memref<1x128xi32, #tpu.memory_space<vmem>> -> memref<128xi32, #tpu.memory_space<vmem>>
        %dma_wait3A_149 = arith.constant 0 : i32
        %dma_wait3A_150 = arith.constant 0 : i32
        %dma_wait3A_151 = tpu.memref_slice %arg2[%dma_wait3A_149, %dma_wait3A_150] : memref<240000x128xf32, #tpu.memory_space<hbm>> -> memref<240000x128xf32, #tpu.memory_space<hbm>>
        tpu.wait_indirect_dma semaphore(%arg11 : memref<!tpu.dma_semaphore, #tpu.memory_space<semaphore_mem>>) src(%dma_wait3A_151 : memref<240000x128xf32, #tpu.memory_space<hbm>>) dst(%arg9 : memref<128x128xf32, #tpu.memory_space<vmem>>)
        %run_scoped3A_152 = arith.constant 7 : i32
        "tpu.region"() ({
          %run_scoped3A_153 = tpu.sem_alloc : memref<!tpu.dma_semaphore, #tpu.memory_space<semaphore_mem>>
          %dma_start3A_154 = arith.constant 0 : i32
          %dma_start3A_155 = tpu.memref_slice %arg8[%run_scoped3A_152, %dma_start3A_154] : memref<8x128xi32, #tpu.memory_space<vmem>> -> memref<1x128xi32, #tpu.memory_space<vmem>>
          %dma_start3A_156 = tpu.memref_squeeze %dma_start3A_155 : memref<1x128xi32, #tpu.memory_space<vmem>> -> memref<128xi32, #tpu.memory_space<vmem>>
          %dma_start3A_157 = arith.constant 0 : i32
          %dma_start3A_158 = arith.constant 0 : i32
          %dma_start3A_159 = tpu.memref_slice %arg10[%dma_start3A_157, %dma_start3A_158] : memref<10000x128xf32, #tpu.memory_space<vmem_shared>> -> memref<10000x128xf32, #tpu.memory_space<vmem_shared>>
          tpu.enqueue_indirect_dma source(%arg9 : memref<128x128xf32, #tpu.memory_space<vmem>>) target(%dma_start3A_159 : memref<10000x128xf32, #tpu.memory_space<vmem_shared>>) offsets(%dma_start3A_156 : memref<128xi32, #tpu.memory_space<vmem>>) semaphore(%run_scoped3A_153 : memref<!tpu.dma_semaphore, #tpu.memory_space<semaphore_mem>>) {add = true}
          %dma_wait3A_160 = arith.constant 0 : i32
          %dma_wait3A_161 = tpu.memref_slice %arg8[%run_scoped3A_152, %dma_wait3A_160] : memref<8x128xi32, #tpu.memory_space<vmem>> -> memref<1x128xi32, #tpu.memory_space<vmem>>
          %dma_wait3A_162 = tpu.memref_squeeze %dma_wait3A_161 : memref<1x128xi32, #tpu.memory_space<vmem>> -> memref<128xi32, #tpu.memory_space<vmem>>
          %dma_wait3A_163 = arith.constant 0 : i32
          %dma_wait3A_164 = arith.constant 0 : i32
          %dma_wait3A_165 = tpu.memref_slice %arg10[%dma_wait3A_163, %dma_wait3A_164] : memref<10000x128xf32, #tpu.memory_space<vmem_shared>> -> memref<10000x128xf32, #tpu.memory_space<vmem_shared>>
          tpu.wait_indirect_dma semaphore(%run_scoped3A_153 : memref<!tpu.dma_semaphore, #tpu.memory_space<semaphore_mem>>) src(%arg9 : memref<128x128xf32, #tpu.memory_space<vmem>>) dst(%dma_wait3A_165 : memref<10000x128xf32, #tpu.memory_space<vmem_shared>>)
          tpu.yield
        }) : () -> ()
      } else {
      }
    }
    %scan3A_11 = arith.constant 20 : i32
    %barrier3A_12 = arith.constant 0 : index
    tpu.barrier barrier_id(%barrier3A_12)
    %lt3A_13 = arith.constant 15 : i32
    %lt3A_14 = arith.cmpi slt, %arg1, %lt3A_13 : i32
    %convert_element_type3A_15 = arith.extui %lt3A_14 : i1 to i32
    %cond3A_16 = arith.constant 0 : i32
    %cond3A_17 = arith.cmpi ne, %convert_element_type3A_15, %cond3A_16 : i32
    scf.if %cond3A_17 {
      %mul3A_23 = arith.constant 624 : i32
      %mul3A_24 = arith.muli %arg1, %mul3A_23 : i32
      %mul3A_25 = arith.constant 624 : i32
      %mul3A_26 = arith.muli %arg1, %mul3A_25 : i32
      "tpu.region"() ({
        %run_scoped3A = tpu.sem_alloc : memref<!tpu.dma_semaphore, #tpu.memory_space<semaphore_mem>>
        %dma_start3A = arith.constant 0 : i32
        %dma_start3A_27 = tpu.memref_slice %arg6[%arg0, %mul3A_26, %dma_start3A] : memref<2x10000x128xf32, #tpu.memory_space<hbm>> -> memref<1x624x128xf32, #tpu.memory_space<hbm>>
        %dma_start3A_28 = tpu.memref_squeeze %dma_start3A_27 : memref<1x624x128xf32, #tpu.memory_space<hbm>> -> memref<624x128xf32, #tpu.memory_space<hbm>>
        %dma_start3A_29 = arith.constant 0 : i32
        %dma_start3A_30 = tpu.memref_slice %arg10[%mul3A_24, %dma_start3A_29] : memref<10000x128xf32, #tpu.memory_space<vmem_shared>> -> memref<624x128xf32, #tpu.memory_space<vmem_shared>>
        tpu.enqueue_dma source(%dma_start3A_30 : memref<624x128xf32, #tpu.memory_space<vmem_shared>>) target(%dma_start3A_28 : memref<624x128xf32, #tpu.memory_space<hbm>>) target_semaphore(%run_scoped3A : memref<!tpu.dma_semaphore, #tpu.memory_space<semaphore_mem>>)
        %dma_wait3A = arith.constant 0 : i32
        %dma_wait3A_31 = tpu.memref_slice %arg6[%arg0, %mul3A_26, %dma_wait3A] : memref<2x10000x128xf32, #tpu.memory_space<hbm>> -> memref<1x624x128xf32, #tpu.memory_space<hbm>>
        %dma_wait3A_32 = tpu.memref_squeeze %dma_wait3A_31 : memref<1x624x128xf32, #tpu.memory_space<hbm>> -> memref<624x128xf32, #tpu.memory_space<hbm>>
        %dma_wait3A_33 = arith.constant 0 : i32
        %dma_wait3A_34 = tpu.memref_slice %arg10[%mul3A_24, %dma_wait3A_33] : memref<10000x128xf32, #tpu.memory_space<vmem_shared>> -> memref<624x128xf32, #tpu.memory_space<vmem_shared>>
        tpu.wait_dma2 semaphore(%run_scoped3A : memref<!tpu.dma_semaphore, #tpu.memory_space<semaphore_mem>>) src(%dma_wait3A_34 : memref<624x128xf32, #tpu.memory_space<vmem_shared>>) dst(%dma_wait3A_32 : memref<624x128xf32, #tpu.memory_space<hbm>>)
        tpu.yield
      }) : () -> ()
    } else {
    }
    %eq3A_18 = arith.constant 15 : i32
    %eq3A_19 = arith.cmpi eq, %arg1, %eq3A_18 : i32
    %convert_element_type3A_20 = arith.extui %eq3A_19 : i1 to i32
    %cond3A_21 = arith.constant 0 : i32
    %cond3A_22 = arith.cmpi ne, %convert_element_type3A_20, %cond3A_21 : i32
    scf.if %cond3A_22 {
      "tpu.region"() ({
        %run_scoped3A = tpu.sem_alloc : memref<!tpu.dma_semaphore, #tpu.memory_space<semaphore_mem>>
        %dma_start3A = arith.constant 9360 : i32
        %dma_start3A_23 = arith.constant 0 : i32
        %dma_start3A_24 = tpu.memref_slice %arg6[%arg0, %dma_start3A, %dma_start3A_23] : memref<2x10000x128xf32, #tpu.memory_space<hbm>> -> memref<1x640x128xf32, #tpu.memory_space<hbm>>
        %dma_start3A_25 = tpu.memref_squeeze %dma_start3A_24 : memref<1x640x128xf32, #tpu.memory_space<hbm>> -> memref<640x128xf32, #tpu.memory_space<hbm>>
        %dma_start3A_26 = arith.constant 9360 : i32
        %dma_start3A_27 = arith.constant 0 : i32
        %dma_start3A_28 = tpu.memref_slice %arg10[%dma_start3A_26, %dma_start3A_27] : memref<10000x128xf32, #tpu.memory_space<vmem_shared>> -> memref<640x128xf32, #tpu.memory_space<vmem_shared>>
        tpu.enqueue_dma source(%dma_start3A_28 : memref<640x128xf32, #tpu.memory_space<vmem_shared>>) target(%dma_start3A_25 : memref<640x128xf32, #tpu.memory_space<hbm>>) target_semaphore(%run_scoped3A : memref<!tpu.dma_semaphore, #tpu.memory_space<semaphore_mem>>)
        %dma_wait3A = arith.constant 9360 : i32
        %dma_wait3A_29 = arith.constant 0 : i32
        %dma_wait3A_30 = tpu.memref_slice %arg6[%arg0, %dma_wait3A, %dma_wait3A_29] : memref<2x10000x128xf32, #tpu.memory_space<hbm>> -> memref<1x640x128xf32, #tpu.memory_space<hbm>>
        %dma_wait3A_31 = tpu.memref_squeeze %dma_wait3A_30 : memref<1x640x128xf32, #tpu.memory_space<hbm>> -> memref<640x128xf32, #tpu.memory_space<hbm>>
        %dma_wait3A_32 = arith.constant 9360 : i32
        %dma_wait3A_33 = arith.constant 0 : i32
        %dma_wait3A_34 = tpu.memref_slice %arg10[%dma_wait3A_32, %dma_wait3A_33] : memref<10000x128xf32, #tpu.memory_space<vmem_shared>> -> memref<640x128xf32, #tpu.memory_space<vmem_shared>>
        tpu.wait_dma2 semaphore(%run_scoped3A : memref<!tpu.dma_semaphore, #tpu.memory_space<semaphore_mem>>) src(%dma_wait3A_34 : memref<640x128xf32, #tpu.memory_space<vmem_shared>>) dst(%dma_wait3A_31 : memref<640x128xf32, #tpu.memory_space<hbm>>)
        tpu.yield
      }) : () -> ()
    } else {
    }
    return
  }
}

#map = affine_map<(d0, d1) -> (0, 0)>
#map1 = affine_map<(d0, d1) -> (0, 0, 0)>
module attributes {stable_mosaic.version = 14 : i64} {
  func.func @k(%arg0: i32, %arg1: i32, %arg2: memref<240000x128xf32, #tpu.memory_space<hbm>>, %arg3: memref<5000x128xi32, #tpu.memory_space<hbm>>, %arg4: memref<5000x128xi32, #tpu.memory_space<hbm>>, %arg5: memref<10000x128xf32, #tpu.memory_space<hbm>>, %arg6: memref<2x10000x128xf32, #tpu.memory_space<hbm>>, %arg7: memref<8x128xi32, #tpu.memory_space<vmem>>, %arg8: memref<8x128xi32, #tpu.memory_space<vmem>>, %arg9: memref<128x128xf32, #tpu.memory_space<vmem>>, %arg10: memref<10000x128xf32, #tpu.memory_space<vmem_shared>>, %arg11: memref<!tpu.dma_semaphore, #tpu.memory_space<semaphore_mem>>) attributes {dimension_semantics = [#tpu.dimension_semantics<core_parallel>, #tpu.dimension_semantics<subcore_parallel>], iteration_bounds = array<i64: 2, 16>, scalar_prefetch = 0 : i64, scratch_operands = 5 : i64, tpu.core_type = #tpu.core_type<sc_vector_subcore>, window_params = [{transform_indices = #map}, {transform_indices = #map}, {transform_indices = #map}, {transform_indices = #map}, {transform_indices = #map1}]} {
    %mul3A = arith.constant 2 : i32
    %mul3A_0 = arith.muli %arg1, %mul3A : i32
    %add3A = arith.addi %mul3A_0, %arg0 : i32
    %lt3A = arith.constant 15 : i32
    %lt3A_1 = arith.cmpi slt, %arg1, %lt3A : i32
    %convert_element_type3A = arith.extui %lt3A_1 : i1 to i32
    %cond3A = arith.constant 0 : i32
    %cond3A_2 = arith.cmpi ne, %convert_element_type3A, %cond3A : i32
    scf.if %cond3A_2 {
      %mul3A_23 = arith.constant 624 : i32
      %mul3A_24 = arith.muli %arg1, %mul3A_23 : i32
      %mul3A_25 = arith.constant 624 : i32
      %mul3A_26 = arith.muli %arg1, %mul3A_25 : i32
      "tpu.region"() ({
        %run_scoped3A = tpu.sem_alloc : memref<!tpu.dma_semaphore, #tpu.memory_space<semaphore_mem>>
        %dma_start3A = arith.constant 0 : i32
        %dma_start3A_27 = tpu.memref_slice %arg10[%mul3A_26, %dma_start3A] : memref<10000x128xf32, #tpu.memory_space<vmem_shared>> -> memref<624x128xf32, #tpu.memory_space<vmem_shared>>
        %dma_start3A_28 = arith.constant 0 : i32
        %dma_start3A_29 = tpu.memref_slice %arg5[%mul3A_24, %dma_start3A_28] : memref<10000x128xf32, #tpu.memory_space<hbm>> -> memref<624x128xf32, #tpu.memory_space<hbm>>
        tpu.enqueue_dma source(%dma_start3A_29 : memref<624x128xf32, #tpu.memory_space<hbm>>) target(%dma_start3A_27 : memref<624x128xf32, #tpu.memory_space<vmem_shared>>) target_semaphore(%run_scoped3A : memref<!tpu.dma_semaphore, #tpu.memory_space<semaphore_mem>>)
        %dma_wait3A = arith.constant 0 : i32
        %dma_wait3A_30 = tpu.memref_slice %arg10[%mul3A_26, %dma_wait3A] : memref<10000x128xf32, #tpu.memory_space<vmem_shared>> -> memref<624x128xf32, #tpu.memory_space<vmem_shared>>
        %dma_wait3A_31 = arith.constant 0 : i32
        %dma_wait3A_32 = tpu.memref_slice %arg5[%mul3A_24, %dma_wait3A_31] : memref<10000x128xf32, #tpu.memory_space<hbm>> -> memref<624x128xf32, #tpu.memory_space<hbm>>
        tpu.wait_dma2 semaphore(%run_scoped3A : memref<!tpu.dma_semaphore, #tpu.memory_space<semaphore_mem>>) src(%dma_wait3A_32 : memref<624x128xf32, #tpu.memory_space<hbm>>) dst(%dma_wait3A_30 : memref<624x128xf32, #tpu.memory_space<vmem_shared>>)
        tpu.yield
      }) : () -> ()
    } else {
    }
    %eq3A = arith.constant 15 : i32
    %eq3A_3 = arith.cmpi eq, %arg1, %eq3A : i32
    %convert_element_type3A_4 = arith.extui %eq3A_3 : i1 to i32
    %cond3A_5 = arith.constant 0 : i32
    %cond3A_6 = arith.cmpi ne, %convert_element_type3A_4, %cond3A_5 : i32
    scf.if %cond3A_6 {
      "tpu.region"() ({
        %run_scoped3A = tpu.sem_alloc : memref<!tpu.dma_semaphore, #tpu.memory_space<semaphore_mem>>
        %dma_start3A = arith.constant 9360 : i32
        %dma_start3A_23 = arith.constant 0 : i32
        %dma_start3A_24 = tpu.memref_slice %arg10[%dma_start3A, %dma_start3A_23] : memref<10000x128xf32, #tpu.memory_space<vmem_shared>> -> memref<640x128xf32, #tpu.memory_space<vmem_shared>>
        %dma_start3A_25 = arith.constant 9360 : i32
        %dma_start3A_26 = arith.constant 0 : i32
        %dma_start3A_27 = tpu.memref_slice %arg5[%dma_start3A_25, %dma_start3A_26] : memref<10000x128xf32, #tpu.memory_space<hbm>> -> memref<640x128xf32, #tpu.memory_space<hbm>>
        tpu.enqueue_dma source(%dma_start3A_27 : memref<640x128xf32, #tpu.memory_space<hbm>>) target(%dma_start3A_24 : memref<640x128xf32, #tpu.memory_space<vmem_shared>>) target_semaphore(%run_scoped3A : memref<!tpu.dma_semaphore, #tpu.memory_space<semaphore_mem>>)
        %dma_wait3A = arith.constant 9360 : i32
        %dma_wait3A_28 = arith.constant 0 : i32
        %dma_wait3A_29 = tpu.memref_slice %arg10[%dma_wait3A, %dma_wait3A_28] : memref<10000x128xf32, #tpu.memory_space<vmem_shared>> -> memref<640x128xf32, #tpu.memory_space<vmem_shared>>
        %dma_wait3A_30 = arith.constant 9360 : i32
        %dma_wait3A_31 = arith.constant 0 : i32
        %dma_wait3A_32 = tpu.memref_slice %arg5[%dma_wait3A_30, %dma_wait3A_31] : memref<10000x128xf32, #tpu.memory_space<hbm>> -> memref<640x128xf32, #tpu.memory_space<hbm>>
        tpu.wait_dma2 semaphore(%run_scoped3A : memref<!tpu.dma_semaphore, #tpu.memory_space<semaphore_mem>>) src(%dma_wait3A_32 : memref<640x128xf32, #tpu.memory_space<hbm>>) dst(%dma_wait3A_29 : memref<640x128xf32, #tpu.memory_space<vmem_shared>>)
        tpu.yield
      }) : () -> ()
    } else {
    }
    %barrier3A = arith.constant 0 : index
    tpu.barrier barrier_id(%barrier3A)
    %scan3A = arith.constant 0 : i32
    %scan3A_7 = arith.constant 0 : i32
    %scan3A_8 = arith.constant 20 : i32
    %scan3A_9 = arith.addi %scan3A_7, %scan3A_8 : i32
    %scan3A_10 = arith.constant 1 : i32
    scf.for %scan3A_23 = %scan3A_7 to %scan3A_9 step %scan3A_10  : i32 {
      %mul3A_24 = arith.constant 32 : i32
      %mul3A_25 = arith.muli %scan3A_23, %mul3A_24 : i32
      %add3A_26 = arith.addi %add3A, %mul3A_25 : i32
      %lt3A_27 = arith.constant 625 : i32
      %lt3A_28 = arith.cmpi slt, %add3A_26, %lt3A_27 : i32
      %convert_element_type3A_29 = arith.extui %lt3A_28 : i1 to i32
      %cond3A_30 = arith.constant 0 : i32
      %cond3A_31 = arith.cmpi ne, %convert_element_type3A_29, %cond3A_30 : i32
      scf.if %cond3A_31 {
        %mul3A_32 = arith.constant 8 : i32
        %mul3A_33 = arith.muli %add3A_26, %mul3A_32 : i32
        "tpu.region"() ({
          %run_scoped3A_153 = tpu.sem_alloc : memref<!tpu.dma_semaphore, #tpu.memory_space<semaphore_mem>>
          %dma_start3A_154 = arith.constant 0 : i32
          %dma_start3A_155 = tpu.memref_slice %arg3[%mul3A_33, %dma_start3A_154] : memref<5000x128xi32, #tpu.memory_space<hbm>> -> memref<8x128xi32, #tpu.memory_space<hbm>>
          %dma_start3A_156 = arith.constant 0 : i32
          %dma_start3A_157 = tpu.memref_slice %arg3[%mul3A_33, %dma_start3A_156] : memref<5000x128xi32, #tpu.memory_space<hbm>> -> memref<8x128xi32, #tpu.memory_space<hbm>>
          tpu.enqueue_dma source(%dma_start3A_157 : memref<8x128xi32, #tpu.memory_space<hbm>>) target(%arg7 : memref<8x128xi32, #tpu.memory_space<vmem>>) target_semaphore(%run_scoped3A_153 : memref<!tpu.dma_semaphore, #tpu.memory_space<semaphore_mem>>)
          %dma_wait3A_158 = arith.constant 0 : i32
          %dma_wait3A_159 = tpu.memref_slice %arg3[%mul3A_33, %dma_wait3A_158] : memref<5000x128xi32, #tpu.memory_space<hbm>> -> memref<8x128xi32, #tpu.memory_space<hbm>>
          %dma_wait3A_160 = arith.constant 0 : i32
          %dma_wait3A_161 = tpu.memref_slice %arg3[%mul3A_33, %dma_wait3A_160] : memref<5000x128xi32, #tpu.memory_space<hbm>> -> memref<8x128xi32, #tpu.memory_space<hbm>>
          tpu.wait_dma2 semaphore(%run_scoped3A_153 : memref<!tpu.dma_semaphore, #tpu.memory_space<semaphore_mem>>) src(%dma_wait3A_161 : memref<8x128xi32, #tpu.memory_space<hbm>>) dst(%arg7 : memref<8x128xi32, #tpu.memory_space<vmem>>)
          tpu.yield
        }) : () -> ()
        %mul3A_34 = arith.constant 8 : i32
        %mul3A_35 = arith.muli %add3A_26, %mul3A_34 : i32
        "tpu.region"() ({
          %run_scoped3A_153 = tpu.sem_alloc : memref<!tpu.dma_semaphore, #tpu.memory_space<semaphore_mem>>
          %dma_start3A_154 = arith.constant 0 : i32
          %dma_start3A_155 = tpu.memref_slice %arg4[%mul3A_35, %dma_start3A_154] : memref<5000x128xi32, #tpu.memory_space<hbm>> -> memref<8x128xi32, #tpu.memory_space<hbm>>
          %dma_start3A_156 = arith.constant 0 : i32
          %dma_start3A_157 = tpu.memref_slice %arg4[%mul3A_35, %dma_start3A_156] : memref<5000x128xi32, #tpu.memory_space<hbm>> -> memref<8x128xi32, #tpu.memory_space<hbm>>
          tpu.enqueue_dma source(%dma_start3A_157 : memref<8x128xi32, #tpu.memory_space<hbm>>) target(%arg8 : memref<8x128xi32, #tpu.memory_space<vmem>>) target_semaphore(%run_scoped3A_153 : memref<!tpu.dma_semaphore, #tpu.memory_space<semaphore_mem>>)
          %dma_wait3A_158 = arith.constant 0 : i32
          %dma_wait3A_159 = tpu.memref_slice %arg4[%mul3A_35, %dma_wait3A_158] : memref<5000x128xi32, #tpu.memory_space<hbm>> -> memref<8x128xi32, #tpu.memory_space<hbm>>
          %dma_wait3A_160 = arith.constant 0 : i32
          %dma_wait3A_161 = tpu.memref_slice %arg4[%mul3A_35, %dma_wait3A_160] : memref<5000x128xi32, #tpu.memory_space<hbm>> -> memref<8x128xi32, #tpu.memory_space<hbm>>
          tpu.wait_dma2 semaphore(%run_scoped3A_153 : memref<!tpu.dma_semaphore, #tpu.memory_space<semaphore_mem>>) src(%dma_wait3A_161 : memref<8x128xi32, #tpu.memory_space<hbm>>) dst(%arg8 : memref<8x128xi32, #tpu.memory_space<vmem>>)
          tpu.yield
        }) : () -> ()
        %dma_start3A = arith.constant 0 : i32
        %dma_start3A_36 = arith.constant 0 : i32
        %dma_start3A_37 = tpu.memref_slice %arg7[%dma_start3A, %dma_start3A_36] : memref<8x128xi32, #tpu.memory_space<vmem>> -> memref<1x128xi32, #tpu.memory_space<vmem>>
        %dma_start3A_38 = tpu.memref_squeeze %dma_start3A_37 : memref<1x128xi32, #tpu.memory_space<vmem>> -> memref<128xi32, #tpu.memory_space<vmem>>
        %dma_start3A_39 = arith.constant 0 : i32
        %dma_start3A_40 = arith.constant 0 : i32
        %dma_start3A_41 = tpu.memref_slice %arg2[%dma_start3A_39, %dma_start3A_40] : memref<240000x128xf32, #tpu.memory_space<hbm>> -> memref<240000x128xf32, #tpu.memory_space<hbm>>
        tpu.enqueue_indirect_dma source(%dma_start3A_41 : memref<240000x128xf32, #tpu.memory_space<hbm>>) target(%arg9 : memref<128x128xf32, #tpu.memory_space<vmem>>) offsets(%dma_start3A_38 : memref<128xi32, #tpu.memory_space<vmem>>) semaphore(%arg11 : memref<!tpu.dma_semaphore, #tpu.memory_space<semaphore_mem>>)
        %dma_wait3A = arith.constant 0 : i32
        %dma_wait3A_42 = arith.constant 0 : i32
        %dma_wait3A_43 = tpu.memref_slice %arg7[%dma_wait3A, %dma_wait3A_42] : memref<8x128xi32, #tpu.memory_space<vmem>> -> memref<1x128xi32, #tpu.memory_space<vmem>>
        %dma_wait3A_44 = tpu.memref_squeeze %dma_wait3A_43 : memref<1x128xi32, #tpu.memory_space<vmem>> -> memref<128xi32, #tpu.memory_space<vmem>>
        %dma_wait3A_45 = arith.constant 0 : i32
        %dma_wait3A_46 = arith.constant 0 : i32
        %dma_wait3A_47 = tpu.memref_slice %arg2[%dma_wait3A_45, %dma_wait3A_46] : memref<240000x128xf32, #tpu.memory_space<hbm>> -> memref<240000x128xf32, #tpu.memory_space<hbm>>
        tpu.wait_indirect_dma semaphore(%arg11 : memref<!tpu.dma_semaphore, #tpu.memory_space<semaphore_mem>>) src(%dma_wait3A_47 : memref<240000x128xf32, #tpu.memory_space<hbm>>) dst(%arg9 : memref<128x128xf32, #tpu.memory_space<vmem>>)
        %run_scoped3A = arith.constant 0 : i32
        "tpu.region"() ({
          %run_scoped3A_153 = tpu.sem_alloc : memref<!tpu.dma_semaphore, #tpu.memory_space<semaphore_mem>>
          %dma_start3A_154 = arith.constant 0 : i32
          %dma_start3A_155 = tpu.memref_slice %arg8[%run_scoped3A, %dma_start3A_154] : memref<8x128xi32, #tpu.memory_space<vmem>> -> memref<1x128xi32, #tpu.memory_space<vmem>>
          %dma_start3A_156 = tpu.memref_squeeze %dma_start3A_155 : memref<1x128xi32, #tpu.memory_space<vmem>> -> memref<128xi32, #tpu.memory_space<vmem>>
          %dma_start3A_157 = arith.constant 0 : i32
          %dma_start3A_158 = arith.constant 0 : i32
          %dma_start3A_159 = tpu.memref_slice %arg10[%dma_start3A_157, %dma_start3A_158] : memref<10000x128xf32, #tpu.memory_space<vmem_shared>> -> memref<10000x128xf32, #tpu.memory_space<vmem_shared>>
          tpu.enqueue_indirect_dma source(%arg9 : memref<128x128xf32, #tpu.memory_space<vmem>>) target(%dma_start3A_159 : memref<10000x128xf32, #tpu.memory_space<vmem_shared>>) offsets(%dma_start3A_156 : memref<128xi32, #tpu.memory_space<vmem>>) semaphore(%run_scoped3A_153 : memref<!tpu.dma_semaphore, #tpu.memory_space<semaphore_mem>>) {add = true}
          %dma_wait3A_160 = arith.constant 0 : i32
          %dma_wait3A_161 = tpu.memref_slice %arg8[%run_scoped3A, %dma_wait3A_160] : memref<8x128xi32, #tpu.memory_space<vmem>> -> memref<1x128xi32, #tpu.memory_space<vmem>>
          %dma_wait3A_162 = tpu.memref_squeeze %dma_wait3A_161 : memref<1x128xi32, #tpu.memory_space<vmem>> -> memref<128xi32, #tpu.memory_space<vmem>>
          %dma_wait3A_163 = arith.constant 0 : i32
          %dma_wait3A_164 = arith.constant 0 : i32
          %dma_wait3A_165 = tpu.memref_slice %arg10[%dma_wait3A_163, %dma_wait3A_164] : memref<10000x128xf32, #tpu.memory_space<vmem_shared>> -> memref<10000x128xf32, #tpu.memory_space<vmem_shared>>
          tpu.wait_indirect_dma semaphore(%run_scoped3A_153 : memref<!tpu.dma_semaphore, #tpu.memory_space<semaphore_mem>>) src(%arg9 : memref<128x128xf32, #tpu.memory_space<vmem>>) dst(%dma_wait3A_165 : memref<10000x128xf32, #tpu.memory_space<vmem_shared>>)
          tpu.yield
        }) : () -> ()
        %dma_start3A_48 = arith.constant 1 : i32
        %dma_start3A_49 = arith.constant 0 : i32
        %dma_start3A_50 = tpu.memref_slice %arg7[%dma_start3A_48, %dma_start3A_49] : memref<8x128xi32, #tpu.memory_space<vmem>> -> memref<1x128xi32, #tpu.memory_space<vmem>>
        %dma_start3A_51 = tpu.memref_squeeze %dma_start3A_50 : memref<1x128xi32, #tpu.memory_space<vmem>> -> memref<128xi32, #tpu.memory_space<vmem>>
        %dma_start3A_52 = arith.constant 0 : i32
        %dma_start3A_53 = arith.constant 0 : i32
        %dma_start3A_54 = tpu.memref_slice %arg2[%dma_start3A_52, %dma_start3A_53] : memref<240000x128xf32, #tpu.memory_space<hbm>> -> memref<240000x128xf32, #tpu.memory_space<hbm>>
        tpu.enqueue_indirect_dma source(%dma_start3A_54 : memref<240000x128xf32, #tpu.memory_space<hbm>>) target(%arg9 : memref<128x128xf32, #tpu.memory_space<vmem>>) offsets(%dma_start3A_51 : memref<128xi32, #tpu.memory_space<vmem>>) semaphore(%arg11 : memref<!tpu.dma_semaphore, #tpu.memory_space<semaphore_mem>>)
        %dma_wait3A_55 = arith.constant 1 : i32
        %dma_wait3A_56 = arith.constant 0 : i32
        %dma_wait3A_57 = tpu.memref_slice %arg7[%dma_wait3A_55, %dma_wait3A_56] : memref<8x128xi32, #tpu.memory_space<vmem>> -> memref<1x128xi32, #tpu.memory_space<vmem>>
        %dma_wait3A_58 = tpu.memref_squeeze %dma_wait3A_57 : memref<1x128xi32, #tpu.memory_space<vmem>> -> memref<128xi32, #tpu.memory_space<vmem>>
        %dma_wait3A_59 = arith.constant 0 : i32
        %dma_wait3A_60 = arith.constant 0 : i32
        %dma_wait3A_61 = tpu.memref_slice %arg2[%dma_wait3A_59, %dma_wait3A_60] : memref<240000x128xf32, #tpu.memory_space<hbm>> -> memref<240000x128xf32, #tpu.memory_space<hbm>>
        tpu.wait_indirect_dma semaphore(%arg11 : memref<!tpu.dma_semaphore, #tpu.memory_space<semaphore_mem>>) src(%dma_wait3A_61 : memref<240000x128xf32, #tpu.memory_space<hbm>>) dst(%arg9 : memref<128x128xf32, #tpu.memory_space<vmem>>)
        %run_scoped3A_62 = arith.constant 1 : i32
        "tpu.region"() ({
          %run_scoped3A_153 = tpu.sem_alloc : memref<!tpu.dma_semaphore, #tpu.memory_space<semaphore_mem>>
          %dma_start3A_154 = arith.constant 0 : i32
          %dma_start3A_155 = tpu.memref_slice %arg8[%run_scoped3A_62, %dma_start3A_154] : memref<8x128xi32, #tpu.memory_space<vmem>> -> memref<1x128xi32, #tpu.memory_space<vmem>>
          %dma_start3A_156 = tpu.memref_squeeze %dma_start3A_155 : memref<1x128xi32, #tpu.memory_space<vmem>> -> memref<128xi32, #tpu.memory_space<vmem>>
          %dma_start3A_157 = arith.constant 0 : i32
          %dma_start3A_158 = arith.constant 0 : i32
          %dma_start3A_159 = tpu.memref_slice %arg10[%dma_start3A_157, %dma_start3A_158] : memref<10000x128xf32, #tpu.memory_space<vmem_shared>> -> memref<10000x128xf32, #tpu.memory_space<vmem_shared>>
          tpu.enqueue_indirect_dma source(%arg9 : memref<128x128xf32, #tpu.memory_space<vmem>>) target(%dma_start3A_159 : memref<10000x128xf32, #tpu.memory_space<vmem_shared>>) offsets(%dma_start3A_156 : memref<128xi32, #tpu.memory_space<vmem>>) semaphore(%run_scoped3A_153 : memref<!tpu.dma_semaphore, #tpu.memory_space<semaphore_mem>>) {add = true}
          %dma_wait3A_160 = arith.constant 0 : i32
          %dma_wait3A_161 = tpu.memref_slice %arg8[%run_scoped3A_62, %dma_wait3A_160] : memref<8x128xi32, #tpu.memory_space<vmem>> -> memref<1x128xi32, #tpu.memory_space<vmem>>
          %dma_wait3A_162 = tpu.memref_squeeze %dma_wait3A_161 : memref<1x128xi32, #tpu.memory_space<vmem>> -> memref<128xi32, #tpu.memory_space<vmem>>
          %dma_wait3A_163 = arith.constant 0 : i32
          %dma_wait3A_164 = arith.constant 0 : i32
          %dma_wait3A_165 = tpu.memref_slice %arg10[%dma_wait3A_163, %dma_wait3A_164] : memref<10000x128xf32, #tpu.memory_space<vmem_shared>> -> memref<10000x128xf32, #tpu.memory_space<vmem_shared>>
          tpu.wait_indirect_dma semaphore(%run_scoped3A_153 : memref<!tpu.dma_semaphore, #tpu.memory_space<semaphore_mem>>) src(%arg9 : memref<128x128xf32, #tpu.memory_space<vmem>>) dst(%dma_wait3A_165 : memref<10000x128xf32, #tpu.memory_space<vmem_shared>>)
          tpu.yield
        }) : () -> ()
        %dma_start3A_63 = arith.constant 2 : i32
        %dma_start3A_64 = arith.constant 0 : i32
        %dma_start3A_65 = tpu.memref_slice %arg7[%dma_start3A_63, %dma_start3A_64] : memref<8x128xi32, #tpu.memory_space<vmem>> -> memref<1x128xi32, #tpu.memory_space<vmem>>
        %dma_start3A_66 = tpu.memref_squeeze %dma_start3A_65 : memref<1x128xi32, #tpu.memory_space<vmem>> -> memref<128xi32, #tpu.memory_space<vmem>>
        %dma_start3A_67 = arith.constant 0 : i32
        %dma_start3A_68 = arith.constant 0 : i32
        %dma_start3A_69 = tpu.memref_slice %arg2[%dma_start3A_67, %dma_start3A_68] : memref<240000x128xf32, #tpu.memory_space<hbm>> -> memref<240000x128xf32, #tpu.memory_space<hbm>>
        tpu.enqueue_indirect_dma source(%dma_start3A_69 : memref<240000x128xf32, #tpu.memory_space<hbm>>) target(%arg9 : memref<128x128xf32, #tpu.memory_space<vmem>>) offsets(%dma_start3A_66 : memref<128xi32, #tpu.memory_space<vmem>>) semaphore(%arg11 : memref<!tpu.dma_semaphore, #tpu.memory_space<semaphore_mem>>)
        %dma_wait3A_70 = arith.constant 2 : i32
        %dma_wait3A_71 = arith.constant 0 : i32
        %dma_wait3A_72 = tpu.memref_slice %arg7[%dma_wait3A_70, %dma_wait3A_71] : memref<8x128xi32, #tpu.memory_space<vmem>> -> memref<1x128xi32, #tpu.memory_space<vmem>>
        %dma_wait3A_73 = tpu.memref_squeeze %dma_wait3A_72 : memref<1x128xi32, #tpu.memory_space<vmem>> -> memref<128xi32, #tpu.memory_space<vmem>>
        %dma_wait3A_74 = arith.constant 0 : i32
        %dma_wait3A_75 = arith.constant 0 : i32
        %dma_wait3A_76 = tpu.memref_slice %arg2[%dma_wait3A_74, %dma_wait3A_75] : memref<240000x128xf32, #tpu.memory_space<hbm>> -> memref<240000x128xf32, #tpu.memory_space<hbm>>
        tpu.wait_indirect_dma semaphore(%arg11 : memref<!tpu.dma_semaphore, #tpu.memory_space<semaphore_mem>>) src(%dma_wait3A_76 : memref<240000x128xf32, #tpu.memory_space<hbm>>) dst(%arg9 : memref<128x128xf32, #tpu.memory_space<vmem>>)
        %run_scoped3A_77 = arith.constant 2 : i32
        "tpu.region"() ({
          %run_scoped3A_153 = tpu.sem_alloc : memref<!tpu.dma_semaphore, #tpu.memory_space<semaphore_mem>>
          %dma_start3A_154 = arith.constant 0 : i32
          %dma_start3A_155 = tpu.memref_slice %arg8[%run_scoped3A_77, %dma_start3A_154] : memref<8x128xi32, #tpu.memory_space<vmem>> -> memref<1x128xi32, #tpu.memory_space<vmem>>
          %dma_start3A_156 = tpu.memref_squeeze %dma_start3A_155 : memref<1x128xi32, #tpu.memory_space<vmem>> -> memref<128xi32, #tpu.memory_space<vmem>>
          %dma_start3A_157 = arith.constant 0 : i32
          %dma_start3A_158 = arith.constant 0 : i32
          %dma_start3A_159 = tpu.memref_slice %arg10[%dma_start3A_157, %dma_start3A_158] : memref<10000x128xf32, #tpu.memory_space<vmem_shared>> -> memref<10000x128xf32, #tpu.memory_space<vmem_shared>>
          tpu.enqueue_indirect_dma source(%arg9 : memref<128x128xf32, #tpu.memory_space<vmem>>) target(%dma_start3A_159 : memref<10000x128xf32, #tpu.memory_space<vmem_shared>>) offsets(%dma_start3A_156 : memref<128xi32, #tpu.memory_space<vmem>>) semaphore(%run_scoped3A_153 : memref<!tpu.dma_semaphore, #tpu.memory_space<semaphore_mem>>) {add = true}
          %dma_wait3A_160 = arith.constant 0 : i32
          %dma_wait3A_161 = tpu.memref_slice %arg8[%run_scoped3A_77, %dma_wait3A_160] : memref<8x128xi32, #tpu.memory_space<vmem>> -> memref<1x128xi32, #tpu.memory_space<vmem>>
          %dma_wait3A_162 = tpu.memref_squeeze %dma_wait3A_161 : memref<1x128xi32, #tpu.memory_space<vmem>> -> memref<128xi32, #tpu.memory_space<vmem>>
          %dma_wait3A_163 = arith.constant 0 : i32
          %dma_wait3A_164 = arith.constant 0 : i32
          %dma_wait3A_165 = tpu.memref_slice %arg10[%dma_wait3A_163, %dma_wait3A_164] : memref<10000x128xf32, #tpu.memory_space<vmem_shared>> -> memref<10000x128xf32, #tpu.memory_space<vmem_shared>>
          tpu.wait_indirect_dma semaphore(%run_scoped3A_153 : memref<!tpu.dma_semaphore, #tpu.memory_space<semaphore_mem>>) src(%arg9 : memref<128x128xf32, #tpu.memory_space<vmem>>) dst(%dma_wait3A_165 : memref<10000x128xf32, #tpu.memory_space<vmem_shared>>)
          tpu.yield
        }) : () -> ()
        %dma_start3A_78 = arith.constant 3 : i32
        %dma_start3A_79 = arith.constant 0 : i32
        %dma_start3A_80 = tpu.memref_slice %arg7[%dma_start3A_78, %dma_start3A_79] : memref<8x128xi32, #tpu.memory_space<vmem>> -> memref<1x128xi32, #tpu.memory_space<vmem>>
        %dma_start3A_81 = tpu.memref_squeeze %dma_start3A_80 : memref<1x128xi32, #tpu.memory_space<vmem>> -> memref<128xi32, #tpu.memory_space<vmem>>
        %dma_start3A_82 = arith.constant 0 : i32
        %dma_start3A_83 = arith.constant 0 : i32
        %dma_start3A_84 = tpu.memref_slice %arg2[%dma_start3A_82, %dma_start3A_83] : memref<240000x128xf32, #tpu.memory_space<hbm>> -> memref<240000x128xf32, #tpu.memory_space<hbm>>
        tpu.enqueue_indirect_dma source(%dma_start3A_84 : memref<240000x128xf32, #tpu.memory_space<hbm>>) target(%arg9 : memref<128x128xf32, #tpu.memory_space<vmem>>) offsets(%dma_start3A_81 : memref<128xi32, #tpu.memory_space<vmem>>) semaphore(%arg11 : memref<!tpu.dma_semaphore, #tpu.memory_space<semaphore_mem>>)
        %dma_wait3A_85 = arith.constant 3 : i32
        %dma_wait3A_86 = arith.constant 0 : i32
        %dma_wait3A_87 = tpu.memref_slice %arg7[%dma_wait3A_85, %dma_wait3A_86] : memref<8x128xi32, #tpu.memory_space<vmem>> -> memref<1x128xi32, #tpu.memory_space<vmem>>
        %dma_wait3A_88 = tpu.memref_squeeze %dma_wait3A_87 : memref<1x128xi32, #tpu.memory_space<vmem>> -> memref<128xi32, #tpu.memory_space<vmem>>
        %dma_wait3A_89 = arith.constant 0 : i32
        %dma_wait3A_90 = arith.constant 0 : i32
        %dma_wait3A_91 = tpu.memref_slice %arg2[%dma_wait3A_89, %dma_wait3A_90] : memref<240000x128xf32, #tpu.memory_space<hbm>> -> memref<240000x128xf32, #tpu.memory_space<hbm>>
        tpu.wait_indirect_dma semaphore(%arg11 : memref<!tpu.dma_semaphore, #tpu.memory_space<semaphore_mem>>) src(%dma_wait3A_91 : memref<240000x128xf32, #tpu.memory_space<hbm>>) dst(%arg9 : memref<128x128xf32, #tpu.memory_space<vmem>>)
        %run_scoped3A_92 = arith.constant 3 : i32
        "tpu.region"() ({
          %run_scoped3A_153 = tpu.sem_alloc : memref<!tpu.dma_semaphore, #tpu.memory_space<semaphore_mem>>
          %dma_start3A_154 = arith.constant 0 : i32
          %dma_start3A_155 = tpu.memref_slice %arg8[%run_scoped3A_92, %dma_start3A_154] : memref<8x128xi32, #tpu.memory_space<vmem>> -> memref<1x128xi32, #tpu.memory_space<vmem>>
          %dma_start3A_156 = tpu.memref_squeeze %dma_start3A_155 : memref<1x128xi32, #tpu.memory_space<vmem>> -> memref<128xi32, #tpu.memory_space<vmem>>
          %dma_start3A_157 = arith.constant 0 : i32
          %dma_start3A_158 = arith.constant 0 : i32
          %dma_start3A_159 = tpu.memref_slice %arg10[%dma_start3A_157, %dma_start3A_158] : memref<10000x128xf32, #tpu.memory_space<vmem_shared>> -> memref<10000x128xf32, #tpu.memory_space<vmem_shared>>
          tpu.enqueue_indirect_dma source(%arg9 : memref<128x128xf32, #tpu.memory_space<vmem>>) target(%dma_start3A_159 : memref<10000x128xf32, #tpu.memory_space<vmem_shared>>) offsets(%dma_start3A_156 : memref<128xi32, #tpu.memory_space<vmem>>) semaphore(%run_scoped3A_153 : memref<!tpu.dma_semaphore, #tpu.memory_space<semaphore_mem>>) {add = true}
          %dma_wait3A_160 = arith.constant 0 : i32
          %dma_wait3A_161 = tpu.memref_slice %arg8[%run_scoped3A_92, %dma_wait3A_160] : memref<8x128xi32, #tpu.memory_space<vmem>> -> memref<1x128xi32, #tpu.memory_space<vmem>>
          %dma_wait3A_162 = tpu.memref_squeeze %dma_wait3A_161 : memref<1x128xi32, #tpu.memory_space<vmem>> -> memref<128xi32, #tpu.memory_space<vmem>>
          %dma_wait3A_163 = arith.constant 0 : i32
          %dma_wait3A_164 = arith.constant 0 : i32
          %dma_wait3A_165 = tpu.memref_slice %arg10[%dma_wait3A_163, %dma_wait3A_164] : memref<10000x128xf32, #tpu.memory_space<vmem_shared>> -> memref<10000x128xf32, #tpu.memory_space<vmem_shared>>
          tpu.wait_indirect_dma semaphore(%run_scoped3A_153 : memref<!tpu.dma_semaphore, #tpu.memory_space<semaphore_mem>>) src(%arg9 : memref<128x128xf32, #tpu.memory_space<vmem>>) dst(%dma_wait3A_165 : memref<10000x128xf32, #tpu.memory_space<vmem_shared>>)
          tpu.yield
        }) : () -> ()
        %dma_start3A_93 = arith.constant 4 : i32
        %dma_start3A_94 = arith.constant 0 : i32
        %dma_start3A_95 = tpu.memref_slice %arg7[%dma_start3A_93, %dma_start3A_94] : memref<8x128xi32, #tpu.memory_space<vmem>> -> memref<1x128xi32, #tpu.memory_space<vmem>>
        %dma_start3A_96 = tpu.memref_squeeze %dma_start3A_95 : memref<1x128xi32, #tpu.memory_space<vmem>> -> memref<128xi32, #tpu.memory_space<vmem>>
        %dma_start3A_97 = arith.constant 0 : i32
        %dma_start3A_98 = arith.constant 0 : i32
        %dma_start3A_99 = tpu.memref_slice %arg2[%dma_start3A_97, %dma_start3A_98] : memref<240000x128xf32, #tpu.memory_space<hbm>> -> memref<240000x128xf32, #tpu.memory_space<hbm>>
        tpu.enqueue_indirect_dma source(%dma_start3A_99 : memref<240000x128xf32, #tpu.memory_space<hbm>>) target(%arg9 : memref<128x128xf32, #tpu.memory_space<vmem>>) offsets(%dma_start3A_96 : memref<128xi32, #tpu.memory_space<vmem>>) semaphore(%arg11 : memref<!tpu.dma_semaphore, #tpu.memory_space<semaphore_mem>>)
        %dma_wait3A_100 = arith.constant 4 : i32
        %dma_wait3A_101 = arith.constant 0 : i32
        %dma_wait3A_102 = tpu.memref_slice %arg7[%dma_wait3A_100, %dma_wait3A_101] : memref<8x128xi32, #tpu.memory_space<vmem>> -> memref<1x128xi32, #tpu.memory_space<vmem>>
        %dma_wait3A_103 = tpu.memref_squeeze %dma_wait3A_102 : memref<1x128xi32, #tpu.memory_space<vmem>> -> memref<128xi32, #tpu.memory_space<vmem>>
        %dma_wait3A_104 = arith.constant 0 : i32
        %dma_wait3A_105 = arith.constant 0 : i32
        %dma_wait3A_106 = tpu.memref_slice %arg2[%dma_wait3A_104, %dma_wait3A_105] : memref<240000x128xf32, #tpu.memory_space<hbm>> -> memref<240000x128xf32, #tpu.memory_space<hbm>>
        tpu.wait_indirect_dma semaphore(%arg11 : memref<!tpu.dma_semaphore, #tpu.memory_space<semaphore_mem>>) src(%dma_wait3A_106 : memref<240000x128xf32, #tpu.memory_space<hbm>>) dst(%arg9 : memref<128x128xf32, #tpu.memory_space<vmem>>)
        %run_scoped3A_107 = arith.constant 4 : i32
        "tpu.region"() ({
          %run_scoped3A_153 = tpu.sem_alloc : memref<!tpu.dma_semaphore, #tpu.memory_space<semaphore_mem>>
          %dma_start3A_154 = arith.constant 0 : i32
          %dma_start3A_155 = tpu.memref_slice %arg8[%run_scoped3A_107, %dma_start3A_154] : memref<8x128xi32, #tpu.memory_space<vmem>> -> memref<1x128xi32, #tpu.memory_space<vmem>>
          %dma_start3A_156 = tpu.memref_squeeze %dma_start3A_155 : memref<1x128xi32, #tpu.memory_space<vmem>> -> memref<128xi32, #tpu.memory_space<vmem>>
          %dma_start3A_157 = arith.constant 0 : i32
          %dma_start3A_158 = arith.constant 0 : i32
          %dma_start3A_159 = tpu.memref_slice %arg10[%dma_start3A_157, %dma_start3A_158] : memref<10000x128xf32, #tpu.memory_space<vmem_shared>> -> memref<10000x128xf32, #tpu.memory_space<vmem_shared>>
          tpu.enqueue_indirect_dma source(%arg9 : memref<128x128xf32, #tpu.memory_space<vmem>>) target(%dma_start3A_159 : memref<10000x128xf32, #tpu.memory_space<vmem_shared>>) offsets(%dma_start3A_156 : memref<128xi32, #tpu.memory_space<vmem>>) semaphore(%run_scoped3A_153 : memref<!tpu.dma_semaphore, #tpu.memory_space<semaphore_mem>>) {add = true}
          %dma_wait3A_160 = arith.constant 0 : i32
          %dma_wait3A_161 = tpu.memref_slice %arg8[%run_scoped3A_107, %dma_wait3A_160] : memref<8x128xi32, #tpu.memory_space<vmem>> -> memref<1x128xi32, #tpu.memory_space<vmem>>
          %dma_wait3A_162 = tpu.memref_squeeze %dma_wait3A_161 : memref<1x128xi32, #tpu.memory_space<vmem>> -> memref<128xi32, #tpu.memory_space<vmem>>
          %dma_wait3A_163 = arith.constant 0 : i32
          %dma_wait3A_164 = arith.constant 0 : i32
          %dma_wait3A_165 = tpu.memref_slice %arg10[%dma_wait3A_163, %dma_wait3A_164] : memref<10000x128xf32, #tpu.memory_space<vmem_shared>> -> memref<10000x128xf32, #tpu.memory_space<vmem_shared>>
          tpu.wait_indirect_dma semaphore(%run_scoped3A_153 : memref<!tpu.dma_semaphore, #tpu.memory_space<semaphore_mem>>) src(%arg9 : memref<128x128xf32, #tpu.memory_space<vmem>>) dst(%dma_wait3A_165 : memref<10000x128xf32, #tpu.memory_space<vmem_shared>>)
          tpu.yield
        }) : () -> ()
        %dma_start3A_108 = arith.constant 5 : i32
        %dma_start3A_109 = arith.constant 0 : i32
        %dma_start3A_110 = tpu.memref_slice %arg7[%dma_start3A_108, %dma_start3A_109] : memref<8x128xi32, #tpu.memory_space<vmem>> -> memref<1x128xi32, #tpu.memory_space<vmem>>
        %dma_start3A_111 = tpu.memref_squeeze %dma_start3A_110 : memref<1x128xi32, #tpu.memory_space<vmem>> -> memref<128xi32, #tpu.memory_space<vmem>>
        %dma_start3A_112 = arith.constant 0 : i32
        %dma_start3A_113 = arith.constant 0 : i32
        %dma_start3A_114 = tpu.memref_slice %arg2[%dma_start3A_112, %dma_start3A_113] : memref<240000x128xf32, #tpu.memory_space<hbm>> -> memref<240000x128xf32, #tpu.memory_space<hbm>>
        tpu.enqueue_indirect_dma source(%dma_start3A_114 : memref<240000x128xf32, #tpu.memory_space<hbm>>) target(%arg9 : memref<128x128xf32, #tpu.memory_space<vmem>>) offsets(%dma_start3A_111 : memref<128xi32, #tpu.memory_space<vmem>>) semaphore(%arg11 : memref<!tpu.dma_semaphore, #tpu.memory_space<semaphore_mem>>)
        %dma_wait3A_115 = arith.constant 5 : i32
        %dma_wait3A_116 = arith.constant 0 : i32
        %dma_wait3A_117 = tpu.memref_slice %arg7[%dma_wait3A_115, %dma_wait3A_116] : memref<8x128xi32, #tpu.memory_space<vmem>> -> memref<1x128xi32, #tpu.memory_space<vmem>>
        %dma_wait3A_118 = tpu.memref_squeeze %dma_wait3A_117 : memref<1x128xi32, #tpu.memory_space<vmem>> -> memref<128xi32, #tpu.memory_space<vmem>>
        %dma_wait3A_119 = arith.constant 0 : i32
        %dma_wait3A_120 = arith.constant 0 : i32
        %dma_wait3A_121 = tpu.memref_slice %arg2[%dma_wait3A_119, %dma_wait3A_120] : memref<240000x128xf32, #tpu.memory_space<hbm>> -> memref<240000x128xf32, #tpu.memory_space<hbm>>
        tpu.wait_indirect_dma semaphore(%arg11 : memref<!tpu.dma_semaphore, #tpu.memory_space<semaphore_mem>>) src(%dma_wait3A_121 : memref<240000x128xf32, #tpu.memory_space<hbm>>) dst(%arg9 : memref<128x128xf32, #tpu.memory_space<vmem>>)
        %run_scoped3A_122 = arith.constant 5 : i32
        "tpu.region"() ({
          %run_scoped3A_153 = tpu.sem_alloc : memref<!tpu.dma_semaphore, #tpu.memory_space<semaphore_mem>>
          %dma_start3A_154 = arith.constant 0 : i32
          %dma_start3A_155 = tpu.memref_slice %arg8[%run_scoped3A_122, %dma_start3A_154] : memref<8x128xi32, #tpu.memory_space<vmem>> -> memref<1x128xi32, #tpu.memory_space<vmem>>
          %dma_start3A_156 = tpu.memref_squeeze %dma_start3A_155 : memref<1x128xi32, #tpu.memory_space<vmem>> -> memref<128xi32, #tpu.memory_space<vmem>>
          %dma_start3A_157 = arith.constant 0 : i32
          %dma_start3A_158 = arith.constant 0 : i32
          %dma_start3A_159 = tpu.memref_slice %arg10[%dma_start3A_157, %dma_start3A_158] : memref<10000x128xf32, #tpu.memory_space<vmem_shared>> -> memref<10000x128xf32, #tpu.memory_space<vmem_shared>>
          tpu.enqueue_indirect_dma source(%arg9 : memref<128x128xf32, #tpu.memory_space<vmem>>) target(%dma_start3A_159 : memref<10000x128xf32, #tpu.memory_space<vmem_shared>>) offsets(%dma_start3A_156 : memref<128xi32, #tpu.memory_space<vmem>>) semaphore(%run_scoped3A_153 : memref<!tpu.dma_semaphore, #tpu.memory_space<semaphore_mem>>) {add = true}
          %dma_wait3A_160 = arith.constant 0 : i32
          %dma_wait3A_161 = tpu.memref_slice %arg8[%run_scoped3A_122, %dma_wait3A_160] : memref<8x128xi32, #tpu.memory_space<vmem>> -> memref<1x128xi32, #tpu.memory_space<vmem>>
          %dma_wait3A_162 = tpu.memref_squeeze %dma_wait3A_161 : memref<1x128xi32, #tpu.memory_space<vmem>> -> memref<128xi32, #tpu.memory_space<vmem>>
          %dma_wait3A_163 = arith.constant 0 : i32
          %dma_wait3A_164 = arith.constant 0 : i32
          %dma_wait3A_165 = tpu.memref_slice %arg10[%dma_wait3A_163, %dma_wait3A_164] : memref<10000x128xf32, #tpu.memory_space<vmem_shared>> -> memref<10000x128xf32, #tpu.memory_space<vmem_shared>>
          tpu.wait_indirect_dma semaphore(%run_scoped3A_153 : memref<!tpu.dma_semaphore, #tpu.memory_space<semaphore_mem>>) src(%arg9 : memref<128x128xf32, #tpu.memory_space<vmem>>) dst(%dma_wait3A_165 : memref<10000x128xf32, #tpu.memory_space<vmem_shared>>)
          tpu.yield
        }) : () -> ()
        %dma_start3A_123 = arith.constant 6 : i32
        %dma_start3A_124 = arith.constant 0 : i32
        %dma_start3A_125 = tpu.memref_slice %arg7[%dma_start3A_123, %dma_start3A_124] : memref<8x128xi32, #tpu.memory_space<vmem>> -> memref<1x128xi32, #tpu.memory_space<vmem>>
        %dma_start3A_126 = tpu.memref_squeeze %dma_start3A_125 : memref<1x128xi32, #tpu.memory_space<vmem>> -> memref<128xi32, #tpu.memory_space<vmem>>
        %dma_start3A_127 = arith.constant 0 : i32
        %dma_start3A_128 = arith.constant 0 : i32
        %dma_start3A_129 = tpu.memref_slice %arg2[%dma_start3A_127, %dma_start3A_128] : memref<240000x128xf32, #tpu.memory_space<hbm>> -> memref<240000x128xf32, #tpu.memory_space<hbm>>
        tpu.enqueue_indirect_dma source(%dma_start3A_129 : memref<240000x128xf32, #tpu.memory_space<hbm>>) target(%arg9 : memref<128x128xf32, #tpu.memory_space<vmem>>) offsets(%dma_start3A_126 : memref<128xi32, #tpu.memory_space<vmem>>) semaphore(%arg11 : memref<!tpu.dma_semaphore, #tpu.memory_space<semaphore_mem>>)
        %dma_wait3A_130 = arith.constant 6 : i32
        %dma_wait3A_131 = arith.constant 0 : i32
        %dma_wait3A_132 = tpu.memref_slice %arg7[%dma_wait3A_130, %dma_wait3A_131] : memref<8x128xi32, #tpu.memory_space<vmem>> -> memref<1x128xi32, #tpu.memory_space<vmem>>
        %dma_wait3A_133 = tpu.memref_squeeze %dma_wait3A_132 : memref<1x128xi32, #tpu.memory_space<vmem>> -> memref<128xi32, #tpu.memory_space<vmem>>
        %dma_wait3A_134 = arith.constant 0 : i32
        %dma_wait3A_135 = arith.constant 0 : i32
        %dma_wait3A_136 = tpu.memref_slice %arg2[%dma_wait3A_134, %dma_wait3A_135] : memref<240000x128xf32, #tpu.memory_space<hbm>> -> memref<240000x128xf32, #tpu.memory_space<hbm>>
        tpu.wait_indirect_dma semaphore(%arg11 : memref<!tpu.dma_semaphore, #tpu.memory_space<semaphore_mem>>) src(%dma_wait3A_136 : memref<240000x128xf32, #tpu.memory_space<hbm>>) dst(%arg9 : memref<128x128xf32, #tpu.memory_space<vmem>>)
        %run_scoped3A_137 = arith.constant 6 : i32
        "tpu.region"() ({
          %run_scoped3A_153 = tpu.sem_alloc : memref<!tpu.dma_semaphore, #tpu.memory_space<semaphore_mem>>
          %dma_start3A_154 = arith.constant 0 : i32
          %dma_start3A_155 = tpu.memref_slice %arg8[%run_scoped3A_137, %dma_start3A_154] : memref<8x128xi32, #tpu.memory_space<vmem>> -> memref<1x128xi32, #tpu.memory_space<vmem>>
          %dma_start3A_156 = tpu.memref_squeeze %dma_start3A_155 : memref<1x128xi32, #tpu.memory_space<vmem>> -> memref<128xi32, #tpu.memory_space<vmem>>
          %dma_start3A_157 = arith.constant 0 : i32
          %dma_start3A_158 = arith.constant 0 : i32
          %dma_start3A_159 = tpu.memref_slice %arg10[%dma_start3A_157, %dma_start3A_158] : memref<10000x128xf32, #tpu.memory_space<vmem_shared>> -> memref<10000x128xf32, #tpu.memory_space<vmem_shared>>
          tpu.enqueue_indirect_dma source(%arg9 : memref<128x128xf32, #tpu.memory_space<vmem>>) target(%dma_start3A_159 : memref<10000x128xf32, #tpu.memory_space<vmem_shared>>) offsets(%dma_start3A_156 : memref<128xi32, #tpu.memory_space<vmem>>) semaphore(%run_scoped3A_153 : memref<!tpu.dma_semaphore, #tpu.memory_space<semaphore_mem>>) {add = true}
          %dma_wait3A_160 = arith.constant 0 : i32
          %dma_wait3A_161 = tpu.memref_slice %arg8[%run_scoped3A_137, %dma_wait3A_160] : memref<8x128xi32, #tpu.memory_space<vmem>> -> memref<1x128xi32, #tpu.memory_space<vmem>>
          %dma_wait3A_162 = tpu.memref_squeeze %dma_wait3A_161 : memref<1x128xi32, #tpu.memory_space<vmem>> -> memref<128xi32, #tpu.memory_space<vmem>>
          %dma_wait3A_163 = arith.constant 0 : i32
          %dma_wait3A_164 = arith.constant 0 : i32
          %dma_wait3A_165 = tpu.memref_slice %arg10[%dma_wait3A_163, %dma_wait3A_164] : memref<10000x128xf32, #tpu.memory_space<vmem_shared>> -> memref<10000x128xf32, #tpu.memory_space<vmem_shared>>
          tpu.wait_indirect_dma semaphore(%run_scoped3A_153 : memref<!tpu.dma_semaphore, #tpu.memory_space<semaphore_mem>>) src(%arg9 : memref<128x128xf32, #tpu.memory_space<vmem>>) dst(%dma_wait3A_165 : memref<10000x128xf32, #tpu.memory_space<vmem_shared>>)
          tpu.yield
        }) : () -> ()
        %dma_start3A_138 = arith.constant 7 : i32
        %dma_start3A_139 = arith.constant 0 : i32
        %dma_start3A_140 = tpu.memref_slice %arg7[%dma_start3A_138, %dma_start3A_139] : memref<8x128xi32, #tpu.memory_space<vmem>> -> memref<1x128xi32, #tpu.memory_space<vmem>>
        %dma_start3A_141 = tpu.memref_squeeze %dma_start3A_140 : memref<1x128xi32, #tpu.memory_space<vmem>> -> memref<128xi32, #tpu.memory_space<vmem>>
        %dma_start3A_142 = arith.constant 0 : i32
        %dma_start3A_143 = arith.constant 0 : i32
        %dma_start3A_144 = tpu.memref_slice %arg2[%dma_start3A_142, %dma_start3A_143] : memref<240000x128xf32, #tpu.memory_space<hbm>> -> memref<240000x128xf32, #tpu.memory_space<hbm>>
        tpu.enqueue_indirect_dma source(%dma_start3A_144 : memref<240000x128xf32, #tpu.memory_space<hbm>>) target(%arg9 : memref<128x128xf32, #tpu.memory_space<vmem>>) offsets(%dma_start3A_141 : memref<128xi32, #tpu.memory_space<vmem>>) semaphore(%arg11 : memref<!tpu.dma_semaphore, #tpu.memory_space<semaphore_mem>>)
        %dma_wait3A_145 = arith.constant 7 : i32
        %dma_wait3A_146 = arith.constant 0 : i32
        %dma_wait3A_147 = tpu.memref_slice %arg7[%dma_wait3A_145, %dma_wait3A_146] : memref<8x128xi32, #tpu.memory_space<vmem>> -> memref<1x128xi32, #tpu.memory_space<vmem>>
        %dma_wait3A_148 = tpu.memref_squeeze %dma_wait3A_147 : memref<1x128xi32, #tpu.memory_space<vmem>> -> memref<128xi32, #tpu.memory_space<vmem>>
        %dma_wait3A_149 = arith.constant 0 : i32
        %dma_wait3A_150 = arith.constant 0 : i32
        %dma_wait3A_151 = tpu.memref_slice %arg2[%dma_wait3A_149, %dma_wait3A_150] : memref<240000x128xf32, #tpu.memory_space<hbm>> -> memref<240000x128xf32, #tpu.memory_space<hbm>>
        tpu.wait_indirect_dma semaphore(%arg11 : memref<!tpu.dma_semaphore, #tpu.memory_space<semaphore_mem>>) src(%dma_wait3A_151 : memref<240000x128xf32, #tpu.memory_space<hbm>>) dst(%arg9 : memref<128x128xf32, #tpu.memory_space<vmem>>)
        %run_scoped3A_152 = arith.constant 7 : i32
        "tpu.region"() ({
          %run_scoped3A_153 = tpu.sem_alloc : memref<!tpu.dma_semaphore, #tpu.memory_space<semaphore_mem>>
          %dma_start3A_154 = arith.constant 0 : i32
          %dma_start3A_155 = tpu.memref_slice %arg8[%run_scoped3A_152, %dma_start3A_154] : memref<8x128xi32, #tpu.memory_space<vmem>> -> memref<1x128xi32, #tpu.memory_space<vmem>>
          %dma_start3A_156 = tpu.memref_squeeze %dma_start3A_155 : memref<1x128xi32, #tpu.memory_space<vmem>> -> memref<128xi32, #tpu.memory_space<vmem>>
          %dma_start3A_157 = arith.constant 0 : i32
          %dma_start3A_158 = arith.constant 0 : i32
          %dma_start3A_159 = tpu.memref_slice %arg10[%dma_start3A_157, %dma_start3A_158] : memref<10000x128xf32, #tpu.memory_space<vmem_shared>> -> memref<10000x128xf32, #tpu.memory_space<vmem_shared>>
          tpu.enqueue_indirect_dma source(%arg9 : memref<128x128xf32, #tpu.memory_space<vmem>>) target(%dma_start3A_159 : memref<10000x128xf32, #tpu.memory_space<vmem_shared>>) offsets(%dma_start3A_156 : memref<128xi32, #tpu.memory_space<vmem>>) semaphore(%run_scoped3A_153 : memref<!tpu.dma_semaphore, #tpu.memory_space<semaphore_mem>>) {add = true}
          %dma_wait3A_160 = arith.constant 0 : i32
          %dma_wait3A_161 = tpu.memref_slice %arg8[%run_scoped3A_152, %dma_wait3A_160] : memref<8x128xi32, #tpu.memory_space<vmem>> -> memref<1x128xi32, #tpu.memory_space<vmem>>
          %dma_wait3A_162 = tpu.memref_squeeze %dma_wait3A_161 : memref<1x128xi32, #tpu.memory_space<vmem>> -> memref<128xi32, #tpu.memory_space<vmem>>
          %dma_wait3A_163 = arith.constant 0 : i32
          %dma_wait3A_164 = arith.constant 0 : i32
          %dma_wait3A_165 = tpu.memref_slice %arg10[%dma_wait3A_163, %dma_wait3A_164] : memref<10000x128xf32, #tpu.memory_space<vmem_shared>> -> memref<10000x128xf32, #tpu.memory_space<vmem_shared>>
          tpu.wait_indirect_dma semaphore(%run_scoped3A_153 : memref<!tpu.dma_semaphore, #tpu.memory_space<semaphore_mem>>) src(%arg9 : memref<128x128xf32, #tpu.memory_space<vmem>>) dst(%dma_wait3A_165 : memref<10000x128xf32, #tpu.memory_space<vmem_shared>>)
          tpu.yield
        }) : () -> ()
      } else {
      }
    }
    %scan3A_11 = arith.constant 20 : i32
    %barrier3A_12 = arith.constant 0 : index
    tpu.barrier barrier_id(%barrier3A_12)
    %lt3A_13 = arith.constant 15 : i32
    %lt3A_14 = arith.cmpi slt, %arg1, %lt3A_13 : i32
    %convert_element_type3A_15 = arith.extui %lt3A_14 : i1 to i32
    %cond3A_16 = arith.constant 0 : i32
    %cond3A_17 = arith.cmpi ne, %convert_element_type3A_15, %cond3A_16 : i32
    scf.if %cond3A_17 {
      %mul3A_23 = arith.constant 624 : i32
      %mul3A_24 = arith.muli %arg1, %mul3A_23 : i32
      %mul3A_25 = arith.constant 624 : i32
      %mul3A_26 = arith.muli %arg1, %mul3A_25 : i32
      "tpu.region"() ({
        %run_scoped3A = tpu.sem_alloc : memref<!tpu.dma_semaphore, #tpu.memory_space<semaphore_mem>>
        %dma_start3A = arith.constant 0 : i32
        %dma_start3A_27 = tpu.memref_slice %arg6[%arg0, %mul3A_26, %dma_start3A] : memref<2x10000x128xf32, #tpu.memory_space<hbm>> -> memref<1x624x128xf32, #tpu.memory_space<hbm>>
        %dma_start3A_28 = tpu.memref_squeeze %dma_start3A_27 : memref<1x624x128xf32, #tpu.memory_space<hbm>> -> memref<624x128xf32, #tpu.memory_space<hbm>>
        %dma_start3A_29 = arith.constant 0 : i32
        %dma_start3A_30 = tpu.memref_slice %arg10[%mul3A_24, %dma_start3A_29] : memref<10000x128xf32, #tpu.memory_space<vmem_shared>> -> memref<624x128xf32, #tpu.memory_space<vmem_shared>>
        tpu.enqueue_dma source(%dma_start3A_30 : memref<624x128xf32, #tpu.memory_space<vmem_shared>>) target(%dma_start3A_28 : memref<624x128xf32, #tpu.memory_space<hbm>>) target_semaphore(%run_scoped3A : memref<!tpu.dma_semaphore, #tpu.memory_space<semaphore_mem>>)
        %dma_wait3A = arith.constant 0 : i32
        %dma_wait3A_31 = tpu.memref_slice %arg6[%arg0, %mul3A_26, %dma_wait3A] : memref<2x10000x128xf32, #tpu.memory_space<hbm>> -> memref<1x624x128xf32, #tpu.memory_space<hbm>>
        %dma_wait3A_32 = tpu.memref_squeeze %dma_wait3A_31 : memref<1x624x128xf32, #tpu.memory_space<hbm>> -> memref<624x128xf32, #tpu.memory_space<hbm>>
        %dma_wait3A_33 = arith.constant 0 : i32
        %dma_wait3A_34 = tpu.memref_slice %arg10[%mul3A_24, %dma_wait3A_33] : memref<10000x128xf32, #tpu.memory_space<vmem_shared>> -> memref<624x128xf32, #tpu.memory_space<vmem_shared>>
        tpu.wait_dma2 semaphore(%run_scoped3A : memref<!tpu.dma_semaphore, #tpu.memory_space<semaphore_mem>>) src(%dma_wait3A_34 : memref<624x128xf32, #tpu.memory_space<vmem_shared>>) dst(%dma_wait3A_32 : memref<624x128xf32, #tpu.memory_space<hbm>>)
        tpu.yield
      }) : () -> ()
    } else {
    }
    %eq3A_18 = arith.constant 15 : i32
    %eq3A_19 = arith.cmpi eq, %arg1, %eq3A_18 : i32
    %convert_element_type3A_20 = arith.extui %eq3A_19 : i1 to i32
    %cond3A_21 = arith.constant 0 : i32
    %cond3A_22 = arith.cmpi ne, %convert_element_type3A_20, %cond3A_21 : i32
    scf.if %cond3A_22 {
      "tpu.region"() ({
        %run_scoped3A = tpu.sem_alloc : memref<!tpu.dma_semaphore, #tpu.memory_space<semaphore_mem>>
        %dma_start3A = arith.constant 9360 : i32
        %dma_start3A_23 = arith.constant 0 : i32
        %dma_start3A_24 = tpu.memref_slice %arg6[%arg0, %dma_start3A, %dma_start3A_23] : memref<2x10000x128xf32, #tpu.memory_space<hbm>> -> memref<1x640x128xf32, #tpu.memory_space<hbm>>
        %dma_start3A_25 = tpu.memref_squeeze %dma_start3A_24 : memref<1x640x128xf32, #tpu.memory_space<hbm>> -> memref<640x128xf32, #tpu.memory_space<hbm>>
        %dma_start3A_26 = arith.constant 9360 : i32
        %dma_start3A_27 = arith.constant 0 : i32
        %dma_start3A_28 = tpu.memref_slice %arg10[%dma_start3A_26, %dma_start3A_27] : memref<10000x128xf32, #tpu.memory_space<vmem_shared>> -> memref<640x128xf32, #tpu.memory_space<vmem_shared>>
        tpu.enqueue_dma source(%dma_start3A_28 : memref<640x128xf32, #tpu.memory_space<vmem_shared>>) target(%dma_start3A_25 : memref<640x128xf32, #tpu.memory_space<hbm>>) target_semaphore(%run_scoped3A : memref<!tpu.dma_semaphore, #tpu.memory_space<semaphore_mem>>)
        %dma_wait3A = arith.constant 9360 : i32
        %dma_wait3A_29 = arith.constant 0 : i32
        %dma_wait3A_30 = tpu.memref_slice %arg6[%arg0, %dma_wait3A, %dma_wait3A_29] : memref<2x10000x128xf32, #tpu.memory_space<hbm>> -> memref<1x640x128xf32, #tpu.memory_space<hbm>>
        %dma_wait3A_31 = tpu.memref_squeeze %dma_wait3A_30 : memref<1x640x128xf32, #tpu.memory_space<hbm>> -> memref<640x128xf32, #tpu.memory_space<hbm>>
        %dma_wait3A_32 = arith.constant 9360 : i32
        %dma_wait3A_33 = arith.constant 0 : i32
        %dma_wait3A_34 = tpu.memref_slice %arg10[%dma_wait3A_32, %dma_wait3A_33] : memref<10000x128xf32, #tpu.memory_space<vmem_shared>> -> memref<640x128xf32, #tpu.memory_space<vmem_shared>>
        tpu.wait_dma2 semaphore(%run_scoped3A : memref<!tpu.dma_semaphore, #tpu.memory_space<semaphore_mem>>) src(%dma_wait3A_34 : memref<640x128xf32, #tpu.memory_space<vmem_shared>>) dst(%dma_wait3A_31 : memref<640x128xf32, #tpu.memory_space<hbm>>)
        tpu.yield
      }) : () -> ()
    } else {
    }
    return
  }
}

module attributes {stable_mosaic.version = 14 : i64} {
  func.func @_mtab_body(%arg0: i32, %arg1: memref<1000x128xf32, #tpu.memory_space<vmem>>, %arg2: memref<24x128xf32, #tpu.memory_space<vmem>>, %arg3: memref<1000x24x128xf32, #tpu.memory_space<vmem>>) attributes {dimension_semantics = [#tpu.dimension_semantics<arbitrary>], iteration_bounds = array<i64: 10>, scalar_prefetch = 0 : i64, scratch_operands = 0 : i64, tpu.core_type = #tpu.core_type<tc>, window_params = [{transform_indices = @transform_0, window_bounds = array<i64: 1000, 128>}, {pipeline_mode = #tpu.pipeline_mode<synchronous>, transform_indices = @transform_1, window_bounds = array<i64: 24, 128>}, {transform_indices = @transform_2, window_bounds = array<i64: 1000, 24, 128>}]} {
    %get3A = arith.constant 0 : index
    %get3A_0 = arith.constant 0 : index
    %get3A_1 = vector.load %arg1[%get3A, %get3A_0] : memref<1000x128xf32, #tpu.memory_space<vmem>>, vector<1000x128xf32>
    %broadcast_in_dim3A = vector.shape_cast %get3A_1 : vector<1000x128xf32> to vector<1000x1x128xf32>
    %get3A_2 = arith.constant 0 : index
    %get3A_3 = arith.constant 0 : index
    %get3A_4 = vector.load %arg2[%get3A_2, %get3A_3] : memref<24x128xf32, #tpu.memory_space<vmem>>, vector<24x128xf32>
    %broadcast_in_dim3A_5 = vector.shape_cast %get3A_4 : vector<24x128xf32> to vector<1x24x128xf32>
    %add3A = vector.broadcast %broadcast_in_dim3A : vector<1000x1x128xf32> to vector<1000x24x128xf32>
    %add3A_6 = vector.broadcast %broadcast_in_dim3A_5 : vector<1x24x128xf32> to vector<1000x24x128xf32>
    %add3A_7 = arith.addf %add3A, %add3A_6 : vector<1000x24x128xf32>
    %max3A = arith.constant 0.000000e+00 : f32
    %max3A_8 = vector.broadcast %max3A : f32 to vector<1000x24x128xf32>
    %max3A_9 = arith.maximumf %add3A_7, %max3A_8 : vector<1000x24x128xf32>
    %swap3A = arith.constant 0 : index
    %swap3A_10 = arith.constant 0 : index
    %swap3A_11 = arith.constant 0 : index
    %swap3A_12 = vector.load %arg3[%swap3A, %swap3A_10, %swap3A_11] : memref<1000x24x128xf32, #tpu.memory_space<vmem>>, vector<1000x24x128xf32>
    tpu.vector_store %arg3[%swap3A, %swap3A_10, %swap3A_11], %max3A_9 {strides = array<i32>} : memref<1000x24x128xf32, #tpu.memory_space<vmem>>, vector<1000x24x128xf32>,
    return
  }
  func.func @transform_0(%arg0: i32) -> (i32, i32) {
    %c0_i32 = arith.constant 0 : i32
    %c0_i32_0 = arith.constant 0 : i32
    return %arg0, %c0_i32 : i32, i32
  }
  func.func @transform_1(%arg0: i32) -> (i32, i32) {
    %c0_i32 = arith.constant 0 : i32
    %c0_i32_0 = arith.constant 0 : i32
    %c0_i32_1 = arith.constant 0 : i32
    return %c0_i32, %c0_i32_0 : i32, i32
  }
  func.func @transform_2(%arg0: i32) -> (i32, i32, i32) {
    %c0_i32 = arith.constant 0 : i32
    %c0_i32_0 = arith.constant 0 : i32
    %c0_i32_1 = arith.constant 0 : i32
    return %arg0, %c0_i32, %c0_i32_0 : i32, i32, i32
  }
}

module attributes {stable_mosaic.version = 14 : i64} {
  func.func @_pool_head_body(%arg0: memref<10000x128xf32, #tpu.memory_space<vmem>>, %arg1: memref<10000x1xi32, #tpu.memory_space<vmem>>, %arg2: memref<64x128xf32, #tpu.memory_space<vmem>>, %arg3: memref<128x256xf32, #tpu.memory_space<vmem>>, %arg4: memref<1x256xf32, #tpu.memory_space<vmem>>, %arg5: memref<256x256xf32, #tpu.memory_space<vmem>>, %arg6: memref<1x256xf32, #tpu.memory_space<vmem>>, %arg7: memref<512x512xf32, #tpu.memory_space<vmem>>, %arg8: memref<1x512xf32, #tpu.memory_space<vmem>>, %arg9: memref<512x256xf32, #tpu.memory_space<vmem>>, %arg10: memref<1x256xf32, #tpu.memory_space<vmem>>, %arg11: memref<256x1xf32, #tpu.memory_space<vmem>>, %arg12: memref<1x1xf32, #tpu.memory_space<vmem>>, %arg13: memref<64x1xf32, #tpu.memory_space<vmem>>, %arg14: memref<64x256xf32, #tpu.memory_space<vmem>>, %arg15: memref<64x512xf32, #tpu.memory_space<vmem>>, %arg16: memref<64x128xf32, #tpu.memory_space<vmem>>, %arg17: memref<64x128xf32, #tpu.memory_space<vmem>>, %arg18: memref<64x128xf32, #tpu.memory_space<vmem>>) attributes {dimension_semantics = [], scalar_prefetch = 0 : i64, scratch_operands = 3 : i64, tpu.core_type = #tpu.core_type<tc>} {
    %get3A = arith.constant 0 : index
    %get3A_0 = arith.constant 0 : index
    %get3A_1 = vector.load %arg0[%get3A, %get3A_0] : memref<10000x128xf32, #tpu.memory_space<vmem>>, vector<10000x128xf32>
    %get3A_2 = arith.constant 0 : index
    %get3A_3 = arith.constant 0 : index
    %get3A_4 = vector.load %arg1[%get3A_2, %get3A_3] : memref<10000x1xi32, #tpu.memory_space<vmem>>, vector<10000x1xi32>
    %scan3A = arith.constant 0 : i32
    %scan3A_5 = arith.constant 64 : i32
    %scan3A_6 = arith.addi %scan3A, %scan3A_5 : i32
    %scan3A_7 = arith.constant 1 : i32
    scf.for %scan3A_94 = %scan3A to %scan3A_6 step %scan3A_7  : i32 {
      %eq3A = vector.broadcast %scan3A_94 : i32 to vector<10000x1xi32>
      %eq3A_95 = arith.cmpi eq, %get3A_4, %eq3A : vector<10000x1xi32>
      %jit3A_96 = arith.constant 0.000000e+00 : f32
      %broadcast_in_dim3A_97 = vector.shape_cast %eq3A_95 : vector<10000x1xi1> to vector<10000x1xi1>
      %broadcast_in_dim3A_98 = vector.broadcast %broadcast_in_dim3A_97 : vector<10000x1xi1> to vector<10000x128xi1>
      %broadcast_in_dim3A_99 = vector.broadcast %jit3A_96 : f32 to vector<10000x128xf32>
      %select_n3A_100 = arith.select %broadcast_in_dim3A_98, %get3A_1, %broadcast_in_dim3A_99 : vector<10000x128xi1>, vector<10000x128xf32>
      %reduce_sum3A = arith.constant dense<0.000000e+00> : vector<128xf32>
      %reduce_sum3A_101 = vector.multi_reduction <add>, %select_n3A_100, %reduce_sum3A [0] : vector<10000x128xf32> to vector<128xf32>
      %broadcast_in_dim3A_102 = vector.shape_cast %reduce_sum3A_101 : vector<128xf32> to vector<1x128xf32>
      %jit3A_103 = arith.constant -3.400000e+38 : f32
      %broadcast_in_dim3A_104 = vector.shape_cast %eq3A_95 : vector<10000x1xi1> to vector<10000x1xi1>
      %broadcast_in_dim3A_105 = vector.broadcast %broadcast_in_dim3A_104 : vector<10000x1xi1> to vector<10000x128xi1>
      %broadcast_in_dim3A_106 = vector.broadcast %jit3A_103 : f32 to vector<10000x128xf32>
      %select_n3A_107 = arith.select %broadcast_in_dim3A_105, %get3A_1, %broadcast_in_dim3A_106 : vector<10000x128xi1>, vector<10000x128xf32>
      %reduce_max3A = arith.constant dense<0xFF800000> : vector<128xf32>
      %reduce_max3A_108 = vector.multi_reduction <maximumf>, %select_n3A_107, %reduce_max3A [0] : vector<10000x128xf32> to vector<128xf32>
      %broadcast_in_dim3A_109 = vector.shape_cast %reduce_max3A_108 : vector<128xf32> to vector<1x128xf32>
      %convert_element_type3A = arith.extui %eq3A_95 : vector<10000x1xi1> to vector<10000x1xi32>
      %convert_element_type3A_110 = arith.sitofp %convert_element_type3A : vector<10000x1xi32> to vector<10000x1xf32>
      %reduce_sum3A_111 = vector.shape_cast %convert_element_type3A_110 : vector<10000x1xf32> to vector<1x10000x1xf32>
      %reduce_sum3A_112 = arith.constant dense<0.000000e+00> : vector<1xf32>
      %reduce_sum3A_113 = vector.multi_reduction <add>, %reduce_sum3A_111, %reduce_sum3A_112 [1, 2] : vector<1x10000x1xf32> to vector<1xf32>
      %reduce_sum3A_114 = vector.shape_cast %reduce_sum3A_113 : vector<1xf32> to vector<1x1x1xf32>
      %reduce_sum3A_115 = vector.extract %reduce_sum3A_114[0, 0, 0] : f32 from vector<1x1x1xf32>
      %swap3A_116 = arith.index_cast %scan3A_94 : i32 to index
      %swap3A_117 = arith.constant 0 : index
      %swap3A_118 = vector.load %arg16[%swap3A_116, %swap3A_117] : memref<64x128xf32, #tpu.memory_space<vmem>>, vector<1x128xf32>
      tpu.vector_store %arg16[%swap3A_116, %swap3A_117], %broadcast_in_dim3A_102 {strides = array<i32>} : memref<64x128xf32, #tpu.memory_space<vmem>>, vector<1x128xf32>,
      %swap3A_119 = arith.index_cast %scan3A_94 : i32 to index
      %swap3A_120 = arith.constant 0 : index
      %swap3A_121 = vector.load %arg17[%swap3A_119, %swap3A_120] : memref<64x128xf32, #tpu.memory_space<vmem>>, vector<1x128xf32>
      tpu.vector_store %arg17[%swap3A_119, %swap3A_120], %broadcast_in_dim3A_109 {strides = array<i32>} : memref<64x128xf32, #tpu.memory_space<vmem>>, vector<1x128xf32>,
      %broadcast_in_dim3A_122 = vector.broadcast %reduce_sum3A_115 : f32 to vector<1x128xf32>
      %swap3A_123 = arith.index_cast %scan3A_94 : i32 to index
      %swap3A_124 = arith.constant 0 : index
      %swap3A_125 = vector.load %arg18[%swap3A_123, %swap3A_124] : memref<64x128xf32, #tpu.memory_space<vmem>>, vector<1x128xf32>
      tpu.vector_store %arg18[%swap3A_123, %swap3A_124], %broadcast_in_dim3A_122 {strides = array<i32>} : memref<64x128xf32, #tpu.memory_space<vmem>>, vector<1x128xf32>,
    }
    %scan3A_8 = arith.constant 64 : i32
    %get3A_9 = arith.constant 0 : index
    %get3A_10 = arith.constant 0 : index
    %get3A_11 = vector.load %arg18[%get3A_9, %get3A_10] : memref<64x128xf32, #tpu.memory_space<vmem>>, vector<64x128xf32>
    %get3A_12 = arith.constant 0 : index
    %get3A_13 = arith.constant 0 : index
    %get3A_14 = vector.load %arg16[%get3A_12, %get3A_13] : memref<64x128xf32, #tpu.memory_space<vmem>>, vector<64x128xf32>
    %max3A = arith.constant 1.000000e+00 : f32
    %max3A_15 = vector.broadcast %max3A : f32 to vector<64x128xf32>
    %max3A_16 = arith.maximumf %get3A_11, %max3A_15 : vector<64x128xf32>
    %div3A = arith.divf %get3A_14, %max3A_16 : vector<64x128xf32>
    %gt3A = arith.constant 0.000000e+00 : f32
    %gt3A_17 = vector.broadcast %gt3A : f32 to vector<64x128xf32>
    %gt3A_18 = arith.cmpf ogt, %get3A_11, %gt3A_17 : vector<64x128xf32>
    %get3A_19 = arith.constant 0 : index
    %get3A_20 = arith.constant 0 : index
    %get3A_21 = vector.load %arg17[%get3A_19, %get3A_20] : memref<64x128xf32, #tpu.memory_space<vmem>>, vector<64x128xf32>
    %jit3A = arith.constant 0.000000e+00 : f32
    %broadcast_in_dim3A = vector.broadcast %jit3A : f32 to vector<64x128xf32>
    %select_n3A = arith.select %gt3A_18, %get3A_21, %broadcast_in_dim3A : vector<64x128xi1>, vector<64x128xf32>
    %concatenate3A = tpu.concatenate %div3A, %select_n3A in 1 : vector<64x128xf32>, vector<64x128xf32> -> vector<64x256xf32>
    %swap3A = arith.constant 0 : index
    %swap3A_22 = arith.constant 0 : index
    %swap3A_23 = vector.load %arg14[%swap3A, %swap3A_22] : memref<64x256xf32, #tpu.memory_space<vmem>>, vector<64x256xf32>
    tpu.vector_store %arg14[%swap3A, %swap3A_22], %concatenate3A {strides = array<i32>} : memref<64x256xf32, #tpu.memory_space<vmem>>, vector<64x256xf32>,
    %get3A_24 = arith.constant 0 : index
    %get3A_25 = arith.constant 0 : index
    %get3A_26 = vector.load %arg2[%get3A_24, %get3A_25] : memref<64x128xf32, #tpu.memory_space<vmem>>, vector<64x128xf32>
    %get3A_27 = arith.constant 0 : index
    %get3A_28 = arith.constant 0 : index
    %get3A_29 = vector.load %arg3[%get3A_27, %get3A_28] : memref<128x256xf32, #tpu.memory_space<vmem>>, vector<128x256xf32>
    %dot_general3A = arith.constant dense<0.000000e+00> : vector<64x256xf32>
    %dot_general3A_30 = tpu.matmul %get3A_26, %get3A_29, %dot_general3A {dimension_numbers = #tpu.dot_dimension_numbers<[1], [0], [0], [1], [0, 0, 1, 1], [], []>, precision = #tpu.contract_precision<fp32>, transpose_lhs_hint = false} : vector<64x128xf32>, vector<128x256xf32>, vector<64x256xf32> -> vector<64x256xf32>
    %get3A_31 = arith.constant 0 : index
    %get3A_32 = arith.constant 0 : index
    %get3A_33 = vector.load %arg4[%get3A_31, %get3A_32] : memref<1x256xf32, #tpu.memory_space<vmem>>, vector<1x256xf32>
    %add3A = vector.broadcast %get3A_33 : vector<1x256xf32> to vector<64x256xf32>
    %add3A_34 = arith.addf %dot_general3A_30, %add3A : vector<64x256xf32>
    %max3A_35 = arith.constant 0.000000e+00 : f32
    %max3A_36 = vector.broadcast %max3A_35 : f32 to vector<64x256xf32>
    %max3A_37 = arith.maximumf %add3A_34, %max3A_36 : vector<64x256xf32>
    %get3A_38 = arith.constant 0 : index
    %get3A_39 = arith.constant 0 : index
    %get3A_40 = vector.load %arg5[%get3A_38, %get3A_39] : memref<256x256xf32, #tpu.memory_space<vmem>>, vector<256x256xf32>
    %dot_general3A_41 = arith.constant dense<0.000000e+00> : vector<64x256xf32>
    %dot_general3A_42 = tpu.matmul %max3A_37, %get3A_40, %dot_general3A_41 {dimension_numbers = #tpu.dot_dimension_numbers<[1], [0], [0], [1], [0, 0, 1, 1], [], []>, precision = #tpu.contract_precision<fp32>, transpose_lhs_hint = false} : vector<64x256xf32>, vector<256x256xf32>, vector<64x256xf32> -> vector<64x256xf32>
    %get3A_43 = arith.constant 0 : index
    %get3A_44 = arith.constant 0 : index
    %get3A_45 = vector.load %arg6[%get3A_43, %get3A_44] : memref<1x256xf32, #tpu.memory_space<vmem>>, vector<1x256xf32>
    %add3A_46 = vector.broadcast %get3A_45 : vector<1x256xf32> to vector<64x256xf32>
    %add3A_47 = arith.addf %dot_general3A_42, %add3A_46 : vector<64x256xf32>
    %max3A_48 = arith.constant 0.000000e+00 : f32
    %max3A_49 = vector.broadcast %max3A_48 : f32 to vector<64x256xf32>
    %max3A_50 = arith.maximumf %add3A_47, %max3A_49 : vector<64x256xf32>
    %concatenate3A_51 = tpu.concatenate %concatenate3A, %max3A_50 in 1 : vector<64x256xf32>, vector<64x256xf32> -> vector<64x512xf32>
    %swap3A_52 = arith.constant 0 : index
    %swap3A_53 = arith.constant 0 : index
    %swap3A_54 = vector.load %arg15[%swap3A_52, %swap3A_53] : memref<64x512xf32, #tpu.memory_space<vmem>>, vector<64x512xf32>
    tpu.vector_store %arg15[%swap3A_52, %swap3A_53], %concatenate3A_51 {strides = array<i32>} : memref<64x512xf32, #tpu.memory_space<vmem>>, vector<64x512xf32>,
    %get3A_55 = arith.constant 0 : index
    %get3A_56 = arith.constant 0 : index
    %get3A_57 = vector.load %arg7[%get3A_55, %get3A_56] : memref<512x512xf32, #tpu.memory_space<vmem>>, vector<512x512xf32>
    %dot_general3A_58 = arith.constant dense<0.000000e+00> : vector<64x512xf32>
    %dot_general3A_59 = tpu.matmul %concatenate3A_51, %get3A_57, %dot_general3A_58 {dimension_numbers = #tpu.dot_dimension_numbers<[1], [0], [0], [1], [0, 0, 1, 1], [], []>, precision = #tpu.contract_precision<fp32>, transpose_lhs_hint = false} : vector<64x512xf32>, vector<512x512xf32>, vector<64x512xf32> -> vector<64x512xf32>
    %get3A_60 = arith.constant 0 : index
    %get3A_61 = arith.constant 0 : index
    %get3A_62 = vector.load %arg8[%get3A_60, %get3A_61] : memref<1x512xf32, #tpu.memory_space<vmem>>, vector<1x512xf32>
    %add3A_63 = vector.broadcast %get3A_62 : vector<1x512xf32> to vector<64x512xf32>
    %add3A_64 = arith.addf %dot_general3A_59, %add3A_63 : vector<64x512xf32>
    %max3A_65 = arith.constant 0.000000e+00 : f32
    %max3A_66 = vector.broadcast %max3A_65 : f32 to vector<64x512xf32>
    %max3A_67 = arith.maximumf %add3A_64, %max3A_66 : vector<64x512xf32>
    %get3A_68 = arith.constant 0 : index
    %get3A_69 = arith.constant 0 : index
    %get3A_70 = vector.load %arg9[%get3A_68, %get3A_69] : memref<512x256xf32, #tpu.memory_space<vmem>>, vector<512x256xf32>
    %dot_general3A_71 = arith.constant dense<0.000000e+00> : vector<64x256xf32>
    %dot_general3A_72 = tpu.matmul %max3A_67, %get3A_70, %dot_general3A_71 {dimension_numbers = #tpu.dot_dimension_numbers<[1], [0], [0], [1], [0, 0, 1, 1], [], []>, precision = #tpu.contract_precision<fp32>, transpose_lhs_hint = false} : vector<64x512xf32>, vector<512x256xf32>, vector<64x256xf32> -> vector<64x256xf32>
    %get3A_73 = arith.constant 0 : index
    %get3A_74 = arith.constant 0 : index
    %get3A_75 = vector.load %arg10[%get3A_73, %get3A_74] : memref<1x256xf32, #tpu.memory_space<vmem>>, vector<1x256xf32>
    %add3A_76 = vector.broadcast %get3A_75 : vector<1x256xf32> to vector<64x256xf32>
    %add3A_77 = arith.addf %dot_general3A_72, %add3A_76 : vector<64x256xf32>
    %max3A_78 = arith.constant 0.000000e+00 : f32
    %max3A_79 = vector.broadcast %max3A_78 : f32 to vector<64x256xf32>
    %max3A_80 = arith.maximumf %add3A_77, %max3A_79 : vector<64x256xf32>
    %get3A_81 = arith.constant 0 : index
    %get3A_82 = arith.constant 0 : index
    %get3A_83 = vector.load %arg11[%get3A_81, %get3A_82] : memref<256x1xf32, #tpu.memory_space<vmem>>, vector<256x1xf32>
    %dot_general3A_84 = arith.constant dense<0.000000e+00> : vector<64x1xf32>
    %dot_general3A_85 = tpu.matmul %max3A_80, %get3A_83, %dot_general3A_84 {dimension_numbers = #tpu.dot_dimension_numbers<[1], [0], [0], [1], [0, 0, 1, 1], [], []>, precision = #tpu.contract_precision<fp32>, transpose_lhs_hint = false} : vector<64x256xf32>, vector<256x1xf32>, vector<64x1xf32> -> vector<64x1xf32>
    %get3A_86 = arith.constant 0 : index
    %get3A_87 = arith.constant 0 : index
    %get3A_88 = vector.load %arg12[%get3A_86, %get3A_87] : memref<1x1xf32, #tpu.memory_space<vmem>>, vector<1x1xf32>
    %add3A_89 = vector.broadcast %get3A_88 : vector<1x1xf32> to vector<64x1xf32>
    %add3A_90 = arith.addf %dot_general3A_85, %add3A_89 : vector<64x1xf32>
    %swap3A_91 = arith.constant 0 : index
    %swap3A_92 = arith.constant 0 : index
    %swap3A_93 = vector.load %arg13[%swap3A_91, %swap3A_92] : memref<64x1xf32, #tpu.memory_space<vmem>>, vector<64x1xf32>
    tpu.vector_store %arg13[%swap3A_91, %swap3A_92], %add3A_90 {strides = array<i32>} : memref<64x1xf32, #tpu.memory_space<vmem>>, vector<64x1xf32>,
    return
  }
}

</mosaic_0001>

<sc_bundles>
// kernel: kernel.13.cloned.1.call-start
scs
__scs_entry_jumppad:
0x0: {  	(pc) =	sbr.rel $0x88, $3  }
0x1: {  	(tag) =	ssettag $0x0;
	lr =	simm.s32 $0x1  }
0x2: {  	[smem:$0x3F86] =	sst lr;
	_ =	strace $0xD0000000  }
0x3: {  	_ = 	snop  }
0x4: {  	_ = 	snop  }
0x5: {  	_ = 	snop  }
0x6: {  	_ = 	snop  }
0x7: {  	_ = 	snop  }
__scs_overlays_trampoline_lowered:
0x8: {  	[smem:$0x3F95] =	sst s0  }
0x9: {  	[smem:$0x3F96] =	sst s1  }
0xa: {  	[smem:$0x3F97] =	sst s2  }
0xb: {  	[smem:$0x3F98] =	sst s3  }
0xc: {  	[smem:$0x3F99] =	sst s4  }
0xd: {  	[smem:$0x3F9A] =	sst s5  }
0xe: {  	[smem:$0x3F9B] =	sst s6  }
0xf: {  	[smem:$0x3F9C] =	sst s7  }
0x10: {  	[smem:$0x3F9D] =	sst s8  }
0x11: {  	[smem:$0x3F9E] =	sst s9;
	s0 =	simm.s32 @!p0 $0x0  }
0x12: {  	s1 =	sld [smem:$0x3F84];
	s0 =	simm.s32 @p0 $0x1  }
0x13: {  	[smem:$0x3F9F] =	sst s0;
	s0 =	simm.s32 @!p1 $0x0  }
0x14: {  	s2 =	sld [smem:$0x3F83];
	s0 =	simm.s32 @p1 $0x1  }
0x15: {  	[smem:$0x3FA0] =	sst s0;
	s0 =	simm.s32 @!p2 $0x0  }
0x16: {  	s3 =	sld [smem:$0x3FDB];
	s0 =	simm.s32 @p2 $0x1  }
0x17: {  	s4 =	simm.s32 $0x1BF5;
	[smem:$0x3FA2] =	sst s0  }
0x18: {  	s0 =	sld [smem:$0x3F85];
	_ =	swait.ge [sflag:s4], $0x0  }
0x19: {  	s7 =	sld [smem:$0x3F86]  }
0x1a: {  	s8 =	sadd.s32 $0xFFFFE003, lr  }
0x1b: {  	s9 =	sadd.s32 $0xFFFFFEF7, lr;
	s5 =	simm.s32 $0xFFFFFFFF;
	p2 =	slt.u32 s8, $0xFFFFF086  }
0x1c: {  	p1 =	slt.u32 s9, $0xF7A;
	s5 =	simm.s32 @!p2 $0x0  }
0x1d: {  	s5 =	simm.s32 @p1 $0x1;
	p0 =	seq.s32 s7, s2  }
0x1e: {  	s7 =	smul.u32 @!p0 $0xF7A, s2;
	p2 =	seq.s32 @!p0 s5, $0x0  }
0x1f: {  	s9 =	smul.u32 $0xF7A, s1;
	s8 =	simm.s32 @!p0 $0x1BF5;
	p2 =	por !p2, p0  }
0x20: {  	[sflag:s8] =	ssyncset.s32 @!p0 $0xFFFFF086;
	s6 =	sadd.s32 @!p0 s3, s7;
	s7 =	simm.s32 @!p0 $0x108  }
0x21: {  	s3 =	sadd.s32 s3, s9;
	s6 =	sadd.s32 @!p0 $0x88, s6;
	s7 =	simm.s32 @p2 $0x1082  }
0x22: {  	[simem:s7], [sflag:s8] =	dma.local @!p0 [hbm:s6], $0xF7A  }
0x23: {  	s9 =	sor.u32 $0xD0000000, s2;
	s6 =	simm.s32 $0x108;
	_ =	swait.ge @!p0 [sflag:s8], $0x0  }
0x24: {  	s3 =	sadd.s32 $0x88, s3;
	s6 =	simm.s32 @!p1 $0x1082;
	[sflag:s4] =	ssyncset.s32 $0xFFFFF086  }
0x25: {  	[simem:s6], [sflag:s4] =	dma.local [hbm:s3], $0xF7A  }
0x26: {  	[smem:$0x3F86] =	sst s1;
	(tag) =	ssettag s2;
	_ =	strace s9  }
0x27: {  	s1 =	sld [smem:$0x3F96]  }
0x28: {  	s2 =	sld [smem:$0x3F97]  }
0x29: {  	s4 =	sld [smem:$0x3F99]  }
0x2a: {  	p0 =	seq.s32 s5, $0x0;
	s5 =	sld [smem:$0x3F9A]  }
0x2b: {  	s6 =	sld [smem:$0x3F9B]  }
0x2c: {  	s7 =	sld [smem:$0x3F9C]  }
0x2d: {  	s3 =	simm.s32 $0x108;
	s8 =	sld [smem:$0x3F9D]  }
0x2e: {  	s3 =	simm.s32 @!p0 $0x1082;
	s9 =	sld [smem:$0x3F9E]  }
0x2f: {  	lr =	sadd.s32 s0, s3;
	s0 =	sld [smem:$0x3F95]  }
0x30: {  	s3 =	sld [smem:$0x3F98]  }
0x31: {  	[smem:$0x3FA1] =	sst s10  }
0x32: {  	s10 =	sld [smem:$0x3F9F];
	_ =	sdelay $0x3  }
0x33: {  	p0 =	seq.s32 s10, $0x1;
	s10 =	sld [smem:$0x3FA1];
	_ =	sdelay $0x3  }
0x34: {  	[smem:$0x3FA1] =	sst s10  }
0x35: {  	s10 =	sld [smem:$0x3FA0];
	_ =	sdelay $0x3  }
0x36: {  	p1 =	seq.s32 s10, $0x1;
	s10 =	sld [smem:$0x3FA1];
	_ =	sdelay $0x3  }
0x37: {  	[smem:$0x3FA1] =	sst s10  }
0x38: {  	s10 =	sld [smem:$0x3FA2]  }
0x39: {  	_ = 	snop;
	(pc) =	sbr.ind lr, $3  }
0x3a: {  	_ = 	snop  }
0x3b: {  	_ = 	snop  }
0x3c: {  	p2 =	seq.s32 s10, $0x1;
	s10 =	sld [smem:$0x3FA1]  }
0x3d: {  	_ =	shalt  }
0x3e: {  	_ =	shalt  }
0x3f: {  	_ =	shalt  }
0x40: {  	_ =	shalt  }
0x41: {  	_ =	shalt  }
0x42: {  	_ =	shalt  }
0x43: {  	_ =	shalt  }
0x44: {  	_ =	shalt  }
0x45: {  	_ =	shalt  }
0x46: {  	_ =	shalt  }
0x47: {  	_ =	shalt  }
0x48: {  	_ =	shalt  }
0x49: {  	_ =	shalt  }
0x4a: {  	_ =	shalt  }
0x4b: {  	_ =	shalt  }
0x4c: {  	_ =	shalt  }
0x4d: {  	_ =	shalt  }
0x4e: {  	_ =	shalt  }
0x4f: {  	_ =	shalt  }
0x50: {  	_ =	shalt  }
0x51: {  	_ =	shalt  }
0x52: {  	_ =	shalt  }
0x53: {  	_ =	shalt  }
0x54: {  	_ =	shalt  }
0x55: {  	_ =	shalt  }
0x56: {  	_ =	shalt  }
0x57: {  	_ =	shalt  }
0x58: {  	_ =	shalt  }
0x59: {  	_ =	shalt  }
0x5a: {  	_ =	shalt  }
0x5b: {  	_ =	shalt  }
0x5c: {  	_ =	shalt  }
0x5d: {  	_ =	shalt  }
0x5e: {  	_ =	shalt  }
0x5f: {  	_ =	shalt  }
0x60: {  	_ =	shalt  }
0x61: {  	_ =	shalt  }
0x62: {  	_ =	shalt  }
0x63: {  	_ =	shalt  }
0x64: {  	_ =	shalt  }
0x65: {  	_ =	shalt  }
0x66: {  	_ =	shalt  }
0x67: {  	_ =	shalt  }
0x68: {  	_ =	shalt  }
0x69: {  	_ =	shalt  }
0x6a: {  	_ =	shalt  }
0x6b: {  	_ =	shalt  }
0x6c: {  	_ =	shalt  }
0x6d: {  	_ =	shalt  }
0x6e: {  	_ =	shalt  }
0x6f: {  	_ =	shalt  }
0x70: {  	_ =	shalt  }
0x71: {  	_ =	shalt  }
0x72: {  	_ =	shalt  }
0x73: {  	_ =	shalt  }
0x74: {  	_ =	shalt  }
0x75: {  	_ =	shalt  }
0x76: {  	_ =	shalt  }
0x77: {  	_ =	shalt  }
0x78: {  	_ =	shalt  }
0x79: {  	_ =	shalt  }
0x7a: {  	_ =	shalt  }
0x7b: {  	_ =	shalt  }
0x7c: {  	_ =	shalt  }
0x7d: {  	_ =	shalt  }
0x7e: {  	_ =	shalt  }
0x7f: {  	_ =	shalt  }
0x80: {  	_ =	shalt  }
0x81: {  	_ =	shalt  }
0x82: {  	_ =	shalt  }
0x83: {  	_ =	shalt  }
0x84: {  	_ =	shalt  }
0x85: {  	_ =	shalt  }
0x86: {  	_ =	shalt  }
0x87: {  	_ =	shalt  }
.Lfunc_end0:
.L_simem_size_0:
called_computation_lowered:
.L_overlay_start_0:
0x88: {  	s2 =	sld [smem:$0x3FD9]  }
0x89: {  	s3 =	sld [smem:$0x3FFE];
	_ =	sdelay $0x1  }
0x8a: {  	s1 =	srdreg.scid  }
0x8b: {  	s0 =	sand.u32 $0x1, s1  }
0x8c: {  	s16 =	sshll.u32 s0, $0xA;
	s2 =	sadd.s32 s3, s2  }
0x8d: {  	s2 =	sadd.s32 s2, s16  }
0x8e: {  	[smem:$0x3FAD] =	sst s2  }
0x8f: {  	_ = 	snop  }
0x90: {  	(tm) =	ssettm $0x1  }
0x91: {  	s17 =	sld [smem:$0x3FFB];
	_ =	sdelay $0x3  }
0x92: {  	_ =	strace s17  }
0x93: {  	s2 =	sld [smem:$0x3FFC];
	_ =	sdelay $0x3  }
0x94: {  	_ =	strace s2  }
0x95: {  	s2 =	sld [smem:$0x3FFD];
	_ =	sdelay $0x3  }
0x96: {  	_ =	strace s2  }
0x97: {  	_ =	strace $0x8FFFFFFF  }
0x98: {  	s18 =	sld [smem:$0x3FDB];
	_ =	sdelay $0x1  }
0x99: {  	s19 =	simm.s32 $_scs_section_size  }
0x9a: {  	s4 =	simm.s32 $_size__tile_overlayer_lowered;
	s5 =	simm.s32 $_tile_overlayer_lowered  }
0x9b: {  	s22 =	simm.s32 $0x1BFF;
	s21 =	sshll.u32 s5, $0x1;
	s2 =	sadd.s32 s19, s18  }
0x9c: {  	s6 =	simm.s32 $0x0;
	s20 =	sshll.u32 s4, $0x1;
	s4 =	sadd.s32 s21, s2  }
0x9d: {  	[timem:s6], [sflag:s22] =	dma.local [hbm:s4], s20  }
0x9e: {  	_ =	swait.ge [sflag:s22], s20  }
0x9f: {  	s3 =	ssub.s32 $0x0, s20;
	[sflag:s22] =	ssyncset.done $0x0  }
0xa0: {  	[sflag:s22] =	ssyncadd.s32 s3;
	_ =	sdelay $0x1  }
0xa1: {  	s23 =	simm.s32 $0x1B8B  }
0xa2: {  	_ =	swait.ge [sflag:s23], $0x1  }
0xa3: {  	[sflag:s23] =	ssyncset.done $0x0  }
0xa4: {  	s25 =	simm.s32 $0x1B8E;
	s24 =	sld [smem:$0x3FFE];
	[sflag:s23] =	ssyncadd.s32 $0xFFFFFFFF  }
0xa5: {  	s26 =	simm.s32 $execute0_lowered;
	[smem:$0x3FD2] =	sst s25  }
0xa6: {  	s4 =	sshll.u32 s26, $0x1;
	_ =	strace $0x80000046;
	[dreg:$0x1] =	wrdreg $0xFFFFFFFF  }
0xa7: {  	s28 =	simm.s32 $_size_execute0_lowered;
	s2 =	sadd.s32 s2, s4;
	[dreg:$0x0] =	wrdreg $0x0  }
0xa8: {  	s4 =	sshll.u32 s28, $0x1;
	[dreg:$0x2] =	wrdreg s2  }
0xa9: {  	[dreg:$0x3] =	wrdreg s4  }
0xaa: {  	[dreg:$0x4] =	wrdreg $0xC0  }
0xab: {  	_ =	task [dreg:s6], $0x5FFFF  }
0xac: {  	[dreg:$0x1] =	wrdreg $0xFFFFFFFF  }
0xad: {  	[dreg:$0x0] =	wrdreg $0x60  }
0xae: {  	[dreg:$0x2] =	wrdreg s24  }
0xaf: {  	[dreg:$0x3] =	wrdreg $0x48000  }
0xb0: {  	[dreg:$0x4] =	wrdreg $0x9  }
0xb1: {  	_ =	task.clear_ibuf [dreg:s6], $0x5FFFF;
	_ =	strace $0x90000046  }
0xb2: {  	s29 =	simm.s32 $0x9;
	_ =	strace $0x80000048  }
0xb3: {  	_ =	swait.ge [sflag:s29], $0x1  }
0xb4: {  	[sflag:s29] =	ssyncadd.s32 $0xFFFFFFFF  }
0xb5: {  	_ =	strace $0x90000048  }
0xb6: {  	_ =	sfence  }
0xb7: {  	s30 =	sld [smem:$0x0];
	_ =	sdelay $0x2  }
0xb8: {  	s31 =	sshll.u32 s1, $0xD;
	s1 =	sshrl.u32 s1, $0x2  }
0xb9: {  	s3 =	sand.u32 $0x4000, s31;
	s1 =	sadd.s32 s1, s30  }
0xba: {  	s0 =	sor.u32 s3, s0;
	s1 =	sshll.u32 s1, $0x11  }
0xbb: {  	s0 =	sor.u32 s1, s0  }
0xbc: {  	s0 =	sadd.s32 $0x8F2B, s0  }
0xbd: {  	[sflag:s0] =	ssyncadd.remote.s32 $0x1  }
0xbe: {  	_ =	sfence.sel $0xFFFF  }
0xbf: {  	[dreg:$0x0] =	wrdreg $0xFFFFFFFF;
	(pc) =	sbr.abs _section_cstart, $3  }
0xc0: {  	[dreg:$0x1] =	wrdreg $0xFFFFFFFF  }
0xc1: {  	_ =	task.clear_ibuf [dreg:s6], $0x2FFFF;
	_ =	strace $0x9FFFFFFF  }
0xc2: {  	(tm) =	ssettm $0x7FFFFFFF  }
0xc3: {  	_ =	shalt  }
tec
execute0_lowered:
.L_overlay_start_1:
0x0: {  	(tag) =	ssettag $0x1  }
0x1: {  	s0 =	rddreg [dreg:$0x0]  }
0x2: {  	s1 =	rddreg [dreg:$0x1];
	s3 =	simm.s32 $0x0;
	s13 =	stileid.u32  }
0x3: {  	s6 =	srdreg.scid;
	s16 =	simm.s32 $0x3;
	s17 =	simm.s32 $0x400  }
0x4: {  	s18 =	simm.s32 $0x80;
	s28 =	simm.s32 $0x600;
	s29 =	simm.s32 $0x280  }
0x5: {  	s30 =	simm.s32 $0x680;
	s31 =	simm.s32 $0x300;
	[smem:$0x7FF] =	sst s3  }
0x6: {  	s2 =	sshll.u32 s13, $0x8;
	s5 =	smul.u32 $0x2700, s13;
	s4 =	sadd.s32 $0x17A00, s0  }
0x7: {  	s6 =	sand.u32 $0x1, s6;
	s8 =	smul.u32 $0x4E000, s13;
	s9 =	sadd.s32 $0x3FBE00, s0  }
0x8: {  	s19 =	smul.u32 $0x13800, s13;
	s12 =	sshll.u32 s13, $0x1;
	p0 =	seq.s32 s13, $0xF  }
0x9: {  	_ =	strace $0x80000047;
	s2 =	sadd.s32 s2, s0;
	s7 =	ssub.s32 $0x2, s6  }
0xa: {  	s11 =	smul.u32 $0x138800, s6;
	s25 =	sshll.u32 s6, $0x7;
	s26 =	sor.u32 s6, s12  }
0xb: {  	s6 =	simm.s32 $0x2;
	s5 =	sadd.s32 s5, s0;
	s10 =	sshrl.u32 s7, $0x1  }
0xc: {  	s8 =	sshrl.u32 s8, $0x2;
	s0 =	sadd.s32 $0x3F9500, s0;
	[dreg:$0x8] =	wrdreg s26  }
0xd: {  	s26 =	simm.s32 $0x200;
	s7 =	ssub.s32 s7, s10;
	s15 =	sadd.s32 s8, s1  }
0xe: {  	s5 =	sadd.s32 $0x3D4C00, s5;
	s20 =	sadd.s32 s19, s11;
	[dreg:$0x4] =	wrdreg s0  }
0xf: {  	s21 =	sshrl.u32 s11, $0x3;
	s19 =	simm.s32 $0x800;
	[dreg:$0x3] =	wrdreg s5  }
0x10: {  	s5 =	sadd.s32 $0x124800, s1;
	s22 =	sshrl.u32 s20, $0x3;
	s23 =	sadd.s32 s9, s21  }
0x11: {  	s7 =	smax.u32 s7, $0x1;
	s15 =	sshrl.u32 @!p0 s15, $0x3;
	s20 =	simm.s32 $0x1  }
0x12: {  	s21 =	simm.s32 $0x480;
	s0 =	sadd.s32 s9, s22;
	s24 =	sadd.s32 $0x24900, s23  }
0x13: {  	[dreg:$0x7] =	wrdreg s7;
	s22 =	simm.s32 $0x100;
	s23 =	simm.s32 $0x500  }
.Ltmp0:
0x14: {  	s7 =	simm.s32 $0x0;
	[dreg:$0x5] =	wrdreg s0;
	(pc) =	sbr.rel .LBB2_1-.Ltmp0, $4  }
0x15: {  	[dreg:$0x6] =	wrdreg s24;
	s0 =	sadd.s32 s25, s2;
	s24 =	simm.s32 $0x180  }
0x16: {  	s25 =	simm.s32 $0x580;
	s2 =	simm.s32 $0x380;
	s10 =	sadd.s32 $0x4000, s0  }
0x17: {  	s11 =	sadd.s32 $0x3C1200, s0;
	s0 =	sshll.u32 @!p0 s13, $0x6;
	s13 =	sshrl.u32 @p0 s5, $0x3  }
0x18: {  	s5 =	simm.s32 $0x780;
	s14 =	sor.u32 @!p0 $0x1C02, s0;
	s0 =	simm.s32 $0x700  }
.LBB2_5:
0x19: {  	[bflag:$0x0] =	sbarrier.arrive $0xFFFF  }
0x1a: {  	s8 =	simm.s32 @p0 $0x1FC2;
	s9 =	rddreg [dreg:$0x6]  }
0x1b: {  	[hbm:s9], [sflag:s8] =	dma.local @p0 [spmem:s13], $0x2800  }
0x1c: {  	s8 =	simm.s32 @p0 $0x2  }
0x1d: {  	_ =	swait.ge @p0 [sflag:s8], $0x2800  }
0x1e: {  	[sflag:s8] =	ssyncset.done @p0 $0x0  }
0x1f: {  	[sflag:s8] =	ssyncadd.s32 @p0 $0xFFFFD800;
	s8 =	rddreg [dreg:$0x5]  }
0x20: {  	[hbm:s8], [sflag:s14] =	dma.local @!p0 [spmem:s15], $0x2700  }
0x21: {  	s8 =	simm.s32 @!p0 $0x2  }
0x22: {  	_ =	swait.ge @!p0 [sflag:s8], $0x2700  }
0x23: {  	s7 =	sadd.s32 $0x1, s7;
	s12 =	rddreg [dreg:$0x7]  }
0x24: {  	p1 =	sne.s32 s7, s12  }
.Ltmp1:
0x25: {  	_ = 	snop;
	(pc) =	sbr.rel @!p1 .LBB2_6-.Ltmp1, $3  }
0x26: {  	_ =	sdelay $0x1  }
0x27: {  	[sflag:s8] =	ssyncset.done @!p0 $0x0  }
0x28: {  	[sflag:s8] =	ssyncadd.s32 @!p0 $0xFFFFD900  }
.LBB2_1:
0x29: {  	s9 =	simm.s32 @p0 $0x1FC2;
	s8 =	rddreg [dreg:$0x4]  }
0x2a: {  	[spmem:s13], [sflag:s9] =	dma.local @p0 [hbm:s8], $0x2800  }
0x2b: {  	s9 =	simm.s32 @p0 $0x2  }
0x2c: {  	_ =	swait.ge @p0 [sflag:s9], $0x2800  }
0x2d: {  	[sflag:s9] =	ssyncset.done @p0 $0x0  }
0x2e: {  	s8 =	rddreg [dreg:$0x3];
	[sflag:s9] =	ssyncadd.s32 @p0 $0xFFFFD800;
	s9 =	simm.s32 @!p0 $0x2  }
0x2f: {  	[spmem:s15], [sflag:s14] =	dma.local @!p0 [hbm:s8], $0x2700  }
.Ltmp2:
0x30: {  	_ =	swait.ge @!p0 [sflag:s9], $0x2700;
	(pc) =	sbr.rel .LBB2_2-.Ltmp2, $4  }
0x31: {  	[sflag:s9] =	ssyncset.done @!p0 $0x0  }
0x32: {  	[sflag:s9] =	ssyncadd.s32 @!p0 $0xFFFFD900  }
0x33: {  	[bflag:$0x0] =	sbarrier.arrive $0xFFFF  }
0x34: {  	s9 =	simm.s32 $0x0;
	s12 =	rddreg [dreg:$0x8]  }
.LBB2_4:
0x35: {  	s9 =	sadd.s32 $0x1000, s9  }
0x36: {  	p1 =	sne.s32 s9, $0x14000  }
.Ltmp3:
0x37: {  	_ = 	snop;
	(pc) =	sbr.rel @!p1 .LBB2_5-.Ltmp3, $2  }
0x38: {  	_ =	sdelay $0x2  }
0x39: {  	s12 =	sadd.s32 $0x20, s12  }
.LBB2_2:
0x3a: {  	p1 =	sgt.u32 s12, $0x270  }
.Ltmp4:
0x3b: {  	_ = 	snop;
	(pc) =	sbr.rel @p1 .LBB2_4-.Ltmp4, $1  }
0x3c: {  	_ =	sdelay $0x3  }
0x3d: {  	s8 =	sadd.s32 s9, s11  }
0x3e: {  	[tilespmem:s3], [sflag:$0x3] =	stream.linear.gather [hbm4b:s8+s3], $0x400, $0x38;
	[tilespmem:$0x18080] =	vst v63  }
0x3f: {  	_ =	swait.ge [sflag:s16], $0x400  }
0x40: {  	[sflag:s16] =	ssyncset.done $0x0  }
0x41: {  	s8 =	sadd.s32 s9, s10;
	[sflag:s16] =	ssyncadd.s32 $0xFFFFFC00  }
0x42: {  	[tilespmem:s17], [sflag:$0x3] =	stream.linear.gather [hbm4b:s8+s3], $0x400, $0x38;
	[tilespmem:$0x18080] =	vst v63  }
0x43: {  	_ =	swait.ge [sflag:s16], $0x400  }
0x44: {  	[sflag:s16] =	ssyncset.done $0x0  }
0x45: {  	[sflag:s16] =	ssyncadd.s32 $0xFFFFFC00  }
0x46: {  	[tilespmem:s19], [sflag:$0x1] =	stream.indirect.gather [hbm4b:s4+s18], $0x80, s3, s18, $0xb8;
	[tilespmem:$0x18080] =	vst v63  }
0x47: {  	_ =	swait.ge [sflag:s20], $0x4000  }
0x48: {  	[sflag:s20] =	ssyncset.done $0x0  }
0x49: {  	[sflag:s20] =	ssyncadd.s32 $0xFFFFC000  }
0x4a: {  	[spmem:s1] =	stream.indirect.scatter.add.f32 [tilespmem:s19], [sflag:$0x3], $0x80, s17, s18, $0xb8;
	[tilespmem:$0x18080] =	vst v63  }
0x4b: {  	_ =	swait.ge [sflag:s16], $0x4000  }
0x4c: {  	[sflag:s16] =	ssyncset.done $0x0  }
0x4d: {  	[sflag:s16] =	ssyncadd.s32 $0xFFFFC000  }
0x4e: {  	[tilespmem:s19], [sflag:$0x1] =	stream.indirect.gather [hbm4b:s4+s18], $0x80, s18, s18, $0xb8;
	[tilespmem:$0x18080] =	vst v63  }
0x4f: {  	_ =	swait.ge [sflag:s20], $0x4000  }
0x50: {  	[sflag:s20] =	ssyncset.done $0x0  }
0x51: {  	[sflag:s20] =	ssyncadd.s32 $0xFFFFC000  }
0x52: {  	[spmem:s1] =	stream.indirect.scatter.add.f32 [tilespmem:s19], [sflag:$0x3], $0x80, s21, s18, $0xb8;
	[tilespmem:$0x18080] =	vst v63  }
0x53: {  	_ =	swait.ge [sflag:s16], $0x4000  }
0x54: {  	[sflag:s16] =	ssyncset.done $0x0  }
0x55: {  	[sflag:s16] =	ssyncadd.s32 $0xFFFFC000  }
0x56: {  	[tilespmem:s19], [sflag:$0x1] =	stream.indirect.gather [hbm4b:s4+s18], $0x80, s22, s18, $0xb8;
	[tilespmem:$0x18080] =	vst v63  }
0x57: {  	_ =	swait.ge [sflag:s20], $0x4000  }
0x58: {  	[sflag:s20] =	ssyncset.done $0x0  }
0x59: {  	[sflag:s20] =	ssyncadd.s32 $0xFFFFC000  }
0x5a: {  	[spmem:s1] =	stream.indirect.scatter.add.f32 [tilespmem:s19], [sflag:$0x3], $0x80, s23, s18, $0xb8;
	[tilespmem:$0x18080] =	vst v63  }
0x5b: {  	_ =	swait.ge [sflag:s16], $0x4000  }
0x5c: {  	[sflag:s16] =	ssyncset.done $0x0  }
0x5d: {  	[sflag:s16] =	ssyncadd.s32 $0xFFFFC000  }
0x5e: {  	[tilespmem:s19], [sflag:$0x1] =	stream.indirect.gather [hbm4b:s4+s18], $0x80, s24, s18, $0xb8;
	[tilespmem:$0x18080] =	vst v63  }
0x5f: {  	_ =	swait.ge [sflag:s20], $0x4000  }
0x60: {  	[sflag:s20] =	ssyncset.done $0x0  }
0x61: {  	[sflag:s20] =	ssyncadd.s32 $0xFFFFC000  }
0x62: {  	[spmem:s1] =	stream.indirect.scatter.add.f32 [tilespmem:s19], [sflag:$0x3], $0x80, s25, s18, $0xb8;
	[tilespmem:$0x18080] =	vst v63  }
0x63: {  	_ =	swait.ge [sflag:s16], $0x4000  }
0x64: {  	[sflag:s16] =	ssyncset.done $0x0  }
0x65: {  	[sflag:s16] =	ssyncadd.s32 $0xFFFFC000  }
0x66: {  	[tilespmem:s19], [sflag:$0x1] =	stream.indirect.gather [hbm4b:s4+s18], $0x80, s26, s18, $0xb8;
	[tilespmem:$0x18080] =	vst v63  }
0x67: {  	_ =	swait.ge [sflag:s20], $0x4000  }
0x68: {  	[sflag:s20] =	ssyncset.done $0x0  }
0x69: {  	[sflag:s20] =	ssyncadd.s32 $0xFFFFC000  }
0x6a: {  	[spmem:s1] =	stream.indirect.scatter.add.f32 [tilespmem:s19], [sflag:$0x3], $0x80, s28, s18, $0xb8;
	[tilespmem:$0x18080] =	vst v63  }
0x6b: {  	_ =	swait.ge [sflag:s16], $0x4000  }
0x6c: {  	[sflag:s16] =	ssyncset.done $0x0  }
0x6d: {  	[sflag:s16] =	ssyncadd.s32 $0xFFFFC000  }
0x6e: {  	[tilespmem:s19], [sflag:$0x1] =	stream.indirect.gather [hbm4b:s4+s18], $0x80, s29, s18, $0xb8;
	[tilespmem:$0x18080] =	vst v63  }
0x6f: {  	_ =	swait.ge [sflag:s20], $0x4000  }
0x70: {  	[sflag:s20] =	ssyncset.done $0x0  }
0x71: {  	[sflag:s20] =	ssyncadd.s32 $0xFFFFC000  }
0x72: {  	[spmem:s1] =	stream.indirect.scatter.add.f32 [tilespmem:s19], [sflag:$0x3], $0x80, s30, s18, $0xb8;
	[tilespmem:$0x18080] =	vst v63  }
0x73: {  	_ =	swait.ge [sflag:s16], $0x4000  }
0x74: {  	[sflag:s16] =	ssyncset.done $0x0  }
0x75: {  	[sflag:s16] =	ssyncadd.s32 $0xFFFFC000  }
0x76: {  	[tilespmem:s19], [sflag:$0x1] =	stream.indirect.gather [hbm4b:s4+s18], $0x80, s31, s18, $0xb8;
	[tilespmem:$0x18080] =	vst v63  }
0x77: {  	_ =	swait.ge [sflag:s20], $0x4000  }
0x78: {  	[sflag:s20] =	ssyncset.done $0x0  }
0x79: {  	[sflag:s20] =	ssyncadd.s32 $0xFFFFC000  }
0x7a: {  	[spmem:s1] =	stream.indirect.scatter.add.f32 [tilespmem:s19], [sflag:$0x3], $0x80, s0, s18, $0xb8;
	[tilespmem:$0x18080] =	vst v63  }
0x7b: {  	_ =	swait.ge [sflag:s16], $0x4000  }
0x7c: {  	[sflag:s16] =	ssyncset.done $0x0  }
0x7d: {  	[sflag:s16] =	ssyncadd.s32 $0xFFFFC000  }
0x7e: {  	[tilespmem:s19], [sflag:$0x1] =	stream.indirect.gather [hbm4b:s4+s18], $0x80, s2, s18, $0xb8;
	[tilespmem:$0x18080] =	vst v63  }
0x7f: {  	_ =	swait.ge [sflag:s20], $0x4000  }
0x80: {  	[sflag:s20] =	ssyncset.done $0x0  }
.Ltmp5:
0x81: {  	[sflag:s20] =	ssyncadd.s32 $0xFFFFC000;
	(pc) =	sbr.rel .LBB2_4-.Ltmp5, $4  }
0x82: {  	[spmem:s1] =	stream.indirect.scatter.add.f32 [tilespmem:s19], [sflag:$0x2], $0x80, s5, s18, $0xb8;
	[tilespmem:$0x18080] =	vst v63  }
0x83: {  	_ =	swait.ge [sflag:s6], $0x4000  }
0x84: {  	[sflag:s6] =	ssyncset.done $0x0  }
0x85: {  	[sflag:s6] =	ssyncadd.s32 $0xFFFFC000  }
.LBB2_6:
0x86: {  	_ =	sfence.sel $0x180000  }
0x87: {  	[bflag:$0x0] =	sbarrier.arrive $0xFFFF  }
0x88: {  	_ =	strace $0x90000047  }
0x89: {  	s0 =	stileid.u32;
	[bflag:$0x2] =	sbarrier.arrive $0xFFFF  }
0x8a: {  	p0 =	sne.s32 s0, $0x0;
	s0 =	rddreg [dreg:$0x2]  }
0x8b: {  	s0 =	sadd.s32 @!p0 $0x100000, s0  }
0x8c: {  	[sflag:s0] =	ssyncadd.tile.s32 @!p0 $0x1;
	_ =	shalt  }
.Lfunc_end2:
_tile_overlayer_lowered:
.L_overlay_start_2:
0x8d: {  	(tag) =	ssettag $0x2  }
0x8e: {  	s0 =	rddreg [dreg:$0x0];
	s2 =	stileid.u32  }
0x8f: {  	s1 =	rddreg [dreg:$0x1];
	p0 =	sne.s32 s2, $0x0  }
0x90: {  	s3 =	rddreg [dreg:$0x2];
	[bflag:$0x3] =	sbarrier.arrive $0xFFFF;
	s2 =	simm.s32 @!p0 $0x1C02  }
0x91: {  	[timem:s3], [sflag:s2] =	dma.local @!p0 [hbm:s0], s1  }
0x92: {  	s0 =	simm.s32 @!p0 $0x2  }
0x93: {  	_ =	swait.ge @!p0 [sflag:s0], s1  }
0x94: {  	s1 =	ssub.s32 @!p0 $0x0, s1;
	[sflag:s0] =	ssyncset.done @!p0 $0x0  }
0x95: {  	[sflag:s0] =	ssyncadd.s32 @!p0 s1  }
0x96: {  	[bflag:$0x3] =	sbarrier.arrive $0xFFFF  }
0x97: {  	_ =	shalt  }

// kernel: kernel.16.cloned.1.call-start
scs
__scs_entry_jumppad:
0x0: {  	(pc) =	sbr.rel $0x88, $3  }
0x1: {  	(tag) =	ssettag $0x0;
	lr =	simm.s32 $0x1  }
0x2: {  	[smem:$0x3F86] =	sst lr;
	_ =	strace $0xD0000000  }
0x3: {  	_ = 	snop  }
0x4: {  	_ = 	snop  }
0x5: {  	_ = 	snop  }
0x6: {  	_ = 	snop  }
0x7: {  	_ = 	snop  }
__scs_overlays_trampoline_lowered:
0x8: {  	[smem:$0x3F95] =	sst s0  }
0x9: {  	[smem:$0x3F96] =	sst s1  }
0xa: {  	[smem:$0x3F97] =	sst s2  }
0xb: {  	[smem:$0x3F98] =	sst s3  }
0xc: {  	[smem:$0x3F99] =	sst s4  }
0xd: {  	[smem:$0x3F9A] =	sst s5  }
0xe: {  	[smem:$0x3F9B] =	sst s6  }
0xf: {  	[smem:$0x3F9C] =	sst s7  }
0x10: {  	[smem:$0x3F9D] =	sst s8  }
0x11: {  	[smem:$0x3F9E] =	sst s9;
	s0 =	simm.s32 @!p0 $0x0  }
0x12: {  	s1 =	sld [smem:$0x3F84];
	s0 =	simm.s32 @p0 $0x1  }
0x13: {  	[smem:$0x3F9F] =	sst s0;
	s0 =	simm.s32 @!p1 $0x0  }
0x14: {  	s2 =	sld [smem:$0x3F83];
	s0 =	simm.s32 @p1 $0x1  }
0x15: {  	[smem:$0x3FA0] =	sst s0;
	s0 =	simm.s32 @!p2 $0x0  }
0x16: {  	s3 =	sld [smem:$0x3FDB];
	s0 =	simm.s32 @p2 $0x1  }
0x17: {  	s4 =	simm.s32 $0x1BF5;
	[smem:$0x3FA2] =	sst s0  }
0x18: {  	s0 =	sld [smem:$0x3F85];
	_ =	swait.ge [sflag:s4], $0x0  }
0x19: {  	s7 =	sld [smem:$0x3F86]  }
0x1a: {  	s8 =	sadd.s32 $0xFFFFE003, lr  }
0x1b: {  	s9 =	sadd.s32 $0xFFFFFEF7, lr;
	s5 =	simm.s32 $0xFFFFFFFF;
	p2 =	slt.u32 s8, $0xFFFFF086  }
0x1c: {  	p1 =	slt.u32 s9, $0xF7A;
	s5 =	simm.s32 @!p2 $0x0  }
0x1d: {  	s5 =	simm.s32 @p1 $0x1;
	p0 =	seq.s32 s7, s2  }
0x1e: {  	s7 =	smul.u32 @!p0 $0xF7A, s2;
	p2 =	seq.s32 @!p0 s5, $0x0  }
0x1f: {  	s9 =	smul.u32 $0xF7A, s1;
	s8 =	simm.s32 @!p0 $0x1BF5;
	p2 =	por !p2, p0  }
0x20: {  	[sflag:s8] =	ssyncset.s32 @!p0 $0xFFFFF086;
	s6 =	sadd.s32 @!p0 s3, s7;
	s7 =	simm.s32 @!p0 $0x108  }
0x21: {  	s3 =	sadd.s32 s3, s9;
	s6 =	sadd.s32 @!p0 $0x88, s6;
	s7 =	simm.s32 @p2 $0x1082  }
0x22: {  	[simem:s7], [sflag:s8] =	dma.local @!p0 [hbm:s6], $0xF7A  }
0x23: {  	s9 =	sor.u32 $0xD0000000, s2;
	s6 =	simm.s32 $0x108;
	_ =	swait.ge @!p0 [sflag:s8], $0x0  }
0x24: {  	s3 =	sadd.s32 $0x88, s3;
	s6 =	simm.s32 @!p1 $0x1082;
	[sflag:s4] =	ssyncset.s32 $0xFFFFF086  }
0x25: {  	[simem:s6], [sflag:s4] =	dma.local [hbm:s3], $0xF7A  }
0x26: {  	[smem:$0x3F86] =	sst s1;
	(tag) =	ssettag s2;
	_ =	strace s9  }
0x27: {  	s1 =	sld [smem:$0x3F96]  }
0x28: {  	s2 =	sld [smem:$0x3F97]  }
0x29: {  	s4 =	sld [smem:$0x3F99]  }
0x2a: {  	p0 =	seq.s32 s5, $0x0;
	s5 =	sld [smem:$0x3F9A]  }
0x2b: {  	s6 =	sld [smem:$0x3F9B]  }
0x2c: {  	s7 =	sld [smem:$0x3F9C]  }
0x2d: {  	s3 =	simm.s32 $0x108;
	s8 =	sld [smem:$0x3F9D]  }
0x2e: {  	s3 =	simm.s32 @!p0 $0x1082;
	s9 =	sld [smem:$0x3F9E]  }
0x2f: {  	lr =	sadd.s32 s0, s3;
	s0 =	sld [smem:$0x3F95]  }
0x30: {  	s3 =	sld [smem:$0x3F98]  }
0x31: {  	[smem:$0x3FA1] =	sst s10  }
0x32: {  	s10 =	sld [smem:$0x3F9F];
	_ =	sdelay $0x3  }
0x33: {  	p0 =	seq.s32 s10, $0x1;
	s10 =	sld [smem:$0x3FA1];
	_ =	sdelay $0x3  }
0x34: {  	[smem:$0x3FA1] =	sst s10  }
0x35: {  	s10 =	sld [smem:$0x3FA0];
	_ =	sdelay $0x3  }
0x36: {  	p1 =	seq.s32 s10, $0x1;
	s10 =	sld [smem:$0x3FA1];
	_ =	sdelay $0x3  }
0x37: {  	[smem:$0x3FA1] =	sst s10  }
0x38: {  	s10 =	sld [smem:$0x3FA2]  }
0x39: {  	_ = 	snop;
	(pc) =	sbr.ind lr, $3  }
0x3a: {  	_ = 	snop  }
0x3b: {  	_ = 	snop  }
0x3c: {  	p2 =	seq.s32 s10, $0x1;
	s10 =	sld [smem:$0x3FA1]  }
0x3d: {  	_ =	shalt  }
0x3e: {  	_ =	shalt  }
0x3f: {  	_ =	shalt  }
0x40: {  	_ =	shalt  }
0x41: {  	_ =	shalt  }
0x42: {  	_ =	shalt  }
0x43: {  	_ =	shalt  }
0x44: {  	_ =	shalt  }
0x45: {  	_ =	shalt  }
0x46: {  	_ =	shalt  }
0x47: {  	_ =	shalt  }
0x48: {  	_ =	shalt  }
0x49: {  	_ =	shalt  }
0x4a: {  	_ =	shalt  }
0x4b: {  	_ =	shalt  }
0x4c: {  	_ =	shalt  }
0x4d: {  	_ =	shalt  }
0x4e: {  	_ =	shalt  }
0x4f: {  	_ =	shalt  }
0x50: {  	_ =	shalt  }
0x51: {  	_ =	shalt  }
0x52: {  	_ =	shalt  }
0x53: {  	_ =	shalt  }
0x54: {  	_ =	shalt  }
0x55: {  	_ =	shalt  }
0x56: {  	_ =	shalt  }
0x57: {  	_ =	shalt  }
0x58: {  	_ =	shalt  }
0x59: {  	_ =	shalt  }
0x5a: {  	_ =	shalt  }
0x5b: {  	_ =	shalt  }
0x5c: {  	_ =	shalt  }
0x5d: {  	_ =	shalt  }
0x5e: {  	_ =	shalt  }
0x5f: {  	_ =	shalt  }
0x60: {  	_ =	shalt  }
0x61: {  	_ =	shalt  }
0x62: {  	_ =	shalt  }
0x63: {  	_ =	shalt  }
0x64: {  	_ =	shalt  }
0x65: {  	_ =	shalt  }
0x66: {  	_ =	shalt  }
0x67: {  	_ =	shalt  }
0x68: {  	_ =	shalt  }
0x69: {  	_ =	shalt  }
0x6a: {  	_ =	shalt  }
0x6b: {  	_ =	shalt  }
0x6c: {  	_ =	shalt  }
0x6d: {  	_ =	shalt  }
0x6e: {  	_ =	shalt  }
0x6f: {  	_ =	shalt  }
0x70: {  	_ =	shalt  }
0x71: {  	_ =	shalt  }
0x72: {  	_ =	shalt  }
0x73: {  	_ =	shalt  }
0x74: {  	_ =	shalt  }
0x75: {  	_ =	shalt  }
0x76: {  	_ =	shalt  }
0x77: {  	_ =	shalt  }
0x78: {  	_ =	shalt  }
0x79: {  	_ =	shalt  }
0x7a: {  	_ =	shalt  }
0x7b: {  	_ =	shalt  }
0x7c: {  	_ =	shalt  }
0x7d: {  	_ =	shalt  }
0x7e: {  	_ =	shalt  }
0x7f: {  	_ =	shalt  }
0x80: {  	_ =	shalt  }
0x81: {  	_ =	shalt  }
0x82: {  	_ =	shalt  }
0x83: {  	_ =	shalt  }
0x84: {  	_ =	shalt  }
0x85: {  	_ =	shalt  }
0x86: {  	_ =	shalt  }
0x87: {  	_ =	shalt  }
.Lfunc_end0:
.L_simem_size_0:
called_computation.1_lowered:
.L_overlay_start_0:
0x88: {  	s2 =	sld [smem:$0x3FD9]  }
0x89: {  	s3 =	sld [smem:$0x3FFE];
	_ =	sdelay $0x1  }
0x8a: {  	s1 =	srdreg.scid  }
0x8b: {  	s0 =	sand.u32 $0x1, s1  }
0x8c: {  	s16 =	sshll.u32 s0, $0xA;
	s2 =	sadd.s32 s3, s2  }
0x8d: {  	s2 =	sadd.s32 s2, s16  }
0x8e: {  	[smem:$0x3FAD] =	sst s2  }
0x8f: {  	_ = 	snop  }
0x90: {  	(tm) =	ssettm $0x1  }
0x91: {  	s17 =	sld [smem:$0x3FFB];
	_ =	sdelay $0x3  }
0x92: {  	_ =	strace s17  }
0x93: {  	s2 =	sld [smem:$0x3FFC];
	_ =	sdelay $0x3  }
0x94: {  	_ =	strace s2  }
0x95: {  	s2 =	sld [smem:$0x3FFD];
	_ =	sdelay $0x3  }
0x96: {  	_ =	strace s2  }
0x97: {  	_ =	strace $0x8FFFFFFF  }
0x98: {  	s18 =	sld [smem:$0x3FDB];
	_ =	sdelay $0x1  }
0x99: {  	s19 =	simm.s32 $_scs_section_size  }
0x9a: {  	s4 =	simm.s32 $_size__tile_overlayer_lowered;
	s5 =	simm.s32 $_tile_overlayer_lowered  }
0x9b: {  	s22 =	simm.s32 $0x1BFF;
	s21 =	sshll.u32 s5, $0x1;
	s2 =	sadd.s32 s19, s18  }
0x9c: {  	s6 =	simm.s32 $0x0;
	s20 =	sshll.u32 s4, $0x1;
	s4 =	sadd.s32 s21, s2  }
0x9d: {  	[timem:s6], [sflag:s22] =	dma.local [hbm:s4], s20  }
0x9e: {  	_ =	swait.ge [sflag:s22], s20  }
0x9f: {  	s3 =	ssub.s32 $0x0, s20;
	[sflag:s22] =	ssyncset.done $0x0  }
0xa0: {  	[sflag:s22] =	ssyncadd.s32 s3;
	_ =	sdelay $0x1  }
0xa1: {  	s23 =	simm.s32 $0x1B8B  }
0xa2: {  	_ =	swait.ge [sflag:s23], $0x1  }
0xa3: {  	[sflag:s23] =	ssyncset.done $0x0  }
0xa4: {  	s25 =	simm.s32 $0x1B8E;
	s24 =	sld [smem:$0x3FFE];
	[sflag:s23] =	ssyncadd.s32 $0xFFFFFFFF  }
0xa5: {  	s26 =	simm.s32 $execute0_lowered;
	[smem:$0x3FD2] =	sst s25  }
0xa6: {  	s4 =	sshll.u32 s26, $0x1;
	_ =	strace $0x80000049;
	[dreg:$0x1] =	wrdreg $0xFFFFFFFF  }
0xa7: {  	s28 =	simm.s32 $_size_execute0_lowered;
	s2 =	sadd.s32 s2, s4;
	[dreg:$0x0] =	wrdreg $0x0  }
0xa8: {  	s4 =	sshll.u32 s28, $0x1;
	[dreg:$0x2] =	wrdreg s2  }
0xa9: {  	[dreg:$0x3] =	wrdreg s4  }
0xaa: {  	[dreg:$0x4] =	wrdreg $0xC0  }
0xab: {  	_ =	task [dreg:s6], $0x5FFFF  }
0xac: {  	[dreg:$0x1] =	wrdreg $0xFFFFFFFF  }
0xad: {  	[dreg:$0x0] =	wrdreg $0x60  }
0xae: {  	[dreg:$0x2] =	wrdreg s24  }
0xaf: {  	[dreg:$0x3] =	wrdreg $0x48000  }
0xb0: {  	[dreg:$0x4] =	wrdreg $0x9  }
0xb1: {  	_ =	task.clear_ibuf [dreg:s6], $0x5FFFF;
	_ =	strace $0x90000049  }
0xb2: {  	s29 =	simm.s32 $0x9;
	_ =	strace $0x8000004B  }
0xb3: {  	_ =	swait.ge [sflag:s29], $0x1  }
0xb4: {  	[sflag:s29] =	ssyncadd.s32 $0xFFFFFFFF  }
0xb5: {  	_ =	strace $0x9000004B  }
0xb6: {  	_ =	sfence  }
0xb7: {  	s30 =	sld [smem:$0x0];
	_ =	sdelay $0x2  }
0xb8: {  	s31 =	sshll.u32 s1, $0xD;
	s1 =	sshrl.u32 s1, $0x2  }
0xb9: {  	s3 =	sand.u32 $0x4000, s31;
	s1 =	sadd.s32 s1, s30  }
0xba: {  	s0 =	sor.u32 s3, s0;
	s1 =	sshll.u32 s1, $0x11  }
0xbb: {  	s0 =	sor.u32 s1, s0  }
0xbc: {  	s0 =	sadd.s32 $0x8F2B, s0  }
0xbd: {  	[sflag:s0] =	ssyncadd.remote.s32 $0x1  }
0xbe: {  	_ =	sfence.sel $0xFFFF  }
0xbf: {  	[dreg:$0x0] =	wrdreg $0xFFFFFFFF;
	(pc) =	sbr.abs _section_cstart, $3  }
0xc0: {  	[dreg:$0x1] =	wrdreg $0xFFFFFFFF  }
0xc1: {  	_ =	task.clear_ibuf [dreg:s6], $0x2FFFF;
	_ =	strace $0x9FFFFFFF  }
0xc2: {  	(tm) =	ssettm $0x7FFFFFFF  }
0xc3: {  	_ =	shalt  }
tec
execute0_lowered:
.L_overlay_start_1:
0x0: {  	(tag) =	ssettag $0x1  }
0x1: {  	s0 =	rddreg [dreg:$0x0]  }
0x2: {  	s1 =	rddreg [dreg:$0x1];
	s3 =	simm.s32 $0x0;
	s13 =	stileid.u32  }
0x3: {  	s6 =	srdreg.scid;
	s16 =	simm.s32 $0x3;
	s17 =	simm.s32 $0x400  }
0x4: {  	s18 =	simm.s32 $0x80;
	s28 =	simm.s32 $0x600;
	s29 =	simm.s32 $0x280  }
0x5: {  	s30 =	simm.s32 $0x680;
	s31 =	simm.s32 $0x300;
	[smem:$0x7FF] =	sst s3  }
0x6: {  	s2 =	sshll.u32 s13, $0x8;
	s5 =	smul.u32 $0x2700, s13;
	s4 =	sadd.s32 $0x17A00, s0  }
0x7: {  	s6 =	sand.u32 $0x1, s6;
	s8 =	smul.u32 $0x4E000, s13;
	s9 =	sadd.s32 $0x3FBE00, s0  }
0x8: {  	s19 =	smul.u32 $0x13800, s13;
	s12 =	sshll.u32 s13, $0x1;
	p0 =	seq.s32 s13, $0xF  }
0x9: {  	_ =	strace $0x8000004A;
	s2 =	sadd.s32 s2, s0;
	s7 =	ssub.s32 $0x2, s6  }
0xa: {  	s11 =	smul.u32 $0x138800, s6;
	s25 =	sshll.u32 s6, $0x7;
	s26 =	sor.u32 s6, s12  }
0xb: {  	s6 =	simm.s32 $0x2;
	s5 =	sadd.s32 s5, s0;
	s10 =	sshrl.u32 s7, $0x1  }
0xc: {  	s8 =	sshrl.u32 s8, $0x2;
	s0 =	sadd.s32 $0x3F9500, s0;
	[dreg:$0x8] =	wrdreg s26  }
0xd: {  	s26 =	simm.s32 $0x200;
	s7 =	ssub.s32 s7, s10;
	s15 =	sadd.s32 s8, s1  }
0xe: {  	s5 =	sadd.s32 $0x3D4C00, s5;
	s20 =	sadd.s32 s19, s11;
	[dreg:$0x4] =	wrdreg s0  }
0xf: {  	s21 =	sshrl.u32 s11, $0x3;
	s19 =	simm.s32 $0x800;
	[dreg:$0x3] =	wrdreg s5  }
0x10: {  	s5 =	sadd.s32 $0x124800, s1;
	s22 =	sshrl.u32 s20, $0x3;
	s23 =	sadd.s32 s9, s21  }
0x11: {  	s7 =	smax.u32 s7, $0x1;
	s15 =	sshrl.u32 @!p0 s15, $0x3;
	s20 =	simm.s32 $0x1  }
0x12: {  	s21 =	simm.s32 $0x480;
	s0 =	sadd.s32 s9, s22;
	s24 =	sadd.s32 $0x24900, s23  }
0x13: {  	[dreg:$0x7] =	wrdreg s7;
	s22 =	simm.s32 $0x100;
	s23 =	simm.s32 $0x500  }
.Ltmp0:
0x14: {  	s7 =	simm.s32 $0x0;
	[dreg:$0x5] =	wrdreg s0;
	(pc) =	sbr.rel .LBB2_1-.Ltmp0, $4  }
0x15: {  	[dreg:$0x6] =	wrdreg s24;
	s0 =	sadd.s32 s25, s2;
	s24 =	simm.s32 $0x180  }
0x16: {  	s25 =	simm.s32 $0x580;
	s2 =	simm.s32 $0x380;
	s10 =	sadd.s32 $0x4000, s0  }
0x17: {  	s11 =	sadd.s32 $0x3C1200, s0;
	s0 =	sshll.u32 @!p0 s13, $0x6;
	s13 =	sshrl.u32 @p0 s5, $0x3  }
0x18: {  	s5 =	simm.s32 $0x780;
	s14 =	sor.u32 @!p0 $0x1C02, s0;
	s0 =	simm.s32 $0x700  }
.LBB2_5:
0x19: {  	[bflag:$0x0] =	sbarrier.arrive $0xFFFF  }
0x1a: {  	s8 =	simm.s32 @p0 $0x1FC2;
	s9 =	rddreg [dreg:$0x6]  }
0x1b: {  	[hbm:s9], [sflag:s8] =	dma.local @p0 [spmem:s13], $0x2800  }
0x1c: {  	s8 =	simm.s32 @p0 $0x2  }
0x1d: {  	_ =	swait.ge @p0 [sflag:s8], $0x2800  }
0x1e: {  	[sflag:s8] =	ssyncset.done @p0 $0x0  }
0x1f: {  	[sflag:s8] =	ssyncadd.s32 @p0 $0xFFFFD800;
	s8 =	rddreg [dreg:$0x5]  }
0x20: {  	[hbm:s8], [sflag:s14] =	dma.local @!p0 [spmem:s15], $0x2700  }
0x21: {  	s8 =	simm.s32 @!p0 $0x2  }
0x22: {  	_ =	swait.ge @!p0 [sflag:s8], $0x2700  }
0x23: {  	s7 =	sadd.s32 $0x1, s7;
	s12 =	rddreg [dreg:$0x7]  }
0x24: {  	p1 =	sne.s32 s7, s12  }
.Ltmp1:
0x25: {  	_ = 	snop;
	(pc) =	sbr.rel @!p1 .LBB2_6-.Ltmp1, $3  }
0x26: {  	_ =	sdelay $0x1  }
0x27: {  	[sflag:s8] =	ssyncset.done @!p0 $0x0  }
0x28: {  	[sflag:s8] =	ssyncadd.s32 @!p0 $0xFFFFD900  }
.LBB2_1:
0x29: {  	s9 =	simm.s32 @p0 $0x1FC2;
	s8 =	rddreg [dreg:$0x4]  }
0x2a: {  	[spmem:s13], [sflag:s9] =	dma.local @p0 [hbm:s8], $0x2800  }
0x2b: {  	s9 =	simm.s32 @p0 $0x2  }
0x2c: {  	_ =	swait.ge @p0 [sflag:s9], $0x2800  }
0x2d: {  	[sflag:s9] =	ssyncset.done @p0 $0x0  }
0x2e: {  	s8 =	rddreg [dreg:$0x3];
	[sflag:s9] =	ssyncadd.s32 @p0 $0xFFFFD800;
	s9 =	simm.s32 @!p0 $0x2  }
0x2f: {  	[spmem:s15], [sflag:s14] =	dma.local @!p0 [hbm:s8], $0x2700  }
.Ltmp2:
0x30: {  	_ =	swait.ge @!p0 [sflag:s9], $0x2700;
	(pc) =	sbr.rel .LBB2_2-.Ltmp2, $4  }
0x31: {  	[sflag:s9] =	ssyncset.done @!p0 $0x0  }
0x32: {  	[sflag:s9] =	ssyncadd.s32 @!p0 $0xFFFFD900  }
0x33: {  	[bflag:$0x0] =	sbarrier.arrive $0xFFFF  }
0x34: {  	s9 =	simm.s32 $0x0;
	s12 =	rddreg [dreg:$0x8]  }
.LBB2_4:
0x35: {  	s9 =	sadd.s32 $0x1000, s9  }
0x36: {  	p1 =	sne.s32 s9, $0x14000  }
.Ltmp3:
0x37: {  	_ = 	snop;
	(pc) =	sbr.rel @!p1 .LBB2_5-.Ltmp3, $2  }
0x38: {  	_ =	sdelay $0x2  }
0x39: {  	s12 =	sadd.s32 $0x20, s12  }
.LBB2_2:
0x3a: {  	p1 =	sgt.u32 s12, $0x270  }
.Ltmp4:
0x3b: {  	_ = 	snop;
	(pc) =	sbr.rel @p1 .LBB2_4-.Ltmp4, $1  }
0x3c: {  	_ =	sdelay $0x3  }
0x3d: {  	s8 =	sadd.s32 s9, s11  }
0x3e: {  	[tilespmem:s3], [sflag:$0x3] =	stream.linear.gather [hbm4b:s8+s3], $0x400, $0x38;
	[tilespmem:$0x18080] =	vst v63  }
0x3f: {  	_ =	swait.ge [sflag:s16], $0x400  }
0x40: {  	[sflag:s16] =	ssyncset.done $0x0  }
0x41: {  	s8 =	sadd.s32 s9, s10;
	[sflag:s16] =	ssyncadd.s32 $0xFFFFFC00  }
0x42: {  	[tilespmem:s17], [sflag:$0x3] =	stream.linear.gather [hbm4b:s8+s3], $0x400, $0x38;
	[tilespmem:$0x18080] =	vst v63  }
0x43: {  	_ =	swait.ge [sflag:s16], $0x400  }
0x44: {  	[sflag:s16] =	ssyncset.done $0x0  }
0x45: {  	[sflag:s16] =	ssyncadd.s32 $0xFFFFFC00  }
0x46: {  	[tilespmem:s19], [sflag:$0x1] =	stream.indirect.gather [hbm4b:s4+s18], $0x80, s3, s18, $0xb8;
	[tilespmem:$0x18080] =	vst v63  }
0x47: {  	_ =	swait.ge [sflag:s20], $0x4000  }
0x48: {  	[sflag:s20] =	ssyncset.done $0x0  }
0x49: {  	[sflag:s20] =	ssyncadd.s32 $0xFFFFC000  }
0x4a: {  	[spmem:s1] =	stream.indirect.scatter.add.f32 [tilespmem:s19], [sflag:$0x3], $0x80, s17, s18, $0xb8;
	[tilespmem:$0x18080] =	vst v63  }
0x4b: {  	_ =	swait.ge [sflag:s16], $0x4000  }
0x4c: {  	[sflag:s16] =	ssyncset.done $0x0  }
0x4d: {  	[sflag:s16] =	ssyncadd.s32 $0xFFFFC000  }
0x4e: {  	[tilespmem:s19], [sflag:$0x1] =	stream.indirect.gather [hbm4b:s4+s18], $0x80, s18, s18, $0xb8;
	[tilespmem:$0x18080] =	vst v63  }
0x4f: {  	_ =	swait.ge [sflag:s20], $0x4000  }
0x50: {  	[sflag:s20] =	ssyncset.done $0x0  }
0x51: {  	[sflag:s20] =	ssyncadd.s32 $0xFFFFC000  }
0x52: {  	[spmem:s1] =	stream.indirect.scatter.add.f32 [tilespmem:s19], [sflag:$0x3], $0x80, s21, s18, $0xb8;
	[tilespmem:$0x18080] =	vst v63  }
0x53: {  	_ =	swait.ge [sflag:s16], $0x4000  }
0x54: {  	[sflag:s16] =	ssyncset.done $0x0  }
0x55: {  	[sflag:s16] =	ssyncadd.s32 $0xFFFFC000  }
0x56: {  	[tilespmem:s19], [sflag:$0x1] =	stream.indirect.gather [hbm4b:s4+s18], $0x80, s22, s18, $0xb8;
	[tilespmem:$0x18080] =	vst v63  }
0x57: {  	_ =	swait.ge [sflag:s20], $0x4000  }
0x58: {  	[sflag:s20] =	ssyncset.done $0x0  }
0x59: {  	[sflag:s20] =	ssyncadd.s32 $0xFFFFC000  }
0x5a: {  	[spmem:s1] =	stream.indirect.scatter.add.f32 [tilespmem:s19], [sflag:$0x3], $0x80, s23, s18, $0xb8;
	[tilespmem:$0x18080] =	vst v63  }
0x5b: {  	_ =	swait.ge [sflag:s16], $0x4000  }
0x5c: {  	[sflag:s16] =	ssyncset.done $0x0  }
0x5d: {  	[sflag:s16] =	ssyncadd.s32 $0xFFFFC000  }
0x5e: {  	[tilespmem:s19], [sflag:$0x1] =	stream.indirect.gather [hbm4b:s4+s18], $0x80, s24, s18, $0xb8;
	[tilespmem:$0x18080] =	vst v63  }
0x5f: {  	_ =	swait.ge [sflag:s20], $0x4000  }
0x60: {  	[sflag:s20] =	ssyncset.done $0x0  }
0x61: {  	[sflag:s20] =	ssyncadd.s32 $0xFFFFC000  }
0x62: {  	[spmem:s1] =	stream.indirect.scatter.add.f32 [tilespmem:s19], [sflag:$0x3], $0x80, s25, s18, $0xb8;
	[tilespmem:$0x18080] =	vst v63  }
0x63: {  	_ =	swait.ge [sflag:s16], $0x4000  }
0x64: {  	[sflag:s16] =	ssyncset.done $0x0  }
0x65: {  	[sflag:s16] =	ssyncadd.s32 $0xFFFFC000  }
0x66: {  	[tilespmem:s19], [sflag:$0x1] =	stream.indirect.gather [hbm4b:s4+s18], $0x80, s26, s18, $0xb8;
	[tilespmem:$0x18080] =	vst v63  }
0x67: {  	_ =	swait.ge [sflag:s20], $0x4000  }
0x68: {  	[sflag:s20] =	ssyncset.done $0x0  }
0x69: {  	[sflag:s20] =	ssyncadd.s32 $0xFFFFC000  }
0x6a: {  	[spmem:s1] =	stream.indirect.scatter.add.f32 [tilespmem:s19], [sflag:$0x3], $0x80, s28, s18, $0xb8;
	[tilespmem:$0x18080] =	vst v63  }
0x6b: {  	_ =	swait.ge [sflag:s16], $0x4000  }
0x6c: {  	[sflag:s16] =	ssyncset.done $0x0  }
0x6d: {  	[sflag:s16] =	ssyncadd.s32 $0xFFFFC000  }
0x6e: {  	[tilespmem:s19], [sflag:$0x1] =	stream.indirect.gather [hbm4b:s4+s18], $0x80, s29, s18, $0xb8;
	[tilespmem:$0x18080] =	vst v63  }
0x6f: {  	_ =	swait.ge [sflag:s20], $0x4000  }
0x70: {  	[sflag:s20] =	ssyncset.done $0x0  }
0x71: {  	[sflag:s20] =	ssyncadd.s32 $0xFFFFC000  }
0x72: {  	[spmem:s1] =	stream.indirect.scatter.add.f32 [tilespmem:s19], [sflag:$0x3], $0x80, s30, s18, $0xb8;
	[tilespmem:$0x18080] =	vst v63  }
0x73: {  	_ =	swait.ge [sflag:s16], $0x4000  }
0x74: {  	[sflag:s16] =	ssyncset.done $0x0  }
0x75: {  	[sflag:s16] =	ssyncadd.s32 $0xFFFFC000  }
0x76: {  	[tilespmem:s19], [sflag:$0x1] =	stream.indirect.gather [hbm4b:s4+s18], $0x80, s31, s18, $0xb8;
	[tilespmem:$0x18080] =	vst v63  }
0x77: {  	_ =	swait.ge [sflag:s20], $0x4000  }
0x78: {  	[sflag:s20] =	ssyncset.done $0x0  }
0x79: {  	[sflag:s20] =	ssyncadd.s32 $0xFFFFC000  }
0x7a: {  	[spmem:s1] =	stream.indirect.scatter.add.f32 [tilespmem:s19], [sflag:$0x3], $0x80, s0, s18, $0xb8;
	[tilespmem:$0x18080] =	vst v63  }
0x7b: {  	_ =	swait.ge [sflag:s16], $0x4000  }
0x7c: {  	[sflag:s16] =	ssyncset.done $0x0  }
0x7d: {  	[sflag:s16] =	ssyncadd.s32 $0xFFFFC000  }
0x7e: {  	[tilespmem:s19], [sflag:$0x1] =	stream.indirect.gather [hbm4b:s4+s18], $0x80, s2, s18, $0xb8;
	[tilespmem:$0x18080] =	vst v63  }
0x7f: {  	_ =	swait.ge [sflag:s20], $0x4000  }
0x80: {  	[sflag:s20] =	ssyncset.done $0x0  }
.Ltmp5:
0x81: {  	[sflag:s20] =	ssyncadd.s32 $0xFFFFC000;
	(pc) =	sbr.rel .LBB2_4-.Ltmp5, $4  }
0x82: {  	[spmem:s1] =	stream.indirect.scatter.add.f32 [tilespmem:s19], [sflag:$0x2], $0x80, s5, s18, $0xb8;
	[tilespmem:$0x18080] =	vst v63  }
0x83: {  	_ =	swait.ge [sflag:s6], $0x4000  }
0x84: {  	[sflag:s6] =	ssyncset.done $0x0  }
0x85: {  	[sflag:s6] =	ssyncadd.s32 $0xFFFFC000  }
.LBB2_6:
0x86: {  	_ =	sfence.sel $0x180000  }
0x87: {  	[bflag:$0x0] =	sbarrier.arrive $0xFFFF  }
0x88: {  	_ =	strace $0x9000004A  }
0x89: {  	s0 =	stileid.u32;
	[bflag:$0x2] =	sbarrier.arrive $0xFFFF  }
0x8a: {  	p0 =	sne.s32 s0, $0x0;
	s0 =	rddreg [dreg:$0x2]  }
0x8b: {  	s0 =	sadd.s32 @!p0 $0x100000, s0  }
0x8c: {  	[sflag:s0] =	ssyncadd.tile.s32 @!p0 $0x1;
	_ =	shalt  }
.Lfunc_end2:
_tile_overlayer_lowered:
.L_overlay_start_2:
0x8d: {  	(tag) =	ssettag $0x2  }
0x8e: {  	s0 =	rddreg [dreg:$0x0];
	s2 =	stileid.u32  }
0x8f: {  	s1 =	rddreg [dreg:$0x1];
	p0 =	sne.s32 s2, $0x0  }
0x90: {  	s3 =	rddreg [dreg:$0x2];
	[bflag:$0x3] =	sbarrier.arrive $0xFFFF;
	s2 =	simm.s32 @!p0 $0x1C02  }
0x91: {  	[timem:s3], [sflag:s2] =	dma.local @!p0 [hbm:s0], s1  }
0x92: {  	s0 =	simm.s32 @!p0 $0x2  }
0x93: {  	_ =	swait.ge @!p0 [sflag:s0], s1  }
0x94: {  	s1 =	ssub.s32 @!p0 $0x0, s1;
	[sflag:s0] =	ssyncset.done @!p0 $0x0  }
0x95: {  	[sflag:s0] =	ssyncadd.s32 @!p0 s1  }
0x96: {  	[bflag:$0x3] =	sbarrier.arrive $0xFFFF  }
0x97: {  	_ =	shalt  }

// kernel: kernel.19.cloned.1.call-start
scs
__scs_entry_jumppad:
0x0: {  	(pc) =	sbr.rel $0x88, $3  }
0x1: {  	(tag) =	ssettag $0x0;
	lr =	simm.s32 $0x1  }
0x2: {  	[smem:$0x3F86] =	sst lr;
	_ =	strace $0xD0000000  }
0x3: {  	_ = 	snop  }
0x4: {  	_ = 	snop  }
0x5: {  	_ = 	snop  }
0x6: {  	_ = 	snop  }
0x7: {  	_ = 	snop  }
__scs_overlays_trampoline_lowered:
0x8: {  	[smem:$0x3F95] =	sst s0  }
0x9: {  	[smem:$0x3F96] =	sst s1  }
0xa: {  	[smem:$0x3F97] =	sst s2  }
0xb: {  	[smem:$0x3F98] =	sst s3  }
0xc: {  	[smem:$0x3F99] =	sst s4  }
0xd: {  	[smem:$0x3F9A] =	sst s5  }
0xe: {  	[smem:$0x3F9B] =	sst s6  }
0xf: {  	[smem:$0x3F9C] =	sst s7  }
0x10: {  	[smem:$0x3F9D] =	sst s8  }
0x11: {  	[smem:$0x3F9E] =	sst s9;
	s0 =	simm.s32 @!p0 $0x0  }
0x12: {  	s1 =	sld [smem:$0x3F84];
	s0 =	simm.s32 @p0 $0x1  }
0x13: {  	[smem:$0x3F9F] =	sst s0;
	s0 =	simm.s32 @!p1 $0x0  }
0x14: {  	s2 =	sld [smem:$0x3F83];
	s0 =	simm.s32 @p1 $0x1  }
0x15: {  	[smem:$0x3FA0] =	sst s0;
	s0 =	simm.s32 @!p2 $0x0  }
0x16: {  	s3 =	sld [smem:$0x3FDB];
	s0 =	simm.s32 @p2 $0x1  }
0x17: {  	s4 =	simm.s32 $0x1BF5;
	[smem:$0x3FA2] =	sst s0  }
0x18: {  	s0 =	sld [smem:$0x3F85];
	_ =	swait.ge [sflag:s4], $0x0  }
0x19: {  	s7 =	sld [smem:$0x3F86]  }
0x1a: {  	s8 =	sadd.s32 $0xFFFFE003, lr  }
0x1b: {  	s9 =	sadd.s32 $0xFFFFFEF7, lr;
	s5 =	simm.s32 $0xFFFFFFFF;
	p2 =	slt.u32 s8, $0xFFFFF086  }
0x1c: {  	p1 =	slt.u32 s9, $0xF7A;
	s5 =	simm.s32 @!p2 $0x0  }
0x1d: {  	s5 =	simm.s32 @p1 $0x1;
	p0 =	seq.s32 s7, s2  }
0x1e: {  	s7 =	smul.u32 @!p0 $0xF7A, s2;
	p2 =	seq.s32 @!p0 s5, $0x0  }
0x1f: {  	s9 =	smul.u32 $0xF7A, s1;
	s8 =	simm.s32 @!p0 $0x1BF5;
	p2 =	por !p2, p0  }
0x20: {  	[sflag:s8] =	ssyncset.s32 @!p0 $0xFFFFF086;
	s6 =	sadd.s32 @!p0 s3, s7;
	s7 =	simm.s32 @!p0 $0x108  }
0x21: {  	s3 =	sadd.s32 s3, s9;
	s6 =	sadd.s32 @!p0 $0x88, s6;
	s7 =	simm.s32 @p2 $0x1082  }
0x22: {  	[simem:s7], [sflag:s8] =	dma.local @!p0 [hbm:s6], $0xF7A  }
0x23: {  	s9 =	sor.u32 $0xD0000000, s2;
	s6 =	simm.s32 $0x108;
	_ =	swait.ge @!p0 [sflag:s8], $0x0  }
0x24: {  	s3 =	sadd.s32 $0x88, s3;
	s6 =	simm.s32 @!p1 $0x1082;
	[sflag:s4] =	ssyncset.s32 $0xFFFFF086  }
0x25: {  	[simem:s6], [sflag:s4] =	dma.local [hbm:s3], $0xF7A  }
0x26: {  	[smem:$0x3F86] =	sst s1;
	(tag) =	ssettag s2;
	_ =	strace s9  }
0x27: {  	s1 =	sld [smem:$0x3F96]  }
0x28: {  	s2 =	sld [smem:$0x3F97]  }
0x29: {  	s4 =	sld [smem:$0x3F99]  }
0x2a: {  	p0 =	seq.s32 s5, $0x0;
	s5 =	sld [smem:$0x3F9A]  }
0x2b: {  	s6 =	sld [smem:$0x3F9B]  }
0x2c: {  	s7 =	sld [smem:$0x3F9C]  }
0x2d: {  	s3 =	simm.s32 $0x108;
	s8 =	sld [smem:$0x3F9D]  }
0x2e: {  	s3 =	simm.s32 @!p0 $0x1082;
	s9 =	sld [smem:$0x3F9E]  }
0x2f: {  	lr =	sadd.s32 s0, s3;
	s0 =	sld [smem:$0x3F95]  }
0x30: {  	s3 =	sld [smem:$0x3F98]  }
0x31: {  	[smem:$0x3FA1] =	sst s10  }
0x32: {  	s10 =	sld [smem:$0x3F9F];
	_ =	sdelay $0x3  }
0x33: {  	p0 =	seq.s32 s10, $0x1;
	s10 =	sld [smem:$0x3FA1];
	_ =	sdelay $0x3  }
0x34: {  	[smem:$0x3FA1] =	sst s10  }
0x35: {  	s10 =	sld [smem:$0x3FA0];
	_ =	sdelay $0x3  }
0x36: {  	p1 =	seq.s32 s10, $0x1;
	s10 =	sld [smem:$0x3FA1];
	_ =	sdelay $0x3  }
0x37: {  	[smem:$0x3FA1] =	sst s10  }
0x38: {  	s10 =	sld [smem:$0x3FA2]  }
0x39: {  	_ = 	snop;
	(pc) =	sbr.ind lr, $3  }
0x3a: {  	_ = 	snop  }
0x3b: {  	_ = 	snop  }
0x3c: {  	p2 =	seq.s32 s10, $0x1;
	s10 =	sld [smem:$0x3FA1]  }
0x3d: {  	_ =	shalt  }
0x3e: {  	_ =	shalt  }
0x3f: {  	_ =	shalt  }
0x40: {  	_ =	shalt  }
0x41: {  	_ =	shalt  }
0x42: {  	_ =	shalt  }
0x43: {  	_ =	shalt  }
0x44: {  	_ =	shalt  }
0x45: {  	_ =	shalt  }
0x46: {  	_ =	shalt  }
0x47: {  	_ =	shalt  }
0x48: {  	_ =	shalt  }
0x49: {  	_ =	shalt  }
0x4a: {  	_ =	shalt  }
0x4b: {  	_ =	shalt  }
0x4c: {  	_ =	shalt  }
0x4d: {  	_ =	shalt  }
0x4e: {  	_ =	shalt  }
0x4f: {  	_ =	shalt  }
0x50: {  	_ =	shalt  }
0x51: {  	_ =	shalt  }
0x52: {  	_ =	shalt  }
0x53: {  	_ =	shalt  }
0x54: {  	_ =	shalt  }
0x55: {  	_ =	shalt  }
0x56: {  	_ =	shalt  }
0x57: {  	_ =	shalt  }
0x58: {  	_ =	shalt  }
0x59: {  	_ =	shalt  }
0x5a: {  	_ =	shalt  }
0x5b: {  	_ =	shalt  }
0x5c: {  	_ =	shalt  }
0x5d: {  	_ =	shalt  }
0x5e: {  	_ =	shalt  }
0x5f: {  	_ =	shalt  }
0x60: {  	_ =	shalt  }
0x61: {  	_ =	shalt  }
0x62: {  	_ =	shalt  }
0x63: {  	_ =	shalt  }
0x64: {  	_ =	shalt  }
0x65: {  	_ =	shalt  }
0x66: {  	_ =	shalt  }
0x67: {  	_ =	shalt  }
0x68: {  	_ =	shalt  }
0x69: {  	_ =	shalt  }
0x6a: {  	_ =	shalt  }
0x6b: {  	_ =	shalt  }
0x6c: {  	_ =	shalt  }
0x6d: {  	_ =	shalt  }
0x6e: {  	_ =	shalt  }
0x6f: {  	_ =	shalt  }
0x70: {  	_ =	shalt  }
0x71: {  	_ =	shalt  }
0x72: {  	_ =	shalt  }
0x73: {  	_ =	shalt  }
0x74: {  	_ =	shalt  }
0x75: {  	_ =	shalt  }
0x76: {  	_ =	shalt  }
0x77: {  	_ =	shalt  }
0x78: {  	_ =	shalt  }
0x79: {  	_ =	shalt  }
0x7a: {  	_ =	shalt  }
0x7b: {  	_ =	shalt  }
0x7c: {  	_ =	shalt  }
0x7d: {  	_ =	shalt  }
0x7e: {  	_ =	shalt  }
0x7f: {  	_ =	shalt  }
0x80: {  	_ =	shalt  }
0x81: {  	_ =	shalt  }
0x82: {  	_ =	shalt  }
0x83: {  	_ =	shalt  }
0x84: {  	_ =	shalt  }
0x85: {  	_ =	shalt  }
0x86: {  	_ =	shalt  }
0x87: {  	_ =	shalt  }
.Lfunc_end0:
.L_simem_size_0:
called_computation.2_lowered:
.L_overlay_start_0:
0x88: {  	s2 =	sld [smem:$0x3FD9]  }
0x89: {  	s3 =	sld [smem:$0x3FFE];
	_ =	sdelay $0x1  }
0x8a: {  	s1 =	srdreg.scid  }
0x8b: {  	s0 =	sand.u32 $0x1, s1  }
0x8c: {  	s16 =	sshll.u32 s0, $0xA;
	s2 =	sadd.s32 s3, s2  }
0x8d: {  	s2 =	sadd.s32 s2, s16  }
0x8e: {  	[smem:$0x3FAD] =	sst s2  }
0x8f: {  	_ = 	snop  }
0x90: {  	(tm) =	ssettm $0x1  }
0x91: {  	s17 =	sld [smem:$0x3FFB];
	_ =	sdelay $0x3  }
0x92: {  	_ =	strace s17  }
0x93: {  	s2 =	sld [smem:$0x3FFC];
	_ =	sdelay $0x3  }
0x94: {  	_ =	strace s2  }
0x95: {  	s2 =	sld [smem:$0x3FFD];
	_ =	sdelay $0x3  }
0x96: {  	_ =	strace s2  }
0x97: {  	_ =	strace $0x8FFFFFFF  }
0x98: {  	s18 =	sld [smem:$0x3FDB];
	_ =	sdelay $0x1  }
0x99: {  	s19 =	simm.s32 $_scs_section_size  }
0x9a: {  	s4 =	simm.s32 $_size__tile_overlayer_lowered;
	s5 =	simm.s32 $_tile_overlayer_lowered  }
0x9b: {  	s22 =	simm.s32 $0x1BFF;
	s21 =	sshll.u32 s5, $0x1;
	s2 =	sadd.s32 s19, s18  }
0x9c: {  	s6 =	simm.s32 $0x0;
	s20 =	sshll.u32 s4, $0x1;
	s4 =	sadd.s32 s21, s2  }
0x9d: {  	[timem:s6], [sflag:s22] =	dma.local [hbm:s4], s20  }
0x9e: {  	_ =	swait.ge [sflag:s22], s20  }
0x9f: {  	s3 =	ssub.s32 $0x0, s20;
	[sflag:s22] =	ssyncset.done $0x0  }
0xa0: {  	[sflag:s22] =	ssyncadd.s32 s3;
	_ =	sdelay $0x1  }
0xa1: {  	s23 =	simm.s32 $0x1B8B  }
0xa2: {  	_ =	swait.ge [sflag:s23], $0x1  }
0xa3: {  	[sflag:s23] =	ssyncset.done $0x0  }
0xa4: {  	s25 =	simm.s32 $0x1B8E;
	s24 =	sld [smem:$0x3FFE];
	[sflag:s23] =	ssyncadd.s32 $0xFFFFFFFF  }
0xa5: {  	s26 =	simm.s32 $execute0_lowered;
	[smem:$0x3FD2] =	sst s25  }
0xa6: {  	s4 =	sshll.u32 s26, $0x1;
	_ =	strace $0x8000004C;
	[dreg:$0x1] =	wrdreg $0xFFFFFFFF  }
0xa7: {  	s28 =	simm.s32 $_size_execute0_lowered;
	s2 =	sadd.s32 s2, s4;
	[dreg:$0x0] =	wrdreg $0x0  }
0xa8: {  	s4 =	sshll.u32 s28, $0x1;
	[dreg:$0x2] =	wrdreg s2  }
0xa9: {  	[dreg:$0x3] =	wrdreg s4  }
0xaa: {  	[dreg:$0x4] =	wrdreg $0xC0  }
0xab: {  	_ =	task [dreg:s6], $0x5FFFF  }
0xac: {  	[dreg:$0x1] =	wrdreg $0xFFFFFFFF  }
0xad: {  	[dreg:$0x0] =	wrdreg $0x60  }
0xae: {  	[dreg:$0x2] =	wrdreg s24  }
0xaf: {  	[dreg:$0x3] =	wrdreg $0x48000  }
0xb0: {  	[dreg:$0x4] =	wrdreg $0x9  }
0xb1: {  	_ =	task.clear_ibuf [dreg:s6], $0x5FFFF;
	_ =	strace $0x9000004C  }
0xb2: {  	s29 =	simm.s32 $0x9;
	_ =	strace $0x8000004E  }
0xb3: {  	_ =	swait.ge [sflag:s29], $0x1  }
0xb4: {  	[sflag:s29] =	ssyncadd.s32 $0xFFFFFFFF  }
0xb5: {  	_ =	strace $0x9000004E  }
0xb6: {  	_ =	sfence  }
0xb7: {  	s30 =	sld [smem:$0x0];
	_ =	sdelay $0x2  }
0xb8: {  	s31 =	sshll.u32 s1, $0xD;
	s1 =	sshrl.u32 s1, $0x2  }
0xb9: {  	s3 =	sand.u32 $0x4000, s31;
	s1 =	sadd.s32 s1, s30  }
0xba: {  	s0 =	sor.u32 s3, s0;
	s1 =	sshll.u32 s1, $0x11  }
0xbb: {  	s0 =	sor.u32 s1, s0  }
0xbc: {  	s0 =	sadd.s32 $0x8F2B, s0  }
0xbd: {  	[sflag:s0] =	ssyncadd.remote.s32 $0x1  }
0xbe: {  	_ =	sfence.sel $0xFFFF  }
0xbf: {  	[dreg:$0x0] =	wrdreg $0xFFFFFFFF;
	(pc) =	sbr.abs _section_cstart, $3  }
0xc0: {  	[dreg:$0x1] =	wrdreg $0xFFFFFFFF  }
0xc1: {  	_ =	task.clear_ibuf [dreg:s6], $0x2FFFF;
	_ =	strace $0x9FFFFFFF  }
0xc2: {  	(tm) =	ssettm $0x7FFFFFFF  }
0xc3: {  	_ =	shalt  }
tec
execute0_lowered:
.L_overlay_start_1:
0x0: {  	(tag) =	ssettag $0x1  }
0x1: {  	s0 =	rddreg [dreg:$0x0]  }
0x2: {  	s1 =	rddreg [dreg:$0x1];
	s3 =	simm.s32 $0x0;
	s13 =	stileid.u32  }
0x3: {  	s6 =	srdreg.scid;
	s16 =	simm.s32 $0x3;
	s17 =	simm.s32 $0x400  }
0x4: {  	s18 =	simm.s32 $0x80;
	s28 =	simm.s32 $0x600;
	s29 =	simm.s32 $0x280  }
0x5: {  	s30 =	simm.s32 $0x680;
	s31 =	simm.s32 $0x300;
	[smem:$0x7FF] =	sst s3  }
0x6: {  	s2 =	sshll.u32 s13, $0x8;
	s5 =	smul.u32 $0x2700, s13;
	s4 =	sadd.s32 $0x17A00, s0  }
0x7: {  	s6 =	sand.u32 $0x1, s6;
	s8 =	smul.u32 $0x4E000, s13;
	s9 =	sadd.s32 $0x3FBE00, s0  }
0x8: {  	s19 =	smul.u32 $0x13800, s13;
	s12 =	sshll.u32 s13, $0x1;
	p0 =	seq.s32 s13, $0xF  }
0x9: {  	_ =	strace $0x8000004D;
	s2 =	sadd.s32 s2, s0;
	s7 =	ssub.s32 $0x2, s6  }
0xa: {  	s11 =	smul.u32 $0x138800, s6;
	s25 =	sshll.u32 s6, $0x7;
	s26 =	sor.u32 s6, s12  }
0xb: {  	s6 =	simm.s32 $0x2;
	s5 =	sadd.s32 s5, s0;
	s10 =	sshrl.u32 s7, $0x1  }
0xc: {  	s8 =	sshrl.u32 s8, $0x2;
	s0 =	sadd.s32 $0x3F9500, s0;
	[dreg:$0x8] =	wrdreg s26  }
0xd: {  	s26 =	simm.s32 $0x200;
	s7 =	ssub.s32 s7, s10;
	s15 =	sadd.s32 s8, s1  }
0xe: {  	s5 =	sadd.s32 $0x3D4C00, s5;
	s20 =	sadd.s32 s19, s11;
	[dreg:$0x4] =	wrdreg s0  }
0xf: {  	s21 =	sshrl.u32 s11, $0x3;
	s19 =	simm.s32 $0x800;
	[dreg:$0x3] =	wrdreg s5  }
0x10: {  	s5 =	sadd.s32 $0x124800, s1;
	s22 =	sshrl.u32 s20, $0x3;
	s23 =	sadd.s32 s9, s21  }
0x11: {  	s7 =	smax.u32 s7, $0x1;
	s15 =	sshrl.u32 @!p0 s15, $0x3;
	s20 =	simm.s32 $0x1  }
0x12: {  	s21 =	simm.s32 $0x480;
	s0 =	sadd.s32 s9, s22;
	s24 =	sadd.s32 $0x24900, s23  }
0x13: {  	[dreg:$0x7] =	wrdreg s7;
	s22 =	simm.s32 $0x100;
	s23 =	simm.s32 $0x500  }
.Ltmp0:
0x14: {  	s7 =	simm.s32 $0x0;
	[dreg:$0x5] =	wrdreg s0;
	(pc) =	sbr.rel .LBB2_1-.Ltmp0, $4  }
0x15: {  	[dreg:$0x6] =	wrdreg s24;
	s0 =	sadd.s32 s25, s2;
	s24 =	simm.s32 $0x180  }
0x16: {  	s25 =	simm.s32 $0x580;
	s2 =	simm.s32 $0x380;
	s10 =	sadd.s32 $0x4000, s0  }
0x17: {  	s11 =	sadd.s32 $0x3C1200, s0;
	s0 =	sshll.u32 @!p0 s13, $0x6;
	s13 =	sshrl.u32 @p0 s5, $0x3  }
0x18: {  	s5 =	simm.s32 $0x780;
	s14 =	sor.u32 @!p0 $0x1C02, s0;
	s0 =	simm.s32 $0x700  }
.LBB2_5:
0x19: {  	[bflag:$0x0] =	sbarrier.arrive $0xFFFF  }
0x1a: {  	s8 =	simm.s32 @p0 $0x1FC2;
	s9 =	rddreg [dreg:$0x6]  }
0x1b: {  	[hbm:s9], [sflag:s8] =	dma.local @p0 [spmem:s13], $0x2800  }
0x1c: {  	s8 =	simm.s32 @p0 $0x2  }
0x1d: {  	_ =	swait.ge @p0 [sflag:s8], $0x2800  }
0x1e: {  	[sflag:s8] =	ssyncset.done @p0 $0x0  }
0x1f: {  	[sflag:s8] =	ssyncadd.s32 @p0 $0xFFFFD800;
	s8 =	rddreg [dreg:$0x5]  }
0x20: {  	[hbm:s8], [sflag:s14] =	dma.local @!p0 [spmem:s15], $0x2700  }
0x21: {  	s8 =	simm.s32 @!p0 $0x2  }
0x22: {  	_ =	swait.ge @!p0 [sflag:s8], $0x2700  }
0x23: {  	s7 =	sadd.s32 $0x1, s7;
	s12 =	rddreg [dreg:$0x7]  }
0x24: {  	p1 =	sne.s32 s7, s12  }
.Ltmp1:
0x25: {  	_ = 	snop;
	(pc) =	sbr.rel @!p1 .LBB2_6-.Ltmp1, $3  }
0x26: {  	_ =	sdelay $0x1  }
0x27: {  	[sflag:s8] =	ssyncset.done @!p0 $0x0  }
0x28: {  	[sflag:s8] =	ssyncadd.s32 @!p0 $0xFFFFD900  }
.LBB2_1:
0x29: {  	s9 =	simm.s32 @p0 $0x1FC2;
	s8 =	rddreg [dreg:$0x4]  }
0x2a: {  	[spmem:s13], [sflag:s9] =	dma.local @p0 [hbm:s8], $0x2800  }
0x2b: {  	s9 =	simm.s32 @p0 $0x2  }
0x2c: {  	_ =	swait.ge @p0 [sflag:s9], $0x2800  }
0x2d: {  	[sflag:s9] =	ssyncset.done @p0 $0x0  }
0x2e: {  	s8 =	rddreg [dreg:$0x3];
	[sflag:s9] =	ssyncadd.s32 @p0 $0xFFFFD800;
	s9 =	simm.s32 @!p0 $0x2  }
0x2f: {  	[spmem:s15], [sflag:s14] =	dma.local @!p0 [hbm:s8], $0x2700  }
.Ltmp2:
0x30: {  	_ =	swait.ge @!p0 [sflag:s9], $0x2700;
	(pc) =	sbr.rel .LBB2_2-.Ltmp2, $4  }
0x31: {  	[sflag:s9] =	ssyncset.done @!p0 $0x0  }
0x32: {  	[sflag:s9] =	ssyncadd.s32 @!p0 $0xFFFFD900  }
0x33: {  	[bflag:$0x0] =	sbarrier.arrive $0xFFFF  }
0x34: {  	s9 =	simm.s32 $0x0;
	s12 =	rddreg [dreg:$0x8]  }
.LBB2_4:
0x35: {  	s9 =	sadd.s32 $0x1000, s9  }
0x36: {  	p1 =	sne.s32 s9, $0x14000  }
.Ltmp3:
0x37: {  	_ = 	snop;
	(pc) =	sbr.rel @!p1 .LBB2_5-.Ltmp3, $2  }
0x38: {  	_ =	sdelay $0x2  }
0x39: {  	s12 =	sadd.s32 $0x20, s12  }
.LBB2_2:
0x3a: {  	p1 =	sgt.u32 s12, $0x270  }
.Ltmp4:
0x3b: {  	_ = 	snop;
	(pc) =	sbr.rel @p1 .LBB2_4-.Ltmp4, $1  }
0x3c: {  	_ =	sdelay $0x3  }
0x3d: {  	s8 =	sadd.s32 s9, s11  }
0x3e: {  	[tilespmem:s3], [sflag:$0x3] =	stream.linear.gather [hbm4b:s8+s3], $0x400, $0x38;
	[tilespmem:$0x18080] =	vst v63  }
0x3f: {  	_ =	swait.ge [sflag:s16], $0x400  }
0x40: {  	[sflag:s16] =	ssyncset.done $0x0  }
0x41: {  	s8 =	sadd.s32 s9, s10;
	[sflag:s16] =	ssyncadd.s32 $0xFFFFFC00  }
0x42: {  	[tilespmem:s17], [sflag:$0x3] =	stream.linear.gather [hbm4b:s8+s3], $0x400, $0x38;
	[tilespmem:$0x18080] =	vst v63  }
0x43: {  	_ =	swait.ge [sflag:s16], $0x400  }
0x44: {  	[sflag:s16] =	ssyncset.done $0x0  }
0x45: {  	[sflag:s16] =	ssyncadd.s32 $0xFFFFFC00  }
0x46: {  	[tilespmem:s19], [sflag:$0x1] =	stream.indirect.gather [hbm4b:s4+s18], $0x80, s3, s18, $0xb8;
	[tilespmem:$0x18080] =	vst v63  }
0x47: {  	_ =	swait.ge [sflag:s20], $0x4000  }
0x48: {  	[sflag:s20] =	ssyncset.done $0x0  }
0x49: {  	[sflag:s20] =	ssyncadd.s32 $0xFFFFC000  }
0x4a: {  	[spmem:s1] =	stream.indirect.scatter.add.f32 [tilespmem:s19], [sflag:$0x3], $0x80, s17, s18, $0xb8;
	[tilespmem:$0x18080] =	vst v63  }
0x4b: {  	_ =	swait.ge [sflag:s16], $0x4000  }
0x4c: {  	[sflag:s16] =	ssyncset.done $0x0  }
0x4d: {  	[sflag:s16] =	ssyncadd.s32 $0xFFFFC000  }
0x4e: {  	[tilespmem:s19], [sflag:$0x1] =	stream.indirect.gather [hbm4b:s4+s18], $0x80, s18, s18, $0xb8;
	[tilespmem:$0x18080] =	vst v63  }
0x4f: {  	_ =	swait.ge [sflag:s20], $0x4000  }
0x50: {  	[sflag:s20] =	ssyncset.done $0x0  }
0x51: {  	[sflag:s20] =	ssyncadd.s32 $0xFFFFC000  }
0x52: {  	[spmem:s1] =	stream.indirect.scatter.add.f32 [tilespmem:s19], [sflag:$0x3], $0x80, s21, s18, $0xb8;
	[tilespmem:$0x18080] =	vst v63  }
0x53: {  	_ =	swait.ge [sflag:s16], $0x4000  }
0x54: {  	[sflag:s16] =	ssyncset.done $0x0  }
0x55: {  	[sflag:s16] =	ssyncadd.s32 $0xFFFFC000  }
0x56: {  	[tilespmem:s19], [sflag:$0x1] =	stream.indirect.gather [hbm4b:s4+s18], $0x80, s22, s18, $0xb8;
	[tilespmem:$0x18080] =	vst v63  }
0x57: {  	_ =	swait.ge [sflag:s20], $0x4000  }
0x58: {  	[sflag:s20] =	ssyncset.done $0x0  }
0x59: {  	[sflag:s20] =	ssyncadd.s32 $0xFFFFC000  }
0x5a: {  	[spmem:s1] =	stream.indirect.scatter.add.f32 [tilespmem:s19], [sflag:$0x3], $0x80, s23, s18, $0xb8;
	[tilespmem:$0x18080] =	vst v63  }
0x5b: {  	_ =	swait.ge [sflag:s16], $0x4000  }
0x5c: {  	[sflag:s16] =	ssyncset.done $0x0  }
0x5d: {  	[sflag:s16] =	ssyncadd.s32 $0xFFFFC000  }
0x5e: {  	[tilespmem:s19], [sflag:$0x1] =	stream.indirect.gather [hbm4b:s4+s18], $0x80, s24, s18, $0xb8;
	[tilespmem:$0x18080] =	vst v63  }
0x5f: {  	_ =	swait.ge [sflag:s20], $0x4000  }
0x60: {  	[sflag:s20] =	ssyncset.done $0x0  }
0x61: {  	[sflag:s20] =	ssyncadd.s32 $0xFFFFC000  }
0x62: {  	[spmem:s1] =	stream.indirect.scatter.add.f32 [tilespmem:s19], [sflag:$0x3], $0x80, s25, s18, $0xb8;
	[tilespmem:$0x18080] =	vst v63  }
0x63: {  	_ =	swait.ge [sflag:s16], $0x4000  }
0x64: {  	[sflag:s16] =	ssyncset.done $0x0  }
0x65: {  	[sflag:s16] =	ssyncadd.s32 $0xFFFFC000  }
0x66: {  	[tilespmem:s19], [sflag:$0x1] =	stream.indirect.gather [hbm4b:s4+s18], $0x80, s26, s18, $0xb8;
	[tilespmem:$0x18080] =	vst v63  }
0x67: {  	_ =	swait.ge [sflag:s20], $0x4000  }
0x68: {  	[sflag:s20] =	ssyncset.done $0x0  }
0x69: {  	[sflag:s20] =	ssyncadd.s32 $0xFFFFC000  }
0x6a: {  	[spmem:s1] =	stream.indirect.scatter.add.f32 [tilespmem:s19], [sflag:$0x3], $0x80, s28, s18, $0xb8;
	[tilespmem:$0x18080] =	vst v63  }
0x6b: {  	_ =	swait.ge [sflag:s16], $0x4000  }
0x6c: {  	[sflag:s16] =	ssyncset.done $0x0  }
0x6d: {  	[sflag:s16] =	ssyncadd.s32 $0xFFFFC000  }
0x6e: {  	[tilespmem:s19], [sflag:$0x1] =	stream.indirect.gather [hbm4b:s4+s18], $0x80, s29, s18, $0xb8;
	[tilespmem:$0x18080] =	vst v63  }
0x6f: {  	_ =	swait.ge [sflag:s20], $0x4000  }
0x70: {  	[sflag:s20] =	ssyncset.done $0x0  }
0x71: {  	[sflag:s20] =	ssyncadd.s32 $0xFFFFC000  }
0x72: {  	[spmem:s1] =	stream.indirect.scatter.add.f32 [tilespmem:s19], [sflag:$0x3], $0x80, s30, s18, $0xb8;
	[tilespmem:$0x18080] =	vst v63  }
0x73: {  	_ =	swait.ge [sflag:s16], $0x4000  }
0x74: {  	[sflag:s16] =	ssyncset.done $0x0  }
0x75: {  	[sflag:s16] =	ssyncadd.s32 $0xFFFFC000  }
0x76: {  	[tilespmem:s19], [sflag:$0x1] =	stream.indirect.gather [hbm4b:s4+s18], $0x80, s31, s18, $0xb8;
	[tilespmem:$0x18080] =	vst v63  }
0x77: {  	_ =	swait.ge [sflag:s20], $0x4000  }
0x78: {  	[sflag:s20] =	ssyncset.done $0x0  }
0x79: {  	[sflag:s20] =	ssyncadd.s32 $0xFFFFC000  }
0x7a: {  	[spmem:s1] =	stream.indirect.scatter.add.f32 [tilespmem:s19], [sflag:$0x3], $0x80, s0, s18, $0xb8;
	[tilespmem:$0x18080] =	vst v63  }
0x7b: {  	_ =	swait.ge [sflag:s16], $0x4000  }
0x7c: {  	[sflag:s16] =	ssyncset.done $0x0  }
0x7d: {  	[sflag:s16] =	ssyncadd.s32 $0xFFFFC000  }
0x7e: {  	[tilespmem:s19], [sflag:$0x1] =	stream.indirect.gather [hbm4b:s4+s18], $0x80, s2, s18, $0xb8;
	[tilespmem:$0x18080] =	vst v63  }
0x7f: {  	_ =	swait.ge [sflag:s20], $0x4000  }
0x80: {  	[sflag:s20] =	ssyncset.done $0x0  }
.Ltmp5:
0x81: {  	[sflag:s20] =	ssyncadd.s32 $0xFFFFC000;
	(pc) =	sbr.rel .LBB2_4-.Ltmp5, $4  }
0x82: {  	[spmem:s1] =	stream.indirect.scatter.add.f32 [tilespmem:s19], [sflag:$0x2], $0x80, s5, s18, $0xb8;
	[tilespmem:$0x18080] =	vst v63  }
0x83: {  	_ =	swait.ge [sflag:s6], $0x4000  }
0x84: {  	[sflag:s6] =	ssyncset.done $0x0  }
0x85: {  	[sflag:s6] =	ssyncadd.s32 $0xFFFFC000  }
.LBB2_6:
0x86: {  	_ =	sfence.sel $0x180000  }
0x87: {  	[bflag:$0x0] =	sbarrier.arrive $0xFFFF  }
0x88: {  	_ =	strace $0x9000004D  }
0x89: {  	s0 =	stileid.u32;
	[bflag:$0x2] =	sbarrier.arrive $0xFFFF  }
0x8a: {  	p0 =	sne.s32 s0, $0x0;
	s0 =	rddreg [dreg:$0x2]  }
0x8b: {  	s0 =	sadd.s32 @!p0 $0x100000, s0  }
0x8c: {  	[sflag:s0] =	ssyncadd.tile.s32 @!p0 $0x1;
	_ =	shalt  }
.Lfunc_end2:
_tile_overlayer_lowered:
.L_overlay_start_2:
0x8d: {  	(tag) =	ssettag $0x2  }
0x8e: {  	s0 =	rddreg [dreg:$0x0];
	s2 =	stileid.u32  }
0x8f: {  	s1 =	rddreg [dreg:$0x1];
	p0 =	sne.s32 s2, $0x0  }
0x90: {  	s3 =	rddreg [dreg:$0x2];
	[bflag:$0x3] =	sbarrier.arrive $0xFFFF;
	s2 =	simm.s32 @!p0 $0x1C02  }
0x91: {  	[timem:s3], [sflag:s2] =	dma.local @!p0 [hbm:s0], s1  }
0x92: {  	s0 =	simm.s32 @!p0 $0x2  }
0x93: {  	_ =	swait.ge @!p0 [sflag:s0], s1  }
0x94: {  	s1 =	ssub.s32 @!p0 $0x0, s1;
	[sflag:s0] =	ssyncset.done @!p0 $0x0  }
0x95: {  	[sflag:s0] =	ssyncadd.s32 @!p0 s1  }
0x96: {  	[bflag:$0x3] =	sbarrier.arrive $0xFFFF  }
0x97: {  	_ =	shalt  }

// kernel: kernel.22.cloned.1.call-start
scs
__scs_entry_jumppad:
0x0: {  	(pc) =	sbr.rel $0x88, $3  }
0x1: {  	(tag) =	ssettag $0x0;
	lr =	simm.s32 $0x1  }
0x2: {  	[smem:$0x3F86] =	sst lr;
	_ =	strace $0xD0000000  }
0x3: {  	_ = 	snop  }
0x4: {  	_ = 	snop  }
0x5: {  	_ = 	snop  }
0x6: {  	_ = 	snop  }
0x7: {  	_ = 	snop  }
__scs_overlays_trampoline_lowered:
0x8: {  	[smem:$0x3F95] =	sst s0  }
0x9: {  	[smem:$0x3F96] =	sst s1  }
0xa: {  	[smem:$0x3F97] =	sst s2  }
0xb: {  	[smem:$0x3F98] =	sst s3  }
0xc: {  	[smem:$0x3F99] =	sst s4  }
0xd: {  	[smem:$0x3F9A] =	sst s5  }
0xe: {  	[smem:$0x3F9B] =	sst s6  }
0xf: {  	[smem:$0x3F9C] =	sst s7  }
0x10: {  	[smem:$0x3F9D] =	sst s8  }
0x11: {  	[smem:$0x3F9E] =	sst s9;
	s0 =	simm.s32 @!p0 $0x0  }
0x12: {  	s1 =	sld [smem:$0x3F84];
	s0 =	simm.s32 @p0 $0x1  }
0x13: {  	[smem:$0x3F9F] =	sst s0;
	s0 =	simm.s32 @!p1 $0x0  }
0x14: {  	s2 =	sld [smem:$0x3F83];
	s0 =	simm.s32 @p1 $0x1  }
0x15: {  	[smem:$0x3FA0] =	sst s0;
	s0 =	simm.s32 @!p2 $0x0  }
0x16: {  	s3 =	sld [smem:$0x3FDB];
	s0 =	simm.s32 @p2 $0x1  }
0x17: {  	s4 =	simm.s32 $0x1BF5;
	[smem:$0x3FA2] =	sst s0  }
0x18: {  	s0 =	sld [smem:$0x3F85];
	_ =	swait.ge [sflag:s4], $0x0  }
0x19: {  	s7 =	sld [smem:$0x3F86]  }
0x1a: {  	s8 =	sadd.s32 $0xFFFFE003, lr  }
0x1b: {  	s9 =	sadd.s32 $0xFFFFFEF7, lr;
	s5 =	simm.s32 $0xFFFFFFFF;
	p2 =	slt.u32 s8, $0xFFFFF086  }
0x1c: {  	p1 =	slt.u32 s9, $0xF7A;
	s5 =	simm.s32 @!p2 $0x0  }
0x1d: {  	s5 =	simm.s32 @p1 $0x1;
	p0 =	seq.s32 s7, s2  }
0x1e: {  	s7 =	smul.u32 @!p0 $0xF7A, s2;
	p2 =	seq.s32 @!p0 s5, $0x0  }
0x1f: {  	s9 =	smul.u32 $0xF7A, s1;
	s8 =	simm.s32 @!p0 $0x1BF5;
	p2 =	por !p2, p0  }
0x20: {  	[sflag:s8] =	ssyncset.s32 @!p0 $0xFFFFF086;
	s6 =	sadd.s32 @!p0 s3, s7;
	s7 =	simm.s32 @!p0 $0x108  }
0x21: {  	s3 =	sadd.s32 s3, s9;
	s6 =	sadd.s32 @!p0 $0x88, s6;
	s7 =	simm.s32 @p2 $0x1082  }
0x22: {  	[simem:s7], [sflag:s8] =	dma.local @!p0 [hbm:s6], $0xF7A  }
0x23: {  	s9 =	sor.u32 $0xD0000000, s2;
	s6 =	simm.s32 $0x108;
	_ =	swait.ge @!p0 [sflag:s8], $0x0  }
0x24: {  	s3 =	sadd.s32 $0x88, s3;
	s6 =	simm.s32 @!p1 $0x1082;
	[sflag:s4] =	ssyncset.s32 $0xFFFFF086  }
0x25: {  	[simem:s6], [sflag:s4] =	dma.local [hbm:s3], $0xF7A  }
0x26: {  	[smem:$0x3F86] =	sst s1;
	(tag) =	ssettag s2;
	_ =	strace s9  }
0x27: {  	s1 =	sld [smem:$0x3F96]  }
0x28: {  	s2 =	sld [smem:$0x3F97]  }
0x29: {  	s4 =	sld [smem:$0x3F99]  }
0x2a: {  	p0 =	seq.s32 s5, $0x0;
	s5 =	sld [smem:$0x3F9A]  }
0x2b: {  	s6 =	sld [smem:$0x3F9B]  }
0x2c: {  	s7 =	sld [smem:$0x3F9C]  }
0x2d: {  	s3 =	simm.s32 $0x108;
	s8 =	sld [smem:$0x3F9D]  }
0x2e: {  	s3 =	simm.s32 @!p0 $0x1082;
	s9 =	sld [smem:$0x3F9E]  }
0x2f: {  	lr =	sadd.s32 s0, s3;
	s0 =	sld [smem:$0x3F95]  }
0x30: {  	s3 =	sld [smem:$0x3F98]  }
0x31: {  	[smem:$0x3FA1] =	sst s10  }
0x32: {  	s10 =	sld [smem:$0x3F9F];
	_ =	sdelay $0x3  }
0x33: {  	p0 =	seq.s32 s10, $0x1;
	s10 =	sld [smem:$0x3FA1];
	_ =	sdelay $0x3  }
0x34: {  	[smem:$0x3FA1] =	sst s10  }
0x35: {  	s10 =	sld [smem:$0x3FA0];
	_ =	sdelay $0x3  }
0x36: {  	p1 =	seq.s32 s10, $0x1;
	s10 =	sld [smem:$0x3FA1];
	_ =	sdelay $0x3  }
0x37: {  	[smem:$0x3FA1] =	sst s10  }
0x38: {  	s10 =	sld [smem:$0x3FA2]  }
0x39: {  	_ = 	snop;
	(pc) =	sbr.ind lr, $3  }
0x3a: {  	_ = 	snop  }
0x3b: {  	_ = 	snop  }
0x3c: {  	p2 =	seq.s32 s10, $0x1;
	s10 =	sld [smem:$0x3FA1]  }
0x3d: {  	_ =	shalt  }
0x3e: {  	_ =	shalt  }
0x3f: {  	_ =	shalt  }
0x40: {  	_ =	shalt  }
0x41: {  	_ =	shalt  }
0x42: {  	_ =	shalt  }
0x43: {  	_ =	shalt  }
0x44: {  	_ =	shalt  }
0x45: {  	_ =	shalt  }
0x46: {  	_ =	shalt  }
0x47: {  	_ =	shalt  }
0x48: {  	_ =	shalt  }
0x49: {  	_ =	shalt  }
0x4a: {  	_ =	shalt  }
0x4b: {  	_ =	shalt  }
0x4c: {  	_ =	shalt  }
0x4d: {  	_ =	shalt  }
0x4e: {  	_ =	shalt  }
0x4f: {  	_ =	shalt  }
0x50: {  	_ =	shalt  }
0x51: {  	_ =	shalt  }
0x52: {  	_ =	shalt  }
0x53: {  	_ =	shalt  }
0x54: {  	_ =	shalt  }
0x55: {  	_ =	shalt  }
0x56: {  	_ =	shalt  }
0x57: {  	_ =	shalt  }
0x58: {  	_ =	shalt  }
0x59: {  	_ =	shalt  }
0x5a: {  	_ =	shalt  }
0x5b: {  	_ =	shalt  }
0x5c: {  	_ =	shalt  }
0x5d: {  	_ =	shalt  }
0x5e: {  	_ =	shalt  }
0x5f: {  	_ =	shalt  }
0x60: {  	_ =	shalt  }
0x61: {  	_ =	shalt  }
0x62: {  	_ =	shalt  }
0x63: {  	_ =	shalt  }
0x64: {  	_ =	shalt  }
0x65: {  	_ =	shalt  }
0x66: {  	_ =	shalt  }
0x67: {  	_ =	shalt  }
0x68: {  	_ =	shalt  }
0x69: {  	_ =	shalt  }
0x6a: {  	_ =	shalt  }
0x6b: {  	_ =	shalt  }
0x6c: {  	_ =	shalt  }
0x6d: {  	_ =	shalt  }
0x6e: {  	_ =	shalt  }
0x6f: {  	_ =	shalt  }
0x70: {  	_ =	shalt  }
0x71: {  	_ =	shalt  }
0x72: {  	_ =	shalt  }
0x73: {  	_ =	shalt  }
0x74: {  	_ =	shalt  }
0x75: {  	_ =	shalt  }
0x76: {  	_ =	shalt  }
0x77: {  	_ =	shalt  }
0x78: {  	_ =	shalt  }
0x79: {  	_ =	shalt  }
0x7a: {  	_ =	shalt  }
0x7b: {  	_ =	shalt  }
0x7c: {  	_ =	shalt  }
0x7d: {  	_ =	shalt  }
0x7e: {  	_ =	shalt  }
0x7f: {  	_ =	shalt  }
0x80: {  	_ =	shalt  }
0x81: {  	_ =	shalt  }
0x82: {  	_ =	shalt  }
0x83: {  	_ =	shalt  }
0x84: {  	_ =	shalt  }
0x85: {  	_ =	shalt  }
0x86: {  	_ =	shalt  }
0x87: {  	_ =	shalt  }
.Lfunc_end0:
.L_simem_size_0:
called_computation.3_lowered:
.L_overlay_start_0:
0x88: {  	s2 =	sld [smem:$0x3FD9]  }
0x89: {  	s3 =	sld [smem:$0x3FFE];
	_ =	sdelay $0x1  }
0x8a: {  	s1 =	srdreg.scid  }
0x8b: {  	s0 =	sand.u32 $0x1, s1  }
0x8c: {  	s16 =	sshll.u32 s0, $0xA;
	s2 =	sadd.s32 s3, s2  }
0x8d: {  	s2 =	sadd.s32 s2, s16  }
0x8e: {  	[smem:$0x3FAD] =	sst s2  }
0x8f: {  	_ = 	snop  }
0x90: {  	(tm) =	ssettm $0x1  }
0x91: {  	s17 =	sld [smem:$0x3FFB];
	_ =	sdelay $0x3  }
0x92: {  	_ =	strace s17  }
0x93: {  	s2 =	sld [smem:$0x3FFC];
	_ =	sdelay $0x3  }
0x94: {  	_ =	strace s2  }
0x95: {  	s2 =	sld [smem:$0x3FFD];
	_ =	sdelay $0x3  }
0x96: {  	_ =	strace s2  }
0x97: {  	_ =	strace $0x8FFFFFFF  }
0x98: {  	s18 =	sld [smem:$0x3FDB];
	_ =	sdelay $0x1  }
0x99: {  	s19 =	simm.s32 $_scs_section_size  }
0x9a: {  	s4 =	simm.s32 $_size__tile_overlayer_lowered;
	s5 =	simm.s32 $_tile_overlayer_lowered  }
0x9b: {  	s22 =	simm.s32 $0x1BFF;
	s21 =	sshll.u32 s5, $0x1;
	s2 =	sadd.s32 s19, s18  }
0x9c: {  	s6 =	simm.s32 $0x0;
	s20 =	sshll.u32 s4, $0x1;
	s4 =	sadd.s32 s21, s2  }
0x9d: {  	[timem:s6], [sflag:s22] =	dma.local [hbm:s4], s20  }
0x9e: {  	_ =	swait.ge [sflag:s22], s20  }
0x9f: {  	s3 =	ssub.s32 $0x0, s20;
	[sflag:s22] =	ssyncset.done $0x0  }
0xa0: {  	[sflag:s22] =	ssyncadd.s32 s3;
	_ =	sdelay $0x1  }
0xa1: {  	s23 =	simm.s32 $0x1B8B  }
0xa2: {  	_ =	swait.ge [sflag:s23], $0x1  }
0xa3: {  	[sflag:s23] =	ssyncset.done $0x0  }
0xa4: {  	s25 =	simm.s32 $0x1B8E;
	s24 =	sld [smem:$0x3FFE];
	[sflag:s23] =	ssyncadd.s32 $0xFFFFFFFF  }
0xa5: {  	s26 =	simm.s32 $execute0_lowered;
	[smem:$0x3FD2] =	sst s25  }
0xa6: {  	s4 =	sshll.u32 s26, $0x1;
	_ =	strace $0x8000004F;
	[dreg:$0x1] =	wrdreg $0xFFFFFFFF  }
0xa7: {  	s28 =	simm.s32 $_size_execute0_lowered;
	s2 =	sadd.s32 s2, s4;
	[dreg:$0x0] =	wrdreg $0x0  }
0xa8: {  	s4 =	sshll.u32 s28, $0x1;
	[dreg:$0x2] =	wrdreg s2  }
0xa9: {  	[dreg:$0x3] =	wrdreg s4  }
0xaa: {  	[dreg:$0x4] =	wrdreg $0xC0  }
0xab: {  	_ =	task [dreg:s6], $0x5FFFF  }
0xac: {  	[dreg:$0x1] =	wrdreg $0xFFFFFFFF  }
0xad: {  	[dreg:$0x0] =	wrdreg $0x60  }
0xae: {  	[dreg:$0x2] =	wrdreg s24  }
0xaf: {  	[dreg:$0x3] =	wrdreg $0x48000  }
0xb0: {  	[dreg:$0x4] =	wrdreg $0x9  }
0xb1: {  	_ =	task.clear_ibuf [dreg:s6], $0x5FFFF;
	_ =	strace $0x9000004F  }
0xb2: {  	s29 =	simm.s32 $0x9;
	_ =	strace $0x80000051  }
0xb3: {  	_ =	swait.ge [sflag:s29], $0x1  }
0xb4: {  	[sflag:s29] =	ssyncadd.s32 $0xFFFFFFFF  }
0xb5: {  	_ =	strace $0x90000051  }
0xb6: {  	_ =	sfence  }
0xb7: {  	s30 =	sld [smem:$0x0];
	_ =	sdelay $0x2  }
0xb8: {  	s31 =	sshll.u32 s1, $0xD;
	s1 =	sshrl.u32 s1, $0x2  }
0xb9: {  	s3 =	sand.u32 $0x4000, s31;
	s1 =	sadd.s32 s1, s30  }
0xba: {  	s0 =	sor.u32 s3, s0;
	s1 =	sshll.u32 s1, $0x11  }
0xbb: {  	s0 =	sor.u32 s1, s0  }
0xbc: {  	s0 =	sadd.s32 $0x8F2B, s0  }
0xbd: {  	[sflag:s0] =	ssyncadd.remote.s32 $0x1  }
0xbe: {  	_ =	sfence.sel $0xFFFF  }
0xbf: {  	[dreg:$0x0] =	wrdreg $0xFFFFFFFF;
	(pc) =	sbr.abs _section_cstart, $3  }
0xc0: {  	[dreg:$0x1] =	wrdreg $0xFFFFFFFF  }
0xc1: {  	_ =	task.clear_ibuf [dreg:s6], $0x2FFFF;
	_ =	strace $0x9FFFFFFF  }
0xc2: {  	(tm) =	ssettm $0x7FFFFFFF  }
0xc3: {  	_ =	shalt  }
tec
execute0_lowered:
.L_overlay_start_1:
0x0: {  	(tag) =	ssettag $0x1  }
0x1: {  	s0 =	rddreg [dreg:$0x0]  }
0x2: {  	s1 =	rddreg [dreg:$0x1];
	s3 =	simm.s32 $0x0;
	s13 =	stileid.u32  }
0x3: {  	s6 =	srdreg.scid;
	s16 =	simm.s32 $0x3;
	s17 =	simm.s32 $0x400  }
0x4: {  	s18 =	simm.s32 $0x80;
	s28 =	simm.s32 $0x600;
	s29 =	simm.s32 $0x280  }
0x5: {  	s30 =	simm.s32 $0x680;
	s31 =	simm.s32 $0x300;
	[smem:$0x7FF] =	sst s3  }
0x6: {  	s2 =	sshll.u32 s13, $0x8;
	s5 =	smul.u32 $0x2700, s13;
	s4 =	sadd.s32 $0x17A00, s0  }
0x7: {  	s6 =	sand.u32 $0x1, s6;
	s8 =	smul.u32 $0x4E000, s13;
	s9 =	sadd.s32 $0x3FBE00, s0  }
0x8: {  	s19 =	smul.u32 $0x13800, s13;
	s12 =	sshll.u32 s13, $0x1;
	p0 =	seq.s32 s13, $0xF  }
0x9: {  	_ =	strace $0x80000050;
	s2 =	sadd.s32 s2, s0;
	s7 =	ssub.s32 $0x2, s6  }
0xa: {  	s11 =	smul.u32 $0x138800, s6;
	s25 =	sshll.u32 s6, $0x7;
	s26 =	sor.u32 s6, s12  }
0xb: {  	s6 =	simm.s32 $0x2;
	s5 =	sadd.s32 s5, s0;
	s10 =	sshrl.u32 s7, $0x1  }
0xc: {  	s8 =	sshrl.u32 s8, $0x2;
	s0 =	sadd.s32 $0x3F9500, s0;
	[dreg:$0x8] =	wrdreg s26  }
0xd: {  	s26 =	simm.s32 $0x200;
	s7 =	ssub.s32 s7, s10;
	s15 =	sadd.s32 s8, s1  }
0xe: {  	s5 =	sadd.s32 $0x3D4C00, s5;
	s20 =	sadd.s32 s19, s11;
	[dreg:$0x4] =	wrdreg s0  }
0xf: {  	s21 =	sshrl.u32 s11, $0x3;
	s19 =	simm.s32 $0x800;
	[dreg:$0x3] =	wrdreg s5  }
0x10: {  	s5 =	sadd.s32 $0x124800, s1;
	s22 =	sshrl.u32 s20, $0x3;
	s23 =	sadd.s32 s9, s21  }
0x11: {  	s7 =	smax.u32 s7, $0x1;
	s15 =	sshrl.u32 @!p0 s15, $0x3;
	s20 =	simm.s32 $0x1  }
0x12: {  	s21 =	simm.s32 $0x480;
	s0 =	sadd.s32 s9, s22;
	s24 =	sadd.s32 $0x24900, s23  }
0x13: {  	[dreg:$0x7] =	wrdreg s7;
	s22 =	simm.s32 $0x100;
	s23 =	simm.s32 $0x500  }
.Ltmp0:
0x14: {  	s7 =	simm.s32 $0x0;
	[dreg:$0x5] =	wrdreg s0;
	(pc) =	sbr.rel .LBB2_1-.Ltmp0, $4  }
0x15: {  	[dreg:$0x6] =	wrdreg s24;
	s0 =	sadd.s32 s25, s2;
	s24 =	simm.s32 $0x180  }
0x16: {  	s25 =	simm.s32 $0x580;
	s2 =	simm.s32 $0x380;
	s10 =	sadd.s32 $0x4000, s0  }
0x17: {  	s11 =	sadd.s32 $0x3C1200, s0;
	s0 =	sshll.u32 @!p0 s13, $0x6;
	s13 =	sshrl.u32 @p0 s5, $0x3  }
0x18: {  	s5 =	simm.s32 $0x780;
	s14 =	sor.u32 @!p0 $0x1C02, s0;
	s0 =	simm.s32 $0x700  }
.LBB2_5:
0x19: {  	[bflag:$0x0] =	sbarrier.arrive $0xFFFF  }
0x1a: {  	s8 =	simm.s32 @p0 $0x1FC2;
	s9 =	rddreg [dreg:$0x6]  }
0x1b: {  	[hbm:s9], [sflag:s8] =	dma.local @p0 [spmem:s13], $0x2800  }
0x1c: {  	s8 =	simm.s32 @p0 $0x2  }
0x1d: {  	_ =	swait.ge @p0 [sflag:s8], $0x2800  }
0x1e: {  	[sflag:s8] =	ssyncset.done @p0 $0x0  }
0x1f: {  	[sflag:s8] =	ssyncadd.s32 @p0 $0xFFFFD800;
	s8 =	rddreg [dreg:$0x5]  }
0x20: {  	[hbm:s8], [sflag:s14] =	dma.local @!p0 [spmem:s15], $0x2700  }
0x21: {  	s8 =	simm.s32 @!p0 $0x2  }
0x22: {  	_ =	swait.ge @!p0 [sflag:s8], $0x2700  }
0x23: {  	s7 =	sadd.s32 $0x1, s7;
	s12 =	rddreg [dreg:$0x7]  }
0x24: {  	p1 =	sne.s32 s7, s12  }
.Ltmp1:
0x25: {  	_ = 	snop;
	(pc) =	sbr.rel @!p1 .LBB2_6-.Ltmp1, $3  }
0x26: {  	_ =	sdelay $0x1  }
0x27: {  	[sflag:s8] =	ssyncset.done @!p0 $0x0  }
0x28: {  	[sflag:s8] =	ssyncadd.s32 @!p0 $0xFFFFD900  }
.LBB2_1:
0x29: {  	s9 =	simm.s32 @p0 $0x1FC2;
	s8 =	rddreg [dreg:$0x4]  }
0x2a: {  	[spmem:s13], [sflag:s9] =	dma.local @p0 [hbm:s8], $0x2800  }
0x2b: {  	s9 =	simm.s32 @p0 $0x2  }
0x2c: {  	_ =	swait.ge @p0 [sflag:s9], $0x2800  }
0x2d: {  	[sflag:s9] =	ssyncset.done @p0 $0x0  }
0x2e: {  	s8 =	rddreg [dreg:$0x3];
	[sflag:s9] =	ssyncadd.s32 @p0 $0xFFFFD800;
	s9 =	simm.s32 @!p0 $0x2  }
0x2f: {  	[spmem:s15], [sflag:s14] =	dma.local @!p0 [hbm:s8], $0x2700  }
.Ltmp2:
0x30: {  	_ =	swait.ge @!p0 [sflag:s9], $0x2700;
	(pc) =	sbr.rel .LBB2_2-.Ltmp2, $4  }
0x31: {  	[sflag:s9] =	ssyncset.done @!p0 $0x0  }
0x32: {  	[sflag:s9] =	ssyncadd.s32 @!p0 $0xFFFFD900  }
0x33: {  	[bflag:$0x0] =	sbarrier.arrive $0xFFFF  }
0x34: {  	s9 =	simm.s32 $0x0;
	s12 =	rddreg [dreg:$0x8]  }
.LBB2_4:
0x35: {  	s9 =	sadd.s32 $0x1000, s9  }
0x36: {  	p1 =	sne.s32 s9, $0x14000  }
.Ltmp3:
0x37: {  	_ = 	snop;
	(pc) =	sbr.rel @!p1 .LBB2_5-.Ltmp3, $2  }
0x38: {  	_ =	sdelay $0x2  }
0x39: {  	s12 =	sadd.s32 $0x20, s12  }
.LBB2_2:
0x3a: {  	p1 =	sgt.u32 s12, $0x270  }
.Ltmp4:
0x3b: {  	_ = 	snop;
	(pc) =	sbr.rel @p1 .LBB2_4-.Ltmp4, $1  }
0x3c: {  	_ =	sdelay $0x3  }
0x3d: {  	s8 =	sadd.s32 s9, s11  }
0x3e: {  	[tilespmem:s3], [sflag:$0x3] =	stream.linear.gather [hbm4b:s8+s3], $0x400, $0x38;
	[tilespmem:$0x18080] =	vst v63  }
0x3f: {  	_ =	swait.ge [sflag:s16], $0x400  }
0x40: {  	[sflag:s16] =	ssyncset.done $0x0  }
0x41: {  	s8 =	sadd.s32 s9, s10;
	[sflag:s16] =	ssyncadd.s32 $0xFFFFFC00  }
0x42: {  	[tilespmem:s17], [sflag:$0x3] =	stream.linear.gather [hbm4b:s8+s3], $0x400, $0x38;
	[tilespmem:$0x18080] =	vst v63  }
0x43: {  	_ =	swait.ge [sflag:s16], $0x400  }
0x44: {  	[sflag:s16] =	ssyncset.done $0x0  }
0x45: {  	[sflag:s16] =	ssyncadd.s32 $0xFFFFFC00  }
0x46: {  	[tilespmem:s19], [sflag:$0x1] =	stream.indirect.gather [hbm4b:s4+s18], $0x80, s3, s18, $0xb8;
	[tilespmem:$0x18080] =	vst v63  }
0x47: {  	_ =	swait.ge [sflag:s20], $0x4000  }
0x48: {  	[sflag:s20] =	ssyncset.done $0x0  }
0x49: {  	[sflag:s20] =	ssyncadd.s32 $0xFFFFC000  }
0x4a: {  	[spmem:s1] =	stream.indirect.scatter.add.f32 [tilespmem:s19], [sflag:$0x3], $0x80, s17, s18, $0xb8;
	[tilespmem:$0x18080] =	vst v63  }
0x4b: {  	_ =	swait.ge [sflag:s16], $0x4000  }
0x4c: {  	[sflag:s16] =	ssyncset.done $0x0  }
0x4d: {  	[sflag:s16] =	ssyncadd.s32 $0xFFFFC000  }
0x4e: {  	[tilespmem:s19], [sflag:$0x1] =	stream.indirect.gather [hbm4b:s4+s18], $0x80, s18, s18, $0xb8;
	[tilespmem:$0x18080] =	vst v63  }
0x4f: {  	_ =	swait.ge [sflag:s20], $0x4000  }
0x50: {  	[sflag:s20] =	ssyncset.done $0x0  }
0x51: {  	[sflag:s20] =	ssyncadd.s32 $0xFFFFC000  }
0x52: {  	[spmem:s1] =	stream.indirect.scatter.add.f32 [tilespmem:s19], [sflag:$0x3], $0x80, s21, s18, $0xb8;
	[tilespmem:$0x18080] =	vst v63  }
0x53: {  	_ =	swait.ge [sflag:s16], $0x4000  }
0x54: {  	[sflag:s16] =	ssyncset.done $0x0  }
0x55: {  	[sflag:s16] =	ssyncadd.s32 $0xFFFFC000  }
0x56: {  	[tilespmem:s19], [sflag:$0x1] =	stream.indirect.gather [hbm4b:s4+s18], $0x80, s22, s18, $0xb8;
	[tilespmem:$0x18080] =	vst v63  }
0x57: {  	_ =	swait.ge [sflag:s20], $0x4000  }
0x58: {  	[sflag:s20] =	ssyncset.done $0x0  }
0x59: {  	[sflag:s20] =	ssyncadd.s32 $0xFFFFC000  }
0x5a: {  	[spmem:s1] =	stream.indirect.scatter.add.f32 [tilespmem:s19], [sflag:$0x3], $0x80, s23, s18, $0xb8;
	[tilespmem:$0x18080] =	vst v63  }
0x5b: {  	_ =	swait.ge [sflag:s16], $0x4000  }
0x5c: {  	[sflag:s16] =	ssyncset.done $0x0  }
0x5d: {  	[sflag:s16] =	ssyncadd.s32 $0xFFFFC000  }
0x5e: {  	[tilespmem:s19], [sflag:$0x1] =	stream.indirect.gather [hbm4b:s4+s18], $0x80, s24, s18, $0xb8;
	[tilespmem:$0x18080] =	vst v63  }
0x5f: {  	_ =	swait.ge [sflag:s20], $0x4000  }
0x60: {  	[sflag:s20] =	ssyncset.done $0x0  }
0x61: {  	[sflag:s20] =	ssyncadd.s32 $0xFFFFC000  }
0x62: {  	[spmem:s1] =	stream.indirect.scatter.add.f32 [tilespmem:s19], [sflag:$0x3], $0x80, s25, s18, $0xb8;
	[tilespmem:$0x18080] =	vst v63  }
0x63: {  	_ =	swait.ge [sflag:s16], $0x4000  }
0x64: {  	[sflag:s16] =	ssyncset.done $0x0  }
0x65: {  	[sflag:s16] =	ssyncadd.s32 $0xFFFFC000  }
0x66: {  	[tilespmem:s19], [sflag:$0x1] =	stream.indirect.gather [hbm4b:s4+s18], $0x80, s26, s18, $0xb8;
	[tilespmem:$0x18080] =	vst v63  }
0x67: {  	_ =	swait.ge [sflag:s20], $0x4000  }
0x68: {  	[sflag:s20] =	ssyncset.done $0x0  }
0x69: {  	[sflag:s20] =	ssyncadd.s32 $0xFFFFC000  }
0x6a: {  	[spmem:s1] =	stream.indirect.scatter.add.f32 [tilespmem:s19], [sflag:$0x3], $0x80, s28, s18, $0xb8;
	[tilespmem:$0x18080] =	vst v63  }
0x6b: {  	_ =	swait.ge [sflag:s16], $0x4000  }
0x6c: {  	[sflag:s16] =	ssyncset.done $0x0  }
0x6d: {  	[sflag:s16] =	ssyncadd.s32 $0xFFFFC000  }
0x6e: {  	[tilespmem:s19], [sflag:$0x1] =	stream.indirect.gather [hbm4b:s4+s18], $0x80, s29, s18, $0xb8;
	[tilespmem:$0x18080] =	vst v63  }
0x6f: {  	_ =	swait.ge [sflag:s20], $0x4000  }
0x70: {  	[sflag:s20] =	ssyncset.done $0x0  }
0x71: {  	[sflag:s20] =	ssyncadd.s32 $0xFFFFC000  }
0x72: {  	[spmem:s1] =	stream.indirect.scatter.add.f32 [tilespmem:s19], [sflag:$0x3], $0x80, s30, s18, $0xb8;
	[tilespmem:$0x18080] =	vst v63  }
0x73: {  	_ =	swait.ge [sflag:s16], $0x4000  }
0x74: {  	[sflag:s16] =	ssyncset.done $0x0  }
0x75: {  	[sflag:s16] =	ssyncadd.s32 $0xFFFFC000  }
0x76: {  	[tilespmem:s19], [sflag:$0x1] =	stream.indirect.gather [hbm4b:s4+s18], $0x80, s31, s18, $0xb8;
	[tilespmem:$0x18080] =	vst v63  }
0x77: {  	_ =	swait.ge [sflag:s20], $0x4000  }
0x78: {  	[sflag:s20] =	ssyncset.done $0x0  }
0x79: {  	[sflag:s20] =	ssyncadd.s32 $0xFFFFC000  }
0x7a: {  	[spmem:s1] =	stream.indirect.scatter.add.f32 [tilespmem:s19], [sflag:$0x3], $0x80, s0, s18, $0xb8;
	[tilespmem:$0x18080] =	vst v63  }
0x7b: {  	_ =	swait.ge [sflag:s16], $0x4000  }
0x7c: {  	[sflag:s16] =	ssyncset.done $0x0  }
0x7d: {  	[sflag:s16] =	ssyncadd.s32 $0xFFFFC000  }
0x7e: {  	[tilespmem:s19], [sflag:$0x1] =	stream.indirect.gather [hbm4b:s4+s18], $0x80, s2, s18, $0xb8;
	[tilespmem:$0x18080] =	vst v63  }
0x7f: {  	_ =	swait.ge [sflag:s20], $0x4000  }
0x80: {  	[sflag:s20] =	ssyncset.done $0x0  }
.Ltmp5:
0x81: {  	[sflag:s20] =	ssyncadd.s32 $0xFFFFC000;
	(pc) =	sbr.rel .LBB2_4-.Ltmp5, $4  }
0x82: {  	[spmem:s1] =	stream.indirect.scatter.add.f32 [tilespmem:s19], [sflag:$0x2], $0x80, s5, s18, $0xb8;
	[tilespmem:$0x18080] =	vst v63  }
0x83: {  	_ =	swait.ge [sflag:s6], $0x4000  }
0x84: {  	[sflag:s6] =	ssyncset.done $0x0  }
0x85: {  	[sflag:s6] =	ssyncadd.s32 $0xFFFFC000  }
.LBB2_6:
0x86: {  	_ =	sfence.sel $0x180000  }
0x87: {  	[bflag:$0x0] =	sbarrier.arrive $0xFFFF  }
0x88: {  	_ =	strace $0x90000050  }
0x89: {  	s0 =	stileid.u32;
	[bflag:$0x2] =	sbarrier.arrive $0xFFFF  }
0x8a: {  	p0 =	sne.s32 s0, $0x0;
	s0 =	rddreg [dreg:$0x2]  }
0x8b: {  	s0 =	sadd.s32 @!p0 $0x100000, s0  }
0x8c: {  	[sflag:s0] =	ssyncadd.tile.s32 @!p0 $0x1;
	_ =	shalt  }
.Lfunc_end2:
_tile_overlayer_lowered:
.L_overlay_start_2:
0x8d: {  	(tag) =	ssettag $0x2  }
0x8e: {  	s0 =	rddreg [dreg:$0x0];
	s2 =	stileid.u32  }
0x8f: {  	s1 =	rddreg [dreg:$0x1];
	p0 =	sne.s32 s2, $0x0  }
0x90: {  	s3 =	rddreg [dreg:$0x2];
	[bflag:$0x3] =	sbarrier.arrive $0xFFFF;
	s2 =	simm.s32 @!p0 $0x1C02  }
0x91: {  	[timem:s3], [sflag:s2] =	dma.local @!p0 [hbm:s0], s1  }
0x92: {  	s0 =	simm.s32 @!p0 $0x2  }
0x93: {  	_ =	swait.ge @!p0 [sflag:s0], s1  }
0x94: {  	s1 =	ssub.s32 @!p0 $0x0, s1;
	[sflag:s0] =	ssyncset.done @!p0 $0x0  }
0x95: {  	[sflag:s0] =	ssyncadd.s32 @!p0 s1  }
0x96: {  	[bflag:$0x3] =	sbarrier.arrive $0xFFFF  }
0x97: {  	_ =	shalt  }

// kernel: kernel.25.cloned.1.call-start
scs
__scs_entry_jumppad:
0x0: {  	(pc) =	sbr.rel $0x88, $3  }
0x1: {  	(tag) =	ssettag $0x0;
	lr =	simm.s32 $0x1  }
0x2: {  	[smem:$0x3F86] =	sst lr;
	_ =	strace $0xD0000000  }
0x3: {  	_ = 	snop  }
0x4: {  	_ = 	snop  }
0x5: {  	_ = 	snop  }
0x6: {  	_ = 	snop  }
0x7: {  	_ = 	snop  }
__scs_overlays_trampoline_lowered:
0x8: {  	[smem:$0x3F95] =	sst s0  }
0x9: {  	[smem:$0x3F96] =	sst s1  }
0xa: {  	[smem:$0x3F97] =	sst s2  }
0xb: {  	[smem:$0x3F98] =	sst s3  }
0xc: {  	[smem:$0x3F99] =	sst s4  }
0xd: {  	[smem:$0x3F9A] =	sst s5  }
0xe: {  	[smem:$0x3F9B] =	sst s6  }
0xf: {  	[smem:$0x3F9C] =	sst s7  }
0x10: {  	[smem:$0x3F9D] =	sst s8  }
0x11: {  	[smem:$0x3F9E] =	sst s9;
	s0 =	simm.s32 @!p0 $0x0  }
0x12: {  	s1 =	sld [smem:$0x3F84];
	s0 =	simm.s32 @p0 $0x1  }
0x13: {  	[smem:$0x3F9F] =	sst s0;
	s0 =	simm.s32 @!p1 $0x0  }
0x14: {  	s2 =	sld [smem:$0x3F83];
	s0 =	simm.s32 @p1 $0x1  }
0x15: {  	[smem:$0x3FA0] =	sst s0;
	s0 =	simm.s32 @!p2 $0x0  }
0x16: {  	s3 =	sld [smem:$0x3FDB];
	s0 =	simm.s32 @p2 $0x1  }
0x17: {  	s4 =	simm.s32 $0x1BF5;
	[smem:$0x3FA2] =	sst s0  }
0x18: {  	s0 =	sld [smem:$0x3F85];
	_ =	swait.ge [sflag:s4], $0x0  }
0x19: {  	s7 =	sld [smem:$0x3F86]  }
0x1a: {  	s8 =	sadd.s32 $0xFFFFE003, lr  }
0x1b: {  	s9 =	sadd.s32 $0xFFFFFEF7, lr;
	s5 =	simm.s32 $0xFFFFFFFF;
	p2 =	slt.u32 s8, $0xFFFFF086  }
0x1c: {  	p1 =	slt.u32 s9, $0xF7A;
	s5 =	simm.s32 @!p2 $0x0  }
0x1d: {  	s5 =	simm.s32 @p1 $0x1;
	p0 =	seq.s32 s7, s2  }
0x1e: {  	s7 =	smul.u32 @!p0 $0xF7A, s2;
	p2 =	seq.s32 @!p0 s5, $0x0  }
0x1f: {  	s9 =	smul.u32 $0xF7A, s1;
	s8 =	simm.s32 @!p0 $0x1BF5;
	p2 =	por !p2, p0  }
0x20: {  	[sflag:s8] =	ssyncset.s32 @!p0 $0xFFFFF086;
	s6 =	sadd.s32 @!p0 s3, s7;
	s7 =	simm.s32 @!p0 $0x108  }
0x21: {  	s3 =	sadd.s32 s3, s9;
	s6 =	sadd.s32 @!p0 $0x88, s6;
	s7 =	simm.s32 @p2 $0x1082  }
0x22: {  	[simem:s7], [sflag:s8] =	dma.local @!p0 [hbm:s6], $0xF7A  }
0x23: {  	s9 =	sor.u32 $0xD0000000, s2;
	s6 =	simm.s32 $0x108;
	_ =	swait.ge @!p0 [sflag:s8], $0x0  }
0x24: {  	s3 =	sadd.s32 $0x88, s3;
	s6 =	simm.s32 @!p1 $0x1082;
	[sflag:s4] =	ssyncset.s32 $0xFFFFF086  }
0x25: {  	[simem:s6], [sflag:s4] =	dma.local [hbm:s3], $0xF7A  }
0x26: {  	[smem:$0x3F86] =	sst s1;
	(tag) =	ssettag s2;
	_ =	strace s9  }
0x27: {  	s1 =	sld [smem:$0x3F96]  }
0x28: {  	s2 =	sld [smem:$0x3F97]  }
0x29: {  	s4 =	sld [smem:$0x3F99]  }
0x2a: {  	p0 =	seq.s32 s5, $0x0;
	s5 =	sld [smem:$0x3F9A]  }
0x2b: {  	s6 =	sld [smem:$0x3F9B]  }
0x2c: {  	s7 =	sld [smem:$0x3F9C]  }
0x2d: {  	s3 =	simm.s32 $0x108;
	s8 =	sld [smem:$0x3F9D]  }
0x2e: {  	s3 =	simm.s32 @!p0 $0x1082;
	s9 =	sld [smem:$0x3F9E]  }
0x2f: {  	lr =	sadd.s32 s0, s3;
	s0 =	sld [smem:$0x3F95]  }
0x30: {  	s3 =	sld [smem:$0x3F98]  }
0x31: {  	[smem:$0x3FA1] =	sst s10  }
0x32: {  	s10 =	sld [smem:$0x3F9F];
	_ =	sdelay $0x3  }
0x33: {  	p0 =	seq.s32 s10, $0x1;
	s10 =	sld [smem:$0x3FA1];
	_ =	sdelay $0x3  }
0x34: {  	[smem:$0x3FA1] =	sst s10  }
0x35: {  	s10 =	sld [smem:$0x3FA0];
	_ =	sdelay $0x3  }
0x36: {  	p1 =	seq.s32 s10, $0x1;
	s10 =	sld [smem:$0x3FA1];
	_ =	sdelay $0x3  }
0x37: {  	[smem:$0x3FA1] =	sst s10  }
0x38: {  	s10 =	sld [smem:$0x3FA2]  }
0x39: {  	_ = 	snop;
	(pc) =	sbr.ind lr, $3  }
0x3a: {  	_ = 	snop  }
0x3b: {  	_ = 	snop  }
0x3c: {  	p2 =	seq.s32 s10, $0x1;
	s10 =	sld [smem:$0x3FA1]  }
0x3d: {  	_ =	shalt  }
0x3e: {  	_ =	shalt  }
0x3f: {  	_ =	shalt  }
0x40: {  	_ =	shalt  }
0x41: {  	_ =	shalt  }
0x42: {  	_ =	shalt  }
0x43: {  	_ =	shalt  }
0x44: {  	_ =	shalt  }
0x45: {  	_ =	shalt  }
0x46: {  	_ =	shalt  }
0x47: {  	_ =	shalt  }
0x48: {  	_ =	shalt  }
0x49: {  	_ =	shalt  }
0x4a: {  	_ =	shalt  }
0x4b: {  	_ =	shalt  }
0x4c: {  	_ =	shalt  }
0x4d: {  	_ =	shalt  }
0x4e: {  	_ =	shalt  }
0x4f: {  	_ =	shalt  }
0x50: {  	_ =	shalt  }
0x51: {  	_ =	shalt  }
0x52: {  	_ =	shalt  }
0x53: {  	_ =	shalt  }
0x54: {  	_ =	shalt  }
0x55: {  	_ =	shalt  }
0x56: {  	_ =	shalt  }
0x57: {  	_ =	shalt  }
0x58: {  	_ =	shalt  }
0x59: {  	_ =	shalt  }
0x5a: {  	_ =	shalt  }
0x5b: {  	_ =	shalt  }
0x5c: {  	_ =	shalt  }
0x5d: {  	_ =	shalt  }
0x5e: {  	_ =	shalt  }
0x5f: {  	_ =	shalt  }
0x60: {  	_ =	shalt  }
0x61: {  	_ =	shalt  }
0x62: {  	_ =	shalt  }
0x63: {  	_ =	shalt  }
0x64: {  	_ =	shalt  }
0x65: {  	_ =	shalt  }
0x66: {  	_ =	shalt  }
0x67: {  	_ =	shalt  }
0x68: {  	_ =	shalt  }
0x69: {  	_ =	shalt  }
0x6a: {  	_ =	shalt  }
0x6b: {  	_ =	shalt  }
0x6c: {  	_ =	shalt  }
0x6d: {  	_ =	shalt  }
0x6e: {  	_ =	shalt  }
0x6f: {  	_ =	shalt  }
0x70: {  	_ =	shalt  }
0x71: {  	_ =	shalt  }
0x72: {  	_ =	shalt  }
0x73: {  	_ =	shalt  }
0x74: {  	_ =	shalt  }
0x75: {  	_ =	shalt  }
0x76: {  	_ =	shalt  }
0x77: {  	_ =	shalt  }
0x78: {  	_ =	shalt  }
0x79: {  	_ =	shalt  }
0x7a: {  	_ =	shalt  }
0x7b: {  	_ =	shalt  }
0x7c: {  	_ =	shalt  }
0x7d: {  	_ =	shalt  }
0x7e: {  	_ =	shalt  }
0x7f: {  	_ =	shalt  }
0x80: {  	_ =	shalt  }
0x81: {  	_ =	shalt  }
0x82: {  	_ =	shalt  }
0x83: {  	_ =	shalt  }
0x84: {  	_ =	shalt  }
0x85: {  	_ =	shalt  }
0x86: {  	_ =	shalt  }
0x87: {  	_ =	shalt  }
.Lfunc_end0:
.L_simem_size_0:
called_computation.4_lowered:
.L_overlay_start_0:
0x88: {  	s2 =	sld [smem:$0x3FD9]  }
0x89: {  	s3 =	sld [smem:$0x3FFE];
	_ =	sdelay $0x1  }
0x8a: {  	s1 =	srdreg.scid  }
0x8b: {  	s0 =	sand.u32 $0x1, s1  }
0x8c: {  	s16 =	sshll.u32 s0, $0xA;
	s2 =	sadd.s32 s3, s2  }
0x8d: {  	s2 =	sadd.s32 s2, s16  }
0x8e: {  	[smem:$0x3FAD] =	sst s2  }
0x8f: {  	_ = 	snop  }
0x90: {  	(tm) =	ssettm $0x1  }
0x91: {  	s17 =	sld [smem:$0x3FFB];
	_ =	sdelay $0x3  }
0x92: {  	_ =	strace s17  }
0x93: {  	s2 =	sld [smem:$0x3FFC];
	_ =	sdelay $0x3  }
0x94: {  	_ =	strace s2  }
0x95: {  	s2 =	sld [smem:$0x3FFD];
	_ =	sdelay $0x3  }
0x96: {  	_ =	strace s2  }
0x97: {  	_ =	strace $0x8FFFFFFF  }
0x98: {  	s18 =	sld [smem:$0x3FDB];
	_ =	sdelay $0x1  }
0x99: {  	s19 =	simm.s32 $_scs_section_size  }
0x9a: {  	s4 =	simm.s32 $_size__tile_overlayer_lowered;
	s5 =	simm.s32 $_tile_overlayer_lowered  }
0x9b: {  	s22 =	simm.s32 $0x1BFF;
	s21 =	sshll.u32 s5, $0x1;
	s2 =	sadd.s32 s19, s18  }
0x9c: {  	s6 =	simm.s32 $0x0;
	s20 =	sshll.u32 s4, $0x1;
	s4 =	sadd.s32 s21, s2  }
0x9d: {  	[timem:s6], [sflag:s22] =	dma.local [hbm:s4], s20  }
0x9e: {  	_ =	swait.ge [sflag:s22], s20  }
0x9f: {  	s3 =	ssub.s32 $0x0, s20;
	[sflag:s22] =	ssyncset.done $0x0  }
0xa0: {  	[sflag:s22] =	ssyncadd.s32 s3;
	_ =	sdelay $0x1  }
0xa1: {  	s23 =	simm.s32 $0x1B8B  }
0xa2: {  	_ =	swait.ge [sflag:s23], $0x1  }
0xa3: {  	[sflag:s23] =	ssyncset.done $0x0  }
0xa4: {  	s25 =	simm.s32 $0x1B8E;
	s24 =	sld [smem:$0x3FFE];
	[sflag:s23] =	ssyncadd.s32 $0xFFFFFFFF  }
0xa5: {  	s26 =	simm.s32 $execute0_lowered;
	[smem:$0x3FD2] =	sst s25  }
0xa6: {  	s4 =	sshll.u32 s26, $0x1;
	_ =	strace $0x80000052;
	[dreg:$0x1] =	wrdreg $0xFFFFFFFF  }
0xa7: {  	s28 =	simm.s32 $_size_execute0_lowered;
	s2 =	sadd.s32 s2, s4;
	[dreg:$0x0] =	wrdreg $0x0  }
0xa8: {  	s4 =	sshll.u32 s28, $0x1;
	[dreg:$0x2] =	wrdreg s2  }
0xa9: {  	[dreg:$0x3] =	wrdreg s4  }
0xaa: {  	[dreg:$0x4] =	wrdreg $0xC0  }
0xab: {  	_ =	task [dreg:s6], $0x5FFFF  }
0xac: {  	[dreg:$0x1] =	wrdreg $0xFFFFFFFF  }
0xad: {  	[dreg:$0x0] =	wrdreg $0x60  }
0xae: {  	[dreg:$0x2] =	wrdreg s24  }
0xaf: {  	[dreg:$0x3] =	wrdreg $0x48000  }
0xb0: {  	[dreg:$0x4] =	wrdreg $0x9  }
0xb1: {  	_ =	task.clear_ibuf [dreg:s6], $0x5FFFF;
	_ =	strace $0x90000052  }
0xb2: {  	s29 =	simm.s32 $0x9;
	_ =	strace $0x80000054  }
0xb3: {  	_ =	swait.ge [sflag:s29], $0x1  }
0xb4: {  	[sflag:s29] =	ssyncadd.s32 $0xFFFFFFFF  }
0xb5: {  	_ =	strace $0x90000054  }
0xb6: {  	_ =	sfence  }
0xb7: {  	s30 =	sld [smem:$0x0];
	_ =	sdelay $0x2  }
0xb8: {  	s31 =	sshll.u32 s1, $0xD;
	s1 =	sshrl.u32 s1, $0x2  }
0xb9: {  	s3 =	sand.u32 $0x4000, s31;
	s1 =	sadd.s32 s1, s30  }
0xba: {  	s0 =	sor.u32 s3, s0;
	s1 =	sshll.u32 s1, $0x11  }
0xbb: {  	s0 =	sor.u32 s1, s0  }
0xbc: {  	s0 =	sadd.s32 $0x8F2B, s0  }
0xbd: {  	[sflag:s0] =	ssyncadd.remote.s32 $0x1  }
0xbe: {  	_ =	sfence.sel $0xFFFF  }
0xbf: {  	[dreg:$0x0] =	wrdreg $0xFFFFFFFF;
	(pc) =	sbr.abs _section_cstart, $3  }
0xc0: {  	[dreg:$0x1] =	wrdreg $0xFFFFFFFF  }
0xc1: {  	_ =	task.clear_ibuf [dreg:s6], $0x2FFFF;
	_ =	strace $0x9FFFFFFF  }
0xc2: {  	(tm) =	ssettm $0x7FFFFFFF  }
0xc3: {  	_ =	shalt  }
tec
execute0_lowered:
.L_overlay_start_1:
0x0: {  	(tag) =	ssettag $0x1  }
0x1: {  	s0 =	rddreg [dreg:$0x0]  }
0x2: {  	s1 =	rddreg [dreg:$0x1];
	s3 =	simm.s32 $0x0;
	s13 =	stileid.u32  }
0x3: {  	s6 =	srdreg.scid;
	s16 =	simm.s32 $0x3;
	s17 =	simm.s32 $0x400  }
0x4: {  	s18 =	simm.s32 $0x80;
	s28 =	simm.s32 $0x600;
	s29 =	simm.s32 $0x280  }
0x5: {  	s30 =	simm.s32 $0x680;
	s31 =	simm.s32 $0x300;
	[smem:$0x7FF] =	sst s3  }
0x6: {  	s2 =	sshll.u32 s13, $0x8;
	s5 =	smul.u32 $0x2700, s13;
	s4 =	sadd.s32 $0x17A00, s0  }
0x7: {  	s6 =	sand.u32 $0x1, s6;
	s8 =	smul.u32 $0x4E000, s13;
	s9 =	sadd.s32 $0x3FBE00, s0  }
0x8: {  	s19 =	smul.u32 $0x13800, s13;
	s12 =	sshll.u32 s13, $0x1;
	p0 =	seq.s32 s13, $0xF  }
0x9: {  	_ =	strace $0x80000053;
	s2 =	sadd.s32 s2, s0;
	s7 =	ssub.s32 $0x2, s6  }
0xa: {  	s11 =	smul.u32 $0x138800, s6;
	s25 =	sshll.u32 s6, $0x7;
	s26 =	sor.u32 s6, s12  }
0xb: {  	s6 =	simm.s32 $0x2;
	s5 =	sadd.s32 s5, s0;
	s10 =	sshrl.u32 s7, $0x1  }
0xc: {  	s8 =	sshrl.u32 s8, $0x2;
	s0 =	sadd.s32 $0x3F9500, s0;
	[dreg:$0x8] =	wrdreg s26  }
0xd: {  	s26 =	simm.s32 $0x200;
	s7 =	ssub.s32 s7, s10;
	s15 =	sadd.s32 s8, s1  }
0xe: {  	s5 =	sadd.s32 $0x3D4C00, s5;
	s20 =	sadd.s32 s19, s11;
	[dreg:$0x4] =	wrdreg s0  }
0xf: {  	s21 =	sshrl.u32 s11, $0x3;
	s19 =	simm.s32 $0x800;
	[dreg:$0x3] =	wrdreg s5  }
0x10: {  	s5 =	sadd.s32 $0x124800, s1;
	s22 =	sshrl.u32 s20, $0x3;
	s23 =	sadd.s32 s9, s21  }
0x11: {  	s7 =	smax.u32 s7, $0x1;
	s15 =	sshrl.u32 @!p0 s15, $0x3;
	s20 =	simm.s32 $0x1  }
0x12: {  	s21 =	simm.s32 $0x480;
	s0 =	sadd.s32 s9, s22;
	s24 =	sadd.s32 $0x24900, s23  }
0x13: {  	[dreg:$0x7] =	wrdreg s7;
	s22 =	simm.s32 $0x100;
	s23 =	simm.s32 $0x500  }
.Ltmp0:
0x14: {  	s7 =	simm.s32 $0x0;
	[dreg:$0x5] =	wrdreg s0;
	(pc) =	sbr.rel .LBB2_1-.Ltmp0, $4  }
0x15: {  	[dreg:$0x6] =	wrdreg s24;
	s0 =	sadd.s32 s25, s2;
	s24 =	simm.s32 $0x180  }
0x16: {  	s25 =	simm.s32 $0x580;
	s2 =	simm.s32 $0x380;
	s10 =	sadd.s32 $0x4000, s0  }
0x17: {  	s11 =	sadd.s32 $0x3C1200, s0;
	s0 =	sshll.u32 @!p0 s13, $0x6;
	s13 =	sshrl.u32 @p0 s5, $0x3  }
0x18: {  	s5 =	simm.s32 $0x780;
	s14 =	sor.u32 @!p0 $0x1C02, s0;
	s0 =	simm.s32 $0x700  }
.LBB2_5:
0x19: {  	[bflag:$0x0] =	sbarrier.arrive $0xFFFF  }
0x1a: {  	s8 =	simm.s32 @p0 $0x1FC2;
	s9 =	rddreg [dreg:$0x6]  }
0x1b: {  	[hbm:s9], [sflag:s8] =	dma.local @p0 [spmem:s13], $0x2800  }
0x1c: {  	s8 =	simm.s32 @p0 $0x2  }
0x1d: {  	_ =	swait.ge @p0 [sflag:s8], $0x2800  }
0x1e: {  	[sflag:s8] =	ssyncset.done @p0 $0x0  }
0x1f: {  	[sflag:s8] =	ssyncadd.s32 @p0 $0xFFFFD800;
	s8 =	rddreg [dreg:$0x5]  }
0x20: {  	[hbm:s8], [sflag:s14] =	dma.local @!p0 [spmem:s15], $0x2700  }
0x21: {  	s8 =	simm.s32 @!p0 $0x2  }
0x22: {  	_ =	swait.ge @!p0 [sflag:s8], $0x2700  }
0x23: {  	s7 =	sadd.s32 $0x1, s7;
	s12 =	rddreg [dreg:$0x7]  }
0x24: {  	p1 =	sne.s32 s7, s12  }
.Ltmp1:
0x25: {  	_ = 	snop;
	(pc) =	sbr.rel @!p1 .LBB2_6-.Ltmp1, $3  }
0x26: {  	_ =	sdelay $0x1  }
0x27: {  	[sflag:s8] =	ssyncset.done @!p0 $0x0  }
0x28: {  	[sflag:s8] =	ssyncadd.s32 @!p0 $0xFFFFD900  }
.LBB2_1:
0x29: {  	s9 =	simm.s32 @p0 $0x1FC2;
	s8 =	rddreg [dreg:$0x4]  }
0x2a: {  	[spmem:s13], [sflag:s9] =	dma.local @p0 [hbm:s8], $0x2800  }
0x2b: {  	s9 =	simm.s32 @p0 $0x2  }
0x2c: {  	_ =	swait.ge @p0 [sflag:s9], $0x2800  }
0x2d: {  	[sflag:s9] =	ssyncset.done @p0 $0x0  }
0x2e: {  	s8 =	rddreg [dreg:$0x3];
	[sflag:s9] =	ssyncadd.s32 @p0 $0xFFFFD800;
	s9 =	simm.s32 @!p0 $0x2  }
0x2f: {  	[spmem:s15], [sflag:s14] =	dma.local @!p0 [hbm:s8], $0x2700  }
.Ltmp2:
0x30: {  	_ =	swait.ge @!p0 [sflag:s9], $0x2700;
	(pc) =	sbr.rel .LBB2_2-.Ltmp2, $4  }
0x31: {  	[sflag:s9] =	ssyncset.done @!p0 $0x0  }
0x32: {  	[sflag:s9] =	ssyncadd.s32 @!p0 $0xFFFFD900  }
0x33: {  	[bflag:$0x0] =	sbarrier.arrive $0xFFFF  }
0x34: {  	s9 =	simm.s32 $0x0;
	s12 =	rddreg [dreg:$0x8]  }
.LBB2_4:
0x35: {  	s9 =	sadd.s32 $0x1000, s9  }
0x36: {  	p1 =	sne.s32 s9, $0x14000  }
.Ltmp3:
0x37: {  	_ = 	snop;
	(pc) =	sbr.rel @!p1 .LBB2_5-.Ltmp3, $2  }
0x38: {  	_ =	sdelay $0x2  }
0x39: {  	s12 =	sadd.s32 $0x20, s12  }
.LBB2_2:
0x3a: {  	p1 =	sgt.u32 s12, $0x270  }
.Ltmp4:
0x3b: {  	_ = 	snop;
	(pc) =	sbr.rel @p1 .LBB2_4-.Ltmp4, $1  }
0x3c: {  	_ =	sdelay $0x3  }
0x3d: {  	s8 =	sadd.s32 s9, s11  }
0x3e: {  	[tilespmem:s3], [sflag:$0x3] =	stream.linear.gather [hbm4b:s8+s3], $0x400, $0x38;
	[tilespmem:$0x18080] =	vst v63  }
0x3f: {  	_ =	swait.ge [sflag:s16], $0x400  }
0x40: {  	[sflag:s16] =	ssyncset.done $0x0  }
0x41: {  	s8 =	sadd.s32 s9, s10;
	[sflag:s16] =	ssyncadd.s32 $0xFFFFFC00  }
0x42: {  	[tilespmem:s17], [sflag:$0x3] =	stream.linear.gather [hbm4b:s8+s3], $0x400, $0x38;
	[tilespmem:$0x18080] =	vst v63  }
0x43: {  	_ =	swait.ge [sflag:s16], $0x400  }
0x44: {  	[sflag:s16] =	ssyncset.done $0x0  }
0x45: {  	[sflag:s16] =	ssyncadd.s32 $0xFFFFFC00  }
0x46: {  	[tilespmem:s19], [sflag:$0x1] =	stream.indirect.gather [hbm4b:s4+s18], $0x80, s3, s18, $0xb8;
	[tilespmem:$0x18080] =	vst v63  }
0x47: {  	_ =	swait.ge [sflag:s20], $0x4000  }
0x48: {  	[sflag:s20] =	ssyncset.done $0x0  }
0x49: {  	[sflag:s20] =	ssyncadd.s32 $0xFFFFC000  }
0x4a: {  	[spmem:s1] =	stream.indirect.scatter.add.f32 [tilespmem:s19], [sflag:$0x3], $0x80, s17, s18, $0xb8;
	[tilespmem:$0x18080] =	vst v63  }
0x4b: {  	_ =	swait.ge [sflag:s16], $0x4000  }
0x4c: {  	[sflag:s16] =	ssyncset.done $0x0  }
0x4d: {  	[sflag:s16] =	ssyncadd.s32 $0xFFFFC000  }
0x4e: {  	[tilespmem:s19], [sflag:$0x1] =	stream.indirect.gather [hbm4b:s4+s18], $0x80, s18, s18, $0xb8;
	[tilespmem:$0x18080] =	vst v63  }
0x4f: {  	_ =	swait.ge [sflag:s20], $0x4000  }
0x50: {  	[sflag:s20] =	ssyncset.done $0x0  }
0x51: {  	[sflag:s20] =	ssyncadd.s32 $0xFFFFC000  }
0x52: {  	[spmem:s1] =	stream.indirect.scatter.add.f32 [tilespmem:s19], [sflag:$0x3], $0x80, s21, s18, $0xb8;
	[tilespmem:$0x18080] =	vst v63  }
0x53: {  	_ =	swait.ge [sflag:s16], $0x4000  }
0x54: {  	[sflag:s16] =	ssyncset.done $0x0  }
0x55: {  	[sflag:s16] =	ssyncadd.s32 $0xFFFFC000  }
0x56: {  	[tilespmem:s19], [sflag:$0x1] =	stream.indirect.gather [hbm4b:s4+s18], $0x80, s22, s18, $0xb8;
	[tilespmem:$0x18080] =	vst v63  }
0x57: {  	_ =	swait.ge [sflag:s20], $0x4000  }
0x58: {  	[sflag:s20] =	ssyncset.done $0x0  }
0x59: {  	[sflag:s20] =	ssyncadd.s32 $0xFFFFC000  }
0x5a: {  	[spmem:s1] =	stream.indirect.scatter.add.f32 [tilespmem:s19], [sflag:$0x3], $0x80, s23, s18, $0xb8;
	[tilespmem:$0x18080] =	vst v63  }
0x5b: {  	_ =	swait.ge [sflag:s16], $0x4000  }
0x5c: {  	[sflag:s16] =	ssyncset.done $0x0  }
0x5d: {  	[sflag:s16] =	ssyncadd.s32 $0xFFFFC000  }
0x5e: {  	[tilespmem:s19], [sflag:$0x1] =	stream.indirect.gather [hbm4b:s4+s18], $0x80, s24, s18, $0xb8;
	[tilespmem:$0x18080] =	vst v63  }
0x5f: {  	_ =	swait.ge [sflag:s20], $0x4000  }
0x60: {  	[sflag:s20] =	ssyncset.done $0x0  }
0x61: {  	[sflag:s20] =	ssyncadd.s32 $0xFFFFC000  }
0x62: {  	[spmem:s1] =	stream.indirect.scatter.add.f32 [tilespmem:s19], [sflag:$0x3], $0x80, s25, s18, $0xb8;
	[tilespmem:$0x18080] =	vst v63  }
0x63: {  	_ =	swait.ge [sflag:s16], $0x4000  }
0x64: {  	[sflag:s16] =	ssyncset.done $0x0  }
0x65: {  	[sflag:s16] =	ssyncadd.s32 $0xFFFFC000  }
0x66: {  	[tilespmem:s19], [sflag:$0x1] =	stream.indirect.gather [hbm4b:s4+s18], $0x80, s26, s18, $0xb8;
	[tilespmem:$0x18080] =	vst v63  }
0x67: {  	_ =	swait.ge [sflag:s20], $0x4000  }
0x68: {  	[sflag:s20] =	ssyncset.done $0x0  }
0x69: {  	[sflag:s20] =	ssyncadd.s32 $0xFFFFC000  }
0x6a: {  	[spmem:s1] =	stream.indirect.scatter.add.f32 [tilespmem:s19], [sflag:$0x3], $0x80, s28, s18, $0xb8;
	[tilespmem:$0x18080] =	vst v63  }
0x6b: {  	_ =	swait.ge [sflag:s16], $0x4000  }
0x6c: {  	[sflag:s16] =	ssyncset.done $0x0  }
0x6d: {  	[sflag:s16] =	ssyncadd.s32 $0xFFFFC000  }
0x6e: {  	[tilespmem:s19], [sflag:$0x1] =	stream.indirect.gather [hbm4b:s4+s18], $0x80, s29, s18, $0xb8;
	[tilespmem:$0x18080] =	vst v63  }
0x6f: {  	_ =	swait.ge [sflag:s20], $0x4000  }
0x70: {  	[sflag:s20] =	ssyncset.done $0x0  }
0x71: {  	[sflag:s20] =	ssyncadd.s32 $0xFFFFC000  }
0x72: {  	[spmem:s1] =	stream.indirect.scatter.add.f32 [tilespmem:s19], [sflag:$0x3], $0x80, s30, s18, $0xb8;
	[tilespmem:$0x18080] =	vst v63  }
0x73: {  	_ =	swait.ge [sflag:s16], $0x4000  }
0x74: {  	[sflag:s16] =	ssyncset.done $0x0  }
0x75: {  	[sflag:s16] =	ssyncadd.s32 $0xFFFFC000  }
0x76: {  	[tilespmem:s19], [sflag:$0x1] =	stream.indirect.gather [hbm4b:s4+s18], $0x80, s31, s18, $0xb8;
	[tilespmem:$0x18080] =	vst v63  }
0x77: {  	_ =	swait.ge [sflag:s20], $0x4000  }
0x78: {  	[sflag:s20] =	ssyncset.done $0x0  }
0x79: {  	[sflag:s20] =	ssyncadd.s32 $0xFFFFC000  }
0x7a: {  	[spmem:s1] =	stream.indirect.scatter.add.f32 [tilespmem:s19], [sflag:$0x3], $0x80, s0, s18, $0xb8;
	[tilespmem:$0x18080] =	vst v63  }
0x7b: {  	_ =	swait.ge [sflag:s16], $0x4000  }
0x7c: {  	[sflag:s16] =	ssyncset.done $0x0  }
0x7d: {  	[sflag:s16] =	ssyncadd.s32 $0xFFFFC000  }
0x7e: {  	[tilespmem:s19], [sflag:$0x1] =	stream.indirect.gather [hbm4b:s4+s18], $0x80, s2, s18, $0xb8;
	[tilespmem:$0x18080] =	vst v63  }
0x7f: {  	_ =	swait.ge [sflag:s20], $0x4000  }
0x80: {  	[sflag:s20] =	ssyncset.done $0x0  }
.Ltmp5:
0x81: {  	[sflag:s20] =	ssyncadd.s32 $0xFFFFC000;
	(pc) =	sbr.rel .LBB2_4-.Ltmp5, $4  }
0x82: {  	[spmem:s1] =	stream.indirect.scatter.add.f32 [tilespmem:s19], [sflag:$0x2], $0x80, s5, s18, $0xb8;
	[tilespmem:$0x18080] =	vst v63  }
0x83: {  	_ =	swait.ge [sflag:s6], $0x4000  }
0x84: {  	[sflag:s6] =	ssyncset.done $0x0  }
0x85: {  	[sflag:s6] =	ssyncadd.s32 $0xFFFFC000  }
.LBB2_6:
0x86: {  	_ =	sfence.sel $0x180000  }
0x87: {  	[bflag:$0x0] =	sbarrier.arrive $0xFFFF  }
0x88: {  	_ =	strace $0x90000053  }
0x89: {  	s0 =	stileid.u32;
	[bflag:$0x2] =	sbarrier.arrive $0xFFFF  }
0x8a: {  	p0 =	sne.s32 s0, $0x0;
	s0 =	rddreg [dreg:$0x2]  }
0x8b: {  	s0 =	sadd.s32 @!p0 $0x100000, s0  }
0x8c: {  	[sflag:s0] =	ssyncadd.tile.s32 @!p0 $0x1;
	_ =	shalt  }
.Lfunc_end2:
_tile_overlayer_lowered:
.L_overlay_start_2:
0x8d: {  	(tag) =	ssettag $0x2  }
0x8e: {  	s0 =	rddreg [dreg:$0x0];
	s2 =	stileid.u32  }
0x8f: {  	s1 =	rddreg [dreg:$0x1];
	p0 =	sne.s32 s2, $0x0  }
0x90: {  	s3 =	rddreg [dreg:$0x2];
	[bflag:$0x3] =	sbarrier.arrive $0xFFFF;
	s2 =	simm.s32 @!p0 $0x1C02  }
0x91: {  	[timem:s3], [sflag:s2] =	dma.local @!p0 [hbm:s0], s1  }
0x92: {  	s0 =	simm.s32 @!p0 $0x2  }
0x93: {  	_ =	swait.ge @!p0 [sflag:s0], s1  }
0x94: {  	s1 =	ssub.s32 @!p0 $0x0, s1;
	[sflag:s0] =	ssyncset.done @!p0 $0x0  }
0x95: {  	[sflag:s0] =	ssyncadd.s32 @!p0 s1  }
0x96: {  	[bflag:$0x3] =	sbarrier.arrive $0xFFFF  }
0x97: {  	_ =	shalt  }

</sc_bundles>
